<compile_context>
chip_gen: v7x
topology: tpu7x:2x2x1
jax: 0.10.2.dev20260603
libtpu: 0.0.44.dev20260713+nightly
codegen_flags: <defaults>
</compile_context>

<pallas_src>
import functools

import jax
import jax.numpy as jnp
from jax import lax
from jax.experimental import pallas as pl
from jax.experimental.pallas import tpu as pltpu
from jax.experimental.pallas import tpu_sc as plsc

_NC = 2
_NS = 16
_NW = _NC * _NS
_LANES = 16



def _ff_body(x_ref, w1_ref, b1_ref, w2_ref, o_ref, xb_ref):
    xf = x_ref[...]
    x = xf.astype(jnp.bfloat16)
    half = xf.shape[1] // 2
    u = lax.bitcast_convert_type(xf, jnp.uint32)
    r = (u + 0x7FFF + ((u >> 16) & 1)) >> 16
    word = r[:, :half] | (r[:, half:] << 16)
    xb_ref[...] = lax.bitcast_convert_type(word, jnp.int32)
    w1 = w1_ref[...].astype(jnp.bfloat16)
    h = jnp.dot(x, w1, preferred_element_type=jnp.float32)
    h = jnp.maximum(h + b1_ref[...][None, :], 0.0)
    s = jnp.dot(h.astype(jnp.bfloat16), w2_ref[...].astype(jnp.bfloat16),
                preferred_element_type=jnp.float32)
    o_ref[...] = s[:, 0]


def _ff_scores(mv, W1, b1, W2):
    n, d = mv.shape
    hdim = W1.shape[1]
    blk = 2048
    grid = n // blk
    return pl.pallas_call(
        _ff_body,
        grid=(grid,),
        in_specs=[
            pl.BlockSpec((blk, d), lambda i: (i, 0)),
            pl.BlockSpec((d, hdim), lambda i: (0, 0)),
            pl.BlockSpec((hdim,), lambda i: (0,)),
            pl.BlockSpec((hdim, 1), lambda i: (0, 0)),
        ],
        out_specs=[
            pl.BlockSpec((blk,), lambda i: (i,)),
            pl.BlockSpec((blk, d // 2), lambda i: (i, 0)),
        ],
        out_shape=[
            jax.ShapeDtypeStruct((n,), jnp.float32),
            jax.ShapeDtypeStruct((n, d // 2), jnp.int32),
        ],
    )(mv, W1, b1, W2)



def _sc_attention(scores, idx, lengths, mv, D):
    C, L = idx.shape
    N, Dw = mv.shape
    cpt = C // _NW
    npair = D // (2 * _LANES)

    mesh = plsc.VectorSubcoreMesh(core_axis_name="c", subcore_axis_name="s")

    grp = 8

    @functools.partial(
        pl.kernel,
        mesh=mesh,
        compiler_params=pltpu.CompilerParams(needs_layout_passes=False),
        out_type=jax.ShapeDtypeStruct((C, D), jnp.float32),
        scratch_types=[
            pltpu.VMEM((N,), jnp.float32),
            pltpu.VMEM((cpt, L), jnp.int32),
            pltpu.VMEM((cpt + _LANES,), jnp.int32),
            [pltpu.VMEM((L, Dw), jnp.int32)] * 4,
            pltpu.VMEM((L + _LANES,), jnp.float32),
            [pltpu.VMEM((D,), jnp.float32)] * 4,
            [pltpu.SemaphoreType.DMA] * 4,
            [pltpu.SemaphoreType.DMA] * 4,
        ],
    )
    def k(scores_hbm, idx_hbm, len_hbm, mv_hbm, out_hbm,
          scores_v, idx_v, len_v, rows_bufs, probs_v, acc_bufs,
          gsems, osems):
        wid = lax.axis_index("s") * _NC + lax.axis_index("c")
        base = wid * cpt
        pltpu.sync_copy(scores_hbm, scores_v)
        pltpu.sync_copy(idx_hbm.at[pl.ds(base, cpt)], idx_v)
        pltpu.sync_copy(len_hbm.at[pl.ds(base, cpt)], len_v.at[pl.ds(0, cpt)])

        lane = lax.iota(jnp.int32, _LANES)

        def nchunks(c):
            ln = len_v[pl.ds(c, _LANES)][0]
            return (ln + (grp - 1)) // grp

        def fire(c, rows_ref, sem):
            k = nchunks(c)
            for kk in range(1, L // grp + 1):
                @pl.when(k == kk)
                def _():
                    pltpu.async_copy(
                        mv_hbm.at[idx_v.at[c, pl.ds(0, kk * grp)]],
                        rows_ref.at[pl.ds(0, kk * grp)], sem)

        def wait_rows(c, rows_ref, sem):
            k = nchunks(c)
            for kk in range(1, L // grp + 1):
                @pl.when(k == kk)
                def _():
                    pltpu.make_async_copy(
                        mv_hbm.at[idx_v.at[c, pl.ds(0, kk * grp)]],
                        rows_ref.at[pl.ds(0, kk * grp)], sem).wait()

        def process(c, rows_ref, gsem, acc_ref, osem, wait_out):
            i0 = idx_v[c, pl.ds(0, _LANES)]
            i1 = idx_v[c, pl.ds(_LANES, _LANES)]
            s0 = plsc.load_gather(scores_v, [i0])
            s1 = plsc.load_gather(scores_v, [i1])
            ln = len_v[pl.ds(c, _LANES)][0]
            lnv = jnp.full((_LANES,), ln, dtype=jnp.int32)
            m0 = lane < lnv
            m1 = (lane + _LANES) < lnv
            s0 = jnp.where(m0, s0, s0 - 1e38)
            s1 = jnp.where(m1, s1, s1 - 1e38)
            mx = jnp.max(jnp.maximum(s0, s1))
            e0 = jnp.exp(s0 - mx)
            e1 = jnp.exp(s1 - mx)
            denom = jnp.sum(e0 + e1)
            probs_v[pl.ds(0, _LANES)] = e0 / denom
            probs_v[pl.ds(_LANES, _LANES)] = e1 / denom

            wait_rows(c, rows_ref, gsem)

            def fma(l, accs):
                pvec = jnp.full((_LANES,), probs_v[pl.ds(l, _LANES)][0],
                                dtype=jnp.float32)
                new = []
                for j in range(npair):
                    chunk = plsc.bitcast(
                        rows_ref[l, pl.ds(j * _LANES, _LANES)], jnp.bfloat16)
                    a, b = plsc.unpack(chunk, format=plsc.PackFormat.INTERLEAVED)
                    new.append(accs[2 * j] + pvec * a)
                    new.append(accs[2 * j + 1] + pvec * b)
                return tuple(new)

            zero = jnp.zeros((_LANES,), jnp.float32)
            accs = lax.fori_loop(0, ln, fma,
                                 tuple(zero for _ in range(2 * npair)))

            @pl.when(wait_out)
            def _():
                pltpu.make_async_copy(acc_ref, out_hbm.at[base], osem).wait()
            for j in range(npair):
                acc_ref[pl.ds(j * _LANES, _LANES)] = accs[2 * j]
                acc_ref[pl.ds(D // 2 + j * _LANES, _LANES)] = accs[2 * j + 1]
            pltpu.async_copy(acc_ref, out_hbm.at[base + c], osem)

        nbuf = 4
        nquads = cpt // nbuf
        for kk in range(nbuf):
            fire(kk, rows_bufs[kk], gsems[kk])

        def quad(q, carry):
            for kk in range(nbuf):
                c = nbuf * q + kk
                process(c, rows_bufs[kk], gsems[kk], acc_bufs[kk], osems[kk],
                        q > 0)
                @pl.when(q + 1 < nquads)
                def _():
                    fire(c + nbuf, rows_bufs[kk], gsems[kk])
            return carry

        lax.fori_loop(0, nquads, quad, 0)
        for kk in range(nbuf):
            pltpu.make_async_copy(acc_bufs[kk], out_hbm.at[base],
                                  osems[kk]).wait()

    return k(scores, idx, lengths, mv)


def kernel(mention_vectors, concept_indices, concept_lengths, W1, b1, W2, b2):
    num_batch, m, d = mention_vectors.shape
    mv = mention_vectors.reshape(-1, d)
    scores, mv_packed = _ff_scores(mv, W1, b1, W2)
    out = _sc_attention(scores, concept_indices, concept_lengths, mv_packed, d)
    return out.reshape(num_batch, -1, d)

# --- scband reference (transcript-rebuilt; emitter-appended) ---
"""Pipeline reference for scband-aggregate-self-attention-24790551232712 (READ-ONLY COPY).

The authoritative reference and input builder live on the scoring server;
editing this copy changes nothing except your own understanding.
"""

import jax, jax.numpy as jnp
import numpy as np

B, M, D = 8, 2048, 512
C, L = 4096, 32
H = 256


def setup_inputs(seed: int = 0) -> dict:
    key = jax.random.key(seed)
    k1, k2, k3, k4, k5 = jax.random.split(key, 5)
    mention_vectors = jax.random.normal(k1, (B, M, D), dtype=jnp.float32)
    # ragged cluster membership precomputed from the sparse mention2concept matrix
    concept_indices = jax.random.randint(k2, (C, L), 0, B * M, dtype=jnp.int32)
    concept_lengths = jax.random.randint(k3, (C,), 1, L + 1, dtype=jnp.int32)
    # FeedForward: Linear(D->H) + ReLU; out: Linear(H->1)
    W1 = jax.random.normal(k4, (D, H), dtype=jnp.float32) * (1.0 / np.sqrt(D))
    b1 = jnp.zeros((H,), dtype=jnp.float32)
    W2 = jax.random.normal(k5, (H, 1), dtype=jnp.float32) * (1.0 / np.sqrt(H))
    b2 = jnp.zeros((1,), dtype=jnp.float32)
    return {"mention_vectors": mention_vectors, "concept_indices": concept_indices,
            "concept_lengths": concept_lengths, "W1": W1, "b1": b1, "W2": W2, "b2": b2}


def reference(mention_vectors, concept_indices, concept_lengths, W1, b1, W2, b2):
    num_batch = mention_vectors.shape[0]
    d = mention_vectors.shape[-1]
    mv = mention_vectors.reshape(-1, d)                       # [B*M, D]
    # to_att: gather mention vectors into padded per-concept clusters
    vectors = jnp.take(mv, concept_indices, axis=0)           # [C, L, D]
    # scores = out(ff(vectors)).squeeze(-1)
    h = jax.nn.relu(jnp.einsum('cld,dh->clh', vectors, W1) + b1)
    scores = (jnp.einsum('clh,ho->clo', h, W2) + b2).squeeze(-1)  # [C, L]
    # mask from sequence lengths
    maxlen = concept_indices.shape[1]
    mask = (jnp.arange(maxlen)[None, :] < concept_lengths[:, None]).astype(jnp.float32)
    scores = scores - (1.0 - mask) * 1e38
    probs = jax.nn.softmax(scores, axis=-1)                   # [C, L]
    output = jnp.einsum('cl,cld->cd', probs, vectors)         # [C, D]
    return output.reshape(num_batch, -1, d)                   # [B, C//B, D]

if __name__ == "__main__":
    import jax
    _d = setup_inputs()
    print(jax.jit(kernel)(*tuple(_d.values())))

</pallas_src>

<mosaic_0001>
#map = affine_map<(d0, d1) -> (0)>
#map1 = affine_map<(d0, d1) -> (0, 0)>
module attributes {stable_mosaic.version = 14 : i64} {
  func.func @k(%arg0: i32, %arg1: i32, %arg2: memref<16384xf32, #tpu.memory_space<hbm>>, %arg3: memref<4096x32xi32, #tpu.memory_space<hbm>>, %arg4: memref<4096xi32, #tpu.memory_space<hbm>>, %arg5: memref<16384x256xi32, #tpu.memory_space<hbm>>, %arg6: memref<4096x512xf32, #tpu.memory_space<hbm>>, %arg7: memref<16384xf32, #tpu.memory_space<vmem>>, %arg8: memref<128x32xi32, #tpu.memory_space<vmem>>, %arg9: memref<144xi32, #tpu.memory_space<vmem>>, %arg10: memref<32x256xi32, #tpu.memory_space<vmem>>, %arg11: memref<32x256xi32, #tpu.memory_space<vmem>>, %arg12: memref<32x256xi32, #tpu.memory_space<vmem>>, %arg13: memref<32x256xi32, #tpu.memory_space<vmem>>, %arg14: memref<48xf32, #tpu.memory_space<vmem>>, %arg15: memref<512xf32, #tpu.memory_space<vmem>>, %arg16: memref<512xf32, #tpu.memory_space<vmem>>, %arg17: memref<512xf32, #tpu.memory_space<vmem>>, %arg18: memref<512xf32, #tpu.memory_space<vmem>>, %arg19: memref<!tpu.dma_semaphore, #tpu.memory_space<semaphore_mem>>, %arg20: memref<!tpu.dma_semaphore, #tpu.memory_space<semaphore_mem>>, %arg21: memref<!tpu.dma_semaphore, #tpu.memory_space<semaphore_mem>>, %arg22: memref<!tpu.dma_semaphore, #tpu.memory_space<semaphore_mem>>, %arg23: memref<!tpu.dma_semaphore, #tpu.memory_space<semaphore_mem>>, %arg24: memref<!tpu.dma_semaphore, #tpu.memory_space<semaphore_mem>>, %arg25: memref<!tpu.dma_semaphore, #tpu.memory_space<semaphore_mem>>, %arg26: memref<!tpu.dma_semaphore, #tpu.memory_space<semaphore_mem>>) attributes {dimension_semantics = [#tpu.dimension_semantics<core_parallel>, #tpu.dimension_semantics<subcore_parallel>], iteration_bounds = array<i64: 2, 16>, scalar_prefetch = 0 : i64, scratch_operands = 20 : i64, tpu.core_type = #tpu.core_type<sc_vector_subcore>, window_params = [{transform_indices = #map}, {transform_indices = #map1}, {transform_indices = #map}, {transform_indices = #map1}, {transform_indices = #map1}]} {
    %mul3A = arith.constant 2 : i32
    %mul3A_0 = arith.muli %arg1, %mul3A : i32
    %add3A = arith.addi %mul3A_0, %arg0 : i32
    %mul3A_1 = arith.constant 128 : i32
    %mul3A_2 = arith.muli %add3A, %mul3A_1 : i32
    "tpu.region"() ({
      %run_scoped3A = tpu.sem_alloc : memref<!tpu.dma_semaphore, #tpu.memory_space<semaphore_mem>>
      tpu.enqueue_dma source(%arg2 : memref<16384xf32, #tpu.memory_space<hbm>>) target(%arg7 : memref<16384xf32, #tpu.memory_space<vmem>>) target_semaphore(%run_scoped3A : memref<!tpu.dma_semaphore, #tpu.memory_space<semaphore_mem>>)
      tpu.wait_dma2 semaphore(%run_scoped3A : memref<!tpu.dma_semaphore, #tpu.memory_space<semaphore_mem>>) src(%arg2 : memref<16384xf32, #tpu.memory_space<hbm>>) dst(%arg7 : memref<16384xf32, #tpu.memory_space<vmem>>)
      tpu.yield
    }) : () -> ()
    "tpu.region"() ({
      %run_scoped3A = tpu.sem_alloc : memref<!tpu.dma_semaphore, #tpu.memory_space<semaphore_mem>>
      %dma_start3A = arith.constant 0 : i32
      %dma_start3A_217 = tpu.memref_slice %arg3[%mul3A_2, %dma_start3A] : memref<4096x32xi32, #tpu.memory_space<hbm>> -> memref<128x32xi32, #tpu.memory_space<hbm>>
      %dma_start3A_218 = arith.constant 0 : i32
      %dma_start3A_219 = tpu.memref_slice %arg3[%mul3A_2, %dma_start3A_218] : memref<4096x32xi32, #tpu.memory_space<hbm>> -> memref<128x32xi32, #tpu.memory_space<hbm>>
      tpu.enqueue_dma source(%dma_start3A_219 : memref<128x32xi32, #tpu.memory_space<hbm>>) target(%arg8 : memref<128x32xi32, #tpu.memory_space<vmem>>) target_semaphore(%run_scoped3A : memref<!tpu.dma_semaphore, #tpu.memory_space<semaphore_mem>>)
      %dma_wait3A_220 = arith.constant 0 : i32
      %dma_wait3A_221 = tpu.memref_slice %arg3[%mul3A_2, %dma_wait3A_220] : memref<4096x32xi32, #tpu.memory_space<hbm>> -> memref<128x32xi32, #tpu.memory_space<hbm>>
      %dma_wait3A_222 = arith.constant 0 : i32
      %dma_wait3A_223 = tpu.memref_slice %arg3[%mul3A_2, %dma_wait3A_222] : memref<4096x32xi32, #tpu.memory_space<hbm>> -> memref<128x32xi32, #tpu.memory_space<hbm>>
      tpu.wait_dma2 semaphore(%run_scoped3A : memref<!tpu.dma_semaphore, #tpu.memory_space<semaphore_mem>>) src(%dma_wait3A_223 : memref<128x32xi32, #tpu.memory_space<hbm>>) dst(%arg8 : memref<128x32xi32, #tpu.memory_space<vmem>>)
      tpu.yield
    }) : () -> ()
    "tpu.region"() ({
      %run_scoped3A = tpu.sem_alloc : memref<!tpu.dma_semaphore, #tpu.memory_space<semaphore_mem>>
      %dma_start3A = arith.constant 0 : i32
      %dma_start3A_217 = tpu.memref_slice %arg9[%dma_start3A] : memref<144xi32, #tpu.memory_space<vmem>> -> memref<128xi32, #tpu.memory_space<vmem>>
      %dma_start3A_218 = tpu.memref_slice %arg4[%mul3A_2] : memref<4096xi32, #tpu.memory_space<hbm>> -> memref<128xi32, #tpu.memory_space<hbm>>
      %dma_start3A_219 = arith.constant 0 : i32
      %dma_start3A_220 = tpu.memref_slice %arg9[%dma_start3A_219] : memref<144xi32, #tpu.memory_space<vmem>> -> memref<128xi32, #tpu.memory_space<vmem>>
      %dma_start3A_221 = tpu.memref_slice %arg4[%mul3A_2] : memref<4096xi32, #tpu.memory_space<hbm>> -> memref<128xi32, #tpu.memory_space<hbm>>
      tpu.enqueue_dma source(%dma_start3A_221 : memref<128xi32, #tpu.memory_space<hbm>>) target(%dma_start3A_220 : memref<128xi32, #tpu.memory_space<vmem>>) target_semaphore(%run_scoped3A : memref<!tpu.dma_semaphore, #tpu.memory_space<semaphore_mem>>)
      %dma_wait3A_222 = arith.constant 0 : i32
      %dma_wait3A_223 = tpu.memref_slice %arg9[%dma_wait3A_222] : memref<144xi32, #tpu.memory_space<vmem>> -> memref<128xi32, #tpu.memory_space<vmem>>
      %dma_wait3A_224 = tpu.memref_slice %arg4[%mul3A_2] : memref<4096xi32, #tpu.memory_space<hbm>> -> memref<128xi32, #tpu.memory_space<hbm>>
      %dma_wait3A_225 = arith.constant 0 : i32
      %dma_wait3A_226 = tpu.memref_slice %arg9[%dma_wait3A_225] : memref<144xi32, #tpu.memory_space<vmem>> -> memref<128xi32, #tpu.memory_space<vmem>>
      %dma_wait3A_227 = tpu.memref_slice %arg4[%mul3A_2] : memref<4096xi32, #tpu.memory_space<hbm>> -> memref<128xi32, #tpu.memory_space<hbm>>
      tpu.wait_dma2 semaphore(%run_scoped3A : memref<!tpu.dma_semaphore, #tpu.memory_space<semaphore_mem>>) src(%dma_wait3A_227 : memref<128xi32, #tpu.memory_space<hbm>>) dst(%dma_wait3A_226 : memref<128xi32, #tpu.memory_space<vmem>>)
      tpu.yield
    }) : () -> ()
    %iota3A = tpu.iota {dimensions = array<i32: 0>} : vector<16xi32>
    %get3A = arith.constant 0 : index
    %get3A_3 = tpu.vector_load %arg9[%get3A] {strides = array<i32>} : memref<144xi32, #tpu.memory_space<vmem>>, vector<16xi32>,
    %slice3A = vector.extract_strided_slice %get3A_3 {offsets = [0], sizes = [1], strides = [1]} : vector<16xi32> to vector<1xi32>
    %squeeze3A = vector.extract %slice3A[0] : i32 from vector<1xi32>
    %add3A_4 = arith.constant 7 : i32
    %add3A_5 = arith.addi %squeeze3A, %add3A_4 : i32
    %jit3A = arith.constant 8 : i32
    %div3A = arith.divsi %add3A_5, %jit3A : i32
    %sign3A = arith.constant 0 : i32
    %sign3A_6 = arith.cmpi sgt, %add3A_5, %sign3A : i32
    %sign3A_7 = arith.extui %sign3A_6 : i1 to i32
    %sign3A_8 = arith.constant 0 : i32
    %sign3A_9 = arith.cmpi slt, %add3A_5, %sign3A_8 : i32
    %sign3A_10 = arith.extui %sign3A_9 : i1 to i32
    %sign3A_11 = arith.subi %sign3A_7, %sign3A_10 : i32
    %sign3A_12 = arith.constant 0 : i32
    %sign3A_13 = arith.cmpi sgt, %jit3A, %sign3A_12 : i32
    %sign3A_14 = arith.extui %sign3A_13 : i1 to i32
    %sign3A_15 = arith.constant 0 : i32
    %sign3A_16 = arith.cmpi slt, %jit3A, %sign3A_15 : i32
    %sign3A_17 = arith.extui %sign3A_16 : i1 to i32
    %sign3A_18 = arith.subi %sign3A_14, %sign3A_17 : i32
    %ne3A = arith.cmpi ne, %sign3A_11, %sign3A_18 : i32
    %rem3A = arith.remsi %add3A_5, %jit3A : i32
    %ne3A_19 = arith.constant 0 : i32
    %ne3A_20 = arith.cmpi ne, %rem3A, %ne3A_19 : i32
    %and3A = arith.andi %ne3A, %ne3A_20 : i1
    %sub3A = arith.constant 1 : i32
    %sub3A_21 = arith.subi %div3A, %sub3A : i32
    %select_n3A = arith.select %and3A, %sub3A_21, %div3A : i32
    %eq3A = arith.constant 1 : i32
    %eq3A_22 = arith.cmpi eq, %select_n3A, %eq3A : i32
    %convert_element_type3A = arith.extui %eq3A_22 : i1 to i32
    %cond3A = arith.constant 0 : i32
    %cond3A_23 = arith.cmpi ne, %convert_element_type3A, %cond3A : i32
    scf.if %cond3A_23 {
      %dma_start3A = arith.constant 0 : i32
      %dma_start3A_217 = arith.constant 0 : i32
      %dma_start3A_218 = arith.constant 0 : i32
      %dma_start3A_219 = tpu.memref_slice %arg10[%dma_start3A_217, %dma_start3A_218] : memref<32x256xi32, #tpu.memory_space<vmem>> -> memref<8x256xi32, #tpu.memory_space<vmem>>
      %dma_start3A_220 = arith.constant 0 : i32
      %dma_start3A_221 = tpu.memref_slice %arg8[%dma_start3A, %dma_start3A_220] : memref<128x32xi32, #tpu.memory_space<vmem>> -> memref<1x8xi32, #tpu.memory_space<vmem>>
      %dma_start3A_222 = tpu.memref_squeeze %dma_start3A_221 : memref<1x8xi32, #tpu.memory_space<vmem>> -> memref<8xi32, #tpu.memory_space<vmem>>
      %dma_start3A_223 = arith.constant 0 : i32
      %dma_start3A_224 = arith.constant 0 : i32
      %dma_start3A_225 = tpu.memref_slice %arg5[%dma_start3A_223, %dma_start3A_224] : memref<16384x256xi32, #tpu.memory_space<hbm>> -> memref<16384x256xi32, #tpu.memory_space<hbm>>
      tpu.enqueue_indirect_dma source(%dma_start3A_225 : memref<16384x256xi32, #tpu.memory_space<hbm>>) target(%dma_start3A_219 : memref<8x256xi32, #tpu.memory_space<vmem>>) offsets(%dma_start3A_222 : memref<8xi32, #tpu.memory_space<vmem>>) semaphore(%arg19 : memref<!tpu.dma_semaphore, #tpu.memory_space<semaphore_mem>>)
    } else {
    }
    %eq3A_24 = arith.constant 2 : i32
    %eq3A_25 = arith.cmpi eq, %select_n3A, %eq3A_24 : i32
    %convert_element_type3A_26 = arith.extui %eq3A_25 : i1 to i32
    %cond3A_27 = arith.constant 0 : i32
    %cond3A_28 = arith.cmpi ne, %convert_element_type3A_26, %cond3A_27 : i32
    scf.if %cond3A_28 {
      %dma_start3A = arith.constant 0 : i32
      %dma_start3A_217 = arith.constant 0 : i32
      %dma_start3A_218 = arith.constant 0 : i32
      %dma_start3A_219 = tpu.memref_slice %arg10[%dma_start3A_217, %dma_start3A_218] : memref<32x256xi32, #tpu.memory_space<vmem>> -> memref<16x256xi32, #tpu.memory_space<vmem>>
      %dma_start3A_220 = arith.constant 0 : i32
      %dma_start3A_221 = tpu.memref_slice %arg8[%dma_start3A, %dma_start3A_220] : memref<128x32xi32, #tpu.memory_space<vmem>> -> memref<1x16xi32, #tpu.memory_space<vmem>>
      %dma_start3A_222 = tpu.memref_squeeze %dma_start3A_221 : memref<1x16xi32, #tpu.memory_space<vmem>> -> memref<16xi32, #tpu.memory_space<vmem>>
      %dma_start3A_223 = arith.constant 0 : i32
      %dma_start3A_224 = arith.constant 0 : i32
      %dma_start3A_225 = tpu.memref_slice %arg5[%dma_start3A_223, %dma_start3A_224] : memref<16384x256xi32, #tpu.memory_space<hbm>> -> memref<16384x256xi32, #tpu.memory_space<hbm>>
      tpu.enqueue_indirect_dma source(%dma_start3A_225 : memref<16384x256xi32, #tpu.memory_space<hbm>>) target(%dma_start3A_219 : memref<16x256xi32, #tpu.memory_space<vmem>>) offsets(%dma_start3A_222 : memref<16xi32, #tpu.memory_space<vmem>>) semaphore(%arg19 : memref<!tpu.dma_semaphore, #tpu.memory_space<semaphore_mem>>)
    } else {
    }
    %eq3A_29 = arith.constant 3 : i32
    %eq3A_30 = arith.cmpi eq, %select_n3A, %eq3A_29 : i32
    %convert_element_type3A_31 = arith.extui %eq3A_30 : i1 to i32
    %cond3A_32 = arith.constant 0 : i32
    %cond3A_33 = arith.cmpi ne, %convert_element_type3A_31, %cond3A_32 : i32
    scf.if %cond3A_33 {
      %dma_start3A = arith.constant 0 : i32
      %dma_start3A_217 = arith.constant 0 : i32
      %dma_start3A_218 = arith.constant 0 : i32
      %dma_start3A_219 = tpu.memref_slice %arg10[%dma_start3A_217, %dma_start3A_218] : memref<32x256xi32, #tpu.memory_space<vmem>> -> memref<24x256xi32, #tpu.memory_space<vmem>>
      %dma_start3A_220 = arith.constant 0 : i32
      %dma_start3A_221 = tpu.memref_slice %arg8[%dma_start3A, %dma_start3A_220] : memref<128x32xi32, #tpu.memory_space<vmem>> -> memref<1x24xi32, #tpu.memory_space<vmem>>
      %dma_start3A_222 = tpu.memref_squeeze %dma_start3A_221 : memref<1x24xi32, #tpu.memory_space<vmem>> -> memref<24xi32, #tpu.memory_space<vmem>>
      %dma_start3A_223 = arith.constant 0 : i32
      %dma_start3A_224 = arith.constant 0 : i32
      %dma_start3A_225 = tpu.memref_slice %arg5[%dma_start3A_223, %dma_start3A_224] : memref<16384x256xi32, #tpu.memory_space<hbm>> -> memref<16384x256xi32, #tpu.memory_space<hbm>>
      tpu.enqueue_indirect_dma source(%dma_start3A_225 : memref<16384x256xi32, #tpu.memory_space<hbm>>) target(%dma_start3A_219 : memref<24x256xi32, #tpu.memory_space<vmem>>) offsets(%dma_start3A_222 : memref<24xi32, #tpu.memory_space<vmem>>) semaphore(%arg19 : memref<!tpu.dma_semaphore, #tpu.memory_space<semaphore_mem>>)
    } else {
    }
    %eq3A_34 = arith.constant 4 : i32
    %eq3A_35 = arith.cmpi eq, %select_n3A, %eq3A_34 : i32
    %convert_element_type3A_36 = arith.extui %eq3A_35 : i1 to i32
    %cond3A_37 = arith.constant 0 : i32
    %cond3A_38 = arith.cmpi ne, %convert_element_type3A_36, %cond3A_37 : i32
    scf.if %cond3A_38 {
      %dma_start3A = arith.constant 0 : i32
      %dma_start3A_217 = arith.constant 0 : i32
      %dma_start3A_218 = arith.constant 0 : i32
      %dma_start3A_219 = tpu.memref_slice %arg10[%dma_start3A_217, %dma_start3A_218] : memref<32x256xi32, #tpu.memory_space<vmem>> -> memref<32x256xi32, #tpu.memory_space<vmem>>
      %dma_start3A_220 = arith.constant 0 : i32
      %dma_start3A_221 = tpu.memref_slice %arg8[%dma_start3A, %dma_start3A_220] : memref<128x32xi32, #tpu.memory_space<vmem>> -> memref<1x32xi32, #tpu.memory_space<vmem>>
      %dma_start3A_222 = tpu.memref_squeeze %dma_start3A_221 : memref<1x32xi32, #tpu.memory_space<vmem>> -> memref<32xi32, #tpu.memory_space<vmem>>
      %dma_start3A_223 = arith.constant 0 : i32
      %dma_start3A_224 = arith.constant 0 : i32
      %dma_start3A_225 = tpu.memref_slice %arg5[%dma_start3A_223, %dma_start3A_224] : memref<16384x256xi32, #tpu.memory_space<hbm>> -> memref<16384x256xi32, #tpu.memory_space<hbm>>
      tpu.enqueue_indirect_dma source(%dma_start3A_225 : memref<16384x256xi32, #tpu.memory_space<hbm>>) target(%dma_start3A_219 : memref<32x256xi32, #tpu.memory_space<vmem>>) offsets(%dma_start3A_222 : memref<32xi32, #tpu.memory_space<vmem>>) semaphore(%arg19 : memref<!tpu.dma_semaphore, #tpu.memory_space<semaphore_mem>>)
    } else {
    }
    %get3A_39 = arith.constant 1 : index
    %get3A_40 = tpu.vector_load %arg9[%get3A_39] {strides = array<i32>} : memref<144xi32, #tpu.memory_space<vmem>>, vector<16xi32>,
    %slice3A_41 = vector.extract_strided_slice %get3A_40 {offsets = [0], sizes = [1], strides = [1]} : vector<16xi32> to vector<1xi32>
    %squeeze3A_42 = vector.extract %slice3A_41[0] : i32 from vector<1xi32>
    %add3A_43 = arith.constant 7 : i32
    %add3A_44 = arith.addi %squeeze3A_42, %add3A_43 : i32
    %jit3A_45 = arith.constant 8 : i32
    %div3A_46 = arith.divsi %add3A_44, %jit3A_45 : i32
    %sign3A_47 = arith.constant 0 : i32
    %sign3A_48 = arith.cmpi sgt, %add3A_44, %sign3A_47 : i32
    %sign3A_49 = arith.extui %sign3A_48 : i1 to i32
    %sign3A_50 = arith.constant 0 : i32
    %sign3A_51 = arith.cmpi slt, %add3A_44, %sign3A_50 : i32
    %sign3A_52 = arith.extui %sign3A_51 : i1 to i32
    %sign3A_53 = arith.subi %sign3A_49, %sign3A_52 : i32
    %sign3A_54 = arith.constant 0 : i32
    %sign3A_55 = arith.cmpi sgt, %jit3A_45, %sign3A_54 : i32
    %sign3A_56 = arith.extui %sign3A_55 : i1 to i32
    %sign3A_57 = arith.constant 0 : i32
    %sign3A_58 = arith.cmpi slt, %jit3A_45, %sign3A_57 : i32
    %sign3A_59 = arith.extui %sign3A_58 : i1 to i32
    %sign3A_60 = arith.subi %sign3A_56, %sign3A_59 : i32
    %ne3A_61 = arith.cmpi ne, %sign3A_53, %sign3A_60 : i32
    %rem3A_62 = arith.remsi %add3A_44, %jit3A_45 : i32
    %ne3A_63 = arith.constant 0 : i32
    %ne3A_64 = arith.cmpi ne, %rem3A_62, %ne3A_63 : i32
    %and3A_65 = arith.andi %ne3A_61, %ne3A_64 : i1
    %sub3A_66 = arith.constant 1 : i32
    %sub3A_67 = arith.subi %div3A_46, %sub3A_66 : i32
    %select_n3A_68 = arith.select %and3A_65, %sub3A_67, %div3A_46 : i32
    %eq3A_69 = arith.constant 1 : i32
    %eq3A_70 = arith.cmpi eq, %select_n3A_68, %eq3A_69 : i32
    %convert_element_type3A_71 = arith.extui %eq3A_70 : i1 to i32
    %cond3A_72 = arith.constant 0 : i32
    %cond3A_73 = arith.cmpi ne, %convert_element_type3A_71, %cond3A_72 : i32
    scf.if %cond3A_73 {
      %dma_start3A = arith.constant 1 : i32
      %dma_start3A_217 = arith.constant 0 : i32
      %dma_start3A_218 = arith.constant 0 : i32
      %dma_start3A_219 = tpu.memref_slice %arg11[%dma_start3A_217, %dma_start3A_218] : memref<32x256xi32, #tpu.memory_space<vmem>> -> memref<8x256xi32, #tpu.memory_space<vmem>>
      %dma_start3A_220 = arith.constant 0 : i32
      %dma_start3A_221 = tpu.memref_slice %arg8[%dma_start3A, %dma_start3A_220] : memref<128x32xi32, #tpu.memory_space<vmem>> -> memref<1x8xi32, #tpu.memory_space<vmem>>
      %dma_start3A_222 = tpu.memref_squeeze %dma_start3A_221 : memref<1x8xi32, #tpu.memory_space<vmem>> -> memref<8xi32, #tpu.memory_space<vmem>>
      %dma_start3A_223 = arith.constant 0 : i32
      %dma_start3A_224 = arith.constant 0 : i32
      %dma_start3A_225 = tpu.memref_slice %arg5[%dma_start3A_223, %dma_start3A_224] : memref<16384x256xi32, #tpu.memory_space<hbm>> -> memref<16384x256xi32, #tpu.memory_space<hbm>>
      tpu.enqueue_indirect_dma source(%dma_start3A_225 : memref<16384x256xi32, #tpu.memory_space<hbm>>) target(%dma_start3A_219 : memref<8x256xi32, #tpu.memory_space<vmem>>) offsets(%dma_start3A_222 : memref<8xi32, #tpu.memory_space<vmem>>) semaphore(%arg20 : memref<!tpu.dma_semaphore, #tpu.memory_space<semaphore_mem>>)
    } else {
    }
    %eq3A_74 = arith.constant 2 : i32
    %eq3A_75 = arith.cmpi eq, %select_n3A_68, %eq3A_74 : i32
    %convert_element_type3A_76 = arith.extui %eq3A_75 : i1 to i32
    %cond3A_77 = arith.constant 0 : i32
    %cond3A_78 = arith.cmpi ne, %convert_element_type3A_76, %cond3A_77 : i32
    scf.if %cond3A_78 {
      %dma_start3A = arith.constant 1 : i32
      %dma_start3A_217 = arith.constant 0 : i32
      %dma_start3A_218 = arith.constant 0 : i32
      %dma_start3A_219 = tpu.memref_slice %arg11[%dma_start3A_217, %dma_start3A_218] : memref<32x256xi32, #tpu.memory_space<vmem>> -> memref<16x256xi32, #tpu.memory_space<vmem>>
      %dma_start3A_220 = arith.constant 0 : i32
      %dma_start3A_221 = tpu.memref_slice %arg8[%dma_start3A, %dma_start3A_220] : memref<128x32xi32, #tpu.memory_space<vmem>> -> memref<1x16xi32, #tpu.memory_space<vmem>>
      %dma_start3A_222 = tpu.memref_squeeze %dma_start3A_221 : memref<1x16xi32, #tpu.memory_space<vmem>> -> memref<16xi32, #tpu.memory_space<vmem>>
      %dma_start3A_223 = arith.constant 0 : i32
      %dma_start3A_224 = arith.constant 0 : i32
      %dma_start3A_225 = tpu.memref_slice %arg5[%dma_start3A_223, %dma_start3A_224] : memref<16384x256xi32, #tpu.memory_space<hbm>> -> memref<16384x256xi32, #tpu.memory_space<hbm>>
      tpu.enqueue_indirect_dma source(%dma_start3A_225 : memref<16384x256xi32, #tpu.memory_space<hbm>>) target(%dma_start3A_219 : memref<16x256xi32, #tpu.memory_space<vmem>>) offsets(%dma_start3A_222 : memref<16xi32, #tpu.memory_space<vmem>>) semaphore(%arg20 : memref<!tpu.dma_semaphore, #tpu.memory_space<semaphore_mem>>)
    } else {
    }
    %eq3A_79 = arith.constant 3 : i32
    %eq3A_80 = arith.cmpi eq, %select_n3A_68, %eq3A_79 : i32
    %convert_element_type3A_81 = arith.extui %eq3A_80 : i1 to i32
    %cond3A_82 = arith.constant 0 : i32
    %cond3A_83 = arith.cmpi ne, %convert_element_type3A_81, %cond3A_82 : i32
    scf.if %cond3A_83 {
      %dma_start3A = arith.constant 1 : i32
      %dma_start3A_217 = arith.constant 0 : i32
      %dma_start3A_218 = arith.constant 0 : i32
      %dma_start3A_219 = tpu.memref_slice %arg11[%dma_start3A_217, %dma_start3A_218] : memref<32x256xi32, #tpu.memory_space<vmem>> -> memref<24x256xi32, #tpu.memory_space<vmem>>
      %dma_start3A_220 = arith.constant 0 : i32
      %dma_start3A_221 = tpu.memref_slice %arg8[%dma_start3A, %dma_start3A_220] : memref<128x32xi32, #tpu.memory_space<vmem>> -> memref<1x24xi32, #tpu.memory_space<vmem>>
      %dma_start3A_222 = tpu.memref_squeeze %dma_start3A_221 : memref<1x24xi32, #tpu.memory_space<vmem>> -> memref<24xi32, #tpu.memory_space<vmem>>
      %dma_start3A_223 = arith.constant 0 : i32
      %dma_start3A_224 = arith.constant 0 : i32
      %dma_start3A_225 = tpu.memref_slice %arg5[%dma_start3A_223, %dma_start3A_224] : memref<16384x256xi32, #tpu.memory_space<hbm>> -> memref<16384x256xi32, #tpu.memory_space<hbm>>
      tpu.enqueue_indirect_dma source(%dma_start3A_225 : memref<16384x256xi32, #tpu.memory_space<hbm>>) target(%dma_start3A_219 : memref<24x256xi32, #tpu.memory_space<vmem>>) offsets(%dma_start3A_222 : memref<24xi32, #tpu.memory_space<vmem>>) semaphore(%arg20 : memref<!tpu.dma_semaphore, #tpu.memory_space<semaphore_mem>>)
    } else {
    }
    %eq3A_84 = arith.constant 4 : i32
    %eq3A_85 = arith.cmpi eq, %select_n3A_68, %eq3A_84 : i32
    %convert_element_type3A_86 = arith.extui %eq3A_85 : i1 to i32
    %cond3A_87 = arith.constant 0 : i32
    %cond3A_88 = arith.cmpi ne, %convert_element_type3A_86, %cond3A_87 : i32
    scf.if %cond3A_88 {
      %dma_start3A = arith.constant 1 : i32
      %dma_start3A_217 = arith.constant 0 : i32
      %dma_start3A_218 = arith.constant 0 : i32
      %dma_start3A_219 = tpu.memref_slice %arg11[%dma_start3A_217, %dma_start3A_218] : memref<32x256xi32, #tpu.memory_space<vmem>> -> memref<32x256xi32, #tpu.memory_space<vmem>>
      %dma_start3A_220 = arith.constant 0 : i32
      %dma_start3A_221 = tpu.memref_slice %arg8[%dma_start3A, %dma_start3A_220] : memref<128x32xi32, #tpu.memory_space<vmem>> -> memref<1x32xi32, #tpu.memory_space<vmem>>
      %dma_start3A_222 = tpu.memref_squeeze %dma_start3A_221 : memref<1x32xi32, #tpu.memory_space<vmem>> -> memref<32xi32, #tpu.memory_space<vmem>>
      %dma_start3A_223 = arith.constant 0 : i32
      %dma_start3A_224 = arith.constant 0 : i32
      %dma_start3A_225 = tpu.memref_slice %arg5[%dma_start3A_223, %dma_start3A_224] : memref<16384x256xi32, #tpu.memory_space<hbm>> -> memref<16384x256xi32, #tpu.memory_space<hbm>>
      tpu.enqueue_indirect_dma source(%dma_start3A_225 : memref<16384x256xi32, #tpu.memory_space<hbm>>) target(%dma_start3A_219 : memref<32x256xi32, #tpu.memory_space<vmem>>) offsets(%dma_start3A_222 : memref<32xi32, #tpu.memory_space<vmem>>) semaphore(%arg20 : memref<!tpu.dma_semaphore, #tpu.memory_space<semaphore_mem>>)
    } else {
    }
    %get3A_89 = arith.constant 2 : index
    %get3A_90 = tpu.vector_load %arg9[%get3A_89] {strides = array<i32>} : memref<144xi32, #tpu.memory_space<vmem>>, vector<16xi32>,
    %slice3A_91 = vector.extract_strided_slice %get3A_90 {offsets = [0], sizes = [1], strides = [1]} : vector<16xi32> to vector<1xi32>
    %squeeze3A_92 = vector.extract %slice3A_91[0] : i32 from vector<1xi32>
    %add3A_93 = arith.constant 7 : i32
    %add3A_94 = arith.addi %squeeze3A_92, %add3A_93 : i32
    %jit3A_95 = arith.constant 8 : i32
    %div3A_96 = arith.divsi %add3A_94, %jit3A_95 : i32
    %sign3A_97 = arith.constant 0 : i32
    %sign3A_98 = arith.cmpi sgt, %add3A_94, %sign3A_97 : i32
    %sign3A_99 = arith.extui %sign3A_98 : i1 to i32
    %sign3A_100 = arith.constant 0 : i32
    %sign3A_101 = arith.cmpi slt, %add3A_94, %sign3A_100 : i32
    %sign3A_102 = arith.extui %sign3A_101 : i1 to i32
    %sign3A_103 = arith.subi %sign3A_99, %sign3A_102 : i32
    %sign3A_104 = arith.constant 0 : i32
    %sign3A_105 = arith.cmpi sgt, %jit3A_95, %sign3A_104 : i32
    %sign3A_106 = arith.extui %sign3A_105 : i1 to i32
    %sign3A_107 = arith.constant 0 : i32
    %sign3A_108 = arith.cmpi slt, %jit3A_95, %sign3A_107 : i32
    %sign3A_109 = arith.extui %sign3A_108 : i1 to i32
    %sign3A_110 = arith.subi %sign3A_106, %sign3A_109 : i32
    %ne3A_111 = arith.cmpi ne, %sign3A_103, %sign3A_110 : i32
    %rem3A_112 = arith.remsi %add3A_94, %jit3A_95 : i32
    %ne3A_113 = arith.constant 0 : i32
    %ne3A_114 = arith.cmpi ne, %rem3A_112, %ne3A_113 : i32
    %and3A_115 = arith.andi %ne3A_111, %ne3A_114 : i1
    %sub3A_116 = arith.constant 1 : i32
    %sub3A_117 = arith.subi %div3A_96, %sub3A_116 : i32
    %select_n3A_118 = arith.select %and3A_115, %sub3A_117, %div3A_96 : i32
    %eq3A_119 = arith.constant 1 : i32
    %eq3A_120 = arith.cmpi eq, %select_n3A_118, %eq3A_119 : i32
    %convert_element_type3A_121 = arith.extui %eq3A_120 : i1 to i32
    %cond3A_122 = arith.constant 0 : i32
    %cond3A_123 = arith.cmpi ne, %convert_element_type3A_121, %cond3A_122 : i32
    scf.if %cond3A_123 {
      %dma_start3A = arith.constant 2 : i32
      %dma_start3A_217 = arith.constant 0 : i32
      %dma_start3A_218 = arith.constant 0 : i32
      %dma_start3A_219 = tpu.memref_slice %arg12[%dma_start3A_217, %dma_start3A_218] : memref<32x256xi32, #tpu.memory_space<vmem>> -> memref<8x256xi32, #tpu.memory_space<vmem>>
      %dma_start3A_220 = arith.constant 0 : i32
      %dma_start3A_221 = tpu.memref_slice %arg8[%dma_start3A, %dma_start3A_220] : memref<128x32xi32, #tpu.memory_space<vmem>> -> memref<1x8xi32, #tpu.memory_space<vmem>>
      %dma_start3A_222 = tpu.memref_squeeze %dma_start3A_221 : memref<1x8xi32, #tpu.memory_space<vmem>> -> memref<8xi32, #tpu.memory_space<vmem>>
      %dma_start3A_223 = arith.constant 0 : i32
      %dma_start3A_224 = arith.constant 0 : i32
      %dma_start3A_225 = tpu.memref_slice %arg5[%dma_start3A_223, %dma_start3A_224] : memref<16384x256xi32, #tpu.memory_space<hbm>> -> memref<16384x256xi32, #tpu.memory_space<hbm>>
      tpu.enqueue_indirect_dma source(%dma_start3A_225 : memref<16384x256xi32, #tpu.memory_space<hbm>>) target(%dma_start3A_219 : memref<8x256xi32, #tpu.memory_space<vmem>>) offsets(%dma_start3A_222 : memref<8xi32, #tpu.memory_space<vmem>>) semaphore(%arg21 : memref<!tpu.dma_semaphore, #tpu.memory_space<semaphore_mem>>)
    } else {
    }
    %eq3A_124 = arith.constant 2 : i32
    %eq3A_125 = arith.cmpi eq, %select_n3A_118, %eq3A_124 : i32
    %convert_element_type3A_126 = arith.extui %eq3A_125 : i1 to i32
    %cond3A_127 = arith.constant 0 : i32
    %cond3A_128 = arith.cmpi ne, %convert_element_type3A_126, %cond3A_127 : i32
    scf.if %cond3A_128 {
      %dma_start3A = arith.constant 2 : i32
      %dma_start3A_217 = arith.constant 0 : i32
      %dma_start3A_218 = arith.constant 0 : i32
      %dma_start3A_219 = tpu.memref_slice %arg12[%dma_start3A_217, %dma_start3A_218] : memref<32x256xi32, #tpu.memory_space<vmem>> -> memref<16x256xi32, #tpu.memory_space<vmem>>
      %dma_start3A_220 = arith.constant 0 : i32
      %dma_start3A_221 = tpu.memref_slice %arg8[%dma_start3A, %dma_start3A_220] : memref<128x32xi32, #tpu.memory_space<vmem>> -> memref<1x16xi32, #tpu.memory_space<vmem>>
      %dma_start3A_222 = tpu.memref_squeeze %dma_start3A_221 : memref<1x16xi32, #tpu.memory_space<vmem>> -> memref<16xi32, #tpu.memory_space<vmem>>
      %dma_start3A_223 = arith.constant 0 : i32
      %dma_start3A_224 = arith.constant 0 : i32
      %dma_start3A_225 = tpu.memref_slice %arg5[%dma_start3A_223, %dma_start3A_224] : memref<16384x256xi32, #tpu.memory_space<hbm>> -> memref<16384x256xi32, #tpu.memory_space<hbm>>
      tpu.enqueue_indirect_dma source(%dma_start3A_225 : memref<16384x256xi32, #tpu.memory_space<hbm>>) target(%dma_start3A_219 : memref<16x256xi32, #tpu.memory_space<vmem>>) offsets(%dma_start3A_222 : memref<16xi32, #tpu.memory_space<vmem>>) semaphore(%arg21 : memref<!tpu.dma_semaphore, #tpu.memory_space<semaphore_mem>>)
    } else {
    }
    %eq3A_129 = arith.constant 3 : i32
    %eq3A_130 = arith.cmpi eq, %select_n3A_118, %eq3A_129 : i32
    %convert_element_type3A_131 = arith.extui %eq3A_130 : i1 to i32
    %cond3A_132 = arith.constant 0 : i32
    %cond3A_133 = arith.cmpi ne, %convert_element_type3A_131, %cond3A_132 : i32
    scf.if %cond3A_133 {
      %dma_start3A = arith.constant 2 : i32
      %dma_start3A_217 = arith.constant 0 : i32
      %dma_start3A_218 = arith.constant 0 : i32
      %dma_start3A_219 = tpu.memref_slice %arg12[%dma_start3A_217, %dma_start3A_218] : memref<32x256xi32, #tpu.memory_space<vmem>> -> memref<24x256xi32, #tpu.memory_space<vmem>>
      %dma_start3A_220 = arith.constant 0 : i32
      %dma_start3A_221 = tpu.memref_slice %arg8[%dma_start3A, %dma_start3A_220] : memref<128x32xi32, #tpu.memory_space<vmem>> -> memref<1x24xi32, #tpu.memory_space<vmem>>
      %dma_start3A_222 = tpu.memref_squeeze %dma_start3A_221 : memref<1x24xi32, #tpu.memory_space<vmem>> -> memref<24xi32, #tpu.memory_space<vmem>>
      %dma_start3A_223 = arith.constant 0 : i32
      %dma_start3A_224 = arith.constant 0 : i32
      %dma_start3A_225 = tpu.memref_slice %arg5[%dma_start3A_223, %dma_start3A_224] : memref<16384x256xi32, #tpu.memory_space<hbm>> -> memref<16384x256xi32, #tpu.memory_space<hbm>>
      tpu.enqueue_indirect_dma source(%dma_start3A_225 : memref<16384x256xi32, #tpu.memory_space<hbm>>) target(%dma_start3A_219 : memref<24x256xi32, #tpu.memory_space<vmem>>) offsets(%dma_start3A_222 : memref<24xi32, #tpu.memory_space<vmem>>) semaphore(%arg21 : memref<!tpu.dma_semaphore, #tpu.memory_space<semaphore_mem>>)
    } else {
    }
    %eq3A_134 = arith.constant 4 : i32
    %eq3A_135 = arith.cmpi eq, %select_n3A_118, %eq3A_134 : i32
    %convert_element_type3A_136 = arith.extui %eq3A_135 : i1 to i32
    %cond3A_137 = arith.constant 0 : i32
    %cond3A_138 = arith.cmpi ne, %convert_element_type3A_136, %cond3A_137 : i32
    scf.if %cond3A_138 {
      %dma_start3A = arith.constant 2 : i32
      %dma_start3A_217 = arith.constant 0 : i32
      %dma_start3A_218 = arith.constant 0 : i32
      %dma_start3A_219 = tpu.memref_slice %arg12[%dma_start3A_217, %dma_start3A_218] : memref<32x256xi32, #tpu.memory_space<vmem>> -> memref<32x256xi32, #tpu.memory_space<vmem>>
      %dma_start3A_220 = arith.constant 0 : i32
      %dma_start3A_221 = tpu.memref_slice %arg8[%dma_start3A, %dma_start3A_220] : memref<128x32xi32, #tpu.memory_space<vmem>> -> memref<1x32xi32, #tpu.memory_space<vmem>>
      %dma_start3A_222 = tpu.memref_squeeze %dma_start3A_221 : memref<1x32xi32, #tpu.memory_space<vmem>> -> memref<32xi32, #tpu.memory_space<vmem>>
      %dma_start3A_223 = arith.constant 0 : i32
      %dma_start3A_224 = arith.constant 0 : i32
      %dma_start3A_225 = tpu.memref_slice %arg5[%dma_start3A_223, %dma_start3A_224] : memref<16384x256xi32, #tpu.memory_space<hbm>> -> memref<16384x256xi32, #tpu.memory_space<hbm>>
      tpu.enqueue_indirect_dma source(%dma_start3A_225 : memref<16384x256xi32, #tpu.memory_space<hbm>>) target(%dma_start3A_219 : memref<32x256xi32, #tpu.memory_space<vmem>>) offsets(%dma_start3A_222 : memref<32xi32, #tpu.memory_space<vmem>>) semaphore(%arg21 : memref<!tpu.dma_semaphore, #tpu.memory_space<semaphore_mem>>)
    } else {
    }
    %get3A_139 = arith.constant 3 : index
    %get3A_140 = tpu.vector_load %arg9[%get3A_139] {strides = array<i32>} : memref<144xi32, #tpu.memory_space<vmem>>, vector<16xi32>,
    %slice3A_141 = vector.extract_strided_slice %get3A_140 {offsets = [0], sizes = [1], strides = [1]} : vector<16xi32> to vector<1xi32>
    %squeeze3A_142 = vector.extract %slice3A_141[0] : i32 from vector<1xi32>
    %add3A_143 = arith.constant 7 : i32
    %add3A_144 = arith.addi %squeeze3A_142, %add3A_143 : i32
    %jit3A_145 = arith.constant 8 : i32
    %div3A_146 = arith.divsi %add3A_144, %jit3A_145 : i32
    %sign3A_147 = arith.constant 0 : i32
    %sign3A_148 = arith.cmpi sgt, %add3A_144, %sign3A_147 : i32
    %sign3A_149 = arith.extui %sign3A_148 : i1 to i32
    %sign3A_150 = arith.constant 0 : i32
    %sign3A_151 = arith.cmpi slt, %add3A_144, %sign3A_150 : i32
    %sign3A_152 = arith.extui %sign3A_151 : i1 to i32
    %sign3A_153 = arith.subi %sign3A_149, %sign3A_152 : i32
    %sign3A_154 = arith.constant 0 : i32
    %sign3A_155 = arith.cmpi sgt, %jit3A_145, %sign3A_154 : i32
    %sign3A_156 = arith.extui %sign3A_155 : i1 to i32
    %sign3A_157 = arith.constant 0 : i32
    %sign3A_158 = arith.cmpi slt, %jit3A_145, %sign3A_157 : i32
    %sign3A_159 = arith.extui %sign3A_158 : i1 to i32
    %sign3A_160 = arith.subi %sign3A_156, %sign3A_159 : i32
    %ne3A_161 = arith.cmpi ne, %sign3A_153, %sign3A_160 : i32
    %rem3A_162 = arith.remsi %add3A_144, %jit3A_145 : i32
    %ne3A_163 = arith.constant 0 : i32
    %ne3A_164 = arith.cmpi ne, %rem3A_162, %ne3A_163 : i32
    %and3A_165 = arith.andi %ne3A_161, %ne3A_164 : i1
    %sub3A_166 = arith.constant 1 : i32
    %sub3A_167 = arith.subi %div3A_146, %sub3A_166 : i32
    %select_n3A_168 = arith.select %and3A_165, %sub3A_167, %div3A_146 : i32
    %eq3A_169 = arith.constant 1 : i32
    %eq3A_170 = arith.cmpi eq, %select_n3A_168, %eq3A_169 : i32
    %convert_element_type3A_171 = arith.extui %eq3A_170 : i1 to i32
    %cond3A_172 = arith.constant 0 : i32
    %cond3A_173 = arith.cmpi ne, %convert_element_type3A_171, %cond3A_172 : i32
    scf.if %cond3A_173 {
      %dma_start3A = arith.constant 3 : i32
      %dma_start3A_217 = arith.constant 0 : i32
      %dma_start3A_218 = arith.constant 0 : i32
      %dma_start3A_219 = tpu.memref_slice %arg13[%dma_start3A_217, %dma_start3A_218] : memref<32x256xi32, #tpu.memory_space<vmem>> -> memref<8x256xi32, #tpu.memory_space<vmem>>
      %dma_start3A_220 = arith.constant 0 : i32
      %dma_start3A_221 = tpu.memref_slice %arg8[%dma_start3A, %dma_start3A_220] : memref<128x32xi32, #tpu.memory_space<vmem>> -> memref<1x8xi32, #tpu.memory_space<vmem>>
      %dma_start3A_222 = tpu.memref_squeeze %dma_start3A_221 : memref<1x8xi32, #tpu.memory_space<vmem>> -> memref<8xi32, #tpu.memory_space<vmem>>
      %dma_start3A_223 = arith.constant 0 : i32
      %dma_start3A_224 = arith.constant 0 : i32
      %dma_start3A_225 = tpu.memref_slice %arg5[%dma_start3A_223, %dma_start3A_224] : memref<16384x256xi32, #tpu.memory_space<hbm>> -> memref<16384x256xi32, #tpu.memory_space<hbm>>
      tpu.enqueue_indirect_dma source(%dma_start3A_225 : memref<16384x256xi32, #tpu.memory_space<hbm>>) target(%dma_start3A_219 : memref<8x256xi32, #tpu.memory_space<vmem>>) offsets(%dma_start3A_222 : memref<8xi32, #tpu.memory_space<vmem>>) semaphore(%arg22 : memref<!tpu.dma_semaphore, #tpu.memory_space<semaphore_mem>>)
    } else {
    }
    %eq3A_174 = arith.constant 2 : i32
    %eq3A_175 = arith.cmpi eq, %select_n3A_168, %eq3A_174 : i32
    %convert_element_type3A_176 = arith.extui %eq3A_175 : i1 to i32
    %cond3A_177 = arith.constant 0 : i32
    %cond3A_178 = arith.cmpi ne, %convert_element_type3A_176, %cond3A_177 : i32
    scf.if %cond3A_178 {
      %dma_start3A = arith.constant 3 : i32
      %dma_start3A_217 = arith.constant 0 : i32
      %dma_start3A_218 = arith.constant 0 : i32
      %dma_start3A_219 = tpu.memref_slice %arg13[%dma_start3A_217, %dma_start3A_218] : memref<32x256xi32, #tpu.memory_space<vmem>> -> memref<16x256xi32, #tpu.memory_space<vmem>>
      %dma_start3A_220 = arith.constant 0 : i32
      %dma_start3A_221 = tpu.memref_slice %arg8[%dma_start3A, %dma_start3A_220] : memref<128x32xi32, #tpu.memory_space<vmem>> -> memref<1x16xi32, #tpu.memory_space<vmem>>
      %dma_start3A_222 = tpu.memref_squeeze %dma_start3A_221 : memref<1x16xi32, #tpu.memory_space<vmem>> -> memref<16xi32, #tpu.memory_space<vmem>>
      %dma_start3A_223 = arith.constant 0 : i32
      %dma_start3A_224 = arith.constant 0 : i32
      %dma_start3A_225 = tpu.memref_slice %arg5[%dma_start3A_223, %dma_start3A_224] : memref<16384x256xi32, #tpu.memory_space<hbm>> -> memref<16384x256xi32, #tpu.memory_space<hbm>>
      tpu.enqueue_indirect_dma source(%dma_start3A_225 : memref<16384x256xi32, #tpu.memory_space<hbm>>) target(%dma_start3A_219 : memref<16x256xi32, #tpu.memory_space<vmem>>) offsets(%dma_start3A_222 : memref<16xi32, #tpu.memory_space<vmem>>) semaphore(%arg22 : memref<!tpu.dma_semaphore, #tpu.memory_space<semaphore_mem>>)
    } else {
    }
    %eq3A_179 = arith.constant 3 : i32
    %eq3A_180 = arith.cmpi eq, %select_n3A_168, %eq3A_179 : i32
    %convert_element_type3A_181 = arith.extui %eq3A_180 : i1 to i32
    %cond3A_182 = arith.constant 0 : i32
    %cond3A_183 = arith.cmpi ne, %convert_element_type3A_181, %cond3A_182 : i32
    scf.if %cond3A_183 {
      %dma_start3A = arith.constant 3 : i32
      %dma_start3A_217 = arith.constant 0 : i32
      %dma_start3A_218 = arith.constant 0 : i32
      %dma_start3A_219 = tpu.memref_slice %arg13[%dma_start3A_217, %dma_start3A_218] : memref<32x256xi32, #tpu.memory_space<vmem>> -> memref<24x256xi32, #tpu.memory_space<vmem>>
      %dma_start3A_220 = arith.constant 0 : i32
      %dma_start3A_221 = tpu.memref_slice %arg8[%dma_start3A, %dma_start3A_220] : memref<128x32xi32, #tpu.memory_space<vmem>> -> memref<1x24xi32, #tpu.memory_space<vmem>>
      %dma_start3A_222 = tpu.memref_squeeze %dma_start3A_221 : memref<1x24xi32, #tpu.memory_space<vmem>> -> memref<24xi32, #tpu.memory_space<vmem>>
      %dma_start3A_223 = arith.constant 0 : i32
      %dma_start3A_224 = arith.constant 0 : i32
      %dma_start3A_225 = tpu.memref_slice %arg5[%dma_start3A_223, %dma_start3A_224] : memref<16384x256xi32, #tpu.memory_space<hbm>> -> memref<16384x256xi32, #tpu.memory_space<hbm>>
      tpu.enqueue_indirect_dma source(%dma_start3A_225 : memref<16384x256xi32, #tpu.memory_space<hbm>>) target(%dma_start3A_219 : memref<24x256xi32, #tpu.memory_space<vmem>>) offsets(%dma_start3A_222 : memref<24xi32, #tpu.memory_space<vmem>>) semaphore(%arg22 : memref<!tpu.dma_semaphore, #tpu.memory_space<semaphore_mem>>)
    } else {
    }
    %eq3A_184 = arith.constant 4 : i32
    %eq3A_185 = arith.cmpi eq, %select_n3A_168, %eq3A_184 : i32
    %convert_element_type3A_186 = arith.extui %eq3A_185 : i1 to i32
    %cond3A_187 = arith.constant 0 : i32
    %cond3A_188 = arith.cmpi ne, %convert_element_type3A_186, %cond3A_187 : i32
    scf.if %cond3A_188 {
      %dma_start3A = arith.constant 3 : i32
      %dma_start3A_217 = arith.constant 0 : i32
      %dma_start3A_218 = arith.constant 0 : i32
      %dma_start3A_219 = tpu.memref_slice %arg13[%dma_start3A_217, %dma_start3A_218] : memref<32x256xi32, #tpu.memory_space<vmem>> -> memref<32x256xi32, #tpu.memory_space<vmem>>
      %dma_start3A_220 = arith.constant 0 : i32
      %dma_start3A_221 = tpu.memref_slice %arg8[%dma_start3A, %dma_start3A_220] : memref<128x32xi32, #tpu.memory_space<vmem>> -> memref<1x32xi32, #tpu.memory_space<vmem>>
      %dma_start3A_222 = tpu.memref_squeeze %dma_start3A_221 : memref<1x32xi32, #tpu.memory_space<vmem>> -> memref<32xi32, #tpu.memory_space<vmem>>
      %dma_start3A_223 = arith.constant 0 : i32
      %dma_start3A_224 = arith.constant 0 : i32
      %dma_start3A_225 = tpu.memref_slice %arg5[%dma_start3A_223, %dma_start3A_224] : memref<16384x256xi32, #tpu.memory_space<hbm>> -> memref<16384x256xi32, #tpu.memory_space<hbm>>
      tpu.enqueue_indirect_dma source(%dma_start3A_225 : memref<16384x256xi32, #tpu.memory_space<hbm>>) target(%dma_start3A_219 : memref<32x256xi32, #tpu.memory_space<vmem>>) offsets(%dma_start3A_222 : memref<32xi32, #tpu.memory_space<vmem>>) semaphore(%arg22 : memref<!tpu.dma_semaphore, #tpu.memory_space<semaphore_mem>>)
    } else {
    }
    %scan3A = arith.constant 0 : i32
    %scan3A_189 = arith.constant 0 : i32
    %scan3A_190 = arith.constant 32 : i32
    %scan3A_191 = arith.addi %scan3A_189, %scan3A_190 : i32
    %scan3A_192 = arith.constant 1 : i32
    scf.for %scan3A_217 = %scan3A_189 to %scan3A_191 step %scan3A_192  : i32 {
      %mul3A_218 = arith.constant 4 : i32
      %mul3A_219 = arith.muli %mul3A_218, %scan3A_217 : i32
      %add3A_220 = arith.constant 0 : i32
      %add3A_221 = arith.addi %mul3A_219, %add3A_220 : i32
      %gt3A = arith.constant 0 : i32
      %gt3A_222 = arith.cmpi sgt, %scan3A_217, %gt3A : i32
      %get3A_223 = arith.index_cast %add3A_221 : i32 to index
      %get3A_224 = arith.constant 0 : index
      %get3A_225 = tpu.vector_load %arg8[%get3A_223, %get3A_224] {strides = array<i32>} : memref<128x32xi32, #tpu.memory_space<vmem>>, vector<16xi32>,
      %get3A_226 = arith.index_cast %add3A_221 : i32 to index
      %get3A_227 = arith.constant 16 : index
      %get3A_228 = tpu.vector_load %arg8[%get3A_226, %get3A_227] {strides = array<i32>} : memref<128x32xi32, #tpu.memory_space<vmem>>, vector<16xi32>,
      %gather3A = tpu.vector_load_idx %arg7[%get3A_225] : memref<16384xf32, #tpu.memory_space<vmem>>[vector<16xi32>], vector<16xf32>,
      %gather3A_229 = tpu.vector_load_idx %arg7[%get3A_228] : memref<16384xf32, #tpu.memory_space<vmem>>[vector<16xi32>], vector<16xf32>,
      %get3A_230 = arith.index_cast %add3A_221 : i32 to index
      %get3A_231 = tpu.vector_load %arg9[%get3A_230] {strides = array<i32>} : memref<144xi32, #tpu.memory_space<vmem>>, vector<16xi32>,
      %slice3A_232 = vector.extract_strided_slice %get3A_231 {offsets = [0], sizes = [1], strides = [1]} : vector<16xi32> to vector<1xi32>
      %squeeze3A_233 = vector.extract %slice3A_232[0] : i32 from vector<1xi32>
      %broadcast_in_dim3A = vector.broadcast %squeeze3A_233 : i32 to vector<16xi32>
      %lt3A = arith.cmpi slt, %iota3A, %broadcast_in_dim3A : vector<16xi32>
      %add3A_234 = arith.constant 16 : i32
      %add3A_235 = vector.broadcast %add3A_234 : i32 to vector<16xi32>
      %add3A_236 = arith.addi %iota3A, %add3A_235 : vector<16xi32>
      %lt3A_237 = arith.cmpi slt, %add3A_236, %broadcast_in_dim3A : vector<16xi32>
      %sub3A_238 = arith.constant 9.99999968E+37 : f32
      %sub3A_239 = vector.broadcast %sub3A_238 : f32 to vector<16xf32>
      %sub3A_240 = arith.subf %gather3A, %sub3A_239 : vector<16xf32>
      %select_n3A_241 = arith.select %lt3A, %gather3A, %sub3A_240 : vector<16xi1>, vector<16xf32>
      %sub3A_242 = arith.constant 9.99999968E+37 : f32
      %sub3A_243 = vector.broadcast %sub3A_242 : f32 to vector<16xf32>
      %sub3A_244 = arith.subf %gather3A_229, %sub3A_243 : vector<16xf32>
      %select_n3A_245 = arith.select %lt3A_237, %gather3A_229, %sub3A_244 : vector<16xi1>, vector<16xf32>
      %max3A = arith.maximumf %select_n3A_241, %select_n3A_245 : vector<16xf32>
      %reduce_max3A = arith.constant true
      %reduce_max3A_246 = vector.broadcast %reduce_max3A : i1 to vector<16xi1>
      %reduce_max3A_247 = tpu.scan <max>, %max3A masked %reduce_max3A_246 : vector<16xf32>, vector<16xi1> -> vector<16xf32>
      %reduce_max3A_248 = vector.extract %reduce_max3A_247[15] : f32 from vector<16xf32>
      %sub3A_249 = vector.broadcast %reduce_max3A_248 : f32 to vector<16xf32>
      %sub3A_250 = arith.subf %select_n3A_241, %sub3A_249 : vector<16xf32>
      %exp3A = math.exp %sub3A_250 : vector<16xf32>
      %sub3A_251 = vector.broadcast %reduce_max3A_248 : f32 to vector<16xf32>
      %sub3A_252 = arith.subf %select_n3A_245, %sub3A_251 : vector<16xf32>
      %exp3A_253 = math.exp %sub3A_252 : vector<16xf32>
      %add3A_254 = arith.addf %exp3A, %exp3A_253 : vector<16xf32>
      %reduce_sum3A = arith.constant true
      %reduce_sum3A_255 = vector.broadcast %reduce_sum3A : i1 to vector<16xi1>
      %reduce_sum3A_256 = tpu.scan <sum>, %add3A_254 masked %reduce_sum3A_255 : vector<16xf32>, vector<16xi1> -> vector<16xf32>
      %reduce_sum3A_257 = vector.extract %reduce_sum3A_256[15] : f32 from vector<16xf32>
      %div3A_258 = vector.broadcast %reduce_sum3A_257 : f32 to vector<16xf32>
      %div3A_259 = arith.divf %exp3A, %div3A_258 : vector<16xf32>
      %swap3A = arith.constant 0 : index
      %swap3A_260 = tpu.vector_load %arg14[%swap3A] {strides = array<i32>} : memref<48xf32, #tpu.memory_space<vmem>>, vector<16xf32>,
      tpu.vector_store %arg14[%swap3A], %div3A_259 {strides = array<i32>} : memref<48xf32, #tpu.memory_space<vmem>>, vector<16xf32>,
      %div3A_261 = vector.broadcast %reduce_sum3A_257 : f32 to vector<16xf32>
      %div3A_262 = arith.divf %exp3A_253, %div3A_261 : vector<16xf32>
      %swap3A_263 = arith.constant 16 : index
      %swap3A_264 = tpu.vector_load %arg14[%swap3A_263] {strides = array<i32>} : memref<48xf32, #tpu.memory_space<vmem>>, vector<16xf32>,
      tpu.vector_store %arg14[%swap3A_263], %div3A_262 {strides = array<i32>} : memref<48xf32, #tpu.memory_space<vmem>>, vector<16xf32>,
      %get3A_265 = arith.index_cast %add3A_221 : i32 to index
      %get3A_266 = tpu.vector_load %arg9[%get3A_265] {strides = array<i32>} : memref<144xi32, #tpu.memory_space<vmem>>, vector<16xi32>,
      %slice3A_267 = vector.extract_strided_slice %get3A_266 {offsets = [0], sizes = [1], strides = [1]} : vector<16xi32> to vector<1xi32>
      %squeeze3A_268 = vector.extract %slice3A_267[0] : i32 from vector<1xi32>
      %add3A_269 = arith.constant 7 : i32
      %add3A_270 = arith.addi %squeeze3A_268, %add3A_269 : i32
      %jit3A_271 = arith.constant 8 : i32
      %div3A_272 = arith.divsi %add3A_270, %jit3A_271 : i32
      %sign3A_273 = arith.constant 0 : i32
      %sign3A_274 = arith.cmpi sgt, %add3A_270, %sign3A_273 : i32
      %sign3A_275 = arith.extui %sign3A_274 : i1 to i32
      %sign3A_276 = arith.constant 0 : i32
      %sign3A_277 = arith.cmpi slt, %add3A_270, %sign3A_276 : i32
      %sign3A_278 = arith.extui %sign3A_277 : i1 to i32
      %sign3A_279 = arith.subi %sign3A_275, %sign3A_278 : i32
      %sign3A_280 = arith.constant 0 : i32
      %sign3A_281 = arith.cmpi sgt, %jit3A_271, %sign3A_280 : i32
      %sign3A_282 = arith.extui %sign3A_281 : i1 to i32
      %sign3A_283 = arith.constant 0 : i32
      %sign3A_284 = arith.cmpi slt, %jit3A_271, %sign3A_283 : i32
      %sign3A_285 = arith.extui %sign3A_284 : i1 to i32
      %sign3A_286 = arith.subi %sign3A_282, %sign3A_285 : i32
      %ne3A_287 = arith.cmpi ne, %sign3A_279, %sign3A_286 : i32
      %rem3A_288 = arith.remsi %add3A_270, %jit3A_271 : i32
      %ne3A_289 = arith.constant 0 : i32
      %ne3A_290 = arith.cmpi ne, %rem3A_288, %ne3A_289 : i32
      %and3A_291 = arith.andi %ne3A_287, %ne3A_290 : i1
      %sub3A_292 = arith.constant 1 : i32
      %sub3A_293 = arith.subi %div3A_272, %sub3A_292 : i32
      %select_n3A_294 = arith.select %and3A_291, %sub3A_293, %div3A_272 : i32
      %eq3A_295 = arith.constant 1 : i32
      %eq3A_296 = arith.cmpi eq, %select_n3A_294, %eq3A_295 : i32
      %convert_element_type3A_297 = arith.extui %eq3A_296 : i1 to i32
      %cond3A_298 = arith.constant 0 : i32
      %cond3A_299 = arith.cmpi ne, %convert_element_type3A_297, %cond3A_298 : i32
      scf.if %cond3A_299 {
        %dma_wait3A_1007 = arith.constant 0 : i32
        %dma_wait3A_1008 = arith.constant 0 : i32
        %dma_wait3A_1009 = tpu.memref_slice %arg10[%dma_wait3A_1007, %dma_wait3A_1008] : memref<32x256xi32, #tpu.memory_space<vmem>> -> memref<8x256xi32, #tpu.memory_space<vmem>>
        %dma_wait3A_1010 = arith.constant 0 : i32
        %dma_wait3A_1011 = tpu.memref_slice %arg8[%add3A_221, %dma_wait3A_1010] : memref<128x32xi32, #tpu.memory_space<vmem>> -> memref<1x8xi32, #tpu.memory_space<vmem>>
        %dma_wait3A_1012 = tpu.memref_squeeze %dma_wait3A_1011 : memref<1x8xi32, #tpu.memory_space<vmem>> -> memref<8xi32, #tpu.memory_space<vmem>>
        %dma_wait3A_1013 = arith.constant 0 : i32
        %dma_wait3A_1014 = arith.constant 0 : i32
        %dma_wait3A_1015 = tpu.memref_slice %arg5[%dma_wait3A_1013, %dma_wait3A_1014] : memref<16384x256xi32, #tpu.memory_space<hbm>> -> memref<16384x256xi32, #tpu.memory_space<hbm>>
        tpu.wait_indirect_dma semaphore(%arg19 : memref<!tpu.dma_semaphore, #tpu.memory_space<semaphore_mem>>) src(%dma_wait3A_1015 : memref<16384x256xi32, #tpu.memory_space<hbm>>) dst(%dma_wait3A_1009 : memref<8x256xi32, #tpu.memory_space<vmem>>)
      } else {
      }
      %eq3A_300 = arith.constant 2 : i32
      %eq3A_301 = arith.cmpi eq, %select_n3A_294, %eq3A_300 : i32
      %convert_element_type3A_302 = arith.extui %eq3A_301 : i1 to i32
      %cond3A_303 = arith.constant 0 : i32
      %cond3A_304 = arith.cmpi ne, %convert_element_type3A_302, %cond3A_303 : i32
      scf.if %cond3A_304 {
        %dma_wait3A_1007 = arith.constant 0 : i32
        %dma_wait3A_1008 = arith.constant 0 : i32
        %dma_wait3A_1009 = tpu.memref_slice %arg10[%dma_wait3A_1007, %dma_wait3A_1008] : memref<32x256xi32, #tpu.memory_space<vmem>> -> memref<16x256xi32, #tpu.memory_space<vmem>>
        %dma_wait3A_1010 = arith.constant 0 : i32
        %dma_wait3A_1011 = tpu.memref_slice %arg8[%add3A_221, %dma_wait3A_1010] : memref<128x32xi32, #tpu.memory_space<vmem>> -> memref<1x16xi32, #tpu.memory_space<vmem>>
        %dma_wait3A_1012 = tpu.memref_squeeze %dma_wait3A_1011 : memref<1x16xi32, #tpu.memory_space<vmem>> -> memref<16xi32, #tpu.memory_space<vmem>>
        %dma_wait3A_1013 = arith.constant 0 : i32
        %dma_wait3A_1014 = arith.constant 0 : i32
        %dma_wait3A_1015 = tpu.memref_slice %arg5[%dma_wait3A_1013, %dma_wait3A_1014] : memref<16384x256xi32, #tpu.memory_space<hbm>> -> memref<16384x256xi32, #tpu.memory_space<hbm>>
        tpu.wait_indirect_dma semaphore(%arg19 : memref<!tpu.dma_semaphore, #tpu.memory_space<semaphore_mem>>) src(%dma_wait3A_1015 : memref<16384x256xi32, #tpu.memory_space<hbm>>) dst(%dma_wait3A_1009 : memref<16x256xi32, #tpu.memory_space<vmem>>)
      } else {
      }
      %eq3A_305 = arith.constant 3 : i32
      %eq3A_306 = arith.cmpi eq, %select_n3A_294, %eq3A_305 : i32
      %convert_element_type3A_307 = arith.extui %eq3A_306 : i1 to i32
      %cond3A_308 = arith.constant 0 : i32
      %cond3A_309 = arith.cmpi ne, %convert_element_type3A_307, %cond3A_308 : i32
      scf.if %cond3A_309 {
        %dma_wait3A_1007 = arith.constant 0 : i32
        %dma_wait3A_1008 = arith.constant 0 : i32
        %dma_wait3A_1009 = tpu.memref_slice %arg10[%dma_wait3A_1007, %dma_wait3A_1008] : memref<32x256xi32, #tpu.memory_space<vmem>> -> memref<24x256xi32, #tpu.memory_space<vmem>>
        %dma_wait3A_1010 = arith.constant 0 : i32
        %dma_wait3A_1011 = tpu.memref_slice %arg8[%add3A_221, %dma_wait3A_1010] : memref<128x32xi32, #tpu.memory_space<vmem>> -> memref<1x24xi32, #tpu.memory_space<vmem>>
        %dma_wait3A_1012 = tpu.memref_squeeze %dma_wait3A_1011 : memref<1x24xi32, #tpu.memory_space<vmem>> -> memref<24xi32, #tpu.memory_space<vmem>>
        %dma_wait3A_1013 = arith.constant 0 : i32
        %dma_wait3A_1014 = arith.constant 0 : i32
        %dma_wait3A_1015 = tpu.memref_slice %arg5[%dma_wait3A_1013, %dma_wait3A_1014] : memref<16384x256xi32, #tpu.memory_space<hbm>> -> memref<16384x256xi32, #tpu.memory_space<hbm>>
        tpu.wait_indirect_dma semaphore(%arg19 : memref<!tpu.dma_semaphore, #tpu.memory_space<semaphore_mem>>) src(%dma_wait3A_1015 : memref<16384x256xi32, #tpu.memory_space<hbm>>) dst(%dma_wait3A_1009 : memref<24x256xi32, #tpu.memory_space<vmem>>)
      } else {
      }
      %eq3A_310 = arith.constant 4 : i32
      %eq3A_311 = arith.cmpi eq, %select_n3A_294, %eq3A_310 : i32
      %convert_element_type3A_312 = arith.extui %eq3A_311 : i1 to i32
      %cond3A_313 = arith.constant 0 : i32
      %cond3A_314 = arith.cmpi ne, %convert_element_type3A_312, %cond3A_313 : i32
      scf.if %cond3A_314 {
        %dma_wait3A_1007 = arith.constant 0 : i32
        %dma_wait3A_1008 = arith.constant 0 : i32
        %dma_wait3A_1009 = tpu.memref_slice %arg10[%dma_wait3A_1007, %dma_wait3A_1008] : memref<32x256xi32, #tpu.memory_space<vmem>> -> memref<32x256xi32, #tpu.memory_space<vmem>>
        %dma_wait3A_1010 = arith.constant 0 : i32
        %dma_wait3A_1011 = tpu.memref_slice %arg8[%add3A_221, %dma_wait3A_1010] : memref<128x32xi32, #tpu.memory_space<vmem>> -> memref<1x32xi32, #tpu.memory_space<vmem>>
        %dma_wait3A_1012 = tpu.memref_squeeze %dma_wait3A_1011 : memref<1x32xi32, #tpu.memory_space<vmem>> -> memref<32xi32, #tpu.memory_space<vmem>>
        %dma_wait3A_1013 = arith.constant 0 : i32
        %dma_wait3A_1014 = arith.constant 0 : i32
        %dma_wait3A_1015 = tpu.memref_slice %arg5[%dma_wait3A_1013, %dma_wait3A_1014] : memref<16384x256xi32, #tpu.memory_space<hbm>> -> memref<16384x256xi32, #tpu.memory_space<hbm>>
        tpu.wait_indirect_dma semaphore(%arg19 : memref<!tpu.dma_semaphore, #tpu.memory_space<semaphore_mem>>) src(%dma_wait3A_1015 : memref<16384x256xi32, #tpu.memory_space<hbm>>) dst(%dma_wait3A_1009 : memref<32x256xi32, #tpu.memory_space<vmem>>)
      } else {
      }
      %broadcast_in_dim3A_315 = arith.constant 0.000000e+00 : f32
      %broadcast_in_dim3A_316 = vector.broadcast %broadcast_in_dim3A_315 : f32 to vector<16xf32>
      %while3A = arith.constant 0 : i32
      %while3A_317 = arith.subi %squeeze3A_233, %while3A : i32
      %while3A_318 = arith.addi %while3A, %while3A_317 : i32
      %while3A_319 = arith.constant 1 : i32
      %while3A_320 = arith.divsi %while3A_317, %while3A_319 : i32
      %while3A_321 = arith.muli %while3A_320, %while3A_319 : i32
      %while3A_322 = arith.addi %while3A, %while3A_321 : i32
      %while3A_323 = arith.constant 1 : i32
      %while3A_324:32 = scf.for %while3A_1007 = %while3A to %while3A_322 step %while3A_323 iter_args(%while3A_1008 = %broadcast_in_dim3A_316, %while3A_1009 = %broadcast_in_dim3A_316, %while3A_1010 = %broadcast_in_dim3A_316, %while3A_1011 = %broadcast_in_dim3A_316, %while3A_1012 = %broadcast_in_dim3A_316, %while3A_1013 = %broadcast_in_dim3A_316, %while3A_1014 = %broadcast_in_dim3A_316, %while3A_1015 = %broadcast_in_dim3A_316, %while3A_1016 = %broadcast_in_dim3A_316, %while3A_1017 = %broadcast_in_dim3A_316, %while3A_1018 = %broadcast_in_dim3A_316, %while3A_1019 = %broadcast_in_dim3A_316, %while3A_1020 = %broadcast_in_dim3A_316, %while3A_1021 = %broadcast_in_dim3A_316, %while3A_1022 = %broadcast_in_dim3A_316, %while3A_1023 = %broadcast_in_dim3A_316, %while3A_1024 = %broadcast_in_dim3A_316, %while3A_1025 = %broadcast_in_dim3A_316, %while3A_1026 = %broadcast_in_dim3A_316, %while3A_1027 = %broadcast_in_dim3A_316, %while3A_1028 = %broadcast_in_dim3A_316, %while3A_1029 = %broadcast_in_dim3A_316, %while3A_1030 = %broadcast_in_dim3A_316, %while3A_1031 = %broadcast_in_dim3A_316, %while3A_1032 = %broadcast_in_dim3A_316, %while3A_1033 = %broadcast_in_dim3A_316, %while3A_1034 = %broadcast_in_dim3A_316, %while3A_1035 = %broadcast_in_dim3A_316, %while3A_1036 = %broadcast_in_dim3A_316, %while3A_1037 = %broadcast_in_dim3A_316, %while3A_1038 = %broadcast_in_dim3A_316, %while3A_1039 = %broadcast_in_dim3A_316) -> (vector<16xf32>, vector<16xf32>, vector<16xf32>, vector<16xf32>, vector<16xf32>, vector<16xf32>, vector<16xf32>, vector<16xf32>, vector<16xf32>, vector<16xf32>, vector<16xf32>, vector<16xf32>, vector<16xf32>, vector<16xf32>, vector<16xf32>, vector<16xf32>, vector<16xf32>, vector<16xf32>, vector<16xf32>, vector<16xf32>, vector<16xf32>, vector<16xf32>, vector<16xf32>, vector<16xf32>, vector<16xf32>, vector<16xf32>, vector<16xf32>, vector<16xf32>, vector<16xf32>, vector<16xf32>, vector<16xf32>, vector<16xf32>)  : i32 {
        %get3A_1040 = arith.index_cast %while3A_1007 : i32 to index
        %get3A_1041 = tpu.vector_load %arg14[%get3A_1040] {strides = array<i32>} : memref<48xf32, #tpu.memory_space<vmem>>, vector<16xf32>,
        %slice3A_1042 = vector.extract_strided_slice %get3A_1041 {offsets = [0], sizes = [1], strides = [1]} : vector<16xf32> to vector<1xf32>
        %squeeze3A_1043 = vector.extract %slice3A_1042[0] : f32 from vector<1xf32>
        %broadcast_in_dim3A_1044 = vector.broadcast %squeeze3A_1043 : f32 to vector<16xf32>
        %get3A_1045 = arith.index_cast %while3A_1007 : i32 to index
        %get3A_1046 = arith.constant 0 : index
        %get3A_1047 = tpu.vector_load %arg10[%get3A_1045, %get3A_1046] {strides = array<i32>} : memref<32x256xi32, #tpu.memory_space<vmem>>, vector<16xi32>,
        %bitcast3A = vector.bitcast %get3A_1047 : vector<16xi32> to vector<32xbf16>
        %unpack3A = tpu.unpack_subelements %bitcast3A, 0 {pack_format = #tpu.pack_format<interleaved>} : vector<32xbf16> -> vector<16xf32>
        %unpack3A_1048 = tpu.unpack_subelements %bitcast3A, 1 {pack_format = #tpu.pack_format<interleaved>} : vector<32xbf16> -> vector<16xf32>
        %mul3A_1049 = arith.mulf %broadcast_in_dim3A_1044, %unpack3A : vector<16xf32>
        %add3A_1050 = arith.addf %while3A_1008, %mul3A_1049 : vector<16xf32>
        %mul3A_1051 = arith.mulf %broadcast_in_dim3A_1044, %unpack3A_1048 : vector<16xf32>
        %add3A_1052 = arith.addf %while3A_1009, %mul3A_1051 : vector<16xf32>
        %get3A_1053 = arith.index_cast %while3A_1007 : i32 to index
        %get3A_1054 = arith.constant 16 : index
        %get3A_1055 = tpu.vector_load %arg10[%get3A_1053, %get3A_1054] {strides = array<i32>} : memref<32x256xi32, #tpu.memory_space<vmem>>, vector<16xi32>,
        %bitcast3A_1056 = vector.bitcast %get3A_1055 : vector<16xi32> to vector<32xbf16>
        %unpack3A_1057 = tpu.unpack_subelements %bitcast3A_1056, 0 {pack_format = #tpu.pack_format<interleaved>} : vector<32xbf16> -> vector<16xf32>
        %unpack3A_1058 = tpu.unpack_subelements %bitcast3A_1056, 1 {pack_format = #tpu.pack_format<interleaved>} : vector<32xbf16> -> vector<16xf32>
        %mul3A_1059 = arith.mulf %broadcast_in_dim3A_1044, %unpack3A_1057 : vector<16xf32>
        %add3A_1060 = arith.addf %while3A_1010, %mul3A_1059 : vector<16xf32>
        %mul3A_1061 = arith.mulf %broadcast_in_dim3A_1044, %unpack3A_1058 : vector<16xf32>
        %add3A_1062 = arith.addf %while3A_1011, %mul3A_1061 : vector<16xf32>
        %get3A_1063 = arith.index_cast %while3A_1007 : i32 to index
        %get3A_1064 = arith.constant 32 : index
        %get3A_1065 = tpu.vector_load %arg10[%get3A_1063, %get3A_1064] {strides = array<i32>} : memref<32x256xi32, #tpu.memory_space<vmem>>, vector<16xi32>,
        %bitcast3A_1066 = vector.bitcast %get3A_1065 : vector<16xi32> to vector<32xbf16>
        %unpack3A_1067 = tpu.unpack_subelements %bitcast3A_1066, 0 {pack_format = #tpu.pack_format<interleaved>} : vector<32xbf16> -> vector<16xf32>
        %unpack3A_1068 = tpu.unpack_subelements %bitcast3A_1066, 1 {pack_format = #tpu.pack_format<interleaved>} : vector<32xbf16> -> vector<16xf32>
        %mul3A_1069 = arith.mulf %broadcast_in_dim3A_1044, %unpack3A_1067 : vector<16xf32>
        %add3A_1070 = arith.addf %while3A_1012, %mul3A_1069 : vector<16xf32>
        %mul3A_1071 = arith.mulf %broadcast_in_dim3A_1044, %unpack3A_1068 : vector<16xf32>
        %add3A_1072 = arith.addf %while3A_1013, %mul3A_1071 : vector<16xf32>
        %get3A_1073 = arith.index_cast %while3A_1007 : i32 to index
        %get3A_1074 = arith.constant 48 : index
        %get3A_1075 = tpu.vector_load %arg10[%get3A_1073, %get3A_1074] {strides = array<i32>} : memref<32x256xi32, #tpu.memory_space<vmem>>, vector<16xi32>,
        %bitcast3A_1076 = vector.bitcast %get3A_1075 : vector<16xi32> to vector<32xbf16>
        %unpack3A_1077 = tpu.unpack_subelements %bitcast3A_1076, 0 {pack_format = #tpu.pack_format<interleaved>} : vector<32xbf16> -> vector<16xf32>
        %unpack3A_1078 = tpu.unpack_subelements %bitcast3A_1076, 1 {pack_format = #tpu.pack_format<interleaved>} : vector<32xbf16> -> vector<16xf32>
        %mul3A_1079 = arith.mulf %broadcast_in_dim3A_1044, %unpack3A_1077 : vector<16xf32>
        %add3A_1080 = arith.addf %while3A_1014, %mul3A_1079 : vector<16xf32>
        %mul3A_1081 = arith.mulf %broadcast_in_dim3A_1044, %unpack3A_1078 : vector<16xf32>
        %add3A_1082 = arith.addf %while3A_1015, %mul3A_1081 : vector<16xf32>
        %get3A_1083 = arith.index_cast %while3A_1007 : i32 to index
        %get3A_1084 = arith.constant 64 : index
        %get3A_1085 = tpu.vector_load %arg10[%get3A_1083, %get3A_1084] {strides = array<i32>} : memref<32x256xi32, #tpu.memory_space<vmem>>, vector<16xi32>,
        %bitcast3A_1086 = vector.bitcast %get3A_1085 : vector<16xi32> to vector<32xbf16>
        %unpack3A_1087 = tpu.unpack_subelements %bitcast3A_1086, 0 {pack_format = #tpu.pack_format<interleaved>} : vector<32xbf16> -> vector<16xf32>
        %unpack3A_1088 = tpu.unpack_subelements %bitcast3A_1086, 1 {pack_format = #tpu.pack_format<interleaved>} : vector<32xbf16> -> vector<16xf32>
        %mul3A_1089 = arith.mulf %broadcast_in_dim3A_1044, %unpack3A_1087 : vector<16xf32>
        %add3A_1090 = arith.addf %while3A_1016, %mul3A_1089 : vector<16xf32>
        %mul3A_1091 = arith.mulf %broadcast_in_dim3A_1044, %unpack3A_1088 : vector<16xf32>
        %add3A_1092 = arith.addf %while3A_1017, %mul3A_1091 : vector<16xf32>
        %get3A_1093 = arith.index_cast %while3A_1007 : i32 to index
        %get3A_1094 = arith.constant 80 : index
        %get3A_1095 = tpu.vector_load %arg10[%get3A_1093, %get3A_1094] {strides = array<i32>} : memref<32x256xi32, #tpu.memory_space<vmem>>, vector<16xi32>,
        %bitcast3A_1096 = vector.bitcast %get3A_1095 : vector<16xi32> to vector<32xbf16>
        %unpack3A_1097 = tpu.unpack_subelements %bitcast3A_1096, 0 {pack_format = #tpu.pack_format<interleaved>} : vector<32xbf16> -> vector<16xf32>
        %unpack3A_1098 = tpu.unpack_subelements %bitcast3A_1096, 1 {pack_format = #tpu.pack_format<interleaved>} : vector<32xbf16> -> vector<16xf32>
        %mul3A_1099 = arith.mulf %broadcast_in_dim3A_1044, %unpack3A_1097 : vector<16xf32>
        %add3A_1100 = arith.addf %while3A_1018, %mul3A_1099 : vector<16xf32>
        %mul3A_1101 = arith.mulf %broadcast_in_dim3A_1044, %unpack3A_1098 : vector<16xf32>
        %add3A_1102 = arith.addf %while3A_1019, %mul3A_1101 : vector<16xf32>
        %get3A_1103 = arith.index_cast %while3A_1007 : i32 to index
        %get3A_1104 = arith.constant 96 : index
        %get3A_1105 = tpu.vector_load %arg10[%get3A_1103, %get3A_1104] {strides = array<i32>} : memref<32x256xi32, #tpu.memory_space<vmem>>, vector<16xi32>,
        %bitcast3A_1106 = vector.bitcast %get3A_1105 : vector<16xi32> to vector<32xbf16>
        %unpack3A_1107 = tpu.unpack_subelements %bitcast3A_1106, 0 {pack_format = #tpu.pack_format<interleaved>} : vector<32xbf16> -> vector<16xf32>
        %unpack3A_1108 = tpu.unpack_subelements %bitcast3A_1106, 1 {pack_format = #tpu.pack_format<interleaved>} : vector<32xbf16> -> vector<16xf32>
        %mul3A_1109 = arith.mulf %broadcast_in_dim3A_1044, %unpack3A_1107 : vector<16xf32>
        %add3A_1110 = arith.addf %while3A_1020, %mul3A_1109 : vector<16xf32>
        %mul3A_1111 = arith.mulf %broadcast_in_dim3A_1044, %unpack3A_1108 : vector<16xf32>
        %add3A_1112 = arith.addf %while3A_1021, %mul3A_1111 : vector<16xf32>
        %get3A_1113 = arith.index_cast %while3A_1007 : i32 to index
        %get3A_1114 = arith.constant 112 : index
        %get3A_1115 = tpu.vector_load %arg10[%get3A_1113, %get3A_1114] {strides = array<i32>} : memref<32x256xi32, #tpu.memory_space<vmem>>, vector<16xi32>,
        %bitcast3A_1116 = vector.bitcast %get3A_1115 : vector<16xi32> to vector<32xbf16>
        %unpack3A_1117 = tpu.unpack_subelements %bitcast3A_1116, 0 {pack_format = #tpu.pack_format<interleaved>} : vector<32xbf16> -> vector<16xf32>
        %unpack3A_1118 = tpu.unpack_subelements %bitcast3A_1116, 1 {pack_format = #tpu.pack_format<interleaved>} : vector<32xbf16> -> vector<16xf32>
        %mul3A_1119 = arith.mulf %broadcast_in_dim3A_1044, %unpack3A_1117 : vector<16xf32>
        %add3A_1120 = arith.addf %while3A_1022, %mul3A_1119 : vector<16xf32>
        %mul3A_1121 = arith.mulf %broadcast_in_dim3A_1044, %unpack3A_1118 : vector<16xf32>
        %add3A_1122 = arith.addf %while3A_1023, %mul3A_1121 : vector<16xf32>
        %get3A_1123 = arith.index_cast %while3A_1007 : i32 to index
        %get3A_1124 = arith.constant 128 : index
        %get3A_1125 = tpu.vector_load %arg10[%get3A_1123, %get3A_1124] {strides = array<i32>} : memref<32x256xi32, #tpu.memory_space<vmem>>, vector<16xi32>,
        %bitcast3A_1126 = vector.bitcast %get3A_1125 : vector<16xi32> to vector<32xbf16>
        %unpack3A_1127 = tpu.unpack_subelements %bitcast3A_1126, 0 {pack_format = #tpu.pack_format<interleaved>} : vector<32xbf16> -> vector<16xf32>
        %unpack3A_1128 = tpu.unpack_subelements %bitcast3A_1126, 1 {pack_format = #tpu.pack_format<interleaved>} : vector<32xbf16> -> vector<16xf32>
        %mul3A_1129 = arith.mulf %broadcast_in_dim3A_1044, %unpack3A_1127 : vector<16xf32>
        %add3A_1130 = arith.addf %while3A_1024, %mul3A_1129 : vector<16xf32>
        %mul3A_1131 = arith.mulf %broadcast_in_dim3A_1044, %unpack3A_1128 : vector<16xf32>
        %add3A_1132 = arith.addf %while3A_1025, %mul3A_1131 : vector<16xf32>
        %get3A_1133 = arith.index_cast %while3A_1007 : i32 to index
        %get3A_1134 = arith.constant 144 : index
        %get3A_1135 = tpu.vector_load %arg10[%get3A_1133, %get3A_1134] {strides = array<i32>} : memref<32x256xi32, #tpu.memory_space<vmem>>, vector<16xi32>,
        %bitcast3A_1136 = vector.bitcast %get3A_1135 : vector<16xi32> to vector<32xbf16>
        %unpack3A_1137 = tpu.unpack_subelements %bitcast3A_1136, 0 {pack_format = #tpu.pack_format<interleaved>} : vector<32xbf16> -> vector<16xf32>
        %unpack3A_1138 = tpu.unpack_subelements %bitcast3A_1136, 1 {pack_format = #tpu.pack_format<interleaved>} : vector<32xbf16> -> vector<16xf32>
        %mul3A_1139 = arith.mulf %broadcast_in_dim3A_1044, %unpack3A_1137 : vector<16xf32>
        %add3A_1140 = arith.addf %while3A_1026, %mul3A_1139 : vector<16xf32>
        %mul3A_1141 = arith.mulf %broadcast_in_dim3A_1044, %unpack3A_1138 : vector<16xf32>
        %add3A_1142 = arith.addf %while3A_1027, %mul3A_1141 : vector<16xf32>
        %get3A_1143 = arith.index_cast %while3A_1007 : i32 to index
        %get3A_1144 = arith.constant 160 : index
        %get3A_1145 = tpu.vector_load %arg10[%get3A_1143, %get3A_1144] {strides = array<i32>} : memref<32x256xi32, #tpu.memory_space<vmem>>, vector<16xi32>,
        %bitcast3A_1146 = vector.bitcast %get3A_1145 : vector<16xi32> to vector<32xbf16>
        %unpack3A_1147 = tpu.unpack_subelements %bitcast3A_1146, 0 {pack_format = #tpu.pack_format<interleaved>} : vector<32xbf16> -> vector<16xf32>
        %unpack3A_1148 = tpu.unpack_subelements %bitcast3A_1146, 1 {pack_format = #tpu.pack_format<interleaved>} : vector<32xbf16> -> vector<16xf32>
        %mul3A_1149 = arith.mulf %broadcast_in_dim3A_1044, %unpack3A_1147 : vector<16xf32>
        %add3A_1150 = arith.addf %while3A_1028, %mul3A_1149 : vector<16xf32>
        %mul3A_1151 = arith.mulf %broadcast_in_dim3A_1044, %unpack3A_1148 : vector<16xf32>
        %add3A_1152 = arith.addf %while3A_1029, %mul3A_1151 : vector<16xf32>
        %get3A_1153 = arith.index_cast %while3A_1007 : i32 to index
        %get3A_1154 = arith.constant 176 : index
        %get3A_1155 = tpu.vector_load %arg10[%get3A_1153, %get3A_1154] {strides = array<i32>} : memref<32x256xi32, #tpu.memory_space<vmem>>, vector<16xi32>,
        %bitcast3A_1156 = vector.bitcast %get3A_1155 : vector<16xi32> to vector<32xbf16>
        %unpack3A_1157 = tpu.unpack_subelements %bitcast3A_1156, 0 {pack_format = #tpu.pack_format<interleaved>} : vector<32xbf16> -> vector<16xf32>
        %unpack3A_1158 = tpu.unpack_subelements %bitcast3A_1156, 1 {pack_format = #tpu.pack_format<interleaved>} : vector<32xbf16> -> vector<16xf32>
        %mul3A_1159 = arith.mulf %broadcast_in_dim3A_1044, %unpack3A_1157 : vector<16xf32>
        %add3A_1160 = arith.addf %while3A_1030, %mul3A_1159 : vector<16xf32>
        %mul3A_1161 = arith.mulf %broadcast_in_dim3A_1044, %unpack3A_1158 : vector<16xf32>
        %add3A_1162 = arith.addf %while3A_1031, %mul3A_1161 : vector<16xf32>
        %get3A_1163 = arith.index_cast %while3A_1007 : i32 to index
        %get3A_1164 = arith.constant 192 : index
        %get3A_1165 = tpu.vector_load %arg10[%get3A_1163, %get3A_1164] {strides = array<i32>} : memref<32x256xi32, #tpu.memory_space<vmem>>, vector<16xi32>,
        %bitcast3A_1166 = vector.bitcast %get3A_1165 : vector<16xi32> to vector<32xbf16>
        %unpack3A_1167 = tpu.unpack_subelements %bitcast3A_1166, 0 {pack_format = #tpu.pack_format<interleaved>} : vector<32xbf16> -> vector<16xf32>
        %unpack3A_1168 = tpu.unpack_subelements %bitcast3A_1166, 1 {pack_format = #tpu.pack_format<interleaved>} : vector<32xbf16> -> vector<16xf32>
        %mul3A_1169 = arith.mulf %broadcast_in_dim3A_1044, %unpack3A_1167 : vector<16xf32>
        %add3A_1170 = arith.addf %while3A_1032, %mul3A_1169 : vector<16xf32>
        %mul3A_1171 = arith.mulf %broadcast_in_dim3A_1044, %unpack3A_1168 : vector<16xf32>
        %add3A_1172 = arith.addf %while3A_1033, %mul3A_1171 : vector<16xf32>
        %get3A_1173 = arith.index_cast %while3A_1007 : i32 to index
        %get3A_1174 = arith.constant 208 : index
        %get3A_1175 = tpu.vector_load %arg10[%get3A_1173, %get3A_1174] {strides = array<i32>} : memref<32x256xi32, #tpu.memory_space<vmem>>, vector<16xi32>,
        %bitcast3A_1176 = vector.bitcast %get3A_1175 : vector<16xi32> to vector<32xbf16>
        %unpack3A_1177 = tpu.unpack_subelements %bitcast3A_1176, 0 {pack_format = #tpu.pack_format<interleaved>} : vector<32xbf16> -> vector<16xf32>
        %unpack3A_1178 = tpu.unpack_subelements %bitcast3A_1176, 1 {pack_format = #tpu.pack_format<interleaved>} : vector<32xbf16> -> vector<16xf32>
        %mul3A_1179 = arith.mulf %broadcast_in_dim3A_1044, %unpack3A_1177 : vector<16xf32>
        %add3A_1180 = arith.addf %while3A_1034, %mul3A_1179 : vector<16xf32>
        %mul3A_1181 = arith.mulf %broadcast_in_dim3A_1044, %unpack3A_1178 : vector<16xf32>
        %add3A_1182 = arith.addf %while3A_1035, %mul3A_1181 : vector<16xf32>
        %get3A_1183 = arith.index_cast %while3A_1007 : i32 to index
        %get3A_1184 = arith.constant 224 : index
        %get3A_1185 = tpu.vector_load %arg10[%get3A_1183, %get3A_1184] {strides = array<i32>} : memref<32x256xi32, #tpu.memory_space<vmem>>, vector<16xi32>,
        %bitcast3A_1186 = vector.bitcast %get3A_1185 : vector<16xi32> to vector<32xbf16>
        %unpack3A_1187 = tpu.unpack_subelements %bitcast3A_1186, 0 {pack_format = #tpu.pack_format<interleaved>} : vector<32xbf16> -> vector<16xf32>
        %unpack3A_1188 = tpu.unpack_subelements %bitcast3A_1186, 1 {pack_format = #tpu.pack_format<interleaved>} : vector<32xbf16> -> vector<16xf32>
        %mul3A_1189 = arith.mulf %broadcast_in_dim3A_1044, %unpack3A_1187 : vector<16xf32>
        %add3A_1190 = arith.addf %while3A_1036, %mul3A_1189 : vector<16xf32>
        %mul3A_1191 = arith.mulf %broadcast_in_dim3A_1044, %unpack3A_1188 : vector<16xf32>
        %add3A_1192 = arith.addf %while3A_1037, %mul3A_1191 : vector<16xf32>
        %get3A_1193 = arith.index_cast %while3A_1007 : i32 to index
        %get3A_1194 = arith.constant 240 : index
        %get3A_1195 = tpu.vector_load %arg10[%get3A_1193, %get3A_1194] {strides = array<i32>} : memref<32x256xi32, #tpu.memory_space<vmem>>, vector<16xi32>,
        %bitcast3A_1196 = vector.bitcast %get3A_1195 : vector<16xi32> to vector<32xbf16>
        %unpack3A_1197 = tpu.unpack_subelements %bitcast3A_1196, 0 {pack_format = #tpu.pack_format<interleaved>} : vector<32xbf16> -> vector<16xf32>
        %unpack3A_1198 = tpu.unpack_subelements %bitcast3A_1196, 1 {pack_format = #tpu.pack_format<interleaved>} : vector<32xbf16> -> vector<16xf32>
        %mul3A_1199 = arith.mulf %broadcast_in_dim3A_1044, %unpack3A_1197 : vector<16xf32>
        %add3A_1200 = arith.addf %while3A_1038, %mul3A_1199 : vector<16xf32>
        %mul3A_1201 = arith.mulf %broadcast_in_dim3A_1044, %unpack3A_1198 : vector<16xf32>
        %add3A_1202 = arith.addf %while3A_1039, %mul3A_1201 : vector<16xf32>
        scf.yield %add3A_1050, %add3A_1052, %add3A_1060, %add3A_1062, %add3A_1070, %add3A_1072, %add3A_1080, %add3A_1082, %add3A_1090, %add3A_1092, %add3A_1100, %add3A_1102, %add3A_1110, %add3A_1112, %add3A_1120, %add3A_1122, %add3A_1130, %add3A_1132, %add3A_1140, %add3A_1142, %add3A_1150, %add3A_1152, %add3A_1160, %add3A_1162, %add3A_1170, %add3A_1172, %add3A_1180, %add3A_1182, %add3A_1190, %add3A_1192, %add3A_1200, %add3A_1202 : vector<16xf32>, vector<16xf32>, vector<16xf32>, vector<16xf32>, vector<16xf32>, vector<16xf32>, vector<16xf32>, vector<16xf32>, vector<16xf32>, vector<16xf32>, vector<16xf32>, vector<16xf32>, vector<16xf32>, vector<16xf32>, vector<16xf32>, vector<16xf32>, vector<16xf32>, vector<16xf32>, vector<16xf32>, vector<16xf32>, vector<16xf32>, vector<16xf32>, vector<16xf32>, vector<16xf32>, vector<16xf32>, vector<16xf32>, vector<16xf32>, vector<16xf32>, vector<16xf32>, vector<16xf32>, vector<16xf32>, vector<16xf32>
      }
      %while3A_325 = arith.constant 1 : i32
      %while3A_326:32 = scf.for %while3A_1007 = %while3A_322 to %while3A_318 step %while3A_325 iter_args(%while3A_1008 = %while3A_324#0, %while3A_1009 = %while3A_324#1, %while3A_1010 = %while3A_324#2, %while3A_1011 = %while3A_324#3, %while3A_1012 = %while3A_324#4, %while3A_1013 = %while3A_324#5, %while3A_1014 = %while3A_324#6, %while3A_1015 = %while3A_324#7, %while3A_1016 = %while3A_324#8, %while3A_1017 = %while3A_324#9, %while3A_1018 = %while3A_324#10, %while3A_1019 = %while3A_324#11, %while3A_1020 = %while3A_324#12, %while3A_1021 = %while3A_324#13, %while3A_1022 = %while3A_324#14, %while3A_1023 = %while3A_324#15, %while3A_1024 = %while3A_324#16, %while3A_1025 = %while3A_324#17, %while3A_1026 = %while3A_324#18, %while3A_1027 = %while3A_324#19, %while3A_1028 = %while3A_324#20, %while3A_1029 = %while3A_324#21, %while3A_1030 = %while3A_324#22, %while3A_1031 = %while3A_324#23, %while3A_1032 = %while3A_324#24, %while3A_1033 = %while3A_324#25, %while3A_1034 = %while3A_324#26, %while3A_1035 = %while3A_324#27, %while3A_1036 = %while3A_324#28, %while3A_1037 = %while3A_324#29, %while3A_1038 = %while3A_324#30, %while3A_1039 = %while3A_324#31) -> (vector<16xf32>, vector<16xf32>, vector<16xf32>, vector<16xf32>, vector<16xf32>, vector<16xf32>, vector<16xf32>, vector<16xf32>, vector<16xf32>, vector<16xf32>, vector<16xf32>, vector<16xf32>, vector<16xf32>, vector<16xf32>, vector<16xf32>, vector<16xf32>, vector<16xf32>, vector<16xf32>, vector<16xf32>, vector<16xf32>, vector<16xf32>, vector<16xf32>, vector<16xf32>, vector<16xf32>, vector<16xf32>, vector<16xf32>, vector<16xf32>, vector<16xf32>, vector<16xf32>, vector<16xf32>, vector<16xf32>, vector<16xf32>)  : i32 {
        %get3A_1040 = arith.index_cast %while3A_1007 : i32 to index
        %get3A_1041 = tpu.vector_load %arg14[%get3A_1040] {strides = array<i32>} : memref<48xf32, #tpu.memory_space<vmem>>, vector<16xf32>,
        %slice3A_1042 = vector.extract_strided_slice %get3A_1041 {offsets = [0], sizes = [1], strides = [1]} : vector<16xf32> to vector<1xf32>
        %squeeze3A_1043 = vector.extract %slice3A_1042[0] : f32 from vector<1xf32>
        %broadcast_in_dim3A_1044 = vector.broadcast %squeeze3A_1043 : f32 to vector<16xf32>
        %get3A_1045 = arith.index_cast %while3A_1007 : i32 to index
        %get3A_1046 = arith.constant 0 : index
        %get3A_1047 = tpu.vector_load %arg10[%get3A_1045, %get3A_1046] {strides = array<i32>} : memref<32x256xi32, #tpu.memory_space<vmem>>, vector<16xi32>,
        %bitcast3A = vector.bitcast %get3A_1047 : vector<16xi32> to vector<32xbf16>
        %unpack3A = tpu.unpack_subelements %bitcast3A, 0 {pack_format = #tpu.pack_format<interleaved>} : vector<32xbf16> -> vector<16xf32>
        %unpack3A_1048 = tpu.unpack_subelements %bitcast3A, 1 {pack_format = #tpu.pack_format<interleaved>} : vector<32xbf16> -> vector<16xf32>
        %mul3A_1049 = arith.mulf %broadcast_in_dim3A_1044, %unpack3A : vector<16xf32>
        %add3A_1050 = arith.addf %while3A_1008, %mul3A_1049 : vector<16xf32>
        %mul3A_1051 = arith.mulf %broadcast_in_dim3A_1044, %unpack3A_1048 : vector<16xf32>
        %add3A_1052 = arith.addf %while3A_1009, %mul3A_1051 : vector<16xf32>
        %get3A_1053 = arith.index_cast %while3A_1007 : i32 to index
        %get3A_1054 = arith.constant 16 : index
        %get3A_1055 = tpu.vector_load %arg10[%get3A_1053, %get3A_1054] {strides = array<i32>} : memref<32x256xi32, #tpu.memory_space<vmem>>, vector<16xi32>,
        %bitcast3A_1056 = vector.bitcast %get3A_1055 : vector<16xi32> to vector<32xbf16>
        %unpack3A_1057 = tpu.unpack_subelements %bitcast3A_1056, 0 {pack_format = #tpu.pack_format<interleaved>} : vector<32xbf16> -> vector<16xf32>
        %unpack3A_1058 = tpu.unpack_subelements %bitcast3A_1056, 1 {pack_format = #tpu.pack_format<interleaved>} : vector<32xbf16> -> vector<16xf32>
        %mul3A_1059 = arith.mulf %broadcast_in_dim3A_1044, %unpack3A_1057 : vector<16xf32>
        %add3A_1060 = arith.addf %while3A_1010, %mul3A_1059 : vector<16xf32>
        %mul3A_1061 = arith.mulf %broadcast_in_dim3A_1044, %unpack3A_1058 : vector<16xf32>
        %add3A_1062 = arith.addf %while3A_1011, %mul3A_1061 : vector<16xf32>
        %get3A_1063 = arith.index_cast %while3A_1007 : i32 to index
        %get3A_1064 = arith.constant 32 : index
        %get3A_1065 = tpu.vector_load %arg10[%get3A_1063, %get3A_1064] {strides = array<i32>} : memref<32x256xi32, #tpu.memory_space<vmem>>, vector<16xi32>,
        %bitcast3A_1066 = vector.bitcast %get3A_1065 : vector<16xi32> to vector<32xbf16>
        %unpack3A_1067 = tpu.unpack_subelements %bitcast3A_1066, 0 {pack_format = #tpu.pack_format<interleaved>} : vector<32xbf16> -> vector<16xf32>
        %unpack3A_1068 = tpu.unpack_subelements %bitcast3A_1066, 1 {pack_format = #tpu.pack_format<interleaved>} : vector<32xbf16> -> vector<16xf32>
        %mul3A_1069 = arith.mulf %broadcast_in_dim3A_1044, %unpack3A_1067 : vector<16xf32>
        %add3A_1070 = arith.addf %while3A_1012, %mul3A_1069 : vector<16xf32>
        %mul3A_1071 = arith.mulf %broadcast_in_dim3A_1044, %unpack3A_1068 : vector<16xf32>
        %add3A_1072 = arith.addf %while3A_1013, %mul3A_1071 : vector<16xf32>
        %get3A_1073 = arith.index_cast %while3A_1007 : i32 to index
        %get3A_1074 = arith.constant 48 : index
        %get3A_1075 = tpu.vector_load %arg10[%get3A_1073, %get3A_1074] {strides = array<i32>} : memref<32x256xi32, #tpu.memory_space<vmem>>, vector<16xi32>,
        %bitcast3A_1076 = vector.bitcast %get3A_1075 : vector<16xi32> to vector<32xbf16>
        %unpack3A_1077 = tpu.unpack_subelements %bitcast3A_1076, 0 {pack_format = #tpu.pack_format<interleaved>} : vector<32xbf16> -> vector<16xf32>
        %unpack3A_1078 = tpu.unpack_subelements %bitcast3A_1076, 1 {pack_format = #tpu.pack_format<interleaved>} : vector<32xbf16> -> vector<16xf32>
        %mul3A_1079 = arith.mulf %broadcast_in_dim3A_1044, %unpack3A_1077 : vector<16xf32>
        %add3A_1080 = arith.addf %while3A_1014, %mul3A_1079 : vector<16xf32>
        %mul3A_1081 = arith.mulf %broadcast_in_dim3A_1044, %unpack3A_1078 : vector<16xf32>
        %add3A_1082 = arith.addf %while3A_1015, %mul3A_1081 : vector<16xf32>
        %get3A_1083 = arith.index_cast %while3A_1007 : i32 to index
        %get3A_1084 = arith.constant 64 : index
        %get3A_1085 = tpu.vector_load %arg10[%get3A_1083, %get3A_1084] {strides = array<i32>} : memref<32x256xi32, #tpu.memory_space<vmem>>, vector<16xi32>,
        %bitcast3A_1086 = vector.bitcast %get3A_1085 : vector<16xi32> to vector<32xbf16>
        %unpack3A_1087 = tpu.unpack_subelements %bitcast3A_1086, 0 {pack_format = #tpu.pack_format<interleaved>} : vector<32xbf16> -> vector<16xf32>
        %unpack3A_1088 = tpu.unpack_subelements %bitcast3A_1086, 1 {pack_format = #tpu.pack_format<interleaved>} : vector<32xbf16> -> vector<16xf32>
        %mul3A_1089 = arith.mulf %broadcast_in_dim3A_1044, %unpack3A_1087 : vector<16xf32>
        %add3A_1090 = arith.addf %while3A_1016, %mul3A_1089 : vector<16xf32>
        %mul3A_1091 = arith.mulf %broadcast_in_dim3A_1044, %unpack3A_1088 : vector<16xf32>
        %add3A_1092 = arith.addf %while3A_1017, %mul3A_1091 : vector<16xf32>
        %get3A_1093 = arith.index_cast %while3A_1007 : i32 to index
        %get3A_1094 = arith.constant 80 : index
        %get3A_1095 = tpu.vector_load %arg10[%get3A_1093, %get3A_1094] {strides = array<i32>} : memref<32x256xi32, #tpu.memory_space<vmem>>, vector<16xi32>,
        %bitcast3A_1096 = vector.bitcast %get3A_1095 : vector<16xi32> to vector<32xbf16>
        %unpack3A_1097 = tpu.unpack_subelements %bitcast3A_1096, 0 {pack_format = #tpu.pack_format<interleaved>} : vector<32xbf16> -> vector<16xf32>
        %unpack3A_1098 = tpu.unpack_subelements %bitcast3A_1096, 1 {pack_format = #tpu.pack_format<interleaved>} : vector<32xbf16> -> vector<16xf32>
        %mul3A_1099 = arith.mulf %broadcast_in_dim3A_1044, %unpack3A_1097 : vector<16xf32>
        %add3A_1100 = arith.addf %while3A_1018, %mul3A_1099 : vector<16xf32>
        %mul3A_1101 = arith.mulf %broadcast_in_dim3A_1044, %unpack3A_1098 : vector<16xf32>
        %add3A_1102 = arith.addf %while3A_1019, %mul3A_1101 : vector<16xf32>
        %get3A_1103 = arith.index_cast %while3A_1007 : i32 to index
        %get3A_1104 = arith.constant 96 : index
        %get3A_1105 = tpu.vector_load %arg10[%get3A_1103, %get3A_1104] {strides = array<i32>} : memref<32x256xi32, #tpu.memory_space<vmem>>, vector<16xi32>,
        %bitcast3A_1106 = vector.bitcast %get3A_1105 : vector<16xi32> to vector<32xbf16>
        %unpack3A_1107 = tpu.unpack_subelements %bitcast3A_1106, 0 {pack_format = #tpu.pack_format<interleaved>} : vector<32xbf16> -> vector<16xf32>
        %unpack3A_1108 = tpu.unpack_subelements %bitcast3A_1106, 1 {pack_format = #tpu.pack_format<interleaved>} : vector<32xbf16> -> vector<16xf32>
        %mul3A_1109 = arith.mulf %broadcast_in_dim3A_1044, %unpack3A_1107 : vector<16xf32>
        %add3A_1110 = arith.addf %while3A_1020, %mul3A_1109 : vector<16xf32>
        %mul3A_1111 = arith.mulf %broadcast_in_dim3A_1044, %unpack3A_1108 : vector<16xf32>
        %add3A_1112 = arith.addf %while3A_1021, %mul3A_1111 : vector<16xf32>
        %get3A_1113 = arith.index_cast %while3A_1007 : i32 to index
        %get3A_1114 = arith.constant 112 : index
        %get3A_1115 = tpu.vector_load %arg10[%get3A_1113, %get3A_1114] {strides = array<i32>} : memref<32x256xi32, #tpu.memory_space<vmem>>, vector<16xi32>,
        %bitcast3A_1116 = vector.bitcast %get3A_1115 : vector<16xi32> to vector<32xbf16>
        %unpack3A_1117 = tpu.unpack_subelements %bitcast3A_1116, 0 {pack_format = #tpu.pack_format<interleaved>} : vector<32xbf16> -> vector<16xf32>
        %unpack3A_1118 = tpu.unpack_subelements %bitcast3A_1116, 1 {pack_format = #tpu.pack_format<interleaved>} : vector<32xbf16> -> vector<16xf32>
        %mul3A_1119 = arith.mulf %broadcast_in_dim3A_1044, %unpack3A_1117 : vector<16xf32>
        %add3A_1120 = arith.addf %while3A_1022, %mul3A_1119 : vector<16xf32>
        %mul3A_1121 = arith.mulf %broadcast_in_dim3A_1044, %unpack3A_1118 : vector<16xf32>
        %add3A_1122 = arith.addf %while3A_1023, %mul3A_1121 : vector<16xf32>
        %get3A_1123 = arith.index_cast %while3A_1007 : i32 to index
        %get3A_1124 = arith.constant 128 : index
        %get3A_1125 = tpu.vector_load %arg10[%get3A_1123, %get3A_1124] {strides = array<i32>} : memref<32x256xi32, #tpu.memory_space<vmem>>, vector<16xi32>,
        %bitcast3A_1126 = vector.bitcast %get3A_1125 : vector<16xi32> to vector<32xbf16>
        %unpack3A_1127 = tpu.unpack_subelements %bitcast3A_1126, 0 {pack_format = #tpu.pack_format<interleaved>} : vector<32xbf16> -> vector<16xf32>
        %unpack3A_1128 = tpu.unpack_subelements %bitcast3A_1126, 1 {pack_format = #tpu.pack_format<interleaved>} : vector<32xbf16> -> vector<16xf32>
        %mul3A_1129 = arith.mulf %broadcast_in_dim3A_1044, %unpack3A_1127 : vector<16xf32>
        %add3A_1130 = arith.addf %while3A_1024, %mul3A_1129 : vector<16xf32>
        %mul3A_1131 = arith.mulf %broadcast_in_dim3A_1044, %unpack3A_1128 : vector<16xf32>
        %add3A_1132 = arith.addf %while3A_1025, %mul3A_1131 : vector<16xf32>
        %get3A_1133 = arith.index_cast %while3A_1007 : i32 to index
        %get3A_1134 = arith.constant 144 : index
        %get3A_1135 = tpu.vector_load %arg10[%get3A_1133, %get3A_1134] {strides = array<i32>} : memref<32x256xi32, #tpu.memory_space<vmem>>, vector<16xi32>,
        %bitcast3A_1136 = vector.bitcast %get3A_1135 : vector<16xi32> to vector<32xbf16>
        %unpack3A_1137 = tpu.unpack_subelements %bitcast3A_1136, 0 {pack_format = #tpu.pack_format<interleaved>} : vector<32xbf16> -> vector<16xf32>
        %unpack3A_1138 = tpu.unpack_subelements %bitcast3A_1136, 1 {pack_format = #tpu.pack_format<interleaved>} : vector<32xbf16> -> vector<16xf32>
        %mul3A_1139 = arith.mulf %broadcast_in_dim3A_1044, %unpack3A_1137 : vector<16xf32>
        %add3A_1140 = arith.addf %while3A_1026, %mul3A_1139 : vector<16xf32>
        %mul3A_1141 = arith.mulf %broadcast_in_dim3A_1044, %unpack3A_1138 : vector<16xf32>
        %add3A_1142 = arith.addf %while3A_1027, %mul3A_1141 : vector<16xf32>
        %get3A_1143 = arith.index_cast %while3A_1007 : i32 to index
        %get3A_1144 = arith.constant 160 : index
        %get3A_1145 = tpu.vector_load %arg10[%get3A_1143, %get3A_1144] {strides = array<i32>} : memref<32x256xi32, #tpu.memory_space<vmem>>, vector<16xi32>,
        %bitcast3A_1146 = vector.bitcast %get3A_1145 : vector<16xi32> to vector<32xbf16>
        %unpack3A_1147 = tpu.unpack_subelements %bitcast3A_1146, 0 {pack_format = #tpu.pack_format<interleaved>} : vector<32xbf16> -> vector<16xf32>
        %unpack3A_1148 = tpu.unpack_subelements %bitcast3A_1146, 1 {pack_format = #tpu.pack_format<interleaved>} : vector<32xbf16> -> vector<16xf32>
        %mul3A_1149 = arith.mulf %broadcast_in_dim3A_1044, %unpack3A_1147 : vector<16xf32>
        %add3A_1150 = arith.addf %while3A_1028, %mul3A_1149 : vector<16xf32>
        %mul3A_1151 = arith.mulf %broadcast_in_dim3A_1044, %unpack3A_1148 : vector<16xf32>
        %add3A_1152 = arith.addf %while3A_1029, %mul3A_1151 : vector<16xf32>
        %get3A_1153 = arith.index_cast %while3A_1007 : i32 to index
        %get3A_1154 = arith.constant 176 : index
        %get3A_1155 = tpu.vector_load %arg10[%get3A_1153, %get3A_1154] {strides = array<i32>} : memref<32x256xi32, #tpu.memory_space<vmem>>, vector<16xi32>,
        %bitcast3A_1156 = vector.bitcast %get3A_1155 : vector<16xi32> to vector<32xbf16>
        %unpack3A_1157 = tpu.unpack_subelements %bitcast3A_1156, 0 {pack_format = #tpu.pack_format<interleaved>} : vector<32xbf16> -> vector<16xf32>
        %unpack3A_1158 = tpu.unpack_subelements %bitcast3A_1156, 1 {pack_format = #tpu.pack_format<interleaved>} : vector<32xbf16> -> vector<16xf32>
        %mul3A_1159 = arith.mulf %broadcast_in_dim3A_1044, %unpack3A_1157 : vector<16xf32>
        %add3A_1160 = arith.addf %while3A_1030, %mul3A_1159 : vector<16xf32>
        %mul3A_1161 = arith.mulf %broadcast_in_dim3A_1044, %unpack3A_1158 : vector<16xf32>
        %add3A_1162 = arith.addf %while3A_1031, %mul3A_1161 : vector<16xf32>
        %get3A_1163 = arith.index_cast %while3A_1007 : i32 to index
        %get3A_1164 = arith.constant 192 : index
        %get3A_1165 = tpu.vector_load %arg10[%get3A_1163, %get3A_1164] {strides = array<i32>} : memref<32x256xi32, #tpu.memory_space<vmem>>, vector<16xi32>,
        %bitcast3A_1166 = vector.bitcast %get3A_1165 : vector<16xi32> to vector<32xbf16>
        %unpack3A_1167 = tpu.unpack_subelements %bitcast3A_1166, 0 {pack_format = #tpu.pack_format<interleaved>} : vector<32xbf16> -> vector<16xf32>
        %unpack3A_1168 = tpu.unpack_subelements %bitcast3A_1166, 1 {pack_format = #tpu.pack_format<interleaved>} : vector<32xbf16> -> vector<16xf32>
        %mul3A_1169 = arith.mulf %broadcast_in_dim3A_1044, %unpack3A_1167 : vector<16xf32>
        %add3A_1170 = arith.addf %while3A_1032, %mul3A_1169 : vector<16xf32>
        %mul3A_1171 = arith.mulf %broadcast_in_dim3A_1044, %unpack3A_1168 : vector<16xf32>
        %add3A_1172 = arith.addf %while3A_1033, %mul3A_1171 : vector<16xf32>
        %get3A_1173 = arith.index_cast %while3A_1007 : i32 to index
        %get3A_1174 = arith.constant 208 : index
        %get3A_1175 = tpu.vector_load %arg10[%get3A_1173, %get3A_1174] {strides = array<i32>} : memref<32x256xi32, #tpu.memory_space<vmem>>, vector<16xi32>,
        %bitcast3A_1176 = vector.bitcast %get3A_1175 : vector<16xi32> to vector<32xbf16>
        %unpack3A_1177 = tpu.unpack_subelements %bitcast3A_1176, 0 {pack_format = #tpu.pack_format<interleaved>} : vector<32xbf16> -> vector<16xf32>
        %unpack3A_1178 = tpu.unpack_subelements %bitcast3A_1176, 1 {pack_format = #tpu.pack_format<interleaved>} : vector<32xbf16> -> vector<16xf32>
        %mul3A_1179 = arith.mulf %broadcast_in_dim3A_1044, %unpack3A_1177 : vector<16xf32>
        %add3A_1180 = arith.addf %while3A_1034, %mul3A_1179 : vector<16xf32>
        %mul3A_1181 = arith.mulf %broadcast_in_dim3A_1044, %unpack3A_1178 : vector<16xf32>
        %add3A_1182 = arith.addf %while3A_1035, %mul3A_1181 : vector<16xf32>
        %get3A_1183 = arith.index_cast %while3A_1007 : i32 to index
        %get3A_1184 = arith.constant 224 : index
        %get3A_1185 = tpu.vector_load %arg10[%get3A_1183, %get3A_1184] {strides = array<i32>} : memref<32x256xi32, #tpu.memory_space<vmem>>, vector<16xi32>,
        %bitcast3A_1186 = vector.bitcast %get3A_1185 : vector<16xi32> to vector<32xbf16>
        %unpack3A_1187 = tpu.unpack_subelements %bitcast3A_1186, 0 {pack_format = #tpu.pack_format<interleaved>} : vector<32xbf16> -> vector<16xf32>
        %unpack3A_1188 = tpu.unpack_subelements %bitcast3A_1186, 1 {pack_format = #tpu.pack_format<interleaved>} : vector<32xbf16> -> vector<16xf32>
        %mul3A_1189 = arith.mulf %broadcast_in_dim3A_1044, %unpack3A_1187 : vector<16xf32>
        %add3A_1190 = arith.addf %while3A_1036, %mul3A_1189 : vector<16xf32>
        %mul3A_1191 = arith.mulf %broadcast_in_dim3A_1044, %unpack3A_1188 : vector<16xf32>
        %add3A_1192 = arith.addf %while3A_1037, %mul3A_1191 : vector<16xf32>
        %get3A_1193 = arith.index_cast %while3A_1007 : i32 to index
        %get3A_1194 = arith.constant 240 : index
        %get3A_1195 = tpu.vector_load %arg10[%get3A_1193, %get3A_1194] {strides = array<i32>} : memref<32x256xi32, #tpu.memory_space<vmem>>, vector<16xi32>,
        %bitcast3A_1196 = vector.bitcast %get3A_1195 : vector<16xi32> to vector<32xbf16>
        %unpack3A_1197 = tpu.unpack_subelements %bitcast3A_1196, 0 {pack_format = #tpu.pack_format<interleaved>} : vector<32xbf16> -> vector<16xf32>
        %unpack3A_1198 = tpu.unpack_subelements %bitcast3A_1196, 1 {pack_format = #tpu.pack_format<interleaved>} : vector<32xbf16> -> vector<16xf32>
        %mul3A_1199 = arith.mulf %broadcast_in_dim3A_1044, %unpack3A_1197 : vector<16xf32>
        %add3A_1200 = arith.addf %while3A_1038, %mul3A_1199 : vector<16xf32>
        %mul3A_1201 = arith.mulf %broadcast_in_dim3A_1044, %unpack3A_1198 : vector<16xf32>
        %add3A_1202 = arith.addf %while3A_1039, %mul3A_1201 : vector<16xf32>
        scf.yield %add3A_1050, %add3A_1052, %add3A_1060, %add3A_1062, %add3A_1070, %add3A_1072, %add3A_1080, %add3A_1082, %add3A_1090, %add3A_1092, %add3A_1100, %add3A_1102, %add3A_1110, %add3A_1112, %add3A_1120, %add3A_1122, %add3A_1130, %add3A_1132, %add3A_1140, %add3A_1142, %add3A_1150, %add3A_1152, %add3A_1160, %add3A_1162, %add3A_1170, %add3A_1172, %add3A_1180, %add3A_1182, %add3A_1190, %add3A_1192, %add3A_1200, %add3A_1202 : vector<16xf32>, vector<16xf32>, vector<16xf32>, vector<16xf32>, vector<16xf32>, vector<16xf32>, vector<16xf32>, vector<16xf32>, vector<16xf32>, vector<16xf32>, vector<16xf32>, vector<16xf32>, vector<16xf32>, vector<16xf32>, vector<16xf32>, vector<16xf32>, vector<16xf32>, vector<16xf32>, vector<16xf32>, vector<16xf32>, vector<16xf32>, vector<16xf32>, vector<16xf32>, vector<16xf32>, vector<16xf32>, vector<16xf32>, vector<16xf32>, vector<16xf32>, vector<16xf32>, vector<16xf32>, vector<16xf32>, vector<16xf32>
      }
      %convert_element_type3A_327 = arith.extui %gt3A_222 : i1 to i32
      %cond3A_328 = arith.constant 0 : i32
      %cond3A_329 = arith.cmpi ne, %convert_element_type3A_327, %cond3A_328 : i32
      scf.if %cond3A_329 {
        %dma_wait3A_1007 = arith.constant 0 : i32
        %dma_wait3A_1008 = tpu.memref_slice %arg6[%mul3A_2, %dma_wait3A_1007] : memref<4096x512xf32, #tpu.memory_space<hbm>> -> memref<1x512xf32, #tpu.memory_space<hbm>>
        %dma_wait3A_1009 = tpu.memref_squeeze %dma_wait3A_1008 : memref<1x512xf32, #tpu.memory_space<hbm>> -> memref<512xf32, #tpu.memory_space<hbm>>
        %dma_wait3A_1010 = arith.constant 0 : i32
        %dma_wait3A_1011 = tpu.memref_slice %arg6[%mul3A_2, %dma_wait3A_1010] : memref<4096x512xf32, #tpu.memory_space<hbm>> -> memref<1x512xf32, #tpu.memory_space<hbm>>
        %dma_wait3A_1012 = tpu.memref_squeeze %dma_wait3A_1011 : memref<1x512xf32, #tpu.memory_space<hbm>> -> memref<512xf32, #tpu.memory_space<hbm>>
        tpu.wait_dma2 semaphore(%arg23 : memref<!tpu.dma_semaphore, #tpu.memory_space<semaphore_mem>>) src(%arg15 : memref<512xf32, #tpu.memory_space<vmem>>) dst(%dma_wait3A_1012 : memref<512xf32, #tpu.memory_space<hbm>>)
      } else {
      }
      %swap3A_330 = arith.constant 0 : index
      %swap3A_331 = tpu.vector_load %arg15[%swap3A_330] {strides = array<i32>} : memref<512xf32, #tpu.memory_space<vmem>>, vector<16xf32>,
      tpu.vector_store %arg15[%swap3A_330], %while3A_326#0 {strides = array<i32>} : memref<512xf32, #tpu.memory_space<vmem>>, vector<16xf32>,
      %swap3A_332 = arith.constant 256 : index
      %swap3A_333 = tpu.vector_load %arg15[%swap3A_332] {strides = array<i32>} : memref<512xf32, #tpu.memory_space<vmem>>, vector<16xf32>,
      tpu.vector_store %arg15[%swap3A_332], %while3A_326#1 {strides = array<i32>} : memref<512xf32, #tpu.memory_space<vmem>>, vector<16xf32>,
      %swap3A_334 = arith.constant 16 : index
      %swap3A_335 = tpu.vector_load %arg15[%swap3A_334] {strides = array<i32>} : memref<512xf32, #tpu.memory_space<vmem>>, vector<16xf32>,
      tpu.vector_store %arg15[%swap3A_334], %while3A_326#2 {strides = array<i32>} : memref<512xf32, #tpu.memory_space<vmem>>, vector<16xf32>,
      %swap3A_336 = arith.constant 272 : index
      %swap3A_337 = tpu.vector_load %arg15[%swap3A_336] {strides = array<i32>} : memref<512xf32, #tpu.memory_space<vmem>>, vector<16xf32>,
      tpu.vector_store %arg15[%swap3A_336], %while3A_326#3 {strides = array<i32>} : memref<512xf32, #tpu.memory_space<vmem>>, vector<16xf32>,
      %swap3A_338 = arith.constant 32 : index
      %swap3A_339 = tpu.vector_load %arg15[%swap3A_338] {strides = array<i32>} : memref<512xf32, #tpu.memory_space<vmem>>, vector<16xf32>,
      tpu.vector_store %arg15[%swap3A_338], %while3A_326#4 {strides = array<i32>} : memref<512xf32, #tpu.memory_space<vmem>>, vector<16xf32>,
      %swap3A_340 = arith.constant 288 : index
      %swap3A_341 = tpu.vector_load %arg15[%swap3A_340] {strides = array<i32>} : memref<512xf32, #tpu.memory_space<vmem>>, vector<16xf32>,
      tpu.vector_store %arg15[%swap3A_340], %while3A_326#5 {strides = array<i32>} : memref<512xf32, #tpu.memory_space<vmem>>, vector<16xf32>,
      %swap3A_342 = arith.constant 48 : index
      %swap3A_343 = tpu.vector_load %arg15[%swap3A_342] {strides = array<i32>} : memref<512xf32, #tpu.memory_space<vmem>>, vector<16xf32>,
      tpu.vector_store %arg15[%swap3A_342], %while3A_326#6 {strides = array<i32>} : memref<512xf32, #tpu.memory_space<vmem>>, vector<16xf32>,
      %swap3A_344 = arith.constant 304 : index
      %swap3A_345 = tpu.vector_load %arg15[%swap3A_344] {strides = array<i32>} : memref<512xf32, #tpu.memory_space<vmem>>, vector<16xf32>,
      tpu.vector_store %arg15[%swap3A_344], %while3A_326#7 {strides = array<i32>} : memref<512xf32, #tpu.memory_space<vmem>>, vector<16xf32>,
      %swap3A_346 = arith.constant 64 : index
      %swap3A_347 = tpu.vector_load %arg15[%swap3A_346] {strides = array<i32>} : memref<512xf32, #tpu.memory_space<vmem>>, vector<16xf32>,
      tpu.vector_store %arg15[%swap3A_346], %while3A_326#8 {strides = array<i32>} : memref<512xf32, #tpu.memory_space<vmem>>, vector<16xf32>,
      %swap3A_348 = arith.constant 320 : index
      %swap3A_349 = tpu.vector_load %arg15[%swap3A_348] {strides = array<i32>} : memref<512xf32, #tpu.memory_space<vmem>>, vector<16xf32>,
      tpu.vector_store %arg15[%swap3A_348], %while3A_326#9 {strides = array<i32>} : memref<512xf32, #tpu.memory_space<vmem>>, vector<16xf32>,
      %swap3A_350 = arith.constant 80 : index
      %swap3A_351 = tpu.vector_load %arg15[%swap3A_350] {strides = array<i32>} : memref<512xf32, #tpu.memory_space<vmem>>, vector<16xf32>,
      tpu.vector_store %arg15[%swap3A_350], %while3A_326#10 {strides = array<i32>} : memref<512xf32, #tpu.memory_space<vmem>>, vector<16xf32>,
      %swap3A_352 = arith.constant 336 : index
      %swap3A_353 = tpu.vector_load %arg15[%swap3A_352] {strides = array<i32>} : memref<512xf32, #tpu.memory_space<vmem>>, vector<16xf32>,
      tpu.vector_store %arg15[%swap3A_352], %while3A_326#11 {strides = array<i32>} : memref<512xf32, #tpu.memory_space<vmem>>, vector<16xf32>,
      %swap3A_354 = arith.constant 96 : index
      %swap3A_355 = tpu.vector_load %arg15[%swap3A_354] {strides = array<i32>} : memref<512xf32, #tpu.memory_space<vmem>>, vector<16xf32>,
      tpu.vector_store %arg15[%swap3A_354], %while3A_326#12 {strides = array<i32>} : memref<512xf32, #tpu.memory_space<vmem>>, vector<16xf32>,
      %swap3A_356 = arith.constant 352 : index
      %swap3A_357 = tpu.vector_load %arg15[%swap3A_356] {strides = array<i32>} : memref<512xf32, #tpu.memory_space<vmem>>, vector<16xf32>,
      tpu.vector_store %arg15[%swap3A_356], %while3A_326#13 {strides = array<i32>} : memref<512xf32, #tpu.memory_space<vmem>>, vector<16xf32>,
      %swap3A_358 = arith.constant 112 : index
      %swap3A_359 = tpu.vector_load %arg15[%swap3A_358] {strides = array<i32>} : memref<512xf32, #tpu.memory_space<vmem>>, vector<16xf32>,
      tpu.vector_store %arg15[%swap3A_358], %while3A_326#14 {strides = array<i32>} : memref<512xf32, #tpu.memory_space<vmem>>, vector<16xf32>,
      %swap3A_360 = arith.constant 368 : index
      %swap3A_361 = tpu.vector_load %arg15[%swap3A_360] {strides = array<i32>} : memref<512xf32, #tpu.memory_space<vmem>>, vector<16xf32>,
      tpu.vector_store %arg15[%swap3A_360], %while3A_326#15 {strides = array<i32>} : memref<512xf32, #tpu.memory_space<vmem>>, vector<16xf32>,
      %swap3A_362 = arith.constant 128 : index
      %swap3A_363 = tpu.vector_load %arg15[%swap3A_362] {strides = array<i32>} : memref<512xf32, #tpu.memory_space<vmem>>, vector<16xf32>,
      tpu.vector_store %arg15[%swap3A_362], %while3A_326#16 {strides = array<i32>} : memref<512xf32, #tpu.memory_space<vmem>>, vector<16xf32>,
      %swap3A_364 = arith.constant 384 : index
      %swap3A_365 = tpu.vector_load %arg15[%swap3A_364] {strides = array<i32>} : memref<512xf32, #tpu.memory_space<vmem>>, vector<16xf32>,
      tpu.vector_store %arg15[%swap3A_364], %while3A_326#17 {strides = array<i32>} : memref<512xf32, #tpu.memory_space<vmem>>, vector<16xf32>,
      %swap3A_366 = arith.constant 144 : index
      %swap3A_367 = tpu.vector_load %arg15[%swap3A_366] {strides = array<i32>} : memref<512xf32, #tpu.memory_space<vmem>>, vector<16xf32>,
      tpu.vector_store %arg15[%swap3A_366], %while3A_326#18 {strides = array<i32>} : memref<512xf32, #tpu.memory_space<vmem>>, vector<16xf32>,
      %swap3A_368 = arith.constant 400 : index
      %swap3A_369 = tpu.vector_load %arg15[%swap3A_368] {strides = array<i32>} : memref<512xf32, #tpu.memory_space<vmem>>, vector<16xf32>,
      tpu.vector_store %arg15[%swap3A_368], %while3A_326#19 {strides = array<i32>} : memref<512xf32, #tpu.memory_space<vmem>>, vector<16xf32>,
      %swap3A_370 = arith.constant 160 : index
      %swap3A_371 = tpu.vector_load %arg15[%swap3A_370] {strides = array<i32>} : memref<512xf32, #tpu.memory_space<vmem>>, vector<16xf32>,
      tpu.vector_store %arg15[%swap3A_370], %while3A_326#20 {strides = array<i32>} : memref<512xf32, #tpu.memory_space<vmem>>, vector<16xf32>,
      %swap3A_372 = arith.constant 416 : index
      %swap3A_373 = tpu.vector_load %arg15[%swap3A_372] {strides = array<i32>} : memref<512xf32, #tpu.memory_space<vmem>>, vector<16xf32>,
      tpu.vector_store %arg15[%swap3A_372], %while3A_326#21 {strides = array<i32>} : memref<512xf32, #tpu.memory_space<vmem>>, vector<16xf32>,
      %swap3A_374 = arith.constant 176 : index
      %swap3A_375 = tpu.vector_load %arg15[%swap3A_374] {strides = array<i32>} : memref<512xf32, #tpu.memory_space<vmem>>, vector<16xf32>,
      tpu.vector_store %arg15[%swap3A_374], %while3A_326#22 {strides = array<i32>} : memref<512xf32, #tpu.memory_space<vmem>>, vector<16xf32>,
      %swap3A_376 = arith.constant 432 : index
      %swap3A_377 = tpu.vector_load %arg15[%swap3A_376] {strides = array<i32>} : memref<512xf32, #tpu.memory_space<vmem>>, vector<16xf32>,
      tpu.vector_store %arg15[%swap3A_376], %while3A_326#23 {strides = array<i32>} : memref<512xf32, #tpu.memory_space<vmem>>, vector<16xf32>,
      %swap3A_378 = arith.constant 192 : index
      %swap3A_379 = tpu.vector_load %arg15[%swap3A_378] {strides = array<i32>} : memref<512xf32, #tpu.memory_space<vmem>>, vector<16xf32>,
      tpu.vector_store %arg15[%swap3A_378], %while3A_326#24 {strides = array<i32>} : memref<512xf32, #tpu.memory_space<vmem>>, vector<16xf32>,
      %swap3A_380 = arith.constant 448 : index
      %swap3A_381 = tpu.vector_load %arg15[%swap3A_380] {strides = array<i32>} : memref<512xf32, #tpu.memory_space<vmem>>, vector<16xf32>,
      tpu.vector_store %arg15[%swap3A_380], %while3A_326#25 {strides = array<i32>} : memref<512xf32, #tpu.memory_space<vmem>>, vector<16xf32>,
      %swap3A_382 = arith.constant 208 : index
      %swap3A_383 = tpu.vector_load %arg15[%swap3A_382] {strides = array<i32>} : memref<512xf32, #tpu.memory_space<vmem>>, vector<16xf32>,
      tpu.vector_store %arg15[%swap3A_382], %while3A_326#26 {strides = array<i32>} : memref<512xf32, #tpu.memory_space<vmem>>, vector<16xf32>,
      %swap3A_384 = arith.constant 464 : index
      %swap3A_385 = tpu.vector_load %arg15[%swap3A_384] {strides = array<i32>} : memref<512xf32, #tpu.memory_space<vmem>>, vector<16xf32>,
      tpu.vector_store %arg15[%swap3A_384], %while3A_326#27 {strides = array<i32>} : memref<512xf32, #tpu.memory_space<vmem>>, vector<16xf32>,
      %swap3A_386 = arith.constant 224 : index
      %swap3A_387 = tpu.vector_load %arg15[%swap3A_386] {strides = array<i32>} : memref<512xf32, #tpu.memory_space<vmem>>, vector<16xf32>,
      tpu.vector_store %arg15[%swap3A_386], %while3A_326#28 {strides = array<i32>} : memref<512xf32, #tpu.memory_space<vmem>>, vector<16xf32>,
      %swap3A_388 = arith.constant 480 : index
      %swap3A_389 = tpu.vector_load %arg15[%swap3A_388] {strides = array<i32>} : memref<512xf32, #tpu.memory_space<vmem>>, vector<16xf32>,
      tpu.vector_store %arg15[%swap3A_388], %while3A_326#29 {strides = array<i32>} : memref<512xf32, #tpu.memory_space<vmem>>, vector<16xf32>,
      %swap3A_390 = arith.constant 240 : index
      %swap3A_391 = tpu.vector_load %arg15[%swap3A_390] {strides = array<i32>} : memref<512xf32, #tpu.memory_space<vmem>>, vector<16xf32>,
      tpu.vector_store %arg15[%swap3A_390], %while3A_326#30 {strides = array<i32>} : memref<512xf32, #tpu.memory_space<vmem>>, vector<16xf32>,
      %swap3A_392 = arith.constant 496 : index
      %swap3A_393 = tpu.vector_load %arg15[%swap3A_392] {strides = array<i32>} : memref<512xf32, #tpu.memory_space<vmem>>, vector<16xf32>,
      tpu.vector_store %arg15[%swap3A_392], %while3A_326#31 {strides = array<i32>} : memref<512xf32, #tpu.memory_space<vmem>>, vector<16xf32>,
      %add3A_394 = arith.addi %mul3A_2, %add3A_221 : i32
      %dma_start3A = arith.constant 0 : i32
      %dma_start3A_395 = tpu.memref_slice %arg6[%add3A_394, %dma_start3A] : memref<4096x512xf32, #tpu.memory_space<hbm>> -> memref<1x512xf32, #tpu.memory_space<hbm>>
      %dma_start3A_396 = tpu.memref_squeeze %dma_start3A_395 : memref<1x512xf32, #tpu.memory_space<hbm>> -> memref<512xf32, #tpu.memory_space<hbm>>
      %dma_start3A_397 = arith.constant 0 : i32
      %dma_start3A_398 = tpu.memref_slice %arg6[%add3A_394, %dma_start3A_397] : memref<4096x512xf32, #tpu.memory_space<hbm>> -> memref<1x512xf32, #tpu.memory_space<hbm>>
      %dma_start3A_399 = tpu.memref_squeeze %dma_start3A_398 : memref<1x512xf32, #tpu.memory_space<hbm>> -> memref<512xf32, #tpu.memory_space<hbm>>
      tpu.enqueue_dma source(%arg15 : memref<512xf32, #tpu.memory_space<vmem>>) target(%dma_start3A_399 : memref<512xf32, #tpu.memory_space<hbm>>) target_semaphore(%arg23 : memref<!tpu.dma_semaphore, #tpu.memory_space<semaphore_mem>>)
      %add3A_400 = arith.constant 1 : i32
      %add3A_401 = arith.addi %scan3A_217, %add3A_400 : i32
      %lt3A_402 = arith.constant 32 : i32
      %lt3A_403 = arith.cmpi slt, %add3A_401, %lt3A_402 : i32
      %convert_element_type3A_404 = arith.extui %lt3A_403 : i1 to i32
      %cond3A_405 = arith.constant 0 : i32
      %cond3A_406 = arith.cmpi ne, %convert_element_type3A_404, %cond3A_405 : i32
      scf.if %cond3A_406 {
        %add3A_1007 = arith.constant 4 : i32
        %add3A_1008 = arith.addi %add3A_221, %add3A_1007 : i32
        %get3A_1009 = arith.index_cast %add3A_1008 : i32 to index
        %get3A_1010 = tpu.vector_load %arg9[%get3A_1009] {strides = array<i32>} : memref<144xi32, #tpu.memory_space<vmem>>, vector<16xi32>,
        %slice3A_1011 = vector.extract_strided_slice %get3A_1010 {offsets = [0], sizes = [1], strides = [1]} : vector<16xi32> to vector<1xi32>
        %squeeze3A_1012 = vector.extract %slice3A_1011[0] : i32 from vector<1xi32>
        %add3A_1013 = arith.constant 7 : i32
        %add3A_1014 = arith.addi %squeeze3A_1012, %add3A_1013 : i32
        %jit3A_1015 = arith.constant 8 : i32
        %div3A_1016 = arith.divsi %add3A_1014, %jit3A_1015 : i32
        %sign3A_1017 = arith.constant 0 : i32
        %sign3A_1018 = arith.cmpi sgt, %add3A_1014, %sign3A_1017 : i32
        %sign3A_1019 = arith.extui %sign3A_1018 : i1 to i32
        %sign3A_1020 = arith.constant 0 : i32
        %sign3A_1021 = arith.cmpi slt, %add3A_1014, %sign3A_1020 : i32
        %sign3A_1022 = arith.extui %sign3A_1021 : i1 to i32
        %sign3A_1023 = arith.subi %sign3A_1019, %sign3A_1022 : i32
        %sign3A_1024 = arith.constant 0 : i32
        %sign3A_1025 = arith.cmpi sgt, %jit3A_1015, %sign3A_1024 : i32
        %sign3A_1026 = arith.extui %sign3A_1025 : i1 to i32
        %sign3A_1027 = arith.constant 0 : i32
        %sign3A_1028 = arith.cmpi slt, %jit3A_1015, %sign3A_1027 : i32
        %sign3A_1029 = arith.extui %sign3A_1028 : i1 to i32
        %sign3A_1030 = arith.subi %sign3A_1026, %sign3A_1029 : i32
        %ne3A_1031 = arith.cmpi ne, %sign3A_1023, %sign3A_1030 : i32
        %rem3A_1032 = arith.remsi %add3A_1014, %jit3A_1015 : i32
        %ne3A_1033 = arith.constant 0 : i32
        %ne3A_1034 = arith.cmpi ne, %rem3A_1032, %ne3A_1033 : i32
        %and3A_1035 = arith.andi %ne3A_1031, %ne3A_1034 : i1
        %sub3A_1036 = arith.constant 1 : i32
        %sub3A_1037 = arith.subi %div3A_1016, %sub3A_1036 : i32
        %select_n3A_1038 = arith.select %and3A_1035, %sub3A_1037, %div3A_1016 : i32
        %eq3A_1039 = arith.constant 1 : i32
        %eq3A_1040 = arith.cmpi eq, %select_n3A_1038, %eq3A_1039 : i32
        %convert_element_type3A_1041 = arith.extui %eq3A_1040 : i1 to i32
        %cond3A_1042 = arith.constant 0 : i32
        %cond3A_1043 = arith.cmpi ne, %convert_element_type3A_1041, %cond3A_1042 : i32
        scf.if %cond3A_1043 {
          %dma_start3A_1059 = arith.constant 0 : i32
          %dma_start3A_1060 = arith.constant 0 : i32
          %dma_start3A_1061 = tpu.memref_slice %arg10[%dma_start3A_1059, %dma_start3A_1060] : memref<32x256xi32, #tpu.memory_space<vmem>> -> memref<8x256xi32, #tpu.memory_space<vmem>>
          %dma_start3A_1062 = arith.constant 0 : i32
          %dma_start3A_1063 = tpu.memref_slice %arg8[%add3A_1008, %dma_start3A_1062] : memref<128x32xi32, #tpu.memory_space<vmem>> -> memref<1x8xi32, #tpu.memory_space<vmem>>
          %dma_start3A_1064 = tpu.memref_squeeze %dma_start3A_1063 : memref<1x8xi32, #tpu.memory_space<vmem>> -> memref<8xi32, #tpu.memory_space<vmem>>
          %dma_start3A_1065 = arith.constant 0 : i32
          %dma_start3A_1066 = arith.constant 0 : i32
          %dma_start3A_1067 = tpu.memref_slice %arg5[%dma_start3A_1065, %dma_start3A_1066] : memref<16384x256xi32, #tpu.memory_space<hbm>> -> memref<16384x256xi32, #tpu.memory_space<hbm>>
          tpu.enqueue_indirect_dma source(%dma_start3A_1067 : memref<16384x256xi32, #tpu.memory_space<hbm>>) target(%dma_start3A_1061 : memref<8x256xi32, #tpu.memory_space<vmem>>) offsets(%dma_start3A_1064 : memref<8xi32, #tpu.memory_space<vmem>>) semaphore(%arg19 : memref<!tpu.dma_semaphore, #tpu.memory_space<semaphore_mem>>)
        } else {
        }
        %eq3A_1044 = arith.constant 2 : i32
        %eq3A_1045 = arith.cmpi eq, %select_n3A_1038, %eq3A_1044 : i32
        %convert_element_type3A_1046 = arith.extui %eq3A_1045 : i1 to i32
        %cond3A_1047 = arith.constant 0 : i32
        %cond3A_1048 = arith.cmpi ne, %convert_element_type3A_1046, %cond3A_1047 : i32
        scf.if %cond3A_1048 {
          %dma_start3A_1059 = arith.constant 0 : i32
          %dma_start3A_1060 = arith.constant 0 : i32
          %dma_start3A_1061 = tpu.memref_slice %arg10[%dma_start3A_1059, %dma_start3A_1060] : memref<32x256xi32, #tpu.memory_space<vmem>> -> memref<16x256xi32, #tpu.memory_space<vmem>>
          %dma_start3A_1062 = arith.constant 0 : i32
          %dma_start3A_1063 = tpu.memref_slice %arg8[%add3A_1008, %dma_start3A_1062] : memref<128x32xi32, #tpu.memory_space<vmem>> -> memref<1x16xi32, #tpu.memory_space<vmem>>
          %dma_start3A_1064 = tpu.memref_squeeze %dma_start3A_1063 : memref<1x16xi32, #tpu.memory_space<vmem>> -> memref<16xi32, #tpu.memory_space<vmem>>
          %dma_start3A_1065 = arith.constant 0 : i32
          %dma_start3A_1066 = arith.constant 0 : i32
          %dma_start3A_1067 = tpu.memref_slice %arg5[%dma_start3A_1065, %dma_start3A_1066] : memref<16384x256xi32, #tpu.memory_space<hbm>> -> memref<16384x256xi32, #tpu.memory_space<hbm>>
          tpu.enqueue_indirect_dma source(%dma_start3A_1067 : memref<16384x256xi32, #tpu.memory_space<hbm>>) target(%dma_start3A_1061 : memref<16x256xi32, #tpu.memory_space<vmem>>) offsets(%dma_start3A_1064 : memref<16xi32, #tpu.memory_space<vmem>>) semaphore(%arg19 : memref<!tpu.dma_semaphore, #tpu.memory_space<semaphore_mem>>)
        } else {
        }
        %eq3A_1049 = arith.constant 3 : i32
        %eq3A_1050 = arith.cmpi eq, %select_n3A_1038, %eq3A_1049 : i32
        %convert_element_type3A_1051 = arith.extui %eq3A_1050 : i1 to i32
        %cond3A_1052 = arith.constant 0 : i32
        %cond3A_1053 = arith.cmpi ne, %convert_element_type3A_1051, %cond3A_1052 : i32
        scf.if %cond3A_1053 {
          %dma_start3A_1059 = arith.constant 0 : i32
          %dma_start3A_1060 = arith.constant 0 : i32
          %dma_start3A_1061 = tpu.memref_slice %arg10[%dma_start3A_1059, %dma_start3A_1060] : memref<32x256xi32, #tpu.memory_space<vmem>> -> memref<24x256xi32, #tpu.memory_space<vmem>>
          %dma_start3A_1062 = arith.constant 0 : i32
          %dma_start3A_1063 = tpu.memref_slice %arg8[%add3A_1008, %dma_start3A_1062] : memref<128x32xi32, #tpu.memory_space<vmem>> -> memref<1x24xi32, #tpu.memory_space<vmem>>
          %dma_start3A_1064 = tpu.memref_squeeze %dma_start3A_1063 : memref<1x24xi32, #tpu.memory_space<vmem>> -> memref<24xi32, #tpu.memory_space<vmem>>
          %dma_start3A_1065 = arith.constant 0 : i32
          %dma_start3A_1066 = arith.constant 0 : i32
          %dma_start3A_1067 = tpu.memref_slice %arg5[%dma_start3A_1065, %dma_start3A_1066] : memref<16384x256xi32, #tpu.memory_space<hbm>> -> memref<16384x256xi32, #tpu.memory_space<hbm>>
          tpu.enqueue_indirect_dma source(%dma_start3A_1067 : memref<16384x256xi32, #tpu.memory_space<hbm>>) target(%dma_start3A_1061 : memref<24x256xi32, #tpu.memory_space<vmem>>) offsets(%dma_start3A_1064 : memref<24xi32, #tpu.memory_space<vmem>>) semaphore(%arg19 : memref<!tpu.dma_semaphore, #tpu.memory_space<semaphore_mem>>)
        } else {
        }
        %eq3A_1054 = arith.constant 4 : i32
        %eq3A_1055 = arith.cmpi eq, %select_n3A_1038, %eq3A_1054 : i32
        %convert_element_type3A_1056 = arith.extui %eq3A_1055 : i1 to i32
        %cond3A_1057 = arith.constant 0 : i32
        %cond3A_1058 = arith.cmpi ne, %convert_element_type3A_1056, %cond3A_1057 : i32
        scf.if %cond3A_1058 {
          %dma_start3A_1059 = arith.constant 0 : i32
          %dma_start3A_1060 = arith.constant 0 : i32
          %dma_start3A_1061 = tpu.memref_slice %arg10[%dma_start3A_1059, %dma_start3A_1060] : memref<32x256xi32, #tpu.memory_space<vmem>> -> memref<32x256xi32, #tpu.memory_space<vmem>>
          %dma_start3A_1062 = arith.constant 0 : i32
          %dma_start3A_1063 = tpu.memref_slice %arg8[%add3A_1008, %dma_start3A_1062] : memref<128x32xi32, #tpu.memory_space<vmem>> -> memref<1x32xi32, #tpu.memory_space<vmem>>
          %dma_start3A_1064 = tpu.memref_squeeze %dma_start3A_1063 : memref<1x32xi32, #tpu.memory_space<vmem>> -> memref<32xi32, #tpu.memory_space<vmem>>
          %dma_start3A_1065 = arith.constant 0 : i32
          %dma_start3A_1066 = arith.constant 0 : i32
          %dma_start3A_1067 = tpu.memref_slice %arg5[%dma_start3A_1065, %dma_start3A_1066] : memref<16384x256xi32, #tpu.memory_space<hbm>> -> memref<16384x256xi32, #tpu.memory_space<hbm>>
          tpu.enqueue_indirect_dma source(%dma_start3A_1067 : memref<16384x256xi32, #tpu.memory_space<hbm>>) target(%dma_start3A_1061 : memref<32x256xi32, #tpu.memory_space<vmem>>) offsets(%dma_start3A_1064 : memref<32xi32, #tpu.memory_space<vmem>>) semaphore(%arg19 : memref<!tpu.dma_semaphore, #tpu.memory_space<semaphore_mem>>)
        } else {
        }
      } else {
      }
      %mul3A_407 = arith.constant 4 : i32
      %mul3A_408 = arith.muli %mul3A_407, %scan3A_217 : i32
      %add3A_409 = arith.constant 1 : i32
      %add3A_410 = arith.addi %mul3A_408, %add3A_409 : i32
      %gt3A_411 = arith.constant 0 : i32
      %gt3A_412 = arith.cmpi sgt, %scan3A_217, %gt3A_411 : i32
      %get3A_413 = arith.index_cast %add3A_410 : i32 to index
      %get3A_414 = arith.constant 0 : index
      %get3A_415 = tpu.vector_load %arg8[%get3A_413, %get3A_414] {strides = array<i32>} : memref<128x32xi32, #tpu.memory_space<vmem>>, vector<16xi32>,
      %get3A_416 = arith.index_cast %add3A_410 : i32 to index
      %get3A_417 = arith.constant 16 : index
      %get3A_418 = tpu.vector_load %arg8[%get3A_416, %get3A_417] {strides = array<i32>} : memref<128x32xi32, #tpu.memory_space<vmem>>, vector<16xi32>,
      %gather3A_419 = tpu.vector_load_idx %arg7[%get3A_415] : memref<16384xf32, #tpu.memory_space<vmem>>[vector<16xi32>], vector<16xf32>,
      %gather3A_420 = tpu.vector_load_idx %arg7[%get3A_418] : memref<16384xf32, #tpu.memory_space<vmem>>[vector<16xi32>], vector<16xf32>,
      %get3A_421 = arith.index_cast %add3A_410 : i32 to index
      %get3A_422 = tpu.vector_load %arg9[%get3A_421] {strides = array<i32>} : memref<144xi32, #tpu.memory_space<vmem>>, vector<16xi32>,
      %slice3A_423 = vector.extract_strided_slice %get3A_422 {offsets = [0], sizes = [1], strides = [1]} : vector<16xi32> to vector<1xi32>
      %squeeze3A_424 = vector.extract %slice3A_423[0] : i32 from vector<1xi32>
      %broadcast_in_dim3A_425 = vector.broadcast %squeeze3A_424 : i32 to vector<16xi32>
      %lt3A_426 = arith.cmpi slt, %iota3A, %broadcast_in_dim3A_425 : vector<16xi32>
      %add3A_427 = arith.constant 16 : i32
      %add3A_428 = vector.broadcast %add3A_427 : i32 to vector<16xi32>
      %add3A_429 = arith.addi %iota3A, %add3A_428 : vector<16xi32>
      %lt3A_430 = arith.cmpi slt, %add3A_429, %broadcast_in_dim3A_425 : vector<16xi32>
      %sub3A_431 = arith.constant 9.99999968E+37 : f32
      %sub3A_432 = vector.broadcast %sub3A_431 : f32 to vector<16xf32>
      %sub3A_433 = arith.subf %gather3A_419, %sub3A_432 : vector<16xf32>
      %select_n3A_434 = arith.select %lt3A_426, %gather3A_419, %sub3A_433 : vector<16xi1>, vector<16xf32>
      %sub3A_435 = arith.constant 9.99999968E+37 : f32
      %sub3A_436 = vector.broadcast %sub3A_435 : f32 to vector<16xf32>
      %sub3A_437 = arith.subf %gather3A_420, %sub3A_436 : vector<16xf32>
      %select_n3A_438 = arith.select %lt3A_430, %gather3A_420, %sub3A_437 : vector<16xi1>, vector<16xf32>
      %max3A_439 = arith.maximumf %select_n3A_434, %select_n3A_438 : vector<16xf32>
      %reduce_max3A_440 = arith.constant true
      %reduce_max3A_441 = vector.broadcast %reduce_max3A_440 : i1 to vector<16xi1>
      %reduce_max3A_442 = tpu.scan <max>, %max3A_439 masked %reduce_max3A_441 : vector<16xf32>, vector<16xi1> -> vector<16xf32>
      %reduce_max3A_443 = vector.extract %reduce_max3A_442[15] : f32 from vector<16xf32>
      %sub3A_444 = vector.broadcast %reduce_max3A_443 : f32 to vector<16xf32>
      %sub3A_445 = arith.subf %select_n3A_434, %sub3A_444 : vector<16xf32>
      %exp3A_446 = math.exp %sub3A_445 : vector<16xf32>
      %sub3A_447 = vector.broadcast %reduce_max3A_443 : f32 to vector<16xf32>
      %sub3A_448 = arith.subf %select_n3A_438, %sub3A_447 : vector<16xf32>
      %exp3A_449 = math.exp %sub3A_448 : vector<16xf32>
      %add3A_450 = arith.addf %exp3A_446, %exp3A_449 : vector<16xf32>
      %reduce_sum3A_451 = arith.constant true
      %reduce_sum3A_452 = vector.broadcast %reduce_sum3A_451 : i1 to vector<16xi1>
      %reduce_sum3A_453 = tpu.scan <sum>, %add3A_450 masked %reduce_sum3A_452 : vector<16xf32>, vector<16xi1> -> vector<16xf32>
      %reduce_sum3A_454 = vector.extract %reduce_sum3A_453[15] : f32 from vector<16xf32>
      %div3A_455 = vector.broadcast %reduce_sum3A_454 : f32 to vector<16xf32>
      %div3A_456 = arith.divf %exp3A_446, %div3A_455 : vector<16xf32>
      %swap3A_457 = arith.constant 0 : index
      %swap3A_458 = tpu.vector_load %arg14[%swap3A_457] {strides = array<i32>} : memref<48xf32, #tpu.memory_space<vmem>>, vector<16xf32>,
      tpu.vector_store %arg14[%swap3A_457], %div3A_456 {strides = array<i32>} : memref<48xf32, #tpu.memory_space<vmem>>, vector<16xf32>,
      %div3A_459 = vector.broadcast %reduce_sum3A_454 : f32 to vector<16xf32>
      %div3A_460 = arith.divf %exp3A_449, %div3A_459 : vector<16xf32>
      %swap3A_461 = arith.constant 16 : index
      %swap3A_462 = tpu.vector_load %arg14[%swap3A_461] {strides = array<i32>} : memref<48xf32, #tpu.memory_space<vmem>>, vector<16xf32>,
      tpu.vector_store %arg14[%swap3A_461], %div3A_460 {strides = array<i32>} : memref<48xf32, #tpu.memory_space<vmem>>, vector<16xf32>,
      %get3A_463 = arith.index_cast %add3A_410 : i32 to index
      %get3A_464 = tpu.vector_load %arg9[%get3A_463] {strides = array<i32>} : memref<144xi32, #tpu.memory_space<vmem>>, vector<16xi32>,
      %slice3A_465 = vector.extract_strided_slice %get3A_464 {offsets = [0], sizes = [1], strides = [1]} : vector<16xi32> to vector<1xi32>
      %squeeze3A_466 = vector.extract %slice3A_465[0] : i32 from vector<1xi32>
      %add3A_467 = arith.constant 7 : i32
      %add3A_468 = arith.addi %squeeze3A_466, %add3A_467 : i32
      %jit3A_469 = arith.constant 8 : i32
      %div3A_470 = arith.divsi %add3A_468, %jit3A_469 : i32
      %sign3A_471 = arith.constant 0 : i32
      %sign3A_472 = arith.cmpi sgt, %add3A_468, %sign3A_471 : i32
      %sign3A_473 = arith.extui %sign3A_472 : i1 to i32
      %sign3A_474 = arith.constant 0 : i32
      %sign3A_475 = arith.cmpi slt, %add3A_468, %sign3A_474 : i32
      %sign3A_476 = arith.extui %sign3A_475 : i1 to i32
      %sign3A_477 = arith.subi %sign3A_473, %sign3A_476 : i32
      %sign3A_478 = arith.constant 0 : i32
      %sign3A_479 = arith.cmpi sgt, %jit3A_469, %sign3A_478 : i32
      %sign3A_480 = arith.extui %sign3A_479 : i1 to i32
      %sign3A_481 = arith.constant 0 : i32
      %sign3A_482 = arith.cmpi slt, %jit3A_469, %sign3A_481 : i32
      %sign3A_483 = arith.extui %sign3A_482 : i1 to i32
      %sign3A_484 = arith.subi %sign3A_480, %sign3A_483 : i32
      %ne3A_485 = arith.cmpi ne, %sign3A_477, %sign3A_484 : i32
      %rem3A_486 = arith.remsi %add3A_468, %jit3A_469 : i32
      %ne3A_487 = arith.constant 0 : i32
      %ne3A_488 = arith.cmpi ne, %rem3A_486, %ne3A_487 : i32
      %and3A_489 = arith.andi %ne3A_485, %ne3A_488 : i1
      %sub3A_490 = arith.constant 1 : i32
      %sub3A_491 = arith.subi %div3A_470, %sub3A_490 : i32
      %select_n3A_492 = arith.select %and3A_489, %sub3A_491, %div3A_470 : i32
      %eq3A_493 = arith.constant 1 : i32
      %eq3A_494 = arith.cmpi eq, %select_n3A_492, %eq3A_493 : i32
      %convert_element_type3A_495 = arith.extui %eq3A_494 : i1 to i32
      %cond3A_496 = arith.constant 0 : i32
      %cond3A_497 = arith.cmpi ne, %convert_element_type3A_495, %cond3A_496 : i32
      scf.if %cond3A_497 {
        %dma_wait3A_1007 = arith.constant 0 : i32
        %dma_wait3A_1008 = arith.constant 0 : i32
        %dma_wait3A_1009 = tpu.memref_slice %arg11[%dma_wait3A_1007, %dma_wait3A_1008] : memref<32x256xi32, #tpu.memory_space<vmem>> -> memref<8x256xi32, #tpu.memory_space<vmem>>
        %dma_wait3A_1010 = arith.constant 0 : i32
        %dma_wait3A_1011 = tpu.memref_slice %arg8[%add3A_410, %dma_wait3A_1010] : memref<128x32xi32, #tpu.memory_space<vmem>> -> memref<1x8xi32, #tpu.memory_space<vmem>>
        %dma_wait3A_1012 = tpu.memref_squeeze %dma_wait3A_1011 : memref<1x8xi32, #tpu.memory_space<vmem>> -> memref<8xi32, #tpu.memory_space<vmem>>
        %dma_wait3A_1013 = arith.constant 0 : i32
        %dma_wait3A_1014 = arith.constant 0 : i32
        %dma_wait3A_1015 = tpu.memref_slice %arg5[%dma_wait3A_1013, %dma_wait3A_1014] : memref<16384x256xi32, #tpu.memory_space<hbm>> -> memref<16384x256xi32, #tpu.memory_space<hbm>>
        tpu.wait_indirect_dma semaphore(%arg20 : memref<!tpu.dma_semaphore, #tpu.memory_space<semaphore_mem>>) src(%dma_wait3A_1015 : memref<16384x256xi32, #tpu.memory_space<hbm>>) dst(%dma_wait3A_1009 : memref<8x256xi32, #tpu.memory_space<vmem>>)
      } else {
      }
      %eq3A_498 = arith.constant 2 : i32
      %eq3A_499 = arith.cmpi eq, %select_n3A_492, %eq3A_498 : i32
      %convert_element_type3A_500 = arith.extui %eq3A_499 : i1 to i32
      %cond3A_501 = arith.constant 0 : i32
      %cond3A_502 = arith.cmpi ne, %convert_element_type3A_500, %cond3A_501 : i32
      scf.if %cond3A_502 {
        %dma_wait3A_1007 = arith.constant 0 : i32
        %dma_wait3A_1008 = arith.constant 0 : i32
        %dma_wait3A_1009 = tpu.memref_slice %arg11[%dma_wait3A_1007, %dma_wait3A_1008] : memref<32x256xi32, #tpu.memory_space<vmem>> -> memref<16x256xi32, #tpu.memory_space<vmem>>
        %dma_wait3A_1010 = arith.constant 0 : i32
        %dma_wait3A_1011 = tpu.memref_slice %arg8[%add3A_410, %dma_wait3A_1010] : memref<128x32xi32, #tpu.memory_space<vmem>> -> memref<1x16xi32, #tpu.memory_space<vmem>>
        %dma_wait3A_1012 = tpu.memref_squeeze %dma_wait3A_1011 : memref<1x16xi32, #tpu.memory_space<vmem>> -> memref<16xi32, #tpu.memory_space<vmem>>
        %dma_wait3A_1013 = arith.constant 0 : i32
        %dma_wait3A_1014 = arith.constant 0 : i32
        %dma_wait3A_1015 = tpu.memref_slice %arg5[%dma_wait3A_1013, %dma_wait3A_1014] : memref<16384x256xi32, #tpu.memory_space<hbm>> -> memref<16384x256xi32, #tpu.memory_space<hbm>>
        tpu.wait_indirect_dma semaphore(%arg20 : memref<!tpu.dma_semaphore, #tpu.memory_space<semaphore_mem>>) src(%dma_wait3A_1015 : memref<16384x256xi32, #tpu.memory_space<hbm>>) dst(%dma_wait3A_1009 : memref<16x256xi32, #tpu.memory_space<vmem>>)
      } else {
      }
      %eq3A_503 = arith.constant 3 : i32
      %eq3A_504 = arith.cmpi eq, %select_n3A_492, %eq3A_503 : i32
      %convert_element_type3A_505 = arith.extui %eq3A_504 : i1 to i32
      %cond3A_506 = arith.constant 0 : i32
      %cond3A_507 = arith.cmpi ne, %convert_element_type3A_505, %cond3A_506 : i32
      scf.if %cond3A_507 {
        %dma_wait3A_1007 = arith.constant 0 : i32
        %dma_wait3A_1008 = arith.constant 0 : i32
        %dma_wait3A_1009 = tpu.memref_slice %arg11[%dma_wait3A_1007, %dma_wait3A_1008] : memref<32x256xi32, #tpu.memory_space<vmem>> -> memref<24x256xi32, #tpu.memory_space<vmem>>
        %dma_wait3A_1010 = arith.constant 0 : i32
        %dma_wait3A_1011 = tpu.memref_slice %arg8[%add3A_410, %dma_wait3A_1010] : memref<128x32xi32, #tpu.memory_space<vmem>> -> memref<1x24xi32, #tpu.memory_space<vmem>>
        %dma_wait3A_1012 = tpu.memref_squeeze %dma_wait3A_1011 : memref<1x24xi32, #tpu.memory_space<vmem>> -> memref<24xi32, #tpu.memory_space<vmem>>
        %dma_wait3A_1013 = arith.constant 0 : i32
        %dma_wait3A_1014 = arith.constant 0 : i32
        %dma_wait3A_1015 = tpu.memref_slice %arg5[%dma_wait3A_1013, %dma_wait3A_1014] : memref<16384x256xi32, #tpu.memory_space<hbm>> -> memref<16384x256xi32, #tpu.memory_space<hbm>>
        tpu.wait_indirect_dma semaphore(%arg20 : memref<!tpu.dma_semaphore, #tpu.memory_space<semaphore_mem>>) src(%dma_wait3A_1015 : memref<16384x256xi32, #tpu.memory_space<hbm>>) dst(%dma_wait3A_1009 : memref<24x256xi32, #tpu.memory_space<vmem>>)
      } else {
      }
      %eq3A_508 = arith.constant 4 : i32
      %eq3A_509 = arith.cmpi eq, %select_n3A_492, %eq3A_508 : i32
      %convert_element_type3A_510 = arith.extui %eq3A_509 : i1 to i32
      %cond3A_511 = arith.constant 0 : i32
      %cond3A_512 = arith.cmpi ne, %convert_element_type3A_510, %cond3A_511 : i32
      scf.if %cond3A_512 {
        %dma_wait3A_1007 = arith.constant 0 : i32
        %dma_wait3A_1008 = arith.constant 0 : i32
        %dma_wait3A_1009 = tpu.memref_slice %arg11[%dma_wait3A_1007, %dma_wait3A_1008] : memref<32x256xi32, #tpu.memory_space<vmem>> -> memref<32x256xi32, #tpu.memory_space<vmem>>
        %dma_wait3A_1010 = arith.constant 0 : i32
        %dma_wait3A_1011 = tpu.memref_slice %arg8[%add3A_410, %dma_wait3A_1010] : memref<128x32xi32, #tpu.memory_space<vmem>> -> memref<1x32xi32, #tpu.memory_space<vmem>>
        %dma_wait3A_1012 = tpu.memref_squeeze %dma_wait3A_1011 : memref<1x32xi32, #tpu.memory_space<vmem>> -> memref<32xi32, #tpu.memory_space<vmem>>
        %dma_wait3A_1013 = arith.constant 0 : i32
        %dma_wait3A_1014 = arith.constant 0 : i32
        %dma_wait3A_1015 = tpu.memref_slice %arg5[%dma_wait3A_1013, %dma_wait3A_1014] : memref<16384x256xi32, #tpu.memory_space<hbm>> -> memref<16384x256xi32, #tpu.memory_space<hbm>>
        tpu.wait_indirect_dma semaphore(%arg20 : memref<!tpu.dma_semaphore, #tpu.memory_space<semaphore_mem>>) src(%dma_wait3A_1015 : memref<16384x256xi32, #tpu.memory_space<hbm>>) dst(%dma_wait3A_1009 : memref<32x256xi32, #tpu.memory_space<vmem>>)
      } else {
      }
      %broadcast_in_dim3A_513 = arith.constant 0.000000e+00 : f32
      %broadcast_in_dim3A_514 = vector.broadcast %broadcast_in_dim3A_513 : f32 to vector<16xf32>
      %while3A_515 = arith.constant 0 : i32
      %while3A_516 = arith.subi %squeeze3A_424, %while3A_515 : i32
      %while3A_517 = arith.addi %while3A_515, %while3A_516 : i32
      %while3A_518 = arith.constant 1 : i32
      %while3A_519 = arith.divsi %while3A_516, %while3A_518 : i32
      %while3A_520 = arith.muli %while3A_519, %while3A_518 : i32
      %while3A_521 = arith.addi %while3A_515, %while3A_520 : i32
      %while3A_522 = arith.constant 1 : i32
      %while3A_523:32 = scf.for %while3A_1007 = %while3A_515 to %while3A_521 step %while3A_522 iter_args(%while3A_1008 = %broadcast_in_dim3A_514, %while3A_1009 = %broadcast_in_dim3A_514, %while3A_1010 = %broadcast_in_dim3A_514, %while3A_1011 = %broadcast_in_dim3A_514, %while3A_1012 = %broadcast_in_dim3A_514, %while3A_1013 = %broadcast_in_dim3A_514, %while3A_1014 = %broadcast_in_dim3A_514, %while3A_1015 = %broadcast_in_dim3A_514, %while3A_1016 = %broadcast_in_dim3A_514, %while3A_1017 = %broadcast_in_dim3A_514, %while3A_1018 = %broadcast_in_dim3A_514, %while3A_1019 = %broadcast_in_dim3A_514, %while3A_1020 = %broadcast_in_dim3A_514, %while3A_1021 = %broadcast_in_dim3A_514, %while3A_1022 = %broadcast_in_dim3A_514, %while3A_1023 = %broadcast_in_dim3A_514, %while3A_1024 = %broadcast_in_dim3A_514, %while3A_1025 = %broadcast_in_dim3A_514, %while3A_1026 = %broadcast_in_dim3A_514, %while3A_1027 = %broadcast_in_dim3A_514, %while3A_1028 = %broadcast_in_dim3A_514, %while3A_1029 = %broadcast_in_dim3A_514, %while3A_1030 = %broadcast_in_dim3A_514, %while3A_1031 = %broadcast_in_dim3A_514, %while3A_1032 = %broadcast_in_dim3A_514, %while3A_1033 = %broadcast_in_dim3A_514, %while3A_1034 = %broadcast_in_dim3A_514, %while3A_1035 = %broadcast_in_dim3A_514, %while3A_1036 = %broadcast_in_dim3A_514, %while3A_1037 = %broadcast_in_dim3A_514, %while3A_1038 = %broadcast_in_dim3A_514, %while3A_1039 = %broadcast_in_dim3A_514) -> (vector<16xf32>, vector<16xf32>, vector<16xf32>, vector<16xf32>, vector<16xf32>, vector<16xf32>, vector<16xf32>, vector<16xf32>, vector<16xf32>, vector<16xf32>, vector<16xf32>, vector<16xf32>, vector<16xf32>, vector<16xf32>, vector<16xf32>, vector<16xf32>, vector<16xf32>, vector<16xf32>, vector<16xf32>, vector<16xf32>, vector<16xf32>, vector<16xf32>, vector<16xf32>, vector<16xf32>, vector<16xf32>, vector<16xf32>, vector<16xf32>, vector<16xf32>, vector<16xf32>, vector<16xf32>, vector<16xf32>, vector<16xf32>)  : i32 {
        %get3A_1040 = arith.index_cast %while3A_1007 : i32 to index
        %get3A_1041 = tpu.vector_load %arg14[%get3A_1040] {strides = array<i32>} : memref<48xf32, #tpu.memory_space<vmem>>, vector<16xf32>,
        %slice3A_1042 = vector.extract_strided_slice %get3A_1041 {offsets = [0], sizes = [1], strides = [1]} : vector<16xf32> to vector<1xf32>
        %squeeze3A_1043 = vector.extract %slice3A_1042[0] : f32 from vector<1xf32>
        %broadcast_in_dim3A_1044 = vector.broadcast %squeeze3A_1043 : f32 to vector<16xf32>
        %get3A_1045 = arith.index_cast %while3A_1007 : i32 to index
        %get3A_1046 = arith.constant 0 : index
        %get3A_1047 = tpu.vector_load %arg11[%get3A_1045, %get3A_1046] {strides = array<i32>} : memref<32x256xi32, #tpu.memory_space<vmem>>, vector<16xi32>,
        %bitcast3A = vector.bitcast %get3A_1047 : vector<16xi32> to vector<32xbf16>
        %unpack3A = tpu.unpack_subelements %bitcast3A, 0 {pack_format = #tpu.pack_format<interleaved>} : vector<32xbf16> -> vector<16xf32>
        %unpack3A_1048 = tpu.unpack_subelements %bitcast3A, 1 {pack_format = #tpu.pack_format<interleaved>} : vector<32xbf16> -> vector<16xf32>
        %mul3A_1049 = arith.mulf %broadcast_in_dim3A_1044, %unpack3A : vector<16xf32>
        %add3A_1050 = arith.addf %while3A_1008, %mul3A_1049 : vector<16xf32>
        %mul3A_1051 = arith.mulf %broadcast_in_dim3A_1044, %unpack3A_1048 : vector<16xf32>
        %add3A_1052 = arith.addf %while3A_1009, %mul3A_1051 : vector<16xf32>
        %get3A_1053 = arith.index_cast %while3A_1007 : i32 to index
        %get3A_1054 = arith.constant 16 : index
        %get3A_1055 = tpu.vector_load %arg11[%get3A_1053, %get3A_1054] {strides = array<i32>} : memref<32x256xi32, #tpu.memory_space<vmem>>, vector<16xi32>,
        %bitcast3A_1056 = vector.bitcast %get3A_1055 : vector<16xi32> to vector<32xbf16>
        %unpack3A_1057 = tpu.unpack_subelements %bitcast3A_1056, 0 {pack_format = #tpu.pack_format<interleaved>} : vector<32xbf16> -> vector<16xf32>
        %unpack3A_1058 = tpu.unpack_subelements %bitcast3A_1056, 1 {pack_format = #tpu.pack_format<interleaved>} : vector<32xbf16> -> vector<16xf32>
        %mul3A_1059 = arith.mulf %broadcast_in_dim3A_1044, %unpack3A_1057 : vector<16xf32>
        %add3A_1060 = arith.addf %while3A_1010, %mul3A_1059 : vector<16xf32>
        %mul3A_1061 = arith.mulf %broadcast_in_dim3A_1044, %unpack3A_1058 : vector<16xf32>
        %add3A_1062 = arith.addf %while3A_1011, %mul3A_1061 : vector<16xf32>
        %get3A_1063 = arith.index_cast %while3A_1007 : i32 to index
        %get3A_1064 = arith.constant 32 : index
        %get3A_1065 = tpu.vector_load %arg11[%get3A_1063, %get3A_1064] {strides = array<i32>} : memref<32x256xi32, #tpu.memory_space<vmem>>, vector<16xi32>,
        %bitcast3A_1066 = vector.bitcast %get3A_1065 : vector<16xi32> to vector<32xbf16>
        %unpack3A_1067 = tpu.unpack_subelements %bitcast3A_1066, 0 {pack_format = #tpu.pack_format<interleaved>} : vector<32xbf16> -> vector<16xf32>
        %unpack3A_1068 = tpu.unpack_subelements %bitcast3A_1066, 1 {pack_format = #tpu.pack_format<interleaved>} : vector<32xbf16> -> vector<16xf32>
        %mul3A_1069 = arith.mulf %broadcast_in_dim3A_1044, %unpack3A_1067 : vector<16xf32>
        %add3A_1070 = arith.addf %while3A_1012, %mul3A_1069 : vector<16xf32>
        %mul3A_1071 = arith.mulf %broadcast_in_dim3A_1044, %unpack3A_1068 : vector<16xf32>
        %add3A_1072 = arith.addf %while3A_1013, %mul3A_1071 : vector<16xf32>
        %get3A_1073 = arith.index_cast %while3A_1007 : i32 to index
        %get3A_1074 = arith.constant 48 : index
        %get3A_1075 = tpu.vector_load %arg11[%get3A_1073, %get3A_1074] {strides = array<i32>} : memref<32x256xi32, #tpu.memory_space<vmem>>, vector<16xi32>,
        %bitcast3A_1076 = vector.bitcast %get3A_1075 : vector<16xi32> to vector<32xbf16>
        %unpack3A_1077 = tpu.unpack_subelements %bitcast3A_1076, 0 {pack_format = #tpu.pack_format<interleaved>} : vector<32xbf16> -> vector<16xf32>
        %unpack3A_1078 = tpu.unpack_subelements %bitcast3A_1076, 1 {pack_format = #tpu.pack_format<interleaved>} : vector<32xbf16> -> vector<16xf32>
        %mul3A_1079 = arith.mulf %broadcast_in_dim3A_1044, %unpack3A_1077 : vector<16xf32>
        %add3A_1080 = arith.addf %while3A_1014, %mul3A_1079 : vector<16xf32>
        %mul3A_1081 = arith.mulf %broadcast_in_dim3A_1044, %unpack3A_1078 : vector<16xf32>
        %add3A_1082 = arith.addf %while3A_1015, %mul3A_1081 : vector<16xf32>
        %get3A_1083 = arith.index_cast %while3A_1007 : i32 to index
        %get3A_1084 = arith.constant 64 : index
        %get3A_1085 = tpu.vector_load %arg11[%get3A_1083, %get3A_1084] {strides = array<i32>} : memref<32x256xi32, #tpu.memory_space<vmem>>, vector<16xi32>,
        %bitcast3A_1086 = vector.bitcast %get3A_1085 : vector<16xi32> to vector<32xbf16>
        %unpack3A_1087 = tpu.unpack_subelements %bitcast3A_1086, 0 {pack_format = #tpu.pack_format<interleaved>} : vector<32xbf16> -> vector<16xf32>
        %unpack3A_1088 = tpu.unpack_subelements %bitcast3A_1086, 1 {pack_format = #tpu.pack_format<interleaved>} : vector<32xbf16> -> vector<16xf32>
        %mul3A_1089 = arith.mulf %broadcast_in_dim3A_1044, %unpack3A_1087 : vector<16xf32>
        %add3A_1090 = arith.addf %while3A_1016, %mul3A_1089 : vector<16xf32>
        %mul3A_1091 = arith.mulf %broadcast_in_dim3A_1044, %unpack3A_1088 : vector<16xf32>
        %add3A_1092 = arith.addf %while3A_1017, %mul3A_1091 : vector<16xf32>
        %get3A_1093 = arith.index_cast %while3A_1007 : i32 to index
        %get3A_1094 = arith.constant 80 : index
        %get3A_1095 = tpu.vector_load %arg11[%get3A_1093, %get3A_1094] {strides = array<i32>} : memref<32x256xi32, #tpu.memory_space<vmem>>, vector<16xi32>,
        %bitcast3A_1096 = vector.bitcast %get3A_1095 : vector<16xi32> to vector<32xbf16>
        %unpack3A_1097 = tpu.unpack_subelements %bitcast3A_1096, 0 {pack_format = #tpu.pack_format<interleaved>} : vector<32xbf16> -> vector<16xf32>
        %unpack3A_1098 = tpu.unpack_subelements %bitcast3A_1096, 1 {pack_format = #tpu.pack_format<interleaved>} : vector<32xbf16> -> vector<16xf32>
        %mul3A_1099 = arith.mulf %broadcast_in_dim3A_1044, %unpack3A_1097 : vector<16xf32>
        %add3A_1100 = arith.addf %while3A_1018, %mul3A_1099 : vector<16xf32>
        %mul3A_1101 = arith.mulf %broadcast_in_dim3A_1044, %unpack3A_1098 : vector<16xf32>
        %add3A_1102 = arith.addf %while3A_1019, %mul3A_1101 : vector<16xf32>
        %get3A_1103 = arith.index_cast %while3A_1007 : i32 to index
        %get3A_1104 = arith.constant 96 : index
        %get3A_1105 = tpu.vector_load %arg11[%get3A_1103, %get3A_1104] {strides = array<i32>} : memref<32x256xi32, #tpu.memory_space<vmem>>, vector<16xi32>,
        %bitcast3A_1106 = vector.bitcast %get3A_1105 : vector<16xi32> to vector<32xbf16>
        %unpack3A_1107 = tpu.unpack_subelements %bitcast3A_1106, 0 {pack_format = #tpu.pack_format<interleaved>} : vector<32xbf16> -> vector<16xf32>
        %unpack3A_1108 = tpu.unpack_subelements %bitcast3A_1106, 1 {pack_format = #tpu.pack_format<interleaved>} : vector<32xbf16> -> vector<16xf32>
        %mul3A_1109 = arith.mulf %broadcast_in_dim3A_1044, %unpack3A_1107 : vector<16xf32>
        %add3A_1110 = arith.addf %while3A_1020, %mul3A_1109 : vector<16xf32>
        %mul3A_1111 = arith.mulf %broadcast_in_dim3A_1044, %unpack3A_1108 : vector<16xf32>
        %add3A_1112 = arith.addf %while3A_1021, %mul3A_1111 : vector<16xf32>
        %get3A_1113 = arith.index_cast %while3A_1007 : i32 to index
        %get3A_1114 = arith.constant 112 : index
        %get3A_1115 = tpu.vector_load %arg11[%get3A_1113, %get3A_1114] {strides = array<i32>} : memref<32x256xi32, #tpu.memory_space<vmem>>, vector<16xi32>,
        %bitcast3A_1116 = vector.bitcast %get3A_1115 : vector<16xi32> to vector<32xbf16>
        %unpack3A_1117 = tpu.unpack_subelements %bitcast3A_1116, 0 {pack_format = #tpu.pack_format<interleaved>} : vector<32xbf16> -> vector<16xf32>
        %unpack3A_1118 = tpu.unpack_subelements %bitcast3A_1116, 1 {pack_format = #tpu.pack_format<interleaved>} : vector<32xbf16> -> vector<16xf32>
        %mul3A_1119 = arith.mulf %broadcast_in_dim3A_1044, %unpack3A_1117 : vector<16xf32>
        %add3A_1120 = arith.addf %while3A_1022, %mul3A_1119 : vector<16xf32>
        %mul3A_1121 = arith.mulf %broadcast_in_dim3A_1044, %unpack3A_1118 : vector<16xf32>
        %add3A_1122 = arith.addf %while3A_1023, %mul3A_1121 : vector<16xf32>
        %get3A_1123 = arith.index_cast %while3A_1007 : i32 to index
        %get3A_1124 = arith.constant 128 : index
        %get3A_1125 = tpu.vector_load %arg11[%get3A_1123, %get3A_1124] {strides = array<i32>} : memref<32x256xi32, #tpu.memory_space<vmem>>, vector<16xi32>,
        %bitcast3A_1126 = vector.bitcast %get3A_1125 : vector<16xi32> to vector<32xbf16>
        %unpack3A_1127 = tpu.unpack_subelements %bitcast3A_1126, 0 {pack_format = #tpu.pack_format<interleaved>} : vector<32xbf16> -> vector<16xf32>
        %unpack3A_1128 = tpu.unpack_subelements %bitcast3A_1126, 1 {pack_format = #tpu.pack_format<interleaved>} : vector<32xbf16> -> vector<16xf32>
        %mul3A_1129 = arith.mulf %broadcast_in_dim3A_1044, %unpack3A_1127 : vector<16xf32>
        %add3A_1130 = arith.addf %while3A_1024, %mul3A_1129 : vector<16xf32>
        %mul3A_1131 = arith.mulf %broadcast_in_dim3A_1044, %unpack3A_1128 : vector<16xf32>
        %add3A_1132 = arith.addf %while3A_1025, %mul3A_1131 : vector<16xf32>
        %get3A_1133 = arith.index_cast %while3A_1007 : i32 to index
        %get3A_1134 = arith.constant 144 : index
        %get3A_1135 = tpu.vector_load %arg11[%get3A_1133, %get3A_1134] {strides = array<i32>} : memref<32x256xi32, #tpu.memory_space<vmem>>, vector<16xi32>,
        %bitcast3A_1136 = vector.bitcast %get3A_1135 : vector<16xi32> to vector<32xbf16>
        %unpack3A_1137 = tpu.unpack_subelements %bitcast3A_1136, 0 {pack_format = #tpu.pack_format<interleaved>} : vector<32xbf16> -> vector<16xf32>
        %unpack3A_1138 = tpu.unpack_subelements %bitcast3A_1136, 1 {pack_format = #tpu.pack_format<interleaved>} : vector<32xbf16> -> vector<16xf32>
        %mul3A_1139 = arith.mulf %broadcast_in_dim3A_1044, %unpack3A_1137 : vector<16xf32>
        %add3A_1140 = arith.addf %while3A_1026, %mul3A_1139 : vector<16xf32>
        %mul3A_1141 = arith.mulf %broadcast_in_dim3A_1044, %unpack3A_1138 : vector<16xf32>
        %add3A_1142 = arith.addf %while3A_1027, %mul3A_1141 : vector<16xf32>
        %get3A_1143 = arith.index_cast %while3A_1007 : i32 to index
        %get3A_1144 = arith.constant 160 : index
        %get3A_1145 = tpu.vector_load %arg11[%get3A_1143, %get3A_1144] {strides = array<i32>} : memref<32x256xi32, #tpu.memory_space<vmem>>, vector<16xi32>,
        %bitcast3A_1146 = vector.bitcast %get3A_1145 : vector<16xi32> to vector<32xbf16>
        %unpack3A_1147 = tpu.unpack_subelements %bitcast3A_1146, 0 {pack_format = #tpu.pack_format<interleaved>} : vector<32xbf16> -> vector<16xf32>
        %unpack3A_1148 = tpu.unpack_subelements %bitcast3A_1146, 1 {pack_format = #tpu.pack_format<interleaved>} : vector<32xbf16> -> vector<16xf32>
        %mul3A_1149 = arith.mulf %broadcast_in_dim3A_1044, %unpack3A_1147 : vector<16xf32>
        %add3A_1150 = arith.addf %while3A_1028, %mul3A_1149 : vector<16xf32>
        %mul3A_1151 = arith.mulf %broadcast_in_dim3A_1044, %unpack3A_1148 : vector<16xf32>
        %add3A_1152 = arith.addf %while3A_1029, %mul3A_1151 : vector<16xf32>
        %get3A_1153 = arith.index_cast %while3A_1007 : i32 to index
        %get3A_1154 = arith.constant 176 : index
        %get3A_1155 = tpu.vector_load %arg11[%get3A_1153, %get3A_1154] {strides = array<i32>} : memref<32x256xi32, #tpu.memory_space<vmem>>, vector<16xi32>,
        %bitcast3A_1156 = vector.bitcast %get3A_1155 : vector<16xi32> to vector<32xbf16>
        %unpack3A_1157 = tpu.unpack_subelements %bitcast3A_1156, 0 {pack_format = #tpu.pack_format<interleaved>} : vector<32xbf16> -> vector<16xf32>
        %unpack3A_1158 = tpu.unpack_subelements %bitcast3A_1156, 1 {pack_format = #tpu.pack_format<interleaved>} : vector<32xbf16> -> vector<16xf32>
        %mul3A_1159 = arith.mulf %broadcast_in_dim3A_1044, %unpack3A_1157 : vector<16xf32>
        %add3A_1160 = arith.addf %while3A_1030, %mul3A_1159 : vector<16xf32>
        %mul3A_1161 = arith.mulf %broadcast_in_dim3A_1044, %unpack3A_1158 : vector<16xf32>
        %add3A_1162 = arith.addf %while3A_1031, %mul3A_1161 : vector<16xf32>
        %get3A_1163 = arith.index_cast %while3A_1007 : i32 to index
        %get3A_1164 = arith.constant 192 : index
        %get3A_1165 = tpu.vector_load %arg11[%get3A_1163, %get3A_1164] {strides = array<i32>} : memref<32x256xi32, #tpu.memory_space<vmem>>, vector<16xi32>,
        %bitcast3A_1166 = vector.bitcast %get3A_1165 : vector<16xi32> to vector<32xbf16>
        %unpack3A_1167 = tpu.unpack_subelements %bitcast3A_1166, 0 {pack_format = #tpu.pack_format<interleaved>} : vector<32xbf16> -> vector<16xf32>
        %unpack3A_1168 = tpu.unpack_subelements %bitcast3A_1166, 1 {pack_format = #tpu.pack_format<interleaved>} : vector<32xbf16> -> vector<16xf32>
        %mul3A_1169 = arith.mulf %broadcast_in_dim3A_1044, %unpack3A_1167 : vector<16xf32>
        %add3A_1170 = arith.addf %while3A_1032, %mul3A_1169 : vector<16xf32>
        %mul3A_1171 = arith.mulf %broadcast_in_dim3A_1044, %unpack3A_1168 : vector<16xf32>
        %add3A_1172 = arith.addf %while3A_1033, %mul3A_1171 : vector<16xf32>
        %get3A_1173 = arith.index_cast %while3A_1007 : i32 to index
        %get3A_1174 = arith.constant 208 : index
        %get3A_1175 = tpu.vector_load %arg11[%get3A_1173, %get3A_1174] {strides = array<i32>} : memref<32x256xi32, #tpu.memory_space<vmem>>, vector<16xi32>,
        %bitcast3A_1176 = vector.bitcast %get3A_1175 : vector<16xi32> to vector<32xbf16>
        %unpack3A_1177 = tpu.unpack_subelements %bitcast3A_1176, 0 {pack_format = #tpu.pack_format<interleaved>} : vector<32xbf16> -> vector<16xf32>
        %unpack3A_1178 = tpu.unpack_subelements %bitcast3A_1176, 1 {pack_format = #tpu.pack_format<interleaved>} : vector<32xbf16> -> vector<16xf32>
        %mul3A_1179 = arith.mulf %broadcast_in_dim3A_1044, %unpack3A_1177 : vector<16xf32>
        %add3A_1180 = arith.addf %while3A_1034, %mul3A_1179 : vector<16xf32>
        %mul3A_1181 = arith.mulf %broadcast_in_dim3A_1044, %unpack3A_1178 : vector<16xf32>
        %add3A_1182 = arith.addf %while3A_1035, %mul3A_1181 : vector<16xf32>
        %get3A_1183 = arith.index_cast %while3A_1007 : i32 to index
        %get3A_1184 = arith.constant 224 : index
        %get3A_1185 = tpu.vector_load %arg11[%get3A_1183, %get3A_1184] {strides = array<i32>} : memref<32x256xi32, #tpu.memory_space<vmem>>, vector<16xi32>,
        %bitcast3A_1186 = vector.bitcast %get3A_1185 : vector<16xi32> to vector<32xbf16>
        %unpack3A_1187 = tpu.unpack_subelements %bitcast3A_1186, 0 {pack_format = #tpu.pack_format<interleaved>} : vector<32xbf16> -> vector<16xf32>
        %unpack3A_1188 = tpu.unpack_subelements %bitcast3A_1186, 1 {pack_format = #tpu.pack_format<interleaved>} : vector<32xbf16> -> vector<16xf32>
        %mul3A_1189 = arith.mulf %broadcast_in_dim3A_1044, %unpack3A_1187 : vector<16xf32>
        %add3A_1190 = arith.addf %while3A_1036, %mul3A_1189 : vector<16xf32>
        %mul3A_1191 = arith.mulf %broadcast_in_dim3A_1044, %unpack3A_1188 : vector<16xf32>
        %add3A_1192 = arith.addf %while3A_1037, %mul3A_1191 : vector<16xf32>
        %get3A_1193 = arith.index_cast %while3A_1007 : i32 to index
        %get3A_1194 = arith.constant 240 : index
        %get3A_1195 = tpu.vector_load %arg11[%get3A_1193, %get3A_1194] {strides = array<i32>} : memref<32x256xi32, #tpu.memory_space<vmem>>, vector<16xi32>,
        %bitcast3A_1196 = vector.bitcast %get3A_1195 : vector<16xi32> to vector<32xbf16>
        %unpack3A_1197 = tpu.unpack_subelements %bitcast3A_1196, 0 {pack_format = #tpu.pack_format<interleaved>} : vector<32xbf16> -> vector<16xf32>
        %unpack3A_1198 = tpu.unpack_subelements %bitcast3A_1196, 1 {pack_format = #tpu.pack_format<interleaved>} : vector<32xbf16> -> vector<16xf32>
        %mul3A_1199 = arith.mulf %broadcast_in_dim3A_1044, %unpack3A_1197 : vector<16xf32>
        %add3A_1200 = arith.addf %while3A_1038, %mul3A_1199 : vector<16xf32>
        %mul3A_1201 = arith.mulf %broadcast_in_dim3A_1044, %unpack3A_1198 : vector<16xf32>
        %add3A_1202 = arith.addf %while3A_1039, %mul3A_1201 : vector<16xf32>
        scf.yield %add3A_1050, %add3A_1052, %add3A_1060, %add3A_1062, %add3A_1070, %add3A_1072, %add3A_1080, %add3A_1082, %add3A_1090, %add3A_1092, %add3A_1100, %add3A_1102, %add3A_1110, %add3A_1112, %add3A_1120, %add3A_1122, %add3A_1130, %add3A_1132, %add3A_1140, %add3A_1142, %add3A_1150, %add3A_1152, %add3A_1160, %add3A_1162, %add3A_1170, %add3A_1172, %add3A_1180, %add3A_1182, %add3A_1190, %add3A_1192, %add3A_1200, %add3A_1202 : vector<16xf32>, vector<16xf32>, vector<16xf32>, vector<16xf32>, vector<16xf32>, vector<16xf32>, vector<16xf32>, vector<16xf32>, vector<16xf32>, vector<16xf32>, vector<16xf32>, vector<16xf32>, vector<16xf32>, vector<16xf32>, vector<16xf32>, vector<16xf32>, vector<16xf32>, vector<16xf32>, vector<16xf32>, vector<16xf32>, vector<16xf32>, vector<16xf32>, vector<16xf32>, vector<16xf32>, vector<16xf32>, vector<16xf32>, vector<16xf32>, vector<16xf32>, vector<16xf32>, vector<16xf32>, vector<16xf32>, vector<16xf32>
      }
      %while3A_524 = arith.constant 1 : i32
      %while3A_525:32 = scf.for %while3A_1007 = %while3A_521 to %while3A_517 step %while3A_524 iter_args(%while3A_1008 = %while3A_523#0, %while3A_1009 = %while3A_523#1, %while3A_1010 = %while3A_523#2, %while3A_1011 = %while3A_523#3, %while3A_1012 = %while3A_523#4, %while3A_1013 = %while3A_523#5, %while3A_1014 = %while3A_523#6, %while3A_1015 = %while3A_523#7, %while3A_1016 = %while3A_523#8, %while3A_1017 = %while3A_523#9, %while3A_1018 = %while3A_523#10, %while3A_1019 = %while3A_523#11, %while3A_1020 = %while3A_523#12, %while3A_1021 = %while3A_523#13, %while3A_1022 = %while3A_523#14, %while3A_1023 = %while3A_523#15, %while3A_1024 = %while3A_523#16, %while3A_1025 = %while3A_523#17, %while3A_1026 = %while3A_523#18, %while3A_1027 = %while3A_523#19, %while3A_1028 = %while3A_523#20, %while3A_1029 = %while3A_523#21, %while3A_1030 = %while3A_523#22, %while3A_1031 = %while3A_523#23, %while3A_1032 = %while3A_523#24, %while3A_1033 = %while3A_523#25, %while3A_1034 = %while3A_523#26, %while3A_1035 = %while3A_523#27, %while3A_1036 = %while3A_523#28, %while3A_1037 = %while3A_523#29, %while3A_1038 = %while3A_523#30, %while3A_1039 = %while3A_523#31) -> (vector<16xf32>, vector<16xf32>, vector<16xf32>, vector<16xf32>, vector<16xf32>, vector<16xf32>, vector<16xf32>, vector<16xf32>, vector<16xf32>, vector<16xf32>, vector<16xf32>, vector<16xf32>, vector<16xf32>, vector<16xf32>, vector<16xf32>, vector<16xf32>, vector<16xf32>, vector<16xf32>, vector<16xf32>, vector<16xf32>, vector<16xf32>, vector<16xf32>, vector<16xf32>, vector<16xf32>, vector<16xf32>, vector<16xf32>, vector<16xf32>, vector<16xf32>, vector<16xf32>, vector<16xf32>, vector<16xf32>, vector<16xf32>)  : i32 {
        %get3A_1040 = arith.index_cast %while3A_1007 : i32 to index
        %get3A_1041 = tpu.vector_load %arg14[%get3A_1040] {strides = array<i32>} : memref<48xf32, #tpu.memory_space<vmem>>, vector<16xf32>,
        %slice3A_1042 = vector.extract_strided_slice %get3A_1041 {offsets = [0], sizes = [1], strides = [1]} : vector<16xf32> to vector<1xf32>
        %squeeze3A_1043 = vector.extract %slice3A_1042[0] : f32 from vector<1xf32>
        %broadcast_in_dim3A_1044 = vector.broadcast %squeeze3A_1043 : f32 to vector<16xf32>
        %get3A_1045 = arith.index_cast %while3A_1007 : i32 to index
        %get3A_1046 = arith.constant 0 : index
        %get3A_1047 = tpu.vector_load %arg11[%get3A_1045, %get3A_1046] {strides = array<i32>} : memref<32x256xi32, #tpu.memory_space<vmem>>, vector<16xi32>,
        %bitcast3A = vector.bitcast %get3A_1047 : vector<16xi32> to vector<32xbf16>
        %unpack3A = tpu.unpack_subelements %bitcast3A, 0 {pack_format = #tpu.pack_format<interleaved>} : vector<32xbf16> -> vector<16xf32>
        %unpack3A_1048 = tpu.unpack_subelements %bitcast3A, 1 {pack_format = #tpu.pack_format<interleaved>} : vector<32xbf16> -> vector<16xf32>
        %mul3A_1049 = arith.mulf %broadcast_in_dim3A_1044, %unpack3A : vector<16xf32>
        %add3A_1050 = arith.addf %while3A_1008, %mul3A_1049 : vector<16xf32>
        %mul3A_1051 = arith.mulf %broadcast_in_dim3A_1044, %unpack3A_1048 : vector<16xf32>
        %add3A_1052 = arith.addf %while3A_1009, %mul3A_1051 : vector<16xf32>
        %get3A_1053 = arith.index_cast %while3A_1007 : i32 to index
        %get3A_1054 = arith.constant 16 : index
        %get3A_1055 = tpu.vector_load %arg11[%get3A_1053, %get3A_1054] {strides = array<i32>} : memref<32x256xi32, #tpu.memory_space<vmem>>, vector<16xi32>,
        %bitcast3A_1056 = vector.bitcast %get3A_1055 : vector<16xi32> to vector<32xbf16>
        %unpack3A_1057 = tpu.unpack_subelements %bitcast3A_1056, 0 {pack_format = #tpu.pack_format<interleaved>} : vector<32xbf16> -> vector<16xf32>
        %unpack3A_1058 = tpu.unpack_subelements %bitcast3A_1056, 1 {pack_format = #tpu.pack_format<interleaved>} : vector<32xbf16> -> vector<16xf32>
        %mul3A_1059 = arith.mulf %broadcast_in_dim3A_1044, %unpack3A_1057 : vector<16xf32>
        %add3A_1060 = arith.addf %while3A_1010, %mul3A_1059 : vector<16xf32>
        %mul3A_1061 = arith.mulf %broadcast_in_dim3A_1044, %unpack3A_1058 : vector<16xf32>
        %add3A_1062 = arith.addf %while3A_1011, %mul3A_1061 : vector<16xf32>
        %get3A_1063 = arith.index_cast %while3A_1007 : i32 to index
        %get3A_1064 = arith.constant 32 : index
        %get3A_1065 = tpu.vector_load %arg11[%get3A_1063, %get3A_1064] {strides = array<i32>} : memref<32x256xi32, #tpu.memory_space<vmem>>, vector<16xi32>,
        %bitcast3A_1066 = vector.bitcast %get3A_1065 : vector<16xi32> to vector<32xbf16>
        %unpack3A_1067 = tpu.unpack_subelements %bitcast3A_1066, 0 {pack_format = #tpu.pack_format<interleaved>} : vector<32xbf16> -> vector<16xf32>
        %unpack3A_1068 = tpu.unpack_subelements %bitcast3A_1066, 1 {pack_format = #tpu.pack_format<interleaved>} : vector<32xbf16> -> vector<16xf32>
        %mul3A_1069 = arith.mulf %broadcast_in_dim3A_1044, %unpack3A_1067 : vector<16xf32>
        %add3A_1070 = arith.addf %while3A_1012, %mul3A_1069 : vector<16xf32>
        %mul3A_1071 = arith.mulf %broadcast_in_dim3A_1044, %unpack3A_1068 : vector<16xf32>
        %add3A_1072 = arith.addf %while3A_1013, %mul3A_1071 : vector<16xf32>
        %get3A_1073 = arith.index_cast %while3A_1007 : i32 to index
        %get3A_1074 = arith.constant 48 : index
        %get3A_1075 = tpu.vector_load %arg11[%get3A_1073, %get3A_1074] {strides = array<i32>} : memref<32x256xi32, #tpu.memory_space<vmem>>, vector<16xi32>,
        %bitcast3A_1076 = vector.bitcast %get3A_1075 : vector<16xi32> to vector<32xbf16>
        %unpack3A_1077 = tpu.unpack_subelements %bitcast3A_1076, 0 {pack_format = #tpu.pack_format<interleaved>} : vector<32xbf16> -> vector<16xf32>
        %unpack3A_1078 = tpu.unpack_subelements %bitcast3A_1076, 1 {pack_format = #tpu.pack_format<interleaved>} : vector<32xbf16> -> vector<16xf32>
        %mul3A_1079 = arith.mulf %broadcast_in_dim3A_1044, %unpack3A_1077 : vector<16xf32>
        %add3A_1080 = arith.addf %while3A_1014, %mul3A_1079 : vector<16xf32>
        %mul3A_1081 = arith.mulf %broadcast_in_dim3A_1044, %unpack3A_1078 : vector<16xf32>
        %add3A_1082 = arith.addf %while3A_1015, %mul3A_1081 : vector<16xf32>
        %get3A_1083 = arith.index_cast %while3A_1007 : i32 to index
        %get3A_1084 = arith.constant 64 : index
        %get3A_1085 = tpu.vector_load %arg11[%get3A_1083, %get3A_1084] {strides = array<i32>} : memref<32x256xi32, #tpu.memory_space<vmem>>, vector<16xi32>,
        %bitcast3A_1086 = vector.bitcast %get3A_1085 : vector<16xi32> to vector<32xbf16>
        %unpack3A_1087 = tpu.unpack_subelements %bitcast3A_1086, 0 {pack_format = #tpu.pack_format<interleaved>} : vector<32xbf16> -> vector<16xf32>
        %unpack3A_1088 = tpu.unpack_subelements %bitcast3A_1086, 1 {pack_format = #tpu.pack_format<interleaved>} : vector<32xbf16> -> vector<16xf32>
        %mul3A_1089 = arith.mulf %broadcast_in_dim3A_1044, %unpack3A_1087 : vector<16xf32>
        %add3A_1090 = arith.addf %while3A_1016, %mul3A_1089 : vector<16xf32>
        %mul3A_1091 = arith.mulf %broadcast_in_dim3A_1044, %unpack3A_1088 : vector<16xf32>
        %add3A_1092 = arith.addf %while3A_1017, %mul3A_1091 : vector<16xf32>
        %get3A_1093 = arith.index_cast %while3A_1007 : i32 to index
        %get3A_1094 = arith.constant 80 : index
        %get3A_1095 = tpu.vector_load %arg11[%get3A_1093, %get3A_1094] {strides = array<i32>} : memref<32x256xi32, #tpu.memory_space<vmem>>, vector<16xi32>,
        %bitcast3A_1096 = vector.bitcast %get3A_1095 : vector<16xi32> to vector<32xbf16>
        %unpack3A_1097 = tpu.unpack_subelements %bitcast3A_1096, 0 {pack_format = #tpu.pack_format<interleaved>} : vector<32xbf16> -> vector<16xf32>
        %unpack3A_1098 = tpu.unpack_subelements %bitcast3A_1096, 1 {pack_format = #tpu.pack_format<interleaved>} : vector<32xbf16> -> vector<16xf32>
        %mul3A_1099 = arith.mulf %broadcast_in_dim3A_1044, %unpack3A_1097 : vector<16xf32>
        %add3A_1100 = arith.addf %while3A_1018, %mul3A_1099 : vector<16xf32>
        %mul3A_1101 = arith.mulf %broadcast_in_dim3A_1044, %unpack3A_1098 : vector<16xf32>
        %add3A_1102 = arith.addf %while3A_1019, %mul3A_1101 : vector<16xf32>
        %get3A_1103 = arith.index_cast %while3A_1007 : i32 to index
        %get3A_1104 = arith.constant 96 : index
        %get3A_1105 = tpu.vector_load %arg11[%get3A_1103, %get3A_1104] {strides = array<i32>} : memref<32x256xi32, #tpu.memory_space<vmem>>, vector<16xi32>,
        %bitcast3A_1106 = vector.bitcast %get3A_1105 : vector<16xi32> to vector<32xbf16>
        %unpack3A_1107 = tpu.unpack_subelements %bitcast3A_1106, 0 {pack_format = #tpu.pack_format<interleaved>} : vector<32xbf16> -> vector<16xf32>
        %unpack3A_1108 = tpu.unpack_subelements %bitcast3A_1106, 1 {pack_format = #tpu.pack_format<interleaved>} : vector<32xbf16> -> vector<16xf32>
        %mul3A_1109 = arith.mulf %broadcast_in_dim3A_1044, %unpack3A_1107 : vector<16xf32>
        %add3A_1110 = arith.addf %while3A_1020, %mul3A_1109 : vector<16xf32>
        %mul3A_1111 = arith.mulf %broadcast_in_dim3A_1044, %unpack3A_1108 : vector<16xf32>
        %add3A_1112 = arith.addf %while3A_1021, %mul3A_1111 : vector<16xf32>
        %get3A_1113 = arith.index_cast %while3A_1007 : i32 to index
        %get3A_1114 = arith.constant 112 : index
        %get3A_1115 = tpu.vector_load %arg11[%get3A_1113, %get3A_1114] {strides = array<i32>} : memref<32x256xi32, #tpu.memory_space<vmem>>, vector<16xi32>,
        %bitcast3A_1116 = vector.bitcast %get3A_1115 : vector<16xi32> to vector<32xbf16>
        %unpack3A_1117 = tpu.unpack_subelements %bitcast3A_1116, 0 {pack_format = #tpu.pack_format<interleaved>} : vector<32xbf16> -> vector<16xf32>
        %unpack3A_1118 = tpu.unpack_subelements %bitcast3A_1116, 1 {pack_format = #tpu.pack_format<interleaved>} : vector<32xbf16> -> vector<16xf32>
        %mul3A_1119 = arith.mulf %broadcast_in_dim3A_1044, %unpack3A_1117 : vector<16xf32>
        %add3A_1120 = arith.addf %while3A_1022, %mul3A_1119 : vector<16xf32>
        %mul3A_1121 = arith.mulf %broadcast_in_dim3A_1044, %unpack3A_1118 : vector<16xf32>
        %add3A_1122 = arith.addf %while3A_1023, %mul3A_1121 : vector<16xf32>
        %get3A_1123 = arith.index_cast %while3A_1007 : i32 to index
        %get3A_1124 = arith.constant 128 : index
        %get3A_1125 = tpu.vector_load %arg11[%get3A_1123, %get3A_1124] {strides = array<i32>} : memref<32x256xi32, #tpu.memory_space<vmem>>, vector<16xi32>,
        %bitcast3A_1126 = vector.bitcast %get3A_1125 : vector<16xi32> to vector<32xbf16>
        %unpack3A_1127 = tpu.unpack_subelements %bitcast3A_1126, 0 {pack_format = #tpu.pack_format<interleaved>} : vector<32xbf16> -> vector<16xf32>
        %unpack3A_1128 = tpu.unpack_subelements %bitcast3A_1126, 1 {pack_format = #tpu.pack_format<interleaved>} : vector<32xbf16> -> vector<16xf32>
        %mul3A_1129 = arith.mulf %broadcast_in_dim3A_1044, %unpack3A_1127 : vector<16xf32>
        %add3A_1130 = arith.addf %while3A_1024, %mul3A_1129 : vector<16xf32>
        %mul3A_1131 = arith.mulf %broadcast_in_dim3A_1044, %unpack3A_1128 : vector<16xf32>
        %add3A_1132 = arith.addf %while3A_1025, %mul3A_1131 : vector<16xf32>
        %get3A_1133 = arith.index_cast %while3A_1007 : i32 to index
        %get3A_1134 = arith.constant 144 : index
        %get3A_1135 = tpu.vector_load %arg11[%get3A_1133, %get3A_1134] {strides = array<i32>} : memref<32x256xi32, #tpu.memory_space<vmem>>, vector<16xi32>,
        %bitcast3A_1136 = vector.bitcast %get3A_1135 : vector<16xi32> to vector<32xbf16>
        %unpack3A_1137 = tpu.unpack_subelements %bitcast3A_1136, 0 {pack_format = #tpu.pack_format<interleaved>} : vector<32xbf16> -> vector<16xf32>
        %unpack3A_1138 = tpu.unpack_subelements %bitcast3A_1136, 1 {pack_format = #tpu.pack_format<interleaved>} : vector<32xbf16> -> vector<16xf32>
        %mul3A_1139 = arith.mulf %broadcast_in_dim3A_1044, %unpack3A_1137 : vector<16xf32>
        %add3A_1140 = arith.addf %while3A_1026, %mul3A_1139 : vector<16xf32>
        %mul3A_1141 = arith.mulf %broadcast_in_dim3A_1044, %unpack3A_1138 : vector<16xf32>
        %add3A_1142 = arith.addf %while3A_1027, %mul3A_1141 : vector<16xf32>
        %get3A_1143 = arith.index_cast %while3A_1007 : i32 to index
        %get3A_1144 = arith.constant 160 : index
        %get3A_1145 = tpu.vector_load %arg11[%get3A_1143, %get3A_1144] {strides = array<i32>} : memref<32x256xi32, #tpu.memory_space<vmem>>, vector<16xi32>,
        %bitcast3A_1146 = vector.bitcast %get3A_1145 : vector<16xi32> to vector<32xbf16>
        %unpack3A_1147 = tpu.unpack_subelements %bitcast3A_1146, 0 {pack_format = #tpu.pack_format<interleaved>} : vector<32xbf16> -> vector<16xf32>
        %unpack3A_1148 = tpu.unpack_subelements %bitcast3A_1146, 1 {pack_format = #tpu.pack_format<interleaved>} : vector<32xbf16> -> vector<16xf32>
        %mul3A_1149 = arith.mulf %broadcast_in_dim3A_1044, %unpack3A_1147 : vector<16xf32>
        %add3A_1150 = arith.addf %while3A_1028, %mul3A_1149 : vector<16xf32>
        %mul3A_1151 = arith.mulf %broadcast_in_dim3A_1044, %unpack3A_1148 : vector<16xf32>
        %add3A_1152 = arith.addf %while3A_1029, %mul3A_1151 : vector<16xf32>
        %get3A_1153 = arith.index_cast %while3A_1007 : i32 to index
        %get3A_1154 = arith.constant 176 : index
        %get3A_1155 = tpu.vector_load %arg11[%get3A_1153, %get3A_1154] {strides = array<i32>} : memref<32x256xi32, #tpu.memory_space<vmem>>, vector<16xi32>,
        %bitcast3A_1156 = vector.bitcast %get3A_1155 : vector<16xi32> to vector<32xbf16>
        %unpack3A_1157 = tpu.unpack_subelements %bitcast3A_1156, 0 {pack_format = #tpu.pack_format<interleaved>} : vector<32xbf16> -> vector<16xf32>
        %unpack3A_1158 = tpu.unpack_subelements %bitcast3A_1156, 1 {pack_format = #tpu.pack_format<interleaved>} : vector<32xbf16> -> vector<16xf32>
        %mul3A_1159 = arith.mulf %broadcast_in_dim3A_1044, %unpack3A_1157 : vector<16xf32>
        %add3A_1160 = arith.addf %while3A_1030, %mul3A_1159 : vector<16xf32>
        %mul3A_1161 = arith.mulf %broadcast_in_dim3A_1044, %unpack3A_1158 : vector<16xf32>
        %add3A_1162 = arith.addf %while3A_1031, %mul3A_1161 : vector<16xf32>
        %get3A_1163 = arith.index_cast %while3A_1007 : i32 to index
        %get3A_1164 = arith.constant 192 : index
        %get3A_1165 = tpu.vector_load %arg11[%get3A_1163, %get3A_1164] {strides = array<i32>} : memref<32x256xi32, #tpu.memory_space<vmem>>, vector<16xi32>,
        %bitcast3A_1166 = vector.bitcast %get3A_1165 : vector<16xi32> to vector<32xbf16>
        %unpack3A_1167 = tpu.unpack_subelements %bitcast3A_1166, 0 {pack_format = #tpu.pack_format<interleaved>} : vector<32xbf16> -> vector<16xf32>
        %unpack3A_1168 = tpu.unpack_subelements %bitcast3A_1166, 1 {pack_format = #tpu.pack_format<interleaved>} : vector<32xbf16> -> vector<16xf32>
        %mul3A_1169 = arith.mulf %broadcast_in_dim3A_1044, %unpack3A_1167 : vector<16xf32>
        %add3A_1170 = arith.addf %while3A_1032, %mul3A_1169 : vector<16xf32>
        %mul3A_1171 = arith.mulf %broadcast_in_dim3A_1044, %unpack3A_1168 : vector<16xf32>
        %add3A_1172 = arith.addf %while3A_1033, %mul3A_1171 : vector<16xf32>
        %get3A_1173 = arith.index_cast %while3A_1007 : i32 to index
        %get3A_1174 = arith.constant 208 : index
        %get3A_1175 = tpu.vector_load %arg11[%get3A_1173, %get3A_1174] {strides = array<i32>} : memref<32x256xi32, #tpu.memory_space<vmem>>, vector<16xi32>,
        %bitcast3A_1176 = vector.bitcast %get3A_1175 : vector<16xi32> to vector<32xbf16>
        %unpack3A_1177 = tpu.unpack_subelements %bitcast3A_1176, 0 {pack_format = #tpu.pack_format<interleaved>} : vector<32xbf16> -> vector<16xf32>
        %unpack3A_1178 = tpu.unpack_subelements %bitcast3A_1176, 1 {pack_format = #tpu.pack_format<interleaved>} : vector<32xbf16> -> vector<16xf32>
        %mul3A_1179 = arith.mulf %broadcast_in_dim3A_1044, %unpack3A_1177 : vector<16xf32>
        %add3A_1180 = arith.addf %while3A_1034, %mul3A_1179 : vector<16xf32>
        %mul3A_1181 = arith.mulf %broadcast_in_dim3A_1044, %unpack3A_1178 : vector<16xf32>
        %add3A_1182 = arith.addf %while3A_1035, %mul3A_1181 : vector<16xf32>
        %get3A_1183 = arith.index_cast %while3A_1007 : i32 to index
        %get3A_1184 = arith.constant 224 : index
        %get3A_1185 = tpu.vector_load %arg11[%get3A_1183, %get3A_1184] {strides = array<i32>} : memref<32x256xi32, #tpu.memory_space<vmem>>, vector<16xi32>,
        %bitcast3A_1186 = vector.bitcast %get3A_1185 : vector<16xi32> to vector<32xbf16>
        %unpack3A_1187 = tpu.unpack_subelements %bitcast3A_1186, 0 {pack_format = #tpu.pack_format<interleaved>} : vector<32xbf16> -> vector<16xf32>
        %unpack3A_1188 = tpu.unpack_subelements %bitcast3A_1186, 1 {pack_format = #tpu.pack_format<interleaved>} : vector<32xbf16> -> vector<16xf32>
        %mul3A_1189 = arith.mulf %broadcast_in_dim3A_1044, %unpack3A_1187 : vector<16xf32>
        %add3A_1190 = arith.addf %while3A_1036, %mul3A_1189 : vector<16xf32>
        %mul3A_1191 = arith.mulf %broadcast_in_dim3A_1044, %unpack3A_1188 : vector<16xf32>
        %add3A_1192 = arith.addf %while3A_1037, %mul3A_1191 : vector<16xf32>
        %get3A_1193 = arith.index_cast %while3A_1007 : i32 to index
        %get3A_1194 = arith.constant 240 : index
        %get3A_1195 = tpu.vector_load %arg11[%get3A_1193, %get3A_1194] {strides = array<i32>} : memref<32x256xi32, #tpu.memory_space<vmem>>, vector<16xi32>,
        %bitcast3A_1196 = vector.bitcast %get3A_1195 : vector<16xi32> to vector<32xbf16>
        %unpack3A_1197 = tpu.unpack_subelements %bitcast3A_1196, 0 {pack_format = #tpu.pack_format<interleaved>} : vector<32xbf16> -> vector<16xf32>
        %unpack3A_1198 = tpu.unpack_subelements %bitcast3A_1196, 1 {pack_format = #tpu.pack_format<interleaved>} : vector<32xbf16> -> vector<16xf32>
        %mul3A_1199 = arith.mulf %broadcast_in_dim3A_1044, %unpack3A_1197 : vector<16xf32>
        %add3A_1200 = arith.addf %while3A_1038, %mul3A_1199 : vector<16xf32>
        %mul3A_1201 = arith.mulf %broadcast_in_dim3A_1044, %unpack3A_1198 : vector<16xf32>
        %add3A_1202 = arith.addf %while3A_1039, %mul3A_1201 : vector<16xf32>
        scf.yield %add3A_1050, %add3A_1052, %add3A_1060, %add3A_1062, %add3A_1070, %add3A_1072, %add3A_1080, %add3A_1082, %add3A_1090, %add3A_1092, %add3A_1100, %add3A_1102, %add3A_1110, %add3A_1112, %add3A_1120, %add3A_1122, %add3A_1130, %add3A_1132, %add3A_1140, %add3A_1142, %add3A_1150, %add3A_1152, %add3A_1160, %add3A_1162, %add3A_1170, %add3A_1172, %add3A_1180, %add3A_1182, %add3A_1190, %add3A_1192, %add3A_1200, %add3A_1202 : vector<16xf32>, vector<16xf32>, vector<16xf32>, vector<16xf32>, vector<16xf32>, vector<16xf32>, vector<16xf32>, vector<16xf32>, vector<16xf32>, vector<16xf32>, vector<16xf32>, vector<16xf32>, vector<16xf32>, vector<16xf32>, vector<16xf32>, vector<16xf32>, vector<16xf32>, vector<16xf32>, vector<16xf32>, vector<16xf32>, vector<16xf32>, vector<16xf32>, vector<16xf32>, vector<16xf32>, vector<16xf32>, vector<16xf32>, vector<16xf32>, vector<16xf32>, vector<16xf32>, vector<16xf32>, vector<16xf32>, vector<16xf32>
      }
      %convert_element_type3A_526 = arith.extui %gt3A_412 : i1 to i32
      %cond3A_527 = arith.constant 0 : i32
      %cond3A_528 = arith.cmpi ne, %convert_element_type3A_526, %cond3A_527 : i32
      scf.if %cond3A_528 {
        %dma_wait3A_1007 = arith.constant 0 : i32
        %dma_wait3A_1008 = tpu.memref_slice %arg6[%mul3A_2, %dma_wait3A_1007] : memref<4096x512xf32, #tpu.memory_space<hbm>> -> memref<1x512xf32, #tpu.memory_space<hbm>>
        %dma_wait3A_1009 = tpu.memref_squeeze %dma_wait3A_1008 : memref<1x512xf32, #tpu.memory_space<hbm>> -> memref<512xf32, #tpu.memory_space<hbm>>
        %dma_wait3A_1010 = arith.constant 0 : i32
        %dma_wait3A_1011 = tpu.memref_slice %arg6[%mul3A_2, %dma_wait3A_1010] : memref<4096x512xf32, #tpu.memory_space<hbm>> -> memref<1x512xf32, #tpu.memory_space<hbm>>
        %dma_wait3A_1012 = tpu.memref_squeeze %dma_wait3A_1011 : memref<1x512xf32, #tpu.memory_space<hbm>> -> memref<512xf32, #tpu.memory_space<hbm>>
        tpu.wait_dma2 semaphore(%arg24 : memref<!tpu.dma_semaphore, #tpu.memory_space<semaphore_mem>>) src(%arg16 : memref<512xf32, #tpu.memory_space<vmem>>) dst(%dma_wait3A_1012 : memref<512xf32, #tpu.memory_space<hbm>>)
      } else {
      }
      %swap3A_529 = arith.constant 0 : index
      %swap3A_530 = tpu.vector_load %arg16[%swap3A_529] {strides = array<i32>} : memref<512xf32, #tpu.memory_space<vmem>>, vector<16xf32>,
      tpu.vector_store %arg16[%swap3A_529], %while3A_525#0 {strides = array<i32>} : memref<512xf32, #tpu.memory_space<vmem>>, vector<16xf32>,
      %swap3A_531 = arith.constant 256 : index
      %swap3A_532 = tpu.vector_load %arg16[%swap3A_531] {strides = array<i32>} : memref<512xf32, #tpu.memory_space<vmem>>, vector<16xf32>,
      tpu.vector_store %arg16[%swap3A_531], %while3A_525#1 {strides = array<i32>} : memref<512xf32, #tpu.memory_space<vmem>>, vector<16xf32>,
      %swap3A_533 = arith.constant 16 : index
      %swap3A_534 = tpu.vector_load %arg16[%swap3A_533] {strides = array<i32>} : memref<512xf32, #tpu.memory_space<vmem>>, vector<16xf32>,
      tpu.vector_store %arg16[%swap3A_533], %while3A_525#2 {strides = array<i32>} : memref<512xf32, #tpu.memory_space<vmem>>, vector<16xf32>,
      %swap3A_535 = arith.constant 272 : index
      %swap3A_536 = tpu.vector_load %arg16[%swap3A_535] {strides = array<i32>} : memref<512xf32, #tpu.memory_space<vmem>>, vector<16xf32>,
      tpu.vector_store %arg16[%swap3A_535], %while3A_525#3 {strides = array<i32>} : memref<512xf32, #tpu.memory_space<vmem>>, vector<16xf32>,
      %swap3A_537 = arith.constant 32 : index
      %swap3A_538 = tpu.vector_load %arg16[%swap3A_537] {strides = array<i32>} : memref<512xf32, #tpu.memory_space<vmem>>, vector<16xf32>,
      tpu.vector_store %arg16[%swap3A_537], %while3A_525#4 {strides = array<i32>} : memref<512xf32, #tpu.memory_space<vmem>>, vector<16xf32>,
      %swap3A_539 = arith.constant 288 : index
      %swap3A_540 = tpu.vector_load %arg16[%swap3A_539] {strides = array<i32>} : memref<512xf32, #tpu.memory_space<vmem>>, vector<16xf32>,
      tpu.vector_store %arg16[%swap3A_539], %while3A_525#5 {strides = array<i32>} : memref<512xf32, #tpu.memory_space<vmem>>, vector<16xf32>,
      %swap3A_541 = arith.constant 48 : index
      %swap3A_542 = tpu.vector_load %arg16[%swap3A_541] {strides = array<i32>} : memref<512xf32, #tpu.memory_space<vmem>>, vector<16xf32>,
      tpu.vector_store %arg16[%swap3A_541], %while3A_525#6 {strides = array<i32>} : memref<512xf32, #tpu.memory_space<vmem>>, vector<16xf32>,
      %swap3A_543 = arith.constant 304 : index
      %swap3A_544 = tpu.vector_load %arg16[%swap3A_543] {strides = array<i32>} : memref<512xf32, #tpu.memory_space<vmem>>, vector<16xf32>,
      tpu.vector_store %arg16[%swap3A_543], %while3A_525#7 {strides = array<i32>} : memref<512xf32, #tpu.memory_space<vmem>>, vector<16xf32>,
      %swap3A_545 = arith.constant 64 : index
      %swap3A_546 = tpu.vector_load %arg16[%swap3A_545] {strides = array<i32>} : memref<512xf32, #tpu.memory_space<vmem>>, vector<16xf32>,
      tpu.vector_store %arg16[%swap3A_545], %while3A_525#8 {strides = array<i32>} : memref<512xf32, #tpu.memory_space<vmem>>, vector<16xf32>,
      %swap3A_547 = arith.constant 320 : index
      %swap3A_548 = tpu.vector_load %arg16[%swap3A_547] {strides = array<i32>} : memref<512xf32, #tpu.memory_space<vmem>>, vector<16xf32>,
      tpu.vector_store %arg16[%swap3A_547], %while3A_525#9 {strides = array<i32>} : memref<512xf32, #tpu.memory_space<vmem>>, vector<16xf32>,
      %swap3A_549 = arith.constant 80 : index
      %swap3A_550 = tpu.vector_load %arg16[%swap3A_549] {strides = array<i32>} : memref<512xf32, #tpu.memory_space<vmem>>, vector<16xf32>,
      tpu.vector_store %arg16[%swap3A_549], %while3A_525#10 {strides = array<i32>} : memref<512xf32, #tpu.memory_space<vmem>>, vector<16xf32>,
      %swap3A_551 = arith.constant 336 : index
      %swap3A_552 = tpu.vector_load %arg16[%swap3A_551] {strides = array<i32>} : memref<512xf32, #tpu.memory_space<vmem>>, vector<16xf32>,
      tpu.vector_store %arg16[%swap3A_551], %while3A_525#11 {strides = array<i32>} : memref<512xf32, #tpu.memory_space<vmem>>, vector<16xf32>,
      %swap3A_553 = arith.constant 96 : index
      %swap3A_554 = tpu.vector_load %arg16[%swap3A_553] {strides = array<i32>} : memref<512xf32, #tpu.memory_space<vmem>>, vector<16xf32>,
      tpu.vector_store %arg16[%swap3A_553], %while3A_525#12 {strides = array<i32>} : memref<512xf32, #tpu.memory_space<vmem>>, vector<16xf32>,
      %swap3A_555 = arith.constant 352 : index
      %swap3A_556 = tpu.vector_load %arg16[%swap3A_555] {strides = array<i32>} : memref<512xf32, #tpu.memory_space<vmem>>, vector<16xf32>,
      tpu.vector_store %arg16[%swap3A_555], %while3A_525#13 {strides = array<i32>} : memref<512xf32, #tpu.memory_space<vmem>>, vector<16xf32>,
      %swap3A_557 = arith.constant 112 : index
      %swap3A_558 = tpu.vector_load %arg16[%swap3A_557] {strides = array<i32>} : memref<512xf32, #tpu.memory_space<vmem>>, vector<16xf32>,
      tpu.vector_store %arg16[%swap3A_557], %while3A_525#14 {strides = array<i32>} : memref<512xf32, #tpu.memory_space<vmem>>, vector<16xf32>,
      %swap3A_559 = arith.constant 368 : index
      %swap3A_560 = tpu.vector_load %arg16[%swap3A_559] {strides = array<i32>} : memref<512xf32, #tpu.memory_space<vmem>>, vector<16xf32>,
      tpu.vector_store %arg16[%swap3A_559], %while3A_525#15 {strides = array<i32>} : memref<512xf32, #tpu.memory_space<vmem>>, vector<16xf32>,
      %swap3A_561 = arith.constant 128 : index
      %swap3A_562 = tpu.vector_load %arg16[%swap3A_561] {strides = array<i32>} : memref<512xf32, #tpu.memory_space<vmem>>, vector<16xf32>,
      tpu.vector_store %arg16[%swap3A_561], %while3A_525#16 {strides = array<i32>} : memref<512xf32, #tpu.memory_space<vmem>>, vector<16xf32>,
      %swap3A_563 = arith.constant 384 : index
      %swap3A_564 = tpu.vector_load %arg16[%swap3A_563] {strides = array<i32>} : memref<512xf32, #tpu.memory_space<vmem>>, vector<16xf32>,
      tpu.vector_store %arg16[%swap3A_563], %while3A_525#17 {strides = array<i32>} : memref<512xf32, #tpu.memory_space<vmem>>, vector<16xf32>,
      %swap3A_565 = arith.constant 144 : index
      %swap3A_566 = tpu.vector_load %arg16[%swap3A_565] {strides = array<i32>} : memref<512xf32, #tpu.memory_space<vmem>>, vector<16xf32>,
      tpu.vector_store %arg16[%swap3A_565], %while3A_525#18 {strides = array<i32>} : memref<512xf32, #tpu.memory_space<vmem>>, vector<16xf32>,
      %swap3A_567 = arith.constant 400 : index
      %swap3A_568 = tpu.vector_load %arg16[%swap3A_567] {strides = array<i32>} : memref<512xf32, #tpu.memory_space<vmem>>, vector<16xf32>,
      tpu.vector_store %arg16[%swap3A_567], %while3A_525#19 {strides = array<i32>} : memref<512xf32, #tpu.memory_space<vmem>>, vector<16xf32>,
      %swap3A_569 = arith.constant 160 : index
      %swap3A_570 = tpu.vector_load %arg16[%swap3A_569] {strides = array<i32>} : memref<512xf32, #tpu.memory_space<vmem>>, vector<16xf32>,
      tpu.vector_store %arg16[%swap3A_569], %while3A_525#20 {strides = array<i32>} : memref<512xf32, #tpu.memory_space<vmem>>, vector<16xf32>,
      %swap3A_571 = arith.constant 416 : index
      %swap3A_572 = tpu.vector_load %arg16[%swap3A_571] {strides = array<i32>} : memref<512xf32, #tpu.memory_space<vmem>>, vector<16xf32>,
      tpu.vector_store %arg16[%swap3A_571], %while3A_525#21 {strides = array<i32>} : memref<512xf32, #tpu.memory_space<vmem>>, vector<16xf32>,
      %swap3A_573 = arith.constant 176 : index
      %swap3A_574 = tpu.vector_load %arg16[%swap3A_573] {strides = array<i32>} : memref<512xf32, #tpu.memory_space<vmem>>, vector<16xf32>,
      tpu.vector_store %arg16[%swap3A_573], %while3A_525#22 {strides = array<i32>} : memref<512xf32, #tpu.memory_space<vmem>>, vector<16xf32>,
      %swap3A_575 = arith.constant 432 : index
      %swap3A_576 = tpu.vector_load %arg16[%swap3A_575] {strides = array<i32>} : memref<512xf32, #tpu.memory_space<vmem>>, vector<16xf32>,
      tpu.vector_store %arg16[%swap3A_575], %while3A_525#23 {strides = array<i32>} : memref<512xf32, #tpu.memory_space<vmem>>, vector<16xf32>,
      %swap3A_577 = arith.constant 192 : index
      %swap3A_578 = tpu.vector_load %arg16[%swap3A_577] {strides = array<i32>} : memref<512xf32, #tpu.memory_space<vmem>>, vector<16xf32>,
      tpu.vector_store %arg16[%swap3A_577], %while3A_525#24 {strides = array<i32>} : memref<512xf32, #tpu.memory_space<vmem>>, vector<16xf32>,
      %swap3A_579 = arith.constant 448 : index
      %swap3A_580 = tpu.vector_load %arg16[%swap3A_579] {strides = array<i32>} : memref<512xf32, #tpu.memory_space<vmem>>, vector<16xf32>,
      tpu.vector_store %arg16[%swap3A_579], %while3A_525#25 {strides = array<i32>} : memref<512xf32, #tpu.memory_space<vmem>>, vector<16xf32>,
      %swap3A_581 = arith.constant 208 : index
      %swap3A_582 = tpu.vector_load %arg16[%swap3A_581] {strides = array<i32>} : memref<512xf32, #tpu.memory_space<vmem>>, vector<16xf32>,
      tpu.vector_store %arg16[%swap3A_581], %while3A_525#26 {strides = array<i32>} : memref<512xf32, #tpu.memory_space<vmem>>, vector<16xf32>,
      %swap3A_583 = arith.constant 464 : index
      %swap3A_584 = tpu.vector_load %arg16[%swap3A_583] {strides = array<i32>} : memref<512xf32, #tpu.memory_space<vmem>>, vector<16xf32>,
      tpu.vector_store %arg16[%swap3A_583], %while3A_525#27 {strides = array<i32>} : memref<512xf32, #tpu.memory_space<vmem>>, vector<16xf32>,
      %swap3A_585 = arith.constant 224 : index
      %swap3A_586 = tpu.vector_load %arg16[%swap3A_585] {strides = array<i32>} : memref<512xf32, #tpu.memory_space<vmem>>, vector<16xf32>,
      tpu.vector_store %arg16[%swap3A_585], %while3A_525#28 {strides = array<i32>} : memref<512xf32, #tpu.memory_space<vmem>>, vector<16xf32>,
      %swap3A_587 = arith.constant 480 : index
      %swap3A_588 = tpu.vector_load %arg16[%swap3A_587] {strides = array<i32>} : memref<512xf32, #tpu.memory_space<vmem>>, vector<16xf32>,
      tpu.vector_store %arg16[%swap3A_587], %while3A_525#29 {strides = array<i32>} : memref<512xf32, #tpu.memory_space<vmem>>, vector<16xf32>,
      %swap3A_589 = arith.constant 240 : index
      %swap3A_590 = tpu.vector_load %arg16[%swap3A_589] {strides = array<i32>} : memref<512xf32, #tpu.memory_space<vmem>>, vector<16xf32>,
      tpu.vector_store %arg16[%swap3A_589], %while3A_525#30 {strides = array<i32>} : memref<512xf32, #tpu.memory_space<vmem>>, vector<16xf32>,
      %swap3A_591 = arith.constant 496 : index
      %swap3A_592 = tpu.vector_load %arg16[%swap3A_591] {strides = array<i32>} : memref<512xf32, #tpu.memory_space<vmem>>, vector<16xf32>,
      tpu.vector_store %arg16[%swap3A_591], %while3A_525#31 {strides = array<i32>} : memref<512xf32, #tpu.memory_space<vmem>>, vector<16xf32>,
      %add3A_593 = arith.addi %mul3A_2, %add3A_410 : i32
      %dma_start3A_594 = arith.constant 0 : i32
      %dma_start3A_595 = tpu.memref_slice %arg6[%add3A_593, %dma_start3A_594] : memref<4096x512xf32, #tpu.memory_space<hbm>> -> memref<1x512xf32, #tpu.memory_space<hbm>>
      %dma_start3A_596 = tpu.memref_squeeze %dma_start3A_595 : memref<1x512xf32, #tpu.memory_space<hbm>> -> memref<512xf32, #tpu.memory_space<hbm>>
      %dma_start3A_597 = arith.constant 0 : i32
      %dma_start3A_598 = tpu.memref_slice %arg6[%add3A_593, %dma_start3A_597] : memref<4096x512xf32, #tpu.memory_space<hbm>> -> memref<1x512xf32, #tpu.memory_space<hbm>>
      %dma_start3A_599 = tpu.memref_squeeze %dma_start3A_598 : memref<1x512xf32, #tpu.memory_space<hbm>> -> memref<512xf32, #tpu.memory_space<hbm>>
      tpu.enqueue_dma source(%arg16 : memref<512xf32, #tpu.memory_space<vmem>>) target(%dma_start3A_599 : memref<512xf32, #tpu.memory_space<hbm>>) target_semaphore(%arg24 : memref<!tpu.dma_semaphore, #tpu.memory_space<semaphore_mem>>)
      %add3A_600 = arith.constant 1 : i32
      %add3A_601 = arith.addi %scan3A_217, %add3A_600 : i32
      %lt3A_602 = arith.constant 32 : i32
      %lt3A_603 = arith.cmpi slt, %add3A_601, %lt3A_602 : i32
      %convert_element_type3A_604 = arith.extui %lt3A_603 : i1 to i32
      %cond3A_605 = arith.constant 0 : i32
      %cond3A_606 = arith.cmpi ne, %convert_element_type3A_604, %cond3A_605 : i32
      scf.if %cond3A_606 {
        %add3A_1007 = arith.constant 4 : i32
        %add3A_1008 = arith.addi %add3A_410, %add3A_1007 : i32
        %get3A_1009 = arith.index_cast %add3A_1008 : i32 to index
        %get3A_1010 = tpu.vector_load %arg9[%get3A_1009] {strides = array<i32>} : memref<144xi32, #tpu.memory_space<vmem>>, vector<16xi32>,
        %slice3A_1011 = vector.extract_strided_slice %get3A_1010 {offsets = [0], sizes = [1], strides = [1]} : vector<16xi32> to vector<1xi32>
        %squeeze3A_1012 = vector.extract %slice3A_1011[0] : i32 from vector<1xi32>
        %add3A_1013 = arith.constant 7 : i32
        %add3A_1014 = arith.addi %squeeze3A_1012, %add3A_1013 : i32
        %jit3A_1015 = arith.constant 8 : i32
        %div3A_1016 = arith.divsi %add3A_1014, %jit3A_1015 : i32
        %sign3A_1017 = arith.constant 0 : i32
        %sign3A_1018 = arith.cmpi sgt, %add3A_1014, %sign3A_1017 : i32
        %sign3A_1019 = arith.extui %sign3A_1018 : i1 to i32
        %sign3A_1020 = arith.constant 0 : i32
        %sign3A_1021 = arith.cmpi slt, %add3A_1014, %sign3A_1020 : i32
        %sign3A_1022 = arith.extui %sign3A_1021 : i1 to i32
        %sign3A_1023 = arith.subi %sign3A_1019, %sign3A_1022 : i32
        %sign3A_1024 = arith.constant 0 : i32
        %sign3A_1025 = arith.cmpi sgt, %jit3A_1015, %sign3A_1024 : i32
        %sign3A_1026 = arith.extui %sign3A_1025 : i1 to i32
        %sign3A_1027 = arith.constant 0 : i32
        %sign3A_1028 = arith.cmpi slt, %jit3A_1015, %sign3A_1027 : i32
        %sign3A_1029 = arith.extui %sign3A_1028 : i1 to i32
        %sign3A_1030 = arith.subi %sign3A_1026, %sign3A_1029 : i32
        %ne3A_1031 = arith.cmpi ne, %sign3A_1023, %sign3A_1030 : i32
        %rem3A_1032 = arith.remsi %add3A_1014, %jit3A_1015 : i32
        %ne3A_1033 = arith.constant 0 : i32
        %ne3A_1034 = arith.cmpi ne, %rem3A_1032, %ne3A_1033 : i32
        %and3A_1035 = arith.andi %ne3A_1031, %ne3A_1034 : i1
        %sub3A_1036 = arith.constant 1 : i32
        %sub3A_1037 = arith.subi %div3A_1016, %sub3A_1036 : i32
        %select_n3A_1038 = arith.select %and3A_1035, %sub3A_1037, %div3A_1016 : i32
        %eq3A_1039 = arith.constant 1 : i32
        %eq3A_1040 = arith.cmpi eq, %select_n3A_1038, %eq3A_1039 : i32
        %convert_element_type3A_1041 = arith.extui %eq3A_1040 : i1 to i32
        %cond3A_1042 = arith.constant 0 : i32
        %cond3A_1043 = arith.cmpi ne, %convert_element_type3A_1041, %cond3A_1042 : i32
        scf.if %cond3A_1043 {
          %dma_start3A_1059 = arith.constant 0 : i32
          %dma_start3A_1060 = arith.constant 0 : i32
          %dma_start3A_1061 = tpu.memref_slice %arg11[%dma_start3A_1059, %dma_start3A_1060] : memref<32x256xi32, #tpu.memory_space<vmem>> -> memref<8x256xi32, #tpu.memory_space<vmem>>
          %dma_start3A_1062 = arith.constant 0 : i32
          %dma_start3A_1063 = tpu.memref_slice %arg8[%add3A_1008, %dma_start3A_1062] : memref<128x32xi32, #tpu.memory_space<vmem>> -> memref<1x8xi32, #tpu.memory_space<vmem>>
          %dma_start3A_1064 = tpu.memref_squeeze %dma_start3A_1063 : memref<1x8xi32, #tpu.memory_space<vmem>> -> memref<8xi32, #tpu.memory_space<vmem>>
          %dma_start3A_1065 = arith.constant 0 : i32
          %dma_start3A_1066 = arith.constant 0 : i32
          %dma_start3A_1067 = tpu.memref_slice %arg5[%dma_start3A_1065, %dma_start3A_1066] : memref<16384x256xi32, #tpu.memory_space<hbm>> -> memref<16384x256xi32, #tpu.memory_space<hbm>>
          tpu.enqueue_indirect_dma source(%dma_start3A_1067 : memref<16384x256xi32, #tpu.memory_space<hbm>>) target(%dma_start3A_1061 : memref<8x256xi32, #tpu.memory_space<vmem>>) offsets(%dma_start3A_1064 : memref<8xi32, #tpu.memory_space<vmem>>) semaphore(%arg20 : memref<!tpu.dma_semaphore, #tpu.memory_space<semaphore_mem>>)
        } else {
        }
        %eq3A_1044 = arith.constant 2 : i32
        %eq3A_1045 = arith.cmpi eq, %select_n3A_1038, %eq3A_1044 : i32
        %convert_element_type3A_1046 = arith.extui %eq3A_1045 : i1 to i32
        %cond3A_1047 = arith.constant 0 : i32
        %cond3A_1048 = arith.cmpi ne, %convert_element_type3A_1046, %cond3A_1047 : i32
        scf.if %cond3A_1048 {
          %dma_start3A_1059 = arith.constant 0 : i32
          %dma_start3A_1060 = arith.constant 0 : i32
          %dma_start3A_1061 = tpu.memref_slice %arg11[%dma_start3A_1059, %dma_start3A_1060] : memref<32x256xi32, #tpu.memory_space<vmem>> -> memref<16x256xi32, #tpu.memory_space<vmem>>
          %dma_start3A_1062 = arith.constant 0 : i32
          %dma_start3A_1063 = tpu.memref_slice %arg8[%add3A_1008, %dma_start3A_1062] : memref<128x32xi32, #tpu.memory_space<vmem>> -> memref<1x16xi32, #tpu.memory_space<vmem>>
          %dma_start3A_1064 = tpu.memref_squeeze %dma_start3A_1063 : memref<1x16xi32, #tpu.memory_space<vmem>> -> memref<16xi32, #tpu.memory_space<vmem>>
          %dma_start3A_1065 = arith.constant 0 : i32
          %dma_start3A_1066 = arith.constant 0 : i32
          %dma_start3A_1067 = tpu.memref_slice %arg5[%dma_start3A_1065, %dma_start3A_1066] : memref<16384x256xi32, #tpu.memory_space<hbm>> -> memref<16384x256xi32, #tpu.memory_space<hbm>>
          tpu.enqueue_indirect_dma source(%dma_start3A_1067 : memref<16384x256xi32, #tpu.memory_space<hbm>>) target(%dma_start3A_1061 : memref<16x256xi32, #tpu.memory_space<vmem>>) offsets(%dma_start3A_1064 : memref<16xi32, #tpu.memory_space<vmem>>) semaphore(%arg20 : memref<!tpu.dma_semaphore, #tpu.memory_space<semaphore_mem>>)
        } else {
        }
        %eq3A_1049 = arith.constant 3 : i32
        %eq3A_1050 = arith.cmpi eq, %select_n3A_1038, %eq3A_1049 : i32
        %convert_element_type3A_1051 = arith.extui %eq3A_1050 : i1 to i32
        %cond3A_1052 = arith.constant 0 : i32
        %cond3A_1053 = arith.cmpi ne, %convert_element_type3A_1051, %cond3A_1052 : i32
        scf.if %cond3A_1053 {
          %dma_start3A_1059 = arith.constant 0 : i32
          %dma_start3A_1060 = arith.constant 0 : i32
          %dma_start3A_1061 = tpu.memref_slice %arg11[%dma_start3A_1059, %dma_start3A_1060] : memref<32x256xi32, #tpu.memory_space<vmem>> -> memref<24x256xi32, #tpu.memory_space<vmem>>
          %dma_start3A_1062 = arith.constant 0 : i32
          %dma_start3A_1063 = tpu.memref_slice %arg8[%add3A_1008, %dma_start3A_1062] : memref<128x32xi32, #tpu.memory_space<vmem>> -> memref<1x24xi32, #tpu.memory_space<vmem>>
          %dma_start3A_1064 = tpu.memref_squeeze %dma_start3A_1063 : memref<1x24xi32, #tpu.memory_space<vmem>> -> memref<24xi32, #tpu.memory_space<vmem>>
          %dma_start3A_1065 = arith.constant 0 : i32
          %dma_start3A_1066 = arith.constant 0 : i32
          %dma_start3A_1067 = tpu.memref_slice %arg5[%dma_start3A_1065, %dma_start3A_1066] : memref<16384x256xi32, #tpu.memory_space<hbm>> -> memref<16384x256xi32, #tpu.memory_space<hbm>>
          tpu.enqueue_indirect_dma source(%dma_start3A_1067 : memref<16384x256xi32, #tpu.memory_space<hbm>>) target(%dma_start3A_1061 : memref<24x256xi32, #tpu.memory_space<vmem>>) offsets(%dma_start3A_1064 : memref<24xi32, #tpu.memory_space<vmem>>) semaphore(%arg20 : memref<!tpu.dma_semaphore, #tpu.memory_space<semaphore_mem>>)
        } else {
        }
        %eq3A_1054 = arith.constant 4 : i32
        %eq3A_1055 = arith.cmpi eq, %select_n3A_1038, %eq3A_1054 : i32
        %convert_element_type3A_1056 = arith.extui %eq3A_1055 : i1 to i32
        %cond3A_1057 = arith.constant 0 : i32
        %cond3A_1058 = arith.cmpi ne, %convert_element_type3A_1056, %cond3A_1057 : i32
        scf.if %cond3A_1058 {
          %dma_start3A_1059 = arith.constant 0 : i32
          %dma_start3A_1060 = arith.constant 0 : i32
          %dma_start3A_1061 = tpu.memref_slice %arg11[%dma_start3A_1059, %dma_start3A_1060] : memref<32x256xi32, #tpu.memory_space<vmem>> -> memref<32x256xi32, #tpu.memory_space<vmem>>
          %dma_start3A_1062 = arith.constant 0 : i32
          %dma_start3A_1063 = tpu.memref_slice %arg8[%add3A_1008, %dma_start3A_1062] : memref<128x32xi32, #tpu.memory_space<vmem>> -> memref<1x32xi32, #tpu.memory_space<vmem>>
          %dma_start3A_1064 = tpu.memref_squeeze %dma_start3A_1063 : memref<1x32xi32, #tpu.memory_space<vmem>> -> memref<32xi32, #tpu.memory_space<vmem>>
          %dma_start3A_1065 = arith.constant 0 : i32
          %dma_start3A_1066 = arith.constant 0 : i32
          %dma_start3A_1067 = tpu.memref_slice %arg5[%dma_start3A_1065, %dma_start3A_1066] : memref<16384x256xi32, #tpu.memory_space<hbm>> -> memref<16384x256xi32, #tpu.memory_space<hbm>>
          tpu.enqueue_indirect_dma source(%dma_start3A_1067 : memref<16384x256xi32, #tpu.memory_space<hbm>>) target(%dma_start3A_1061 : memref<32x256xi32, #tpu.memory_space<vmem>>) offsets(%dma_start3A_1064 : memref<32xi32, #tpu.memory_space<vmem>>) semaphore(%arg20 : memref<!tpu.dma_semaphore, #tpu.memory_space<semaphore_mem>>)
        } else {
        }
      } else {
      }
      %mul3A_607 = arith.constant 4 : i32
      %mul3A_608 = arith.muli %mul3A_607, %scan3A_217 : i32
      %add3A_609 = arith.constant 2 : i32
      %add3A_610 = arith.addi %mul3A_608, %add3A_609 : i32
      %gt3A_611 = arith.constant 0 : i32
      %gt3A_612 = arith.cmpi sgt, %scan3A_217, %gt3A_611 : i32
      %get3A_613 = arith.index_cast %add3A_610 : i32 to index
      %get3A_614 = arith.constant 0 : index
      %get3A_615 = tpu.vector_load %arg8[%get3A_613, %get3A_614] {strides = array<i32>} : memref<128x32xi32, #tpu.memory_space<vmem>>, vector<16xi32>,
      %get3A_616 = arith.index_cast %add3A_610 : i32 to index
      %get3A_617 = arith.constant 16 : index
      %get3A_618 = tpu.vector_load %arg8[%get3A_616, %get3A_617] {strides = array<i32>} : memref<128x32xi32, #tpu.memory_space<vmem>>, vector<16xi32>,
      %gather3A_619 = tpu.vector_load_idx %arg7[%get3A_615] : memref<16384xf32, #tpu.memory_space<vmem>>[vector<16xi32>], vector<16xf32>,
      %gather3A_620 = tpu.vector_load_idx %arg7[%get3A_618] : memref<16384xf32, #tpu.memory_space<vmem>>[vector<16xi32>], vector<16xf32>,
      %get3A_621 = arith.index_cast %add3A_610 : i32 to index
      %get3A_622 = tpu.vector_load %arg9[%get3A_621] {strides = array<i32>} : memref<144xi32, #tpu.memory_space<vmem>>, vector<16xi32>,
      %slice3A_623 = vector.extract_strided_slice %get3A_622 {offsets = [0], sizes = [1], strides = [1]} : vector<16xi32> to vector<1xi32>
      %squeeze3A_624 = vector.extract %slice3A_623[0] : i32 from vector<1xi32>
      %broadcast_in_dim3A_625 = vector.broadcast %squeeze3A_624 : i32 to vector<16xi32>
      %lt3A_626 = arith.cmpi slt, %iota3A, %broadcast_in_dim3A_625 : vector<16xi32>
      %add3A_627 = arith.constant 16 : i32
      %add3A_628 = vector.broadcast %add3A_627 : i32 to vector<16xi32>
      %add3A_629 = arith.addi %iota3A, %add3A_628 : vector<16xi32>
      %lt3A_630 = arith.cmpi slt, %add3A_629, %broadcast_in_dim3A_625 : vector<16xi32>
      %sub3A_631 = arith.constant 9.99999968E+37 : f32
      %sub3A_632 = vector.broadcast %sub3A_631 : f32 to vector<16xf32>
      %sub3A_633 = arith.subf %gather3A_619, %sub3A_632 : vector<16xf32>
      %select_n3A_634 = arith.select %lt3A_626, %gather3A_619, %sub3A_633 : vector<16xi1>, vector<16xf32>
      %sub3A_635 = arith.constant 9.99999968E+37 : f32
      %sub3A_636 = vector.broadcast %sub3A_635 : f32 to vector<16xf32>
      %sub3A_637 = arith.subf %gather3A_620, %sub3A_636 : vector<16xf32>
      %select_n3A_638 = arith.select %lt3A_630, %gather3A_620, %sub3A_637 : vector<16xi1>, vector<16xf32>
      %max3A_639 = arith.maximumf %select_n3A_634, %select_n3A_638 : vector<16xf32>
      %reduce_max3A_640 = arith.constant true
      %reduce_max3A_641 = vector.broadcast %reduce_max3A_640 : i1 to vector<16xi1>
      %reduce_max3A_642 = tpu.scan <max>, %max3A_639 masked %reduce_max3A_641 : vector<16xf32>, vector<16xi1> -> vector<16xf32>
      %reduce_max3A_643 = vector.extract %reduce_max3A_642[15] : f32 from vector<16xf32>
      %sub3A_644 = vector.broadcast %reduce_max3A_643 : f32 to vector<16xf32>
      %sub3A_645 = arith.subf %select_n3A_634, %sub3A_644 : vector<16xf32>
      %exp3A_646 = math.exp %sub3A_645 : vector<16xf32>
      %sub3A_647 = vector.broadcast %reduce_max3A_643 : f32 to vector<16xf32>
      %sub3A_648 = arith.subf %select_n3A_638, %sub3A_647 : vector<16xf32>
      %exp3A_649 = math.exp %sub3A_648 : vector<16xf32>
      %add3A_650 = arith.addf %exp3A_646, %exp3A_649 : vector<16xf32>
      %reduce_sum3A_651 = arith.constant true
      %reduce_sum3A_652 = vector.broadcast %reduce_sum3A_651 : i1 to vector<16xi1>
      %reduce_sum3A_653 = tpu.scan <sum>, %add3A_650 masked %reduce_sum3A_652 : vector<16xf32>, vector<16xi1> -> vector<16xf32>
      %reduce_sum3A_654 = vector.extract %reduce_sum3A_653[15] : f32 from vector<16xf32>
      %div3A_655 = vector.broadcast %reduce_sum3A_654 : f32 to vector<16xf32>
      %div3A_656 = arith.divf %exp3A_646, %div3A_655 : vector<16xf32>
      %swap3A_657 = arith.constant 0 : index
      %swap3A_658 = tpu.vector_load %arg14[%swap3A_657] {strides = array<i32>} : memref<48xf32, #tpu.memory_space<vmem>>, vector<16xf32>,
      tpu.vector_store %arg14[%swap3A_657], %div3A_656 {strides = array<i32>} : memref<48xf32, #tpu.memory_space<vmem>>, vector<16xf32>,
      %div3A_659 = vector.broadcast %reduce_sum3A_654 : f32 to vector<16xf32>
      %div3A_660 = arith.divf %exp3A_649, %div3A_659 : vector<16xf32>
      %swap3A_661 = arith.constant 16 : index
      %swap3A_662 = tpu.vector_load %arg14[%swap3A_661] {strides = array<i32>} : memref<48xf32, #tpu.memory_space<vmem>>, vector<16xf32>,
      tpu.vector_store %arg14[%swap3A_661], %div3A_660 {strides = array<i32>} : memref<48xf32, #tpu.memory_space<vmem>>, vector<16xf32>,
      %get3A_663 = arith.index_cast %add3A_610 : i32 to index
      %get3A_664 = tpu.vector_load %arg9[%get3A_663] {strides = array<i32>} : memref<144xi32, #tpu.memory_space<vmem>>, vector<16xi32>,
      %slice3A_665 = vector.extract_strided_slice %get3A_664 {offsets = [0], sizes = [1], strides = [1]} : vector<16xi32> to vector<1xi32>
      %squeeze3A_666 = vector.extract %slice3A_665[0] : i32 from vector<1xi32>
      %add3A_667 = arith.constant 7 : i32
      %add3A_668 = arith.addi %squeeze3A_666, %add3A_667 : i32
      %jit3A_669 = arith.constant 8 : i32
      %div3A_670 = arith.divsi %add3A_668, %jit3A_669 : i32
      %sign3A_671 = arith.constant 0 : i32
      %sign3A_672 = arith.cmpi sgt, %add3A_668, %sign3A_671 : i32
      %sign3A_673 = arith.extui %sign3A_672 : i1 to i32
      %sign3A_674 = arith.constant 0 : i32
      %sign3A_675 = arith.cmpi slt, %add3A_668, %sign3A_674 : i32
      %sign3A_676 = arith.extui %sign3A_675 : i1 to i32
      %sign3A_677 = arith.subi %sign3A_673, %sign3A_676 : i32
      %sign3A_678 = arith.constant 0 : i32
      %sign3A_679 = arith.cmpi sgt, %jit3A_669, %sign3A_678 : i32
      %sign3A_680 = arith.extui %sign3A_679 : i1 to i32
      %sign3A_681 = arith.constant 0 : i32
      %sign3A_682 = arith.cmpi slt, %jit3A_669, %sign3A_681 : i32
      %sign3A_683 = arith.extui %sign3A_682 : i1 to i32
      %sign3A_684 = arith.subi %sign3A_680, %sign3A_683 : i32
      %ne3A_685 = arith.cmpi ne, %sign3A_677, %sign3A_684 : i32
      %rem3A_686 = arith.remsi %add3A_668, %jit3A_669 : i32
      %ne3A_687 = arith.constant 0 : i32
      %ne3A_688 = arith.cmpi ne, %rem3A_686, %ne3A_687 : i32
      %and3A_689 = arith.andi %ne3A_685, %ne3A_688 : i1
      %sub3A_690 = arith.constant 1 : i32
      %sub3A_691 = arith.subi %div3A_670, %sub3A_690 : i32
      %select_n3A_692 = arith.select %and3A_689, %sub3A_691, %div3A_670 : i32
      %eq3A_693 = arith.constant 1 : i32
      %eq3A_694 = arith.cmpi eq, %select_n3A_692, %eq3A_693 : i32
      %convert_element_type3A_695 = arith.extui %eq3A_694 : i1 to i32
      %cond3A_696 = arith.constant 0 : i32
      %cond3A_697 = arith.cmpi ne, %convert_element_type3A_695, %cond3A_696 : i32
      scf.if %cond3A_697 {
        %dma_wait3A_1007 = arith.constant 0 : i32
        %dma_wait3A_1008 = arith.constant 0 : i32
        %dma_wait3A_1009 = tpu.memref_slice %arg12[%dma_wait3A_1007, %dma_wait3A_1008] : memref<32x256xi32, #tpu.memory_space<vmem>> -> memref<8x256xi32, #tpu.memory_space<vmem>>
        %dma_wait3A_1010 = arith.constant 0 : i32
        %dma_wait3A_1011 = tpu.memref_slice %arg8[%add3A_610, %dma_wait3A_1010] : memref<128x32xi32, #tpu.memory_space<vmem>> -> memref<1x8xi32, #tpu.memory_space<vmem>>
        %dma_wait3A_1012 = tpu.memref_squeeze %dma_wait3A_1011 : memref<1x8xi32, #tpu.memory_space<vmem>> -> memref<8xi32, #tpu.memory_space<vmem>>
        %dma_wait3A_1013 = arith.constant 0 : i32
        %dma_wait3A_1014 = arith.constant 0 : i32
        %dma_wait3A_1015 = tpu.memref_slice %arg5[%dma_wait3A_1013, %dma_wait3A_1014] : memref<16384x256xi32, #tpu.memory_space<hbm>> -> memref<16384x256xi32, #tpu.memory_space<hbm>>
        tpu.wait_indirect_dma semaphore(%arg21 : memref<!tpu.dma_semaphore, #tpu.memory_space<semaphore_mem>>) src(%dma_wait3A_1015 : memref<16384x256xi32, #tpu.memory_space<hbm>>) dst(%dma_wait3A_1009 : memref<8x256xi32, #tpu.memory_space<vmem>>)
      } else {
      }
      %eq3A_698 = arith.constant 2 : i32
      %eq3A_699 = arith.cmpi eq, %select_n3A_692, %eq3A_698 : i32
      %convert_element_type3A_700 = arith.extui %eq3A_699 : i1 to i32
      %cond3A_701 = arith.constant 0 : i32
      %cond3A_702 = arith.cmpi ne, %convert_element_type3A_700, %cond3A_701 : i32
      scf.if %cond3A_702 {
        %dma_wait3A_1007 = arith.constant 0 : i32
        %dma_wait3A_1008 = arith.constant 0 : i32
        %dma_wait3A_1009 = tpu.memref_slice %arg12[%dma_wait3A_1007, %dma_wait3A_1008] : memref<32x256xi32, #tpu.memory_space<vmem>> -> memref<16x256xi32, #tpu.memory_space<vmem>>
        %dma_wait3A_1010 = arith.constant 0 : i32
        %dma_wait3A_1011 = tpu.memref_slice %arg8[%add3A_610, %dma_wait3A_1010] : memref<128x32xi32, #tpu.memory_space<vmem>> -> memref<1x16xi32, #tpu.memory_space<vmem>>
        %dma_wait3A_1012 = tpu.memref_squeeze %dma_wait3A_1011 : memref<1x16xi32, #tpu.memory_space<vmem>> -> memref<16xi32, #tpu.memory_space<vmem>>
        %dma_wait3A_1013 = arith.constant 0 : i32
        %dma_wait3A_1014 = arith.constant 0 : i32
        %dma_wait3A_1015 = tpu.memref_slice %arg5[%dma_wait3A_1013, %dma_wait3A_1014] : memref<16384x256xi32, #tpu.memory_space<hbm>> -> memref<16384x256xi32, #tpu.memory_space<hbm>>
        tpu.wait_indirect_dma semaphore(%arg21 : memref<!tpu.dma_semaphore, #tpu.memory_space<semaphore_mem>>) src(%dma_wait3A_1015 : memref<16384x256xi32, #tpu.memory_space<hbm>>) dst(%dma_wait3A_1009 : memref<16x256xi32, #tpu.memory_space<vmem>>)
      } else {
      }
      %eq3A_703 = arith.constant 3 : i32
      %eq3A_704 = arith.cmpi eq, %select_n3A_692, %eq3A_703 : i32
      %convert_element_type3A_705 = arith.extui %eq3A_704 : i1 to i32
      %cond3A_706 = arith.constant 0 : i32
      %cond3A_707 = arith.cmpi ne, %convert_element_type3A_705, %cond3A_706 : i32
      scf.if %cond3A_707 {
        %dma_wait3A_1007 = arith.constant 0 : i32
        %dma_wait3A_1008 = arith.constant 0 : i32
        %dma_wait3A_1009 = tpu.memref_slice %arg12[%dma_wait3A_1007, %dma_wait3A_1008] : memref<32x256xi32, #tpu.memory_space<vmem>> -> memref<24x256xi32, #tpu.memory_space<vmem>>
        %dma_wait3A_1010 = arith.constant 0 : i32
        %dma_wait3A_1011 = tpu.memref_slice %arg8[%add3A_610, %dma_wait3A_1010] : memref<128x32xi32, #tpu.memory_space<vmem>> -> memref<1x24xi32, #tpu.memory_space<vmem>>
        %dma_wait3A_1012 = tpu.memref_squeeze %dma_wait3A_1011 : memref<1x24xi32, #tpu.memory_space<vmem>> -> memref<24xi32, #tpu.memory_space<vmem>>
        %dma_wait3A_1013 = arith.constant 0 : i32
        %dma_wait3A_1014 = arith.constant 0 : i32
        %dma_wait3A_1015 = tpu.memref_slice %arg5[%dma_wait3A_1013, %dma_wait3A_1014] : memref<16384x256xi32, #tpu.memory_space<hbm>> -> memref<16384x256xi32, #tpu.memory_space<hbm>>
        tpu.wait_indirect_dma semaphore(%arg21 : memref<!tpu.dma_semaphore, #tpu.memory_space<semaphore_mem>>) src(%dma_wait3A_1015 : memref<16384x256xi32, #tpu.memory_space<hbm>>) dst(%dma_wait3A_1009 : memref<24x256xi32, #tpu.memory_space<vmem>>)
      } else {
      }
      %eq3A_708 = arith.constant 4 : i32
      %eq3A_709 = arith.cmpi eq, %select_n3A_692, %eq3A_708 : i32
      %convert_element_type3A_710 = arith.extui %eq3A_709 : i1 to i32
      %cond3A_711 = arith.constant 0 : i32
      %cond3A_712 = arith.cmpi ne, %convert_element_type3A_710, %cond3A_711 : i32
      scf.if %cond3A_712 {
        %dma_wait3A_1007 = arith.constant 0 : i32
        %dma_wait3A_1008 = arith.constant 0 : i32
        %dma_wait3A_1009 = tpu.memref_slice %arg12[%dma_wait3A_1007, %dma_wait3A_1008] : memref<32x256xi32, #tpu.memory_space<vmem>> -> memref<32x256xi32, #tpu.memory_space<vmem>>
        %dma_wait3A_1010 = arith.constant 0 : i32
        %dma_wait3A_1011 = tpu.memref_slice %arg8[%add3A_610, %dma_wait3A_1010] : memref<128x32xi32, #tpu.memory_space<vmem>> -> memref<1x32xi32, #tpu.memory_space<vmem>>
        %dma_wait3A_1012 = tpu.memref_squeeze %dma_wait3A_1011 : memref<1x32xi32, #tpu.memory_space<vmem>> -> memref<32xi32, #tpu.memory_space<vmem>>
        %dma_wait3A_1013 = arith.constant 0 : i32
        %dma_wait3A_1014 = arith.constant 0 : i32
        %dma_wait3A_1015 = tpu.memref_slice %arg5[%dma_wait3A_1013, %dma_wait3A_1014] : memref<16384x256xi32, #tpu.memory_space<hbm>> -> memref<16384x256xi32, #tpu.memory_space<hbm>>
        tpu.wait_indirect_dma semaphore(%arg21 : memref<!tpu.dma_semaphore, #tpu.memory_space<semaphore_mem>>) src(%dma_wait3A_1015 : memref<16384x256xi32, #tpu.memory_space<hbm>>) dst(%dma_wait3A_1009 : memref<32x256xi32, #tpu.memory_space<vmem>>)
      } else {
      }
      %broadcast_in_dim3A_713 = arith.constant 0.000000e+00 : f32
      %broadcast_in_dim3A_714 = vector.broadcast %broadcast_in_dim3A_713 : f32 to vector<16xf32>
      %while3A_715 = arith.constant 0 : i32
      %while3A_716 = arith.subi %squeeze3A_624, %while3A_715 : i32
      %while3A_717 = arith.addi %while3A_715, %while3A_716 : i32
      %while3A_718 = arith.constant 1 : i32
      %while3A_719 = arith.divsi %while3A_716, %while3A_718 : i32
      %while3A_720 = arith.muli %while3A_719, %while3A_718 : i32
      %while3A_721 = arith.addi %while3A_715, %while3A_720 : i32
      %while3A_722 = arith.constant 1 : i32
      %while3A_723:32 = scf.for %while3A_1007 = %while3A_715 to %while3A_721 step %while3A_722 iter_args(%while3A_1008 = %broadcast_in_dim3A_714, %while3A_1009 = %broadcast_in_dim3A_714, %while3A_1010 = %broadcast_in_dim3A_714, %while3A_1011 = %broadcast_in_dim3A_714, %while3A_1012 = %broadcast_in_dim3A_714, %while3A_1013 = %broadcast_in_dim3A_714, %while3A_1014 = %broadcast_in_dim3A_714, %while3A_1015 = %broadcast_in_dim3A_714, %while3A_1016 = %broadcast_in_dim3A_714, %while3A_1017 = %broadcast_in_dim3A_714, %while3A_1018 = %broadcast_in_dim3A_714, %while3A_1019 = %broadcast_in_dim3A_714, %while3A_1020 = %broadcast_in_dim3A_714, %while3A_1021 = %broadcast_in_dim3A_714, %while3A_1022 = %broadcast_in_dim3A_714, %while3A_1023 = %broadcast_in_dim3A_714, %while3A_1024 = %broadcast_in_dim3A_714, %while3A_1025 = %broadcast_in_dim3A_714, %while3A_1026 = %broadcast_in_dim3A_714, %while3A_1027 = %broadcast_in_dim3A_714, %while3A_1028 = %broadcast_in_dim3A_714, %while3A_1029 = %broadcast_in_dim3A_714, %while3A_1030 = %broadcast_in_dim3A_714, %while3A_1031 = %broadcast_in_dim3A_714, %while3A_1032 = %broadcast_in_dim3A_714, %while3A_1033 = %broadcast_in_dim3A_714, %while3A_1034 = %broadcast_in_dim3A_714, %while3A_1035 = %broadcast_in_dim3A_714, %while3A_1036 = %broadcast_in_dim3A_714, %while3A_1037 = %broadcast_in_dim3A_714, %while3A_1038 = %broadcast_in_dim3A_714, %while3A_1039 = %broadcast_in_dim3A_714) -> (vector<16xf32>, vector<16xf32>, vector<16xf32>, vector<16xf32>, vector<16xf32>, vector<16xf32>, vector<16xf32>, vector<16xf32>, vector<16xf32>, vector<16xf32>, vector<16xf32>, vector<16xf32>, vector<16xf32>, vector<16xf32>, vector<16xf32>, vector<16xf32>, vector<16xf32>, vector<16xf32>, vector<16xf32>, vector<16xf32>, vector<16xf32>, vector<16xf32>, vector<16xf32>, vector<16xf32>, vector<16xf32>, vector<16xf32>, vector<16xf32>, vector<16xf32>, vector<16xf32>, vector<16xf32>, vector<16xf32>, vector<16xf32>)  : i32 {
        %get3A_1040 = arith.index_cast %while3A_1007 : i32 to index
        %get3A_1041 = tpu.vector_load %arg14[%get3A_1040] {strides = array<i32>} : memref<48xf32, #tpu.memory_space<vmem>>, vector<16xf32>,
        %slice3A_1042 = vector.extract_strided_slice %get3A_1041 {offsets = [0], sizes = [1], strides = [1]} : vector<16xf32> to vector<1xf32>
        %squeeze3A_1043 = vector.extract %slice3A_1042[0] : f32 from vector<1xf32>
        %broadcast_in_dim3A_1044 = vector.broadcast %squeeze3A_1043 : f32 to vector<16xf32>
        %get3A_1045 = arith.index_cast %while3A_1007 : i32 to index
        %get3A_1046 = arith.constant 0 : index
        %get3A_1047 = tpu.vector_load %arg12[%get3A_1045, %get3A_1046] {strides = array<i32>} : memref<32x256xi32, #tpu.memory_space<vmem>>, vector<16xi32>,
        %bitcast3A = vector.bitcast %get3A_1047 : vector<16xi32> to vector<32xbf16>
        %unpack3A = tpu.unpack_subelements %bitcast3A, 0 {pack_format = #tpu.pack_format<interleaved>} : vector<32xbf16> -> vector<16xf32>
        %unpack3A_1048 = tpu.unpack_subelements %bitcast3A, 1 {pack_format = #tpu.pack_format<interleaved>} : vector<32xbf16> -> vector<16xf32>
        %mul3A_1049 = arith.mulf %broadcast_in_dim3A_1044, %unpack3A : vector<16xf32>
        %add3A_1050 = arith.addf %while3A_1008, %mul3A_1049 : vector<16xf32>
        %mul3A_1051 = arith.mulf %broadcast_in_dim3A_1044, %unpack3A_1048 : vector<16xf32>
        %add3A_1052 = arith.addf %while3A_1009, %mul3A_1051 : vector<16xf32>
        %get3A_1053 = arith.index_cast %while3A_1007 : i32 to index
        %get3A_1054 = arith.constant 16 : index
        %get3A_1055 = tpu.vector_load %arg12[%get3A_1053, %get3A_1054] {strides = array<i32>} : memref<32x256xi32, #tpu.memory_space<vmem>>, vector<16xi32>,
        %bitcast3A_1056 = vector.bitcast %get3A_1055 : vector<16xi32> to vector<32xbf16>
        %unpack3A_1057 = tpu.unpack_subelements %bitcast3A_1056, 0 {pack_format = #tpu.pack_format<interleaved>} : vector<32xbf16> -> vector<16xf32>
        %unpack3A_1058 = tpu.unpack_subelements %bitcast3A_1056, 1 {pack_format = #tpu.pack_format<interleaved>} : vector<32xbf16> -> vector<16xf32>
        %mul3A_1059 = arith.mulf %broadcast_in_dim3A_1044, %unpack3A_1057 : vector<16xf32>
        %add3A_1060 = arith.addf %while3A_1010, %mul3A_1059 : vector<16xf32>
        %mul3A_1061 = arith.mulf %broadcast_in_dim3A_1044, %unpack3A_1058 : vector<16xf32>
        %add3A_1062 = arith.addf %while3A_1011, %mul3A_1061 : vector<16xf32>
        %get3A_1063 = arith.index_cast %while3A_1007 : i32 to index
        %get3A_1064 = arith.constant 32 : index
        %get3A_1065 = tpu.vector_load %arg12[%get3A_1063, %get3A_1064] {strides = array<i32>} : memref<32x256xi32, #tpu.memory_space<vmem>>, vector<16xi32>,
        %bitcast3A_1066 = vector.bitcast %get3A_1065 : vector<16xi32> to vector<32xbf16>
        %unpack3A_1067 = tpu.unpack_subelements %bitcast3A_1066, 0 {pack_format = #tpu.pack_format<interleaved>} : vector<32xbf16> -> vector<16xf32>
        %unpack3A_1068 = tpu.unpack_subelements %bitcast3A_1066, 1 {pack_format = #tpu.pack_format<interleaved>} : vector<32xbf16> -> vector<16xf32>
        %mul3A_1069 = arith.mulf %broadcast_in_dim3A_1044, %unpack3A_1067 : vector<16xf32>
        %add3A_1070 = arith.addf %while3A_1012, %mul3A_1069 : vector<16xf32>
        %mul3A_1071 = arith.mulf %broadcast_in_dim3A_1044, %unpack3A_1068 : vector<16xf32>
        %add3A_1072 = arith.addf %while3A_1013, %mul3A_1071 : vector<16xf32>
        %get3A_1073 = arith.index_cast %while3A_1007 : i32 to index
        %get3A_1074 = arith.constant 48 : index
        %get3A_1075 = tpu.vector_load %arg12[%get3A_1073, %get3A_1074] {strides = array<i32>} : memref<32x256xi32, #tpu.memory_space<vmem>>, vector<16xi32>,
        %bitcast3A_1076 = vector.bitcast %get3A_1075 : vector<16xi32> to vector<32xbf16>
        %unpack3A_1077 = tpu.unpack_subelements %bitcast3A_1076, 0 {pack_format = #tpu.pack_format<interleaved>} : vector<32xbf16> -> vector<16xf32>
        %unpack3A_1078 = tpu.unpack_subelements %bitcast3A_1076, 1 {pack_format = #tpu.pack_format<interleaved>} : vector<32xbf16> -> vector<16xf32>
        %mul3A_1079 = arith.mulf %broadcast_in_dim3A_1044, %unpack3A_1077 : vector<16xf32>
        %add3A_1080 = arith.addf %while3A_1014, %mul3A_1079 : vector<16xf32>
        %mul3A_1081 = arith.mulf %broadcast_in_dim3A_1044, %unpack3A_1078 : vector<16xf32>
        %add3A_1082 = arith.addf %while3A_1015, %mul3A_1081 : vector<16xf32>
        %get3A_1083 = arith.index_cast %while3A_1007 : i32 to index
        %get3A_1084 = arith.constant 64 : index
        %get3A_1085 = tpu.vector_load %arg12[%get3A_1083, %get3A_1084] {strides = array<i32>} : memref<32x256xi32, #tpu.memory_space<vmem>>, vector<16xi32>,
        %bitcast3A_1086 = vector.bitcast %get3A_1085 : vector<16xi32> to vector<32xbf16>
        %unpack3A_1087 = tpu.unpack_subelements %bitcast3A_1086, 0 {pack_format = #tpu.pack_format<interleaved>} : vector<32xbf16> -> vector<16xf32>
        %unpack3A_1088 = tpu.unpack_subelements %bitcast3A_1086, 1 {pack_format = #tpu.pack_format<interleaved>} : vector<32xbf16> -> vector<16xf32>
        %mul3A_1089 = arith.mulf %broadcast_in_dim3A_1044, %unpack3A_1087 : vector<16xf32>
        %add3A_1090 = arith.addf %while3A_1016, %mul3A_1089 : vector<16xf32>
        %mul3A_1091 = arith.mulf %broadcast_in_dim3A_1044, %unpack3A_1088 : vector<16xf32>
        %add3A_1092 = arith.addf %while3A_1017, %mul3A_1091 : vector<16xf32>
        %get3A_1093 = arith.index_cast %while3A_1007 : i32 to index
        %get3A_1094 = arith.constant 80 : index
        %get3A_1095 = tpu.vector_load %arg12[%get3A_1093, %get3A_1094] {strides = array<i32>} : memref<32x256xi32, #tpu.memory_space<vmem>>, vector<16xi32>,
        %bitcast3A_1096 = vector.bitcast %get3A_1095 : vector<16xi32> to vector<32xbf16>
        %unpack3A_1097 = tpu.unpack_subelements %bitcast3A_1096, 0 {pack_format = #tpu.pack_format<interleaved>} : vector<32xbf16> -> vector<16xf32>
        %unpack3A_1098 = tpu.unpack_subelements %bitcast3A_1096, 1 {pack_format = #tpu.pack_format<interleaved>} : vector<32xbf16> -> vector<16xf32>
        %mul3A_1099 = arith.mulf %broadcast_in_dim3A_1044, %unpack3A_1097 : vector<16xf32>
        %add3A_1100 = arith.addf %while3A_1018, %mul3A_1099 : vector<16xf32>
        %mul3A_1101 = arith.mulf %broadcast_in_dim3A_1044, %unpack3A_1098 : vector<16xf32>
        %add3A_1102 = arith.addf %while3A_1019, %mul3A_1101 : vector<16xf32>
        %get3A_1103 = arith.index_cast %while3A_1007 : i32 to index
        %get3A_1104 = arith.constant 96 : index
        %get3A_1105 = tpu.vector_load %arg12[%get3A_1103, %get3A_1104] {strides = array<i32>} : memref<32x256xi32, #tpu.memory_space<vmem>>, vector<16xi32>,
        %bitcast3A_1106 = vector.bitcast %get3A_1105 : vector<16xi32> to vector<32xbf16>
        %unpack3A_1107 = tpu.unpack_subelements %bitcast3A_1106, 0 {pack_format = #tpu.pack_format<interleaved>} : vector<32xbf16> -> vector<16xf32>
        %unpack3A_1108 = tpu.unpack_subelements %bitcast3A_1106, 1 {pack_format = #tpu.pack_format<interleaved>} : vector<32xbf16> -> vector<16xf32>
        %mul3A_1109 = arith.mulf %broadcast_in_dim3A_1044, %unpack3A_1107 : vector<16xf32>
        %add3A_1110 = arith.addf %while3A_1020, %mul3A_1109 : vector<16xf32>
        %mul3A_1111 = arith.mulf %broadcast_in_dim3A_1044, %unpack3A_1108 : vector<16xf32>
        %add3A_1112 = arith.addf %while3A_1021, %mul3A_1111 : vector<16xf32>
        %get3A_1113 = arith.index_cast %while3A_1007 : i32 to index
        %get3A_1114 = arith.constant 112 : index
        %get3A_1115 = tpu.vector_load %arg12[%get3A_1113, %get3A_1114] {strides = array<i32>} : memref<32x256xi32, #tpu.memory_space<vmem>>, vector<16xi32>,
        %bitcast3A_1116 = vector.bitcast %get3A_1115 : vector<16xi32> to vector<32xbf16>
        %unpack3A_1117 = tpu.unpack_subelements %bitcast3A_1116, 0 {pack_format = #tpu.pack_format<interleaved>} : vector<32xbf16> -> vector<16xf32>
        %unpack3A_1118 = tpu.unpack_subelements %bitcast3A_1116, 1 {pack_format = #tpu.pack_format<interleaved>} : vector<32xbf16> -> vector<16xf32>
        %mul3A_1119 = arith.mulf %broadcast_in_dim3A_1044, %unpack3A_1117 : vector<16xf32>
        %add3A_1120 = arith.addf %while3A_1022, %mul3A_1119 : vector<16xf32>
        %mul3A_1121 = arith.mulf %broadcast_in_dim3A_1044, %unpack3A_1118 : vector<16xf32>
        %add3A_1122 = arith.addf %while3A_1023, %mul3A_1121 : vector<16xf32>
        %get3A_1123 = arith.index_cast %while3A_1007 : i32 to index
        %get3A_1124 = arith.constant 128 : index
        %get3A_1125 = tpu.vector_load %arg12[%get3A_1123, %get3A_1124] {strides = array<i32>} : memref<32x256xi32, #tpu.memory_space<vmem>>, vector<16xi32>,
        %bitcast3A_1126 = vector.bitcast %get3A_1125 : vector<16xi32> to vector<32xbf16>
        %unpack3A_1127 = tpu.unpack_subelements %bitcast3A_1126, 0 {pack_format = #tpu.pack_format<interleaved>} : vector<32xbf16> -> vector<16xf32>
        %unpack3A_1128 = tpu.unpack_subelements %bitcast3A_1126, 1 {pack_format = #tpu.pack_format<interleaved>} : vector<32xbf16> -> vector<16xf32>
        %mul3A_1129 = arith.mulf %broadcast_in_dim3A_1044, %unpack3A_1127 : vector<16xf32>
        %add3A_1130 = arith.addf %while3A_1024, %mul3A_1129 : vector<16xf32>
        %mul3A_1131 = arith.mulf %broadcast_in_dim3A_1044, %unpack3A_1128 : vector<16xf32>
        %add3A_1132 = arith.addf %while3A_1025, %mul3A_1131 : vector<16xf32>
        %get3A_1133 = arith.index_cast %while3A_1007 : i32 to index
        %get3A_1134 = arith.constant 144 : index
        %get3A_1135 = tpu.vector_load %arg12[%get3A_1133, %get3A_1134] {strides = array<i32>} : memref<32x256xi32, #tpu.memory_space<vmem>>, vector<16xi32>,
        %bitcast3A_1136 = vector.bitcast %get3A_1135 : vector<16xi32> to vector<32xbf16>
        %unpack3A_1137 = tpu.unpack_subelements %bitcast3A_1136, 0 {pack_format = #tpu.pack_format<interleaved>} : vector<32xbf16> -> vector<16xf32>
        %unpack3A_1138 = tpu.unpack_subelements %bitcast3A_1136, 1 {pack_format = #tpu.pack_format<interleaved>} : vector<32xbf16> -> vector<16xf32>
        %mul3A_1139 = arith.mulf %broadcast_in_dim3A_1044, %unpack3A_1137 : vector<16xf32>
        %add3A_1140 = arith.addf %while3A_1026, %mul3A_1139 : vector<16xf32>
        %mul3A_1141 = arith.mulf %broadcast_in_dim3A_1044, %unpack3A_1138 : vector<16xf32>
        %add3A_1142 = arith.addf %while3A_1027, %mul3A_1141 : vector<16xf32>
        %get3A_1143 = arith.index_cast %while3A_1007 : i32 to index
        %get3A_1144 = arith.constant 160 : index
        %get3A_1145 = tpu.vector_load %arg12[%get3A_1143, %get3A_1144] {strides = array<i32>} : memref<32x256xi32, #tpu.memory_space<vmem>>, vector<16xi32>,
        %bitcast3A_1146 = vector.bitcast %get3A_1145 : vector<16xi32> to vector<32xbf16>
        %unpack3A_1147 = tpu.unpack_subelements %bitcast3A_1146, 0 {pack_format = #tpu.pack_format<interleaved>} : vector<32xbf16> -> vector<16xf32>
        %unpack3A_1148 = tpu.unpack_subelements %bitcast3A_1146, 1 {pack_format = #tpu.pack_format<interleaved>} : vector<32xbf16> -> vector<16xf32>
        %mul3A_1149 = arith.mulf %broadcast_in_dim3A_1044, %unpack3A_1147 : vector<16xf32>
        %add3A_1150 = arith.addf %while3A_1028, %mul3A_1149 : vector<16xf32>
        %mul3A_1151 = arith.mulf %broadcast_in_dim3A_1044, %unpack3A_1148 : vector<16xf32>
        %add3A_1152 = arith.addf %while3A_1029, %mul3A_1151 : vector<16xf32>
        %get3A_1153 = arith.index_cast %while3A_1007 : i32 to index
        %get3A_1154 = arith.constant 176 : index
        %get3A_1155 = tpu.vector_load %arg12[%get3A_1153, %get3A_1154] {strides = array<i32>} : memref<32x256xi32, #tpu.memory_space<vmem>>, vector<16xi32>,
        %bitcast3A_1156 = vector.bitcast %get3A_1155 : vector<16xi32> to vector<32xbf16>
        %unpack3A_1157 = tpu.unpack_subelements %bitcast3A_1156, 0 {pack_format = #tpu.pack_format<interleaved>} : vector<32xbf16> -> vector<16xf32>
        %unpack3A_1158 = tpu.unpack_subelements %bitcast3A_1156, 1 {pack_format = #tpu.pack_format<interleaved>} : vector<32xbf16> -> vector<16xf32>
        %mul3A_1159 = arith.mulf %broadcast_in_dim3A_1044, %unpack3A_1157 : vector<16xf32>
        %add3A_1160 = arith.addf %while3A_1030, %mul3A_1159 : vector<16xf32>
        %mul3A_1161 = arith.mulf %broadcast_in_dim3A_1044, %unpack3A_1158 : vector<16xf32>
        %add3A_1162 = arith.addf %while3A_1031, %mul3A_1161 : vector<16xf32>
        %get3A_1163 = arith.index_cast %while3A_1007 : i32 to index
        %get3A_1164 = arith.constant 192 : index
        %get3A_1165 = tpu.vector_load %arg12[%get3A_1163, %get3A_1164] {strides = array<i32>} : memref<32x256xi32, #tpu.memory_space<vmem>>, vector<16xi32>,
        %bitcast3A_1166 = vector.bitcast %get3A_1165 : vector<16xi32> to vector<32xbf16>
        %unpack3A_1167 = tpu.unpack_subelements %bitcast3A_1166, 0 {pack_format = #tpu.pack_format<interleaved>} : vector<32xbf16> -> vector<16xf32>
        %unpack3A_1168 = tpu.unpack_subelements %bitcast3A_1166, 1 {pack_format = #tpu.pack_format<interleaved>} : vector<32xbf16> -> vector<16xf32>
        %mul3A_1169 = arith.mulf %broadcast_in_dim3A_1044, %unpack3A_1167 : vector<16xf32>
        %add3A_1170 = arith.addf %while3A_1032, %mul3A_1169 : vector<16xf32>
        %mul3A_1171 = arith.mulf %broadcast_in_dim3A_1044, %unpack3A_1168 : vector<16xf32>
        %add3A_1172 = arith.addf %while3A_1033, %mul3A_1171 : vector<16xf32>
        %get3A_1173 = arith.index_cast %while3A_1007 : i32 to index
        %get3A_1174 = arith.constant 208 : index
        %get3A_1175 = tpu.vector_load %arg12[%get3A_1173, %get3A_1174] {strides = array<i32>} : memref<32x256xi32, #tpu.memory_space<vmem>>, vector<16xi32>,
        %bitcast3A_1176 = vector.bitcast %get3A_1175 : vector<16xi32> to vector<32xbf16>
        %unpack3A_1177 = tpu.unpack_subelements %bitcast3A_1176, 0 {pack_format = #tpu.pack_format<interleaved>} : vector<32xbf16> -> vector<16xf32>
        %unpack3A_1178 = tpu.unpack_subelements %bitcast3A_1176, 1 {pack_format = #tpu.pack_format<interleaved>} : vector<32xbf16> -> vector<16xf32>
        %mul3A_1179 = arith.mulf %broadcast_in_dim3A_1044, %unpack3A_1177 : vector<16xf32>
        %add3A_1180 = arith.addf %while3A_1034, %mul3A_1179 : vector<16xf32>
        %mul3A_1181 = arith.mulf %broadcast_in_dim3A_1044, %unpack3A_1178 : vector<16xf32>
        %add3A_1182 = arith.addf %while3A_1035, %mul3A_1181 : vector<16xf32>
        %get3A_1183 = arith.index_cast %while3A_1007 : i32 to index
        %get3A_1184 = arith.constant 224 : index
        %get3A_1185 = tpu.vector_load %arg12[%get3A_1183, %get3A_1184] {strides = array<i32>} : memref<32x256xi32, #tpu.memory_space<vmem>>, vector<16xi32>,
        %bitcast3A_1186 = vector.bitcast %get3A_1185 : vector<16xi32> to vector<32xbf16>
        %unpack3A_1187 = tpu.unpack_subelements %bitcast3A_1186, 0 {pack_format = #tpu.pack_format<interleaved>} : vector<32xbf16> -> vector<16xf32>
        %unpack3A_1188 = tpu.unpack_subelements %bitcast3A_1186, 1 {pack_format = #tpu.pack_format<interleaved>} : vector<32xbf16> -> vector<16xf32>
        %mul3A_1189 = arith.mulf %broadcast_in_dim3A_1044, %unpack3A_1187 : vector<16xf32>
        %add3A_1190 = arith.addf %while3A_1036, %mul3A_1189 : vector<16xf32>
        %mul3A_1191 = arith.mulf %broadcast_in_dim3A_1044, %unpack3A_1188 : vector<16xf32>
        %add3A_1192 = arith.addf %while3A_1037, %mul3A_1191 : vector<16xf32>
        %get3A_1193 = arith.index_cast %while3A_1007 : i32 to index
        %get3A_1194 = arith.constant 240 : index
        %get3A_1195 = tpu.vector_load %arg12[%get3A_1193, %get3A_1194] {strides = array<i32>} : memref<32x256xi32, #tpu.memory_space<vmem>>, vector<16xi32>,
        %bitcast3A_1196 = vector.bitcast %get3A_1195 : vector<16xi32> to vector<32xbf16>
        %unpack3A_1197 = tpu.unpack_subelements %bitcast3A_1196, 0 {pack_format = #tpu.pack_format<interleaved>} : vector<32xbf16> -> vector<16xf32>
        %unpack3A_1198 = tpu.unpack_subelements %bitcast3A_1196, 1 {pack_format = #tpu.pack_format<interleaved>} : vector<32xbf16> -> vector<16xf32>
        %mul3A_1199 = arith.mulf %broadcast_in_dim3A_1044, %unpack3A_1197 : vector<16xf32>
        %add3A_1200 = arith.addf %while3A_1038, %mul3A_1199 : vector<16xf32>
        %mul3A_1201 = arith.mulf %broadcast_in_dim3A_1044, %unpack3A_1198 : vector<16xf32>
        %add3A_1202 = arith.addf %while3A_1039, %mul3A_1201 : vector<16xf32>
        scf.yield %add3A_1050, %add3A_1052, %add3A_1060, %add3A_1062, %add3A_1070, %add3A_1072, %add3A_1080, %add3A_1082, %add3A_1090, %add3A_1092, %add3A_1100, %add3A_1102, %add3A_1110, %add3A_1112, %add3A_1120, %add3A_1122, %add3A_1130, %add3A_1132, %add3A_1140, %add3A_1142, %add3A_1150, %add3A_1152, %add3A_1160, %add3A_1162, %add3A_1170, %add3A_1172, %add3A_1180, %add3A_1182, %add3A_1190, %add3A_1192, %add3A_1200, %add3A_1202 : vector<16xf32>, vector<16xf32>, vector<16xf32>, vector<16xf32>, vector<16xf32>, vector<16xf32>, vector<16xf32>, vector<16xf32>, vector<16xf32>, vector<16xf32>, vector<16xf32>, vector<16xf32>, vector<16xf32>, vector<16xf32>, vector<16xf32>, vector<16xf32>, vector<16xf32>, vector<16xf32>, vector<16xf32>, vector<16xf32>, vector<16xf32>, vector<16xf32>, vector<16xf32>, vector<16xf32>, vector<16xf32>, vector<16xf32>, vector<16xf32>, vector<16xf32>, vector<16xf32>, vector<16xf32>, vector<16xf32>, vector<16xf32>
      }
      %while3A_724 = arith.constant 1 : i32
      %while3A_725:32 = scf.for %while3A_1007 = %while3A_721 to %while3A_717 step %while3A_724 iter_args(%while3A_1008 = %while3A_723#0, %while3A_1009 = %while3A_723#1, %while3A_1010 = %while3A_723#2, %while3A_1011 = %while3A_723#3, %while3A_1012 = %while3A_723#4, %while3A_1013 = %while3A_723#5, %while3A_1014 = %while3A_723#6, %while3A_1015 = %while3A_723#7, %while3A_1016 = %while3A_723#8, %while3A_1017 = %while3A_723#9, %while3A_1018 = %while3A_723#10, %while3A_1019 = %while3A_723#11, %while3A_1020 = %while3A_723#12, %while3A_1021 = %while3A_723#13, %while3A_1022 = %while3A_723#14, %while3A_1023 = %while3A_723#15, %while3A_1024 = %while3A_723#16, %while3A_1025 = %while3A_723#17, %while3A_1026 = %while3A_723#18, %while3A_1027 = %while3A_723#19, %while3A_1028 = %while3A_723#20, %while3A_1029 = %while3A_723#21, %while3A_1030 = %while3A_723#22, %while3A_1031 = %while3A_723#23, %while3A_1032 = %while3A_723#24, %while3A_1033 = %while3A_723#25, %while3A_1034 = %while3A_723#26, %while3A_1035 = %while3A_723#27, %while3A_1036 = %while3A_723#28, %while3A_1037 = %while3A_723#29, %while3A_1038 = %while3A_723#30, %while3A_1039 = %while3A_723#31) -> (vector<16xf32>, vector<16xf32>, vector<16xf32>, vector<16xf32>, vector<16xf32>, vector<16xf32>, vector<16xf32>, vector<16xf32>, vector<16xf32>, vector<16xf32>, vector<16xf32>, vector<16xf32>, vector<16xf32>, vector<16xf32>, vector<16xf32>, vector<16xf32>, vector<16xf32>, vector<16xf32>, vector<16xf32>, vector<16xf32>, vector<16xf32>, vector<16xf32>, vector<16xf32>, vector<16xf32>, vector<16xf32>, vector<16xf32>, vector<16xf32>, vector<16xf32>, vector<16xf32>, vector<16xf32>, vector<16xf32>, vector<16xf32>)  : i32 {
        %get3A_1040 = arith.index_cast %while3A_1007 : i32 to index
        %get3A_1041 = tpu.vector_load %arg14[%get3A_1040] {strides = array<i32>} : memref<48xf32, #tpu.memory_space<vmem>>, vector<16xf32>,
        %slice3A_1042 = vector.extract_strided_slice %get3A_1041 {offsets = [0], sizes = [1], strides = [1]} : vector<16xf32> to vector<1xf32>
        %squeeze3A_1043 = vector.extract %slice3A_1042[0] : f32 from vector<1xf32>
        %broadcast_in_dim3A_1044 = vector.broadcast %squeeze3A_1043 : f32 to vector<16xf32>
        %get3A_1045 = arith.index_cast %while3A_1007 : i32 to index
        %get3A_1046 = arith.constant 0 : index
        %get3A_1047 = tpu.vector_load %arg12[%get3A_1045, %get3A_1046] {strides = array<i32>} : memref<32x256xi32, #tpu.memory_space<vmem>>, vector<16xi32>,
        %bitcast3A = vector.bitcast %get3A_1047 : vector<16xi32> to vector<32xbf16>
        %unpack3A = tpu.unpack_subelements %bitcast3A, 0 {pack_format = #tpu.pack_format<interleaved>} : vector<32xbf16> -> vector<16xf32>
        %unpack3A_1048 = tpu.unpack_subelements %bitcast3A, 1 {pack_format = #tpu.pack_format<interleaved>} : vector<32xbf16> -> vector<16xf32>
        %mul3A_1049 = arith.mulf %broadcast_in_dim3A_1044, %unpack3A : vector<16xf32>
        %add3A_1050 = arith.addf %while3A_1008, %mul3A_1049 : vector<16xf32>
        %mul3A_1051 = arith.mulf %broadcast_in_dim3A_1044, %unpack3A_1048 : vector<16xf32>
        %add3A_1052 = arith.addf %while3A_1009, %mul3A_1051 : vector<16xf32>
        %get3A_1053 = arith.index_cast %while3A_1007 : i32 to index
        %get3A_1054 = arith.constant 16 : index
        %get3A_1055 = tpu.vector_load %arg12[%get3A_1053, %get3A_1054] {strides = array<i32>} : memref<32x256xi32, #tpu.memory_space<vmem>>, vector<16xi32>,
        %bitcast3A_1056 = vector.bitcast %get3A_1055 : vector<16xi32> to vector<32xbf16>
        %unpack3A_1057 = tpu.unpack_subelements %bitcast3A_1056, 0 {pack_format = #tpu.pack_format<interleaved>} : vector<32xbf16> -> vector<16xf32>
        %unpack3A_1058 = tpu.unpack_subelements %bitcast3A_1056, 1 {pack_format = #tpu.pack_format<interleaved>} : vector<32xbf16> -> vector<16xf32>
        %mul3A_1059 = arith.mulf %broadcast_in_dim3A_1044, %unpack3A_1057 : vector<16xf32>
        %add3A_1060 = arith.addf %while3A_1010, %mul3A_1059 : vector<16xf32>
        %mul3A_1061 = arith.mulf %broadcast_in_dim3A_1044, %unpack3A_1058 : vector<16xf32>
        %add3A_1062 = arith.addf %while3A_1011, %mul3A_1061 : vector<16xf32>
        %get3A_1063 = arith.index_cast %while3A_1007 : i32 to index
        %get3A_1064 = arith.constant 32 : index
        %get3A_1065 = tpu.vector_load %arg12[%get3A_1063, %get3A_1064] {strides = array<i32>} : memref<32x256xi32, #tpu.memory_space<vmem>>, vector<16xi32>,
        %bitcast3A_1066 = vector.bitcast %get3A_1065 : vector<16xi32> to vector<32xbf16>
        %unpack3A_1067 = tpu.unpack_subelements %bitcast3A_1066, 0 {pack_format = #tpu.pack_format<interleaved>} : vector<32xbf16> -> vector<16xf32>
        %unpack3A_1068 = tpu.unpack_subelements %bitcast3A_1066, 1 {pack_format = #tpu.pack_format<interleaved>} : vector<32xbf16> -> vector<16xf32>
        %mul3A_1069 = arith.mulf %broadcast_in_dim3A_1044, %unpack3A_1067 : vector<16xf32>
        %add3A_1070 = arith.addf %while3A_1012, %mul3A_1069 : vector<16xf32>
        %mul3A_1071 = arith.mulf %broadcast_in_dim3A_1044, %unpack3A_1068 : vector<16xf32>
        %add3A_1072 = arith.addf %while3A_1013, %mul3A_1071 : vector<16xf32>
        %get3A_1073 = arith.index_cast %while3A_1007 : i32 to index
        %get3A_1074 = arith.constant 48 : index
        %get3A_1075 = tpu.vector_load %arg12[%get3A_1073, %get3A_1074] {strides = array<i32>} : memref<32x256xi32, #tpu.memory_space<vmem>>, vector<16xi32>,
        %bitcast3A_1076 = vector.bitcast %get3A_1075 : vector<16xi32> to vector<32xbf16>
        %unpack3A_1077 = tpu.unpack_subelements %bitcast3A_1076, 0 {pack_format = #tpu.pack_format<interleaved>} : vector<32xbf16> -> vector<16xf32>
        %unpack3A_1078 = tpu.unpack_subelements %bitcast3A_1076, 1 {pack_format = #tpu.pack_format<interleaved>} : vector<32xbf16> -> vector<16xf32>
        %mul3A_1079 = arith.mulf %broadcast_in_dim3A_1044, %unpack3A_1077 : vector<16xf32>
        %add3A_1080 = arith.addf %while3A_1014, %mul3A_1079 : vector<16xf32>
        %mul3A_1081 = arith.mulf %broadcast_in_dim3A_1044, %unpack3A_1078 : vector<16xf32>
        %add3A_1082 = arith.addf %while3A_1015, %mul3A_1081 : vector<16xf32>
        %get3A_1083 = arith.index_cast %while3A_1007 : i32 to index
        %get3A_1084 = arith.constant 64 : index
        %get3A_1085 = tpu.vector_load %arg12[%get3A_1083, %get3A_1084] {strides = array<i32>} : memref<32x256xi32, #tpu.memory_space<vmem>>, vector<16xi32>,
        %bitcast3A_1086 = vector.bitcast %get3A_1085 : vector<16xi32> to vector<32xbf16>
        %unpack3A_1087 = tpu.unpack_subelements %bitcast3A_1086, 0 {pack_format = #tpu.pack_format<interleaved>} : vector<32xbf16> -> vector<16xf32>
        %unpack3A_1088 = tpu.unpack_subelements %bitcast3A_1086, 1 {pack_format = #tpu.pack_format<interleaved>} : vector<32xbf16> -> vector<16xf32>
        %mul3A_1089 = arith.mulf %broadcast_in_dim3A_1044, %unpack3A_1087 : vector<16xf32>
        %add3A_1090 = arith.addf %while3A_1016, %mul3A_1089 : vector<16xf32>
        %mul3A_1091 = arith.mulf %broadcast_in_dim3A_1044, %unpack3A_1088 : vector<16xf32>
        %add3A_1092 = arith.addf %while3A_1017, %mul3A_1091 : vector<16xf32>
        %get3A_1093 = arith.index_cast %while3A_1007 : i32 to index
        %get3A_1094 = arith.constant 80 : index
        %get3A_1095 = tpu.vector_load %arg12[%get3A_1093, %get3A_1094] {strides = array<i32>} : memref<32x256xi32, #tpu.memory_space<vmem>>, vector<16xi32>,
        %bitcast3A_1096 = vector.bitcast %get3A_1095 : vector<16xi32> to vector<32xbf16>
        %unpack3A_1097 = tpu.unpack_subelements %bitcast3A_1096, 0 {pack_format = #tpu.pack_format<interleaved>} : vector<32xbf16> -> vector<16xf32>
        %unpack3A_1098 = tpu.unpack_subelements %bitcast3A_1096, 1 {pack_format = #tpu.pack_format<interleaved>} : vector<32xbf16> -> vector<16xf32>
        %mul3A_1099 = arith.mulf %broadcast_in_dim3A_1044, %unpack3A_1097 : vector<16xf32>
        %add3A_1100 = arith.addf %while3A_1018, %mul3A_1099 : vector<16xf32>
        %mul3A_1101 = arith.mulf %broadcast_in_dim3A_1044, %unpack3A_1098 : vector<16xf32>
        %add3A_1102 = arith.addf %while3A_1019, %mul3A_1101 : vector<16xf32>
        %get3A_1103 = arith.index_cast %while3A_1007 : i32 to index
        %get3A_1104 = arith.constant 96 : index
        %get3A_1105 = tpu.vector_load %arg12[%get3A_1103, %get3A_1104] {strides = array<i32>} : memref<32x256xi32, #tpu.memory_space<vmem>>, vector<16xi32>,
        %bitcast3A_1106 = vector.bitcast %get3A_1105 : vector<16xi32> to vector<32xbf16>
        %unpack3A_1107 = tpu.unpack_subelements %bitcast3A_1106, 0 {pack_format = #tpu.pack_format<interleaved>} : vector<32xbf16> -> vector<16xf32>
        %unpack3A_1108 = tpu.unpack_subelements %bitcast3A_1106, 1 {pack_format = #tpu.pack_format<interleaved>} : vector<32xbf16> -> vector<16xf32>
        %mul3A_1109 = arith.mulf %broadcast_in_dim3A_1044, %unpack3A_1107 : vector<16xf32>
        %add3A_1110 = arith.addf %while3A_1020, %mul3A_1109 : vector<16xf32>
        %mul3A_1111 = arith.mulf %broadcast_in_dim3A_1044, %unpack3A_1108 : vector<16xf32>
        %add3A_1112 = arith.addf %while3A_1021, %mul3A_1111 : vector<16xf32>
        %get3A_1113 = arith.index_cast %while3A_1007 : i32 to index
        %get3A_1114 = arith.constant 112 : index
        %get3A_1115 = tpu.vector_load %arg12[%get3A_1113, %get3A_1114] {strides = array<i32>} : memref<32x256xi32, #tpu.memory_space<vmem>>, vector<16xi32>,
        %bitcast3A_1116 = vector.bitcast %get3A_1115 : vector<16xi32> to vector<32xbf16>
        %unpack3A_1117 = tpu.unpack_subelements %bitcast3A_1116, 0 {pack_format = #tpu.pack_format<interleaved>} : vector<32xbf16> -> vector<16xf32>
        %unpack3A_1118 = tpu.unpack_subelements %bitcast3A_1116, 1 {pack_format = #tpu.pack_format<interleaved>} : vector<32xbf16> -> vector<16xf32>
        %mul3A_1119 = arith.mulf %broadcast_in_dim3A_1044, %unpack3A_1117 : vector<16xf32>
        %add3A_1120 = arith.addf %while3A_1022, %mul3A_1119 : vector<16xf32>
        %mul3A_1121 = arith.mulf %broadcast_in_dim3A_1044, %unpack3A_1118 : vector<16xf32>
        %add3A_1122 = arith.addf %while3A_1023, %mul3A_1121 : vector<16xf32>
        %get3A_1123 = arith.index_cast %while3A_1007 : i32 to index
        %get3A_1124 = arith.constant 128 : index
        %get3A_1125 = tpu.vector_load %arg12[%get3A_1123, %get3A_1124] {strides = array<i32>} : memref<32x256xi32, #tpu.memory_space<vmem>>, vector<16xi32>,
        %bitcast3A_1126 = vector.bitcast %get3A_1125 : vector<16xi32> to vector<32xbf16>
        %unpack3A_1127 = tpu.unpack_subelements %bitcast3A_1126, 0 {pack_format = #tpu.pack_format<interleaved>} : vector<32xbf16> -> vector<16xf32>
        %unpack3A_1128 = tpu.unpack_subelements %bitcast3A_1126, 1 {pack_format = #tpu.pack_format<interleaved>} : vector<32xbf16> -> vector<16xf32>
        %mul3A_1129 = arith.mulf %broadcast_in_dim3A_1044, %unpack3A_1127 : vector<16xf32>
        %add3A_1130 = arith.addf %while3A_1024, %mul3A_1129 : vector<16xf32>
        %mul3A_1131 = arith.mulf %broadcast_in_dim3A_1044, %unpack3A_1128 : vector<16xf32>
        %add3A_1132 = arith.addf %while3A_1025, %mul3A_1131 : vector<16xf32>
        %get3A_1133 = arith.index_cast %while3A_1007 : i32 to index
        %get3A_1134 = arith.constant 144 : index
        %get3A_1135 = tpu.vector_load %arg12[%get3A_1133, %get3A_1134] {strides = array<i32>} : memref<32x256xi32, #tpu.memory_space<vmem>>, vector<16xi32>,
        %bitcast3A_1136 = vector.bitcast %get3A_1135 : vector<16xi32> to vector<32xbf16>
        %unpack3A_1137 = tpu.unpack_subelements %bitcast3A_1136, 0 {pack_format = #tpu.pack_format<interleaved>} : vector<32xbf16> -> vector<16xf32>
        %unpack3A_1138 = tpu.unpack_subelements %bitcast3A_1136, 1 {pack_format = #tpu.pack_format<interleaved>} : vector<32xbf16> -> vector<16xf32>
        %mul3A_1139 = arith.mulf %broadcast_in_dim3A_1044, %unpack3A_1137 : vector<16xf32>
        %add3A_1140 = arith.addf %while3A_1026, %mul3A_1139 : vector<16xf32>
        %mul3A_1141 = arith.mulf %broadcast_in_dim3A_1044, %unpack3A_1138 : vector<16xf32>
        %add3A_1142 = arith.addf %while3A_1027, %mul3A_1141 : vector<16xf32>
        %get3A_1143 = arith.index_cast %while3A_1007 : i32 to index
        %get3A_1144 = arith.constant 160 : index
        %get3A_1145 = tpu.vector_load %arg12[%get3A_1143, %get3A_1144] {strides = array<i32>} : memref<32x256xi32, #tpu.memory_space<vmem>>, vector<16xi32>,
        %bitcast3A_1146 = vector.bitcast %get3A_1145 : vector<16xi32> to vector<32xbf16>
        %unpack3A_1147 = tpu.unpack_subelements %bitcast3A_1146, 0 {pack_format = #tpu.pack_format<interleaved>} : vector<32xbf16> -> vector<16xf32>
        %unpack3A_1148 = tpu.unpack_subelements %bitcast3A_1146, 1 {pack_format = #tpu.pack_format<interleaved>} : vector<32xbf16> -> vector<16xf32>
        %mul3A_1149 = arith.mulf %broadcast_in_dim3A_1044, %unpack3A_1147 : vector<16xf32>
        %add3A_1150 = arith.addf %while3A_1028, %mul3A_1149 : vector<16xf32>
        %mul3A_1151 = arith.mulf %broadcast_in_dim3A_1044, %unpack3A_1148 : vector<16xf32>
        %add3A_1152 = arith.addf %while3A_1029, %mul3A_1151 : vector<16xf32>
        %get3A_1153 = arith.index_cast %while3A_1007 : i32 to index
        %get3A_1154 = arith.constant 176 : index
        %get3A_1155 = tpu.vector_load %arg12[%get3A_1153, %get3A_1154] {strides = array<i32>} : memref<32x256xi32, #tpu.memory_space<vmem>>, vector<16xi32>,
        %bitcast3A_1156 = vector.bitcast %get3A_1155 : vector<16xi32> to vector<32xbf16>
        %unpack3A_1157 = tpu.unpack_subelements %bitcast3A_1156, 0 {pack_format = #tpu.pack_format<interleaved>} : vector<32xbf16> -> vector<16xf32>
        %unpack3A_1158 = tpu.unpack_subelements %bitcast3A_1156, 1 {pack_format = #tpu.pack_format<interleaved>} : vector<32xbf16> -> vector<16xf32>
        %mul3A_1159 = arith.mulf %broadcast_in_dim3A_1044, %unpack3A_1157 : vector<16xf32>
        %add3A_1160 = arith.addf %while3A_1030, %mul3A_1159 : vector<16xf32>
        %mul3A_1161 = arith.mulf %broadcast_in_dim3A_1044, %unpack3A_1158 : vector<16xf32>
        %add3A_1162 = arith.addf %while3A_1031, %mul3A_1161 : vector<16xf32>
        %get3A_1163 = arith.index_cast %while3A_1007 : i32 to index
        %get3A_1164 = arith.constant 192 : index
        %get3A_1165 = tpu.vector_load %arg12[%get3A_1163, %get3A_1164] {strides = array<i32>} : memref<32x256xi32, #tpu.memory_space<vmem>>, vector<16xi32>,
        %bitcast3A_1166 = vector.bitcast %get3A_1165 : vector<16xi32> to vector<32xbf16>
        %unpack3A_1167 = tpu.unpack_subelements %bitcast3A_1166, 0 {pack_format = #tpu.pack_format<interleaved>} : vector<32xbf16> -> vector<16xf32>
        %unpack3A_1168 = tpu.unpack_subelements %bitcast3A_1166, 1 {pack_format = #tpu.pack_format<interleaved>} : vector<32xbf16> -> vector<16xf32>
        %mul3A_1169 = arith.mulf %broadcast_in_dim3A_1044, %unpack3A_1167 : vector<16xf32>
        %add3A_1170 = arith.addf %while3A_1032, %mul3A_1169 : vector<16xf32>
        %mul3A_1171 = arith.mulf %broadcast_in_dim3A_1044, %unpack3A_1168 : vector<16xf32>
        %add3A_1172 = arith.addf %while3A_1033, %mul3A_1171 : vector<16xf32>
        %get3A_1173 = arith.index_cast %while3A_1007 : i32 to index
        %get3A_1174 = arith.constant 208 : index
        %get3A_1175 = tpu.vector_load %arg12[%get3A_1173, %get3A_1174] {strides = array<i32>} : memref<32x256xi32, #tpu.memory_space<vmem>>, vector<16xi32>,
        %bitcast3A_1176 = vector.bitcast %get3A_1175 : vector<16xi32> to vector<32xbf16>
        %unpack3A_1177 = tpu.unpack_subelements %bitcast3A_1176, 0 {pack_format = #tpu.pack_format<interleaved>} : vector<32xbf16> -> vector<16xf32>
        %unpack3A_1178 = tpu.unpack_subelements %bitcast3A_1176, 1 {pack_format = #tpu.pack_format<interleaved>} : vector<32xbf16> -> vector<16xf32>
        %mul3A_1179 = arith.mulf %broadcast_in_dim3A_1044, %unpack3A_1177 : vector<16xf32>
        %add3A_1180 = arith.addf %while3A_1034, %mul3A_1179 : vector<16xf32>
        %mul3A_1181 = arith.mulf %broadcast_in_dim3A_1044, %unpack3A_1178 : vector<16xf32>
        %add3A_1182 = arith.addf %while3A_1035, %mul3A_1181 : vector<16xf32>
        %get3A_1183 = arith.index_cast %while3A_1007 : i32 to index
        %get3A_1184 = arith.constant 224 : index
        %get3A_1185 = tpu.vector_load %arg12[%get3A_1183, %get3A_1184] {strides = array<i32>} : memref<32x256xi32, #tpu.memory_space<vmem>>, vector<16xi32>,
        %bitcast3A_1186 = vector.bitcast %get3A_1185 : vector<16xi32> to vector<32xbf16>
        %unpack3A_1187 = tpu.unpack_subelements %bitcast3A_1186, 0 {pack_format = #tpu.pack_format<interleaved>} : vector<32xbf16> -> vector<16xf32>
        %unpack3A_1188 = tpu.unpack_subelements %bitcast3A_1186, 1 {pack_format = #tpu.pack_format<interleaved>} : vector<32xbf16> -> vector<16xf32>
        %mul3A_1189 = arith.mulf %broadcast_in_dim3A_1044, %unpack3A_1187 : vector<16xf32>
        %add3A_1190 = arith.addf %while3A_1036, %mul3A_1189 : vector<16xf32>
        %mul3A_1191 = arith.mulf %broadcast_in_dim3A_1044, %unpack3A_1188 : vector<16xf32>
        %add3A_1192 = arith.addf %while3A_1037, %mul3A_1191 : vector<16xf32>
        %get3A_1193 = arith.index_cast %while3A_1007 : i32 to index
        %get3A_1194 = arith.constant 240 : index
        %get3A_1195 = tpu.vector_load %arg12[%get3A_1193, %get3A_1194] {strides = array<i32>} : memref<32x256xi32, #tpu.memory_space<vmem>>, vector<16xi32>,
        %bitcast3A_1196 = vector.bitcast %get3A_1195 : vector<16xi32> to vector<32xbf16>
        %unpack3A_1197 = tpu.unpack_subelements %bitcast3A_1196, 0 {pack_format = #tpu.pack_format<interleaved>} : vector<32xbf16> -> vector<16xf32>
        %unpack3A_1198 = tpu.unpack_subelements %bitcast3A_1196, 1 {pack_format = #tpu.pack_format<interleaved>} : vector<32xbf16> -> vector<16xf32>
        %mul3A_1199 = arith.mulf %broadcast_in_dim3A_1044, %unpack3A_1197 : vector<16xf32>
        %add3A_1200 = arith.addf %while3A_1038, %mul3A_1199 : vector<16xf32>
        %mul3A_1201 = arith.mulf %broadcast_in_dim3A_1044, %unpack3A_1198 : vector<16xf32>
        %add3A_1202 = arith.addf %while3A_1039, %mul3A_1201 : vector<16xf32>
        scf.yield %add3A_1050, %add3A_1052, %add3A_1060, %add3A_1062, %add3A_1070, %add3A_1072, %add3A_1080, %add3A_1082, %add3A_1090, %add3A_1092, %add3A_1100, %add3A_1102, %add3A_1110, %add3A_1112, %add3A_1120, %add3A_1122, %add3A_1130, %add3A_1132, %add3A_1140, %add3A_1142, %add3A_1150, %add3A_1152, %add3A_1160, %add3A_1162, %add3A_1170, %add3A_1172, %add3A_1180, %add3A_1182, %add3A_1190, %add3A_1192, %add3A_1200, %add3A_1202 : vector<16xf32>, vector<16xf32>, vector<16xf32>, vector<16xf32>, vector<16xf32>, vector<16xf32>, vector<16xf32>, vector<16xf32>, vector<16xf32>, vector<16xf32>, vector<16xf32>, vector<16xf32>, vector<16xf32>, vector<16xf32>, vector<16xf32>, vector<16xf32>, vector<16xf32>, vector<16xf32>, vector<16xf32>, vector<16xf32>, vector<16xf32>, vector<16xf32>, vector<16xf32>, vector<16xf32>, vector<16xf32>, vector<16xf32>, vector<16xf32>, vector<16xf32>, vector<16xf32>, vector<16xf32>, vector<16xf32>, vector<16xf32>
      }
      %convert_element_type3A_726 = arith.extui %gt3A_612 : i1 to i32
      %cond3A_727 = arith.constant 0 : i32
      %cond3A_728 = arith.cmpi ne, %convert_element_type3A_726, %cond3A_727 : i32
      scf.if %cond3A_728 {
        %dma_wait3A_1007 = arith.constant 0 : i32
        %dma_wait3A_1008 = tpu.memref_slice %arg6[%mul3A_2, %dma_wait3A_1007] : memref<4096x512xf32, #tpu.memory_space<hbm>> -> memref<1x512xf32, #tpu.memory_space<hbm>>
        %dma_wait3A_1009 = tpu.memref_squeeze %dma_wait3A_1008 : memref<1x512xf32, #tpu.memory_space<hbm>> -> memref<512xf32, #tpu.memory_space<hbm>>
        %dma_wait3A_1010 = arith.constant 0 : i32
        %dma_wait3A_1011 = tpu.memref_slice %arg6[%mul3A_2, %dma_wait3A_1010] : memref<4096x512xf32, #tpu.memory_space<hbm>> -> memref<1x512xf32, #tpu.memory_space<hbm>>
        %dma_wait3A_1012 = tpu.memref_squeeze %dma_wait3A_1011 : memref<1x512xf32, #tpu.memory_space<hbm>> -> memref<512xf32, #tpu.memory_space<hbm>>
        tpu.wait_dma2 semaphore(%arg25 : memref<!tpu.dma_semaphore, #tpu.memory_space<semaphore_mem>>) src(%arg17 : memref<512xf32, #tpu.memory_space<vmem>>) dst(%dma_wait3A_1012 : memref<512xf32, #tpu.memory_space<hbm>>)
      } else {
      }
      %swap3A_729 = arith.constant 0 : index
      %swap3A_730 = tpu.vector_load %arg17[%swap3A_729] {strides = array<i32>} : memref<512xf32, #tpu.memory_space<vmem>>, vector<16xf32>,
      tpu.vector_store %arg17[%swap3A_729], %while3A_725#0 {strides = array<i32>} : memref<512xf32, #tpu.memory_space<vmem>>, vector<16xf32>,
      %swap3A_731 = arith.constant 256 : index
      %swap3A_732 = tpu.vector_load %arg17[%swap3A_731] {strides = array<i32>} : memref<512xf32, #tpu.memory_space<vmem>>, vector<16xf32>,
      tpu.vector_store %arg17[%swap3A_731], %while3A_725#1 {strides = array<i32>} : memref<512xf32, #tpu.memory_space<vmem>>, vector<16xf32>,
      %swap3A_733 = arith.constant 16 : index
      %swap3A_734 = tpu.vector_load %arg17[%swap3A_733] {strides = array<i32>} : memref<512xf32, #tpu.memory_space<vmem>>, vector<16xf32>,
      tpu.vector_store %arg17[%swap3A_733], %while3A_725#2 {strides = array<i32>} : memref<512xf32, #tpu.memory_space<vmem>>, vector<16xf32>,
      %swap3A_735 = arith.constant 272 : index
      %swap3A_736 = tpu.vector_load %arg17[%swap3A_735] {strides = array<i32>} : memref<512xf32, #tpu.memory_space<vmem>>, vector<16xf32>,
      tpu.vector_store %arg17[%swap3A_735], %while3A_725#3 {strides = array<i32>} : memref<512xf32, #tpu.memory_space<vmem>>, vector<16xf32>,
      %swap3A_737 = arith.constant 32 : index
      %swap3A_738 = tpu.vector_load %arg17[%swap3A_737] {strides = array<i32>} : memref<512xf32, #tpu.memory_space<vmem>>, vector<16xf32>,
      tpu.vector_store %arg17[%swap3A_737], %while3A_725#4 {strides = array<i32>} : memref<512xf32, #tpu.memory_space<vmem>>, vector<16xf32>,
      %swap3A_739 = arith.constant 288 : index
      %swap3A_740 = tpu.vector_load %arg17[%swap3A_739] {strides = array<i32>} : memref<512xf32, #tpu.memory_space<vmem>>, vector<16xf32>,
      tpu.vector_store %arg17[%swap3A_739], %while3A_725#5 {strides = array<i32>} : memref<512xf32, #tpu.memory_space<vmem>>, vector<16xf32>,
      %swap3A_741 = arith.constant 48 : index
      %swap3A_742 = tpu.vector_load %arg17[%swap3A_741] {strides = array<i32>} : memref<512xf32, #tpu.memory_space<vmem>>, vector<16xf32>,
      tpu.vector_store %arg17[%swap3A_741], %while3A_725#6 {strides = array<i32>} : memref<512xf32, #tpu.memory_space<vmem>>, vector<16xf32>,
      %swap3A_743 = arith.constant 304 : index
      %swap3A_744 = tpu.vector_load %arg17[%swap3A_743] {strides = array<i32>} : memref<512xf32, #tpu.memory_space<vmem>>, vector<16xf32>,
      tpu.vector_store %arg17[%swap3A_743], %while3A_725#7 {strides = array<i32>} : memref<512xf32, #tpu.memory_space<vmem>>, vector<16xf32>,
      %swap3A_745 = arith.constant 64 : index
      %swap3A_746 = tpu.vector_load %arg17[%swap3A_745] {strides = array<i32>} : memref<512xf32, #tpu.memory_space<vmem>>, vector<16xf32>,
      tpu.vector_store %arg17[%swap3A_745], %while3A_725#8 {strides = array<i32>} : memref<512xf32, #tpu.memory_space<vmem>>, vector<16xf32>,
      %swap3A_747 = arith.constant 320 : index
      %swap3A_748 = tpu.vector_load %arg17[%swap3A_747] {strides = array<i32>} : memref<512xf32, #tpu.memory_space<vmem>>, vector<16xf32>,
      tpu.vector_store %arg17[%swap3A_747], %while3A_725#9 {strides = array<i32>} : memref<512xf32, #tpu.memory_space<vmem>>, vector<16xf32>,
      %swap3A_749 = arith.constant 80 : index
      %swap3A_750 = tpu.vector_load %arg17[%swap3A_749] {strides = array<i32>} : memref<512xf32, #tpu.memory_space<vmem>>, vector<16xf32>,
      tpu.vector_store %arg17[%swap3A_749], %while3A_725#10 {strides = array<i32>} : memref<512xf32, #tpu.memory_space<vmem>>, vector<16xf32>,
      %swap3A_751 = arith.constant 336 : index
      %swap3A_752 = tpu.vector_load %arg17[%swap3A_751] {strides = array<i32>} : memref<512xf32, #tpu.memory_space<vmem>>, vector<16xf32>,
      tpu.vector_store %arg17[%swap3A_751], %while3A_725#11 {strides = array<i32>} : memref<512xf32, #tpu.memory_space<vmem>>, vector<16xf32>,
      %swap3A_753 = arith.constant 96 : index
      %swap3A_754 = tpu.vector_load %arg17[%swap3A_753] {strides = array<i32>} : memref<512xf32, #tpu.memory_space<vmem>>, vector<16xf32>,
      tpu.vector_store %arg17[%swap3A_753], %while3A_725#12 {strides = array<i32>} : memref<512xf32, #tpu.memory_space<vmem>>, vector<16xf32>,
      %swap3A_755 = arith.constant 352 : index
      %swap3A_756 = tpu.vector_load %arg17[%swap3A_755] {strides = array<i32>} : memref<512xf32, #tpu.memory_space<vmem>>, vector<16xf32>,
      tpu.vector_store %arg17[%swap3A_755], %while3A_725#13 {strides = array<i32>} : memref<512xf32, #tpu.memory_space<vmem>>, vector<16xf32>,
      %swap3A_757 = arith.constant 112 : index
      %swap3A_758 = tpu.vector_load %arg17[%swap3A_757] {strides = array<i32>} : memref<512xf32, #tpu.memory_space<vmem>>, vector<16xf32>,
      tpu.vector_store %arg17[%swap3A_757], %while3A_725#14 {strides = array<i32>} : memref<512xf32, #tpu.memory_space<vmem>>, vector<16xf32>,
      %swap3A_759 = arith.constant 368 : index
      %swap3A_760 = tpu.vector_load %arg17[%swap3A_759] {strides = array<i32>} : memref<512xf32, #tpu.memory_space<vmem>>, vector<16xf32>,
      tpu.vector_store %arg17[%swap3A_759], %while3A_725#15 {strides = array<i32>} : memref<512xf32, #tpu.memory_space<vmem>>, vector<16xf32>,
      %swap3A_761 = arith.constant 128 : index
      %swap3A_762 = tpu.vector_load %arg17[%swap3A_761] {strides = array<i32>} : memref<512xf32, #tpu.memory_space<vmem>>, vector<16xf32>,
      tpu.vector_store %arg17[%swap3A_761], %while3A_725#16 {strides = array<i32>} : memref<512xf32, #tpu.memory_space<vmem>>, vector<16xf32>,
      %swap3A_763 = arith.constant 384 : index
      %swap3A_764 = tpu.vector_load %arg17[%swap3A_763] {strides = array<i32>} : memref<512xf32, #tpu.memory_space<vmem>>, vector<16xf32>,
      tpu.vector_store %arg17[%swap3A_763], %while3A_725#17 {strides = array<i32>} : memref<512xf32, #tpu.memory_space<vmem>>, vector<16xf32>,
      %swap3A_765 = arith.constant 144 : index
      %swap3A_766 = tpu.vector_load %arg17[%swap3A_765] {strides = array<i32>} : memref<512xf32, #tpu.memory_space<vmem>>, vector<16xf32>,
      tpu.vector_store %arg17[%swap3A_765], %while3A_725#18 {strides = array<i32>} : memref<512xf32, #tpu.memory_space<vmem>>, vector<16xf32>,
      %swap3A_767 = arith.constant 400 : index
      %swap3A_768 = tpu.vector_load %arg17[%swap3A_767] {strides = array<i32>} : memref<512xf32, #tpu.memory_space<vmem>>, vector<16xf32>,
      tpu.vector_store %arg17[%swap3A_767], %while3A_725#19 {strides = array<i32>} : memref<512xf32, #tpu.memory_space<vmem>>, vector<16xf32>,
      %swap3A_769 = arith.constant 160 : index
      %swap3A_770 = tpu.vector_load %arg17[%swap3A_769] {strides = array<i32>} : memref<512xf32, #tpu.memory_space<vmem>>, vector<16xf32>,
      tpu.vector_store %arg17[%swap3A_769], %while3A_725#20 {strides = array<i32>} : memref<512xf32, #tpu.memory_space<vmem>>, vector<16xf32>,
      %swap3A_771 = arith.constant 416 : index
      %swap3A_772 = tpu.vector_load %arg17[%swap3A_771] {strides = array<i32>} : memref<512xf32, #tpu.memory_space<vmem>>, vector<16xf32>,
      tpu.vector_store %arg17[%swap3A_771], %while3A_725#21 {strides = array<i32>} : memref<512xf32, #tpu.memory_space<vmem>>, vector<16xf32>,
      %swap3A_773 = arith.constant 176 : index
      %swap3A_774 = tpu.vector_load %arg17[%swap3A_773] {strides = array<i32>} : memref<512xf32, #tpu.memory_space<vmem>>, vector<16xf32>,
      tpu.vector_store %arg17[%swap3A_773], %while3A_725#22 {strides = array<i32>} : memref<512xf32, #tpu.memory_space<vmem>>, vector<16xf32>,
      %swap3A_775 = arith.constant 432 : index
      %swap3A_776 = tpu.vector_load %arg17[%swap3A_775] {strides = array<i32>} : memref<512xf32, #tpu.memory_space<vmem>>, vector<16xf32>,
      tpu.vector_store %arg17[%swap3A_775], %while3A_725#23 {strides = array<i32>} : memref<512xf32, #tpu.memory_space<vmem>>, vector<16xf32>,
      %swap3A_777 = arith.constant 192 : index
      %swap3A_778 = tpu.vector_load %arg17[%swap3A_777] {strides = array<i32>} : memref<512xf32, #tpu.memory_space<vmem>>, vector<16xf32>,
      tpu.vector_store %arg17[%swap3A_777], %while3A_725#24 {strides = array<i32>} : memref<512xf32, #tpu.memory_space<vmem>>, vector<16xf32>,
      %swap3A_779 = arith.constant 448 : index
      %swap3A_780 = tpu.vector_load %arg17[%swap3A_779] {strides = array<i32>} : memref<512xf32, #tpu.memory_space<vmem>>, vector<16xf32>,
      tpu.vector_store %arg17[%swap3A_779], %while3A_725#25 {strides = array<i32>} : memref<512xf32, #tpu.memory_space<vmem>>, vector<16xf32>,
      %swap3A_781 = arith.constant 208 : index
      %swap3A_782 = tpu.vector_load %arg17[%swap3A_781] {strides = array<i32>} : memref<512xf32, #tpu.memory_space<vmem>>, vector<16xf32>,
      tpu.vector_store %arg17[%swap3A_781], %while3A_725#26 {strides = array<i32>} : memref<512xf32, #tpu.memory_space<vmem>>, vector<16xf32>,
      %swap3A_783 = arith.constant 464 : index
      %swap3A_784 = tpu.vector_load %arg17[%swap3A_783] {strides = array<i32>} : memref<512xf32, #tpu.memory_space<vmem>>, vector<16xf32>,
      tpu.vector_store %arg17[%swap3A_783], %while3A_725#27 {strides = array<i32>} : memref<512xf32, #tpu.memory_space<vmem>>, vector<16xf32>,
      %swap3A_785 = arith.constant 224 : index
      %swap3A_786 = tpu.vector_load %arg17[%swap3A_785] {strides = array<i32>} : memref<512xf32, #tpu.memory_space<vmem>>, vector<16xf32>,
      tpu.vector_store %arg17[%swap3A_785], %while3A_725#28 {strides = array<i32>} : memref<512xf32, #tpu.memory_space<vmem>>, vector<16xf32>,
      %swap3A_787 = arith.constant 480 : index
      %swap3A_788 = tpu.vector_load %arg17[%swap3A_787] {strides = array<i32>} : memref<512xf32, #tpu.memory_space<vmem>>, vector<16xf32>,
      tpu.vector_store %arg17[%swap3A_787], %while3A_725#29 {strides = array<i32>} : memref<512xf32, #tpu.memory_space<vmem>>, vector<16xf32>,
      %swap3A_789 = arith.constant 240 : index
      %swap3A_790 = tpu.vector_load %arg17[%swap3A_789] {strides = array<i32>} : memref<512xf32, #tpu.memory_space<vmem>>, vector<16xf32>,
      tpu.vector_store %arg17[%swap3A_789], %while3A_725#30 {strides = array<i32>} : memref<512xf32, #tpu.memory_space<vmem>>, vector<16xf32>,
      %swap3A_791 = arith.constant 496 : index
      %swap3A_792 = tpu.vector_load %arg17[%swap3A_791] {strides = array<i32>} : memref<512xf32, #tpu.memory_space<vmem>>, vector<16xf32>,
      tpu.vector_store %arg17[%swap3A_791], %while3A_725#31 {strides = array<i32>} : memref<512xf32, #tpu.memory_space<vmem>>, vector<16xf32>,
      %add3A_793 = arith.addi %mul3A_2, %add3A_610 : i32
      %dma_start3A_794 = arith.constant 0 : i32
      %dma_start3A_795 = tpu.memref_slice %arg6[%add3A_793, %dma_start3A_794] : memref<4096x512xf32, #tpu.memory_space<hbm>> -> memref<1x512xf32, #tpu.memory_space<hbm>>
      %dma_start3A_796 = tpu.memref_squeeze %dma_start3A_795 : memref<1x512xf32, #tpu.memory_space<hbm>> -> memref<512xf32, #tpu.memory_space<hbm>>
      %dma_start3A_797 = arith.constant 0 : i32
      %dma_start3A_798 = tpu.memref_slice %arg6[%add3A_793, %dma_start3A_797] : memref<4096x512xf32, #tpu.memory_space<hbm>> -> memref<1x512xf32, #tpu.memory_space<hbm>>
      %dma_start3A_799 = tpu.memref_squeeze %dma_start3A_798 : memref<1x512xf32, #tpu.memory_space<hbm>> -> memref<512xf32, #tpu.memory_space<hbm>>
      tpu.enqueue_dma source(%arg17 : memref<512xf32, #tpu.memory_space<vmem>>) target(%dma_start3A_799 : memref<512xf32, #tpu.memory_space<hbm>>) target_semaphore(%arg25 : memref<!tpu.dma_semaphore, #tpu.memory_space<semaphore_mem>>)
      %add3A_800 = arith.constant 1 : i32
      %add3A_801 = arith.addi %scan3A_217, %add3A_800 : i32
      %lt3A_802 = arith.constant 32 : i32
      %lt3A_803 = arith.cmpi slt, %add3A_801, %lt3A_802 : i32
      %convert_element_type3A_804 = arith.extui %lt3A_803 : i1 to i32
      %cond3A_805 = arith.constant 0 : i32
      %cond3A_806 = arith.cmpi ne, %convert_element_type3A_804, %cond3A_805 : i32
      scf.if %cond3A_806 {
        %add3A_1007 = arith.constant 4 : i32
        %add3A_1008 = arith.addi %add3A_610, %add3A_1007 : i32
        %get3A_1009 = arith.index_cast %add3A_1008 : i32 to index
        %get3A_1010 = tpu.vector_load %arg9[%get3A_1009] {strides = array<i32>} : memref<144xi32, #tpu.memory_space<vmem>>, vector<16xi32>,
        %slice3A_1011 = vector.extract_strided_slice %get3A_1010 {offsets = [0], sizes = [1], strides = [1]} : vector<16xi32> to vector<1xi32>
        %squeeze3A_1012 = vector.extract %slice3A_1011[0] : i32 from vector<1xi32>
        %add3A_1013 = arith.constant 7 : i32
        %add3A_1014 = arith.addi %squeeze3A_1012, %add3A_1013 : i32
        %jit3A_1015 = arith.constant 8 : i32
        %div3A_1016 = arith.divsi %add3A_1014, %jit3A_1015 : i32
        %sign3A_1017 = arith.constant 0 : i32
        %sign3A_1018 = arith.cmpi sgt, %add3A_1014, %sign3A_1017 : i32
        %sign3A_1019 = arith.extui %sign3A_1018 : i1 to i32
        %sign3A_1020 = arith.constant 0 : i32
        %sign3A_1021 = arith.cmpi slt, %add3A_1014, %sign3A_1020 : i32
        %sign3A_1022 = arith.extui %sign3A_1021 : i1 to i32
        %sign3A_1023 = arith.subi %sign3A_1019, %sign3A_1022 : i32
        %sign3A_1024 = arith.constant 0 : i32
        %sign3A_1025 = arith.cmpi sgt, %jit3A_1015, %sign3A_1024 : i32
        %sign3A_1026 = arith.extui %sign3A_1025 : i1 to i32
        %sign3A_1027 = arith.constant 0 : i32
        %sign3A_1028 = arith.cmpi slt, %jit3A_1015, %sign3A_1027 : i32
        %sign3A_1029 = arith.extui %sign3A_1028 : i1 to i32
        %sign3A_1030 = arith.subi %sign3A_1026, %sign3A_1029 : i32
        %ne3A_1031 = arith.cmpi ne, %sign3A_1023, %sign3A_1030 : i32
        %rem3A_1032 = arith.remsi %add3A_1014, %jit3A_1015 : i32
        %ne3A_1033 = arith.constant 0 : i32
        %ne3A_1034 = arith.cmpi ne, %rem3A_1032, %ne3A_1033 : i32
        %and3A_1035 = arith.andi %ne3A_1031, %ne3A_1034 : i1
        %sub3A_1036 = arith.constant 1 : i32
        %sub3A_1037 = arith.subi %div3A_1016, %sub3A_1036 : i32
        %select_n3A_1038 = arith.select %and3A_1035, %sub3A_1037, %div3A_1016 : i32
        %eq3A_1039 = arith.constant 1 : i32
        %eq3A_1040 = arith.cmpi eq, %select_n3A_1038, %eq3A_1039 : i32
        %convert_element_type3A_1041 = arith.extui %eq3A_1040 : i1 to i32
        %cond3A_1042 = arith.constant 0 : i32
        %cond3A_1043 = arith.cmpi ne, %convert_element_type3A_1041, %cond3A_1042 : i32
        scf.if %cond3A_1043 {
          %dma_start3A_1059 = arith.constant 0 : i32
          %dma_start3A_1060 = arith.constant 0 : i32
          %dma_start3A_1061 = tpu.memref_slice %arg12[%dma_start3A_1059, %dma_start3A_1060] : memref<32x256xi32, #tpu.memory_space<vmem>> -> memref<8x256xi32, #tpu.memory_space<vmem>>
          %dma_start3A_1062 = arith.constant 0 : i32
          %dma_start3A_1063 = tpu.memref_slice %arg8[%add3A_1008, %dma_start3A_1062] : memref<128x32xi32, #tpu.memory_space<vmem>> -> memref<1x8xi32, #tpu.memory_space<vmem>>
          %dma_start3A_1064 = tpu.memref_squeeze %dma_start3A_1063 : memref<1x8xi32, #tpu.memory_space<vmem>> -> memref<8xi32, #tpu.memory_space<vmem>>
          %dma_start3A_1065 = arith.constant 0 : i32
          %dma_start3A_1066 = arith.constant 0 : i32
          %dma_start3A_1067 = tpu.memref_slice %arg5[%dma_start3A_1065, %dma_start3A_1066] : memref<16384x256xi32, #tpu.memory_space<hbm>> -> memref<16384x256xi32, #tpu.memory_space<hbm>>
          tpu.enqueue_indirect_dma source(%dma_start3A_1067 : memref<16384x256xi32, #tpu.memory_space<hbm>>) target(%dma_start3A_1061 : memref<8x256xi32, #tpu.memory_space<vmem>>) offsets(%dma_start3A_1064 : memref<8xi32, #tpu.memory_space<vmem>>) semaphore(%arg21 : memref<!tpu.dma_semaphore, #tpu.memory_space<semaphore_mem>>)
        } else {
        }
        %eq3A_1044 = arith.constant 2 : i32
        %eq3A_1045 = arith.cmpi eq, %select_n3A_1038, %eq3A_1044 : i32
        %convert_element_type3A_1046 = arith.extui %eq3A_1045 : i1 to i32
        %cond3A_1047 = arith.constant 0 : i32
        %cond3A_1048 = arith.cmpi ne, %convert_element_type3A_1046, %cond3A_1047 : i32
        scf.if %cond3A_1048 {
          %dma_start3A_1059 = arith.constant 0 : i32
          %dma_start3A_1060 = arith.constant 0 : i32
          %dma_start3A_1061 = tpu.memref_slice %arg12[%dma_start3A_1059, %dma_start3A_1060] : memref<32x256xi32, #tpu.memory_space<vmem>> -> memref<16x256xi32, #tpu.memory_space<vmem>>
          %dma_start3A_1062 = arith.constant 0 : i32
          %dma_start3A_1063 = tpu.memref_slice %arg8[%add3A_1008, %dma_start3A_1062] : memref<128x32xi32, #tpu.memory_space<vmem>> -> memref<1x16xi32, #tpu.memory_space<vmem>>
          %dma_start3A_1064 = tpu.memref_squeeze %dma_start3A_1063 : memref<1x16xi32, #tpu.memory_space<vmem>> -> memref<16xi32, #tpu.memory_space<vmem>>
          %dma_start3A_1065 = arith.constant 0 : i32
          %dma_start3A_1066 = arith.constant 0 : i32
          %dma_start3A_1067 = tpu.memref_slice %arg5[%dma_start3A_1065, %dma_start3A_1066] : memref<16384x256xi32, #tpu.memory_space<hbm>> -> memref<16384x256xi32, #tpu.memory_space<hbm>>
          tpu.enqueue_indirect_dma source(%dma_start3A_1067 : memref<16384x256xi32, #tpu.memory_space<hbm>>) target(%dma_start3A_1061 : memref<16x256xi32, #tpu.memory_space<vmem>>) offsets(%dma_start3A_1064 : memref<16xi32, #tpu.memory_space<vmem>>) semaphore(%arg21 : memref<!tpu.dma_semaphore, #tpu.memory_space<semaphore_mem>>)
        } else {
        }
        %eq3A_1049 = arith.constant 3 : i32
        %eq3A_1050 = arith.cmpi eq, %select_n3A_1038, %eq3A_1049 : i32
        %convert_element_type3A_1051 = arith.extui %eq3A_1050 : i1 to i32
        %cond3A_1052 = arith.constant 0 : i32
        %cond3A_1053 = arith.cmpi ne, %convert_element_type3A_1051, %cond3A_1052 : i32
        scf.if %cond3A_1053 {
          %dma_start3A_1059 = arith.constant 0 : i32
          %dma_start3A_1060 = arith.constant 0 : i32
          %dma_start3A_1061 = tpu.memref_slice %arg12[%dma_start3A_1059, %dma_start3A_1060] : memref<32x256xi32, #tpu.memory_space<vmem>> -> memref<24x256xi32, #tpu.memory_space<vmem>>
          %dma_start3A_1062 = arith.constant 0 : i32
          %dma_start3A_1063 = tpu.memref_slice %arg8[%add3A_1008, %dma_start3A_1062] : memref<128x32xi32, #tpu.memory_space<vmem>> -> memref<1x24xi32, #tpu.memory_space<vmem>>
          %dma_start3A_1064 = tpu.memref_squeeze %dma_start3A_1063 : memref<1x24xi32, #tpu.memory_space<vmem>> -> memref<24xi32, #tpu.memory_space<vmem>>
          %dma_start3A_1065 = arith.constant 0 : i32
          %dma_start3A_1066 = arith.constant 0 : i32
          %dma_start3A_1067 = tpu.memref_slice %arg5[%dma_start3A_1065, %dma_start3A_1066] : memref<16384x256xi32, #tpu.memory_space<hbm>> -> memref<16384x256xi32, #tpu.memory_space<hbm>>
          tpu.enqueue_indirect_dma source(%dma_start3A_1067 : memref<16384x256xi32, #tpu.memory_space<hbm>>) target(%dma_start3A_1061 : memref<24x256xi32, #tpu.memory_space<vmem>>) offsets(%dma_start3A_1064 : memref<24xi32, #tpu.memory_space<vmem>>) semaphore(%arg21 : memref<!tpu.dma_semaphore, #tpu.memory_space<semaphore_mem>>)
        } else {
        }
        %eq3A_1054 = arith.constant 4 : i32
        %eq3A_1055 = arith.cmpi eq, %select_n3A_1038, %eq3A_1054 : i32
        %convert_element_type3A_1056 = arith.extui %eq3A_1055 : i1 to i32
        %cond3A_1057 = arith.constant 0 : i32
        %cond3A_1058 = arith.cmpi ne, %convert_element_type3A_1056, %cond3A_1057 : i32
        scf.if %cond3A_1058 {
          %dma_start3A_1059 = arith.constant 0 : i32
          %dma_start3A_1060 = arith.constant 0 : i32
          %dma_start3A_1061 = tpu.memref_slice %arg12[%dma_start3A_1059, %dma_start3A_1060] : memref<32x256xi32, #tpu.memory_space<vmem>> -> memref<32x256xi32, #tpu.memory_space<vmem>>
          %dma_start3A_1062 = arith.constant 0 : i32
          %dma_start3A_1063 = tpu.memref_slice %arg8[%add3A_1008, %dma_start3A_1062] : memref<128x32xi32, #tpu.memory_space<vmem>> -> memref<1x32xi32, #tpu.memory_space<vmem>>
          %dma_start3A_1064 = tpu.memref_squeeze %dma_start3A_1063 : memref<1x32xi32, #tpu.memory_space<vmem>> -> memref<32xi32, #tpu.memory_space<vmem>>
          %dma_start3A_1065 = arith.constant 0 : i32
          %dma_start3A_1066 = arith.constant 0 : i32
          %dma_start3A_1067 = tpu.memref_slice %arg5[%dma_start3A_1065, %dma_start3A_1066] : memref<16384x256xi32, #tpu.memory_space<hbm>> -> memref<16384x256xi32, #tpu.memory_space<hbm>>
          tpu.enqueue_indirect_dma source(%dma_start3A_1067 : memref<16384x256xi32, #tpu.memory_space<hbm>>) target(%dma_start3A_1061 : memref<32x256xi32, #tpu.memory_space<vmem>>) offsets(%dma_start3A_1064 : memref<32xi32, #tpu.memory_space<vmem>>) semaphore(%arg21 : memref<!tpu.dma_semaphore, #tpu.memory_space<semaphore_mem>>)
        } else {
        }
      } else {
      }
      %mul3A_807 = arith.constant 4 : i32
      %mul3A_808 = arith.muli %mul3A_807, %scan3A_217 : i32
      %add3A_809 = arith.constant 3 : i32
      %add3A_810 = arith.addi %mul3A_808, %add3A_809 : i32
      %gt3A_811 = arith.constant 0 : i32
      %gt3A_812 = arith.cmpi sgt, %scan3A_217, %gt3A_811 : i32
      %get3A_813 = arith.index_cast %add3A_810 : i32 to index
      %get3A_814 = arith.constant 0 : index
      %get3A_815 = tpu.vector_load %arg8[%get3A_813, %get3A_814] {strides = array<i32>} : memref<128x32xi32, #tpu.memory_space<vmem>>, vector<16xi32>,
      %get3A_816 = arith.index_cast %add3A_810 : i32 to index
      %get3A_817 = arith.constant 16 : index
      %get3A_818 = tpu.vector_load %arg8[%get3A_816, %get3A_817] {strides = array<i32>} : memref<128x32xi32, #tpu.memory_space<vmem>>, vector<16xi32>,
      %gather3A_819 = tpu.vector_load_idx %arg7[%get3A_815] : memref<16384xf32, #tpu.memory_space<vmem>>[vector<16xi32>], vector<16xf32>,
      %gather3A_820 = tpu.vector_load_idx %arg7[%get3A_818] : memref<16384xf32, #tpu.memory_space<vmem>>[vector<16xi32>], vector<16xf32>,
      %get3A_821 = arith.index_cast %add3A_810 : i32 to index
      %get3A_822 = tpu.vector_load %arg9[%get3A_821] {strides = array<i32>} : memref<144xi32, #tpu.memory_space<vmem>>, vector<16xi32>,
      %slice3A_823 = vector.extract_strided_slice %get3A_822 {offsets = [0], sizes = [1], strides = [1]} : vector<16xi32> to vector<1xi32>
      %squeeze3A_824 = vector.extract %slice3A_823[0] : i32 from vector<1xi32>
      %broadcast_in_dim3A_825 = vector.broadcast %squeeze3A_824 : i32 to vector<16xi32>
      %lt3A_826 = arith.cmpi slt, %iota3A, %broadcast_in_dim3A_825 : vector<16xi32>
      %add3A_827 = arith.constant 16 : i32
      %add3A_828 = vector.broadcast %add3A_827 : i32 to vector<16xi32>
      %add3A_829 = arith.addi %iota3A, %add3A_828 : vector<16xi32>
      %lt3A_830 = arith.cmpi slt, %add3A_829, %broadcast_in_dim3A_825 : vector<16xi32>
      %sub3A_831 = arith.constant 9.99999968E+37 : f32
      %sub3A_832 = vector.broadcast %sub3A_831 : f32 to vector<16xf32>
      %sub3A_833 = arith.subf %gather3A_819, %sub3A_832 : vector<16xf32>
      %select_n3A_834 = arith.select %lt3A_826, %gather3A_819, %sub3A_833 : vector<16xi1>, vector<16xf32>
      %sub3A_835 = arith.constant 9.99999968E+37 : f32
      %sub3A_836 = vector.broadcast %sub3A_835 : f32 to vector<16xf32>
      %sub3A_837 = arith.subf %gather3A_820, %sub3A_836 : vector<16xf32>
      %select_n3A_838 = arith.select %lt3A_830, %gather3A_820, %sub3A_837 : vector<16xi1>, vector<16xf32>
      %max3A_839 = arith.maximumf %select_n3A_834, %select_n3A_838 : vector<16xf32>
      %reduce_max3A_840 = arith.constant true
      %reduce_max3A_841 = vector.broadcast %reduce_max3A_840 : i1 to vector<16xi1>
      %reduce_max3A_842 = tpu.scan <max>, %max3A_839 masked %reduce_max3A_841 : vector<16xf32>, vector<16xi1> -> vector<16xf32>
      %reduce_max3A_843 = vector.extract %reduce_max3A_842[15] : f32 from vector<16xf32>
      %sub3A_844 = vector.broadcast %reduce_max3A_843 : f32 to vector<16xf32>
      %sub3A_845 = arith.subf %select_n3A_834, %sub3A_844 : vector<16xf32>
      %exp3A_846 = math.exp %sub3A_845 : vector<16xf32>
      %sub3A_847 = vector.broadcast %reduce_max3A_843 : f32 to vector<16xf32>
      %sub3A_848 = arith.subf %select_n3A_838, %sub3A_847 : vector<16xf32>
      %exp3A_849 = math.exp %sub3A_848 : vector<16xf32>
      %add3A_850 = arith.addf %exp3A_846, %exp3A_849 : vector<16xf32>
      %reduce_sum3A_851 = arith.constant true
      %reduce_sum3A_852 = vector.broadcast %reduce_sum3A_851 : i1 to vector<16xi1>
      %reduce_sum3A_853 = tpu.scan <sum>, %add3A_850 masked %reduce_sum3A_852 : vector<16xf32>, vector<16xi1> -> vector<16xf32>
      %reduce_sum3A_854 = vector.extract %reduce_sum3A_853[15] : f32 from vector<16xf32>
      %div3A_855 = vector.broadcast %reduce_sum3A_854 : f32 to vector<16xf32>
      %div3A_856 = arith.divf %exp3A_846, %div3A_855 : vector<16xf32>
      %swap3A_857 = arith.constant 0 : index
      %swap3A_858 = tpu.vector_load %arg14[%swap3A_857] {strides = array<i32>} : memref<48xf32, #tpu.memory_space<vmem>>, vector<16xf32>,
      tpu.vector_store %arg14[%swap3A_857], %div3A_856 {strides = array<i32>} : memref<48xf32, #tpu.memory_space<vmem>>, vector<16xf32>,
      %div3A_859 = vector.broadcast %reduce_sum3A_854 : f32 to vector<16xf32>
      %div3A_860 = arith.divf %exp3A_849, %div3A_859 : vector<16xf32>
      %swap3A_861 = arith.constant 16 : index
      %swap3A_862 = tpu.vector_load %arg14[%swap3A_861] {strides = array<i32>} : memref<48xf32, #tpu.memory_space<vmem>>, vector<16xf32>,
      tpu.vector_store %arg14[%swap3A_861], %div3A_860 {strides = array<i32>} : memref<48xf32, #tpu.memory_space<vmem>>, vector<16xf32>,
      %get3A_863 = arith.index_cast %add3A_810 : i32 to index
      %get3A_864 = tpu.vector_load %arg9[%get3A_863] {strides = array<i32>} : memref<144xi32, #tpu.memory_space<vmem>>, vector<16xi32>,
      %slice3A_865 = vector.extract_strided_slice %get3A_864 {offsets = [0], sizes = [1], strides = [1]} : vector<16xi32> to vector<1xi32>
      %squeeze3A_866 = vector.extract %slice3A_865[0] : i32 from vector<1xi32>
      %add3A_867 = arith.constant 7 : i32
      %add3A_868 = arith.addi %squeeze3A_866, %add3A_867 : i32
      %jit3A_869 = arith.constant 8 : i32
      %div3A_870 = arith.divsi %add3A_868, %jit3A_869 : i32
      %sign3A_871 = arith.constant 0 : i32
      %sign3A_872 = arith.cmpi sgt, %add3A_868, %sign3A_871 : i32
      %sign3A_873 = arith.extui %sign3A_872 : i1 to i32
      %sign3A_874 = arith.constant 0 : i32
      %sign3A_875 = arith.cmpi slt, %add3A_868, %sign3A_874 : i32
      %sign3A_876 = arith.extui %sign3A_875 : i1 to i32
      %sign3A_877 = arith.subi %sign3A_873, %sign3A_876 : i32
      %sign3A_878 = arith.constant 0 : i32
      %sign3A_879 = arith.cmpi sgt, %jit3A_869, %sign3A_878 : i32
      %sign3A_880 = arith.extui %sign3A_879 : i1 to i32
      %sign3A_881 = arith.constant 0 : i32
      %sign3A_882 = arith.cmpi slt, %jit3A_869, %sign3A_881 : i32
      %sign3A_883 = arith.extui %sign3A_882 : i1 to i32
      %sign3A_884 = arith.subi %sign3A_880, %sign3A_883 : i32
      %ne3A_885 = arith.cmpi ne, %sign3A_877, %sign3A_884 : i32
      %rem3A_886 = arith.remsi %add3A_868, %jit3A_869 : i32
      %ne3A_887 = arith.constant 0 : i32
      %ne3A_888 = arith.cmpi ne, %rem3A_886, %ne3A_887 : i32
      %and3A_889 = arith.andi %ne3A_885, %ne3A_888 : i1
      %sub3A_890 = arith.constant 1 : i32
      %sub3A_891 = arith.subi %div3A_870, %sub3A_890 : i32
      %select_n3A_892 = arith.select %and3A_889, %sub3A_891, %div3A_870 : i32
      %eq3A_893 = arith.constant 1 : i32
      %eq3A_894 = arith.cmpi eq, %select_n3A_892, %eq3A_893 : i32
      %convert_element_type3A_895 = arith.extui %eq3A_894 : i1 to i32
      %cond3A_896 = arith.constant 0 : i32
      %cond3A_897 = arith.cmpi ne, %convert_element_type3A_895, %cond3A_896 : i32
      scf.if %cond3A_897 {
        %dma_wait3A_1007 = arith.constant 0 : i32
        %dma_wait3A_1008 = arith.constant 0 : i32
        %dma_wait3A_1009 = tpu.memref_slice %arg13[%dma_wait3A_1007, %dma_wait3A_1008] : memref<32x256xi32, #tpu.memory_space<vmem>> -> memref<8x256xi32, #tpu.memory_space<vmem>>
        %dma_wait3A_1010 = arith.constant 0 : i32
        %dma_wait3A_1011 = tpu.memref_slice %arg8[%add3A_810, %dma_wait3A_1010] : memref<128x32xi32, #tpu.memory_space<vmem>> -> memref<1x8xi32, #tpu.memory_space<vmem>>
        %dma_wait3A_1012 = tpu.memref_squeeze %dma_wait3A_1011 : memref<1x8xi32, #tpu.memory_space<vmem>> -> memref<8xi32, #tpu.memory_space<vmem>>
        %dma_wait3A_1013 = arith.constant 0 : i32
        %dma_wait3A_1014 = arith.constant 0 : i32
        %dma_wait3A_1015 = tpu.memref_slice %arg5[%dma_wait3A_1013, %dma_wait3A_1014] : memref<16384x256xi32, #tpu.memory_space<hbm>> -> memref<16384x256xi32, #tpu.memory_space<hbm>>
        tpu.wait_indirect_dma semaphore(%arg22 : memref<!tpu.dma_semaphore, #tpu.memory_space<semaphore_mem>>) src(%dma_wait3A_1015 : memref<16384x256xi32, #tpu.memory_space<hbm>>) dst(%dma_wait3A_1009 : memref<8x256xi32, #tpu.memory_space<vmem>>)
      } else {
      }
      %eq3A_898 = arith.constant 2 : i32
      %eq3A_899 = arith.cmpi eq, %select_n3A_892, %eq3A_898 : i32
      %convert_element_type3A_900 = arith.extui %eq3A_899 : i1 to i32
      %cond3A_901 = arith.constant 0 : i32
      %cond3A_902 = arith.cmpi ne, %convert_element_type3A_900, %cond3A_901 : i32
      scf.if %cond3A_902 {
        %dma_wait3A_1007 = arith.constant 0 : i32
        %dma_wait3A_1008 = arith.constant 0 : i32
        %dma_wait3A_1009 = tpu.memref_slice %arg13[%dma_wait3A_1007, %dma_wait3A_1008] : memref<32x256xi32, #tpu.memory_space<vmem>> -> memref<16x256xi32, #tpu.memory_space<vmem>>
        %dma_wait3A_1010 = arith.constant 0 : i32
        %dma_wait3A_1011 = tpu.memref_slice %arg8[%add3A_810, %dma_wait3A_1010] : memref<128x32xi32, #tpu.memory_space<vmem>> -> memref<1x16xi32, #tpu.memory_space<vmem>>
        %dma_wait3A_1012 = tpu.memref_squeeze %dma_wait3A_1011 : memref<1x16xi32, #tpu.memory_space<vmem>> -> memref<16xi32, #tpu.memory_space<vmem>>
        %dma_wait3A_1013 = arith.constant 0 : i32
        %dma_wait3A_1014 = arith.constant 0 : i32
        %dma_wait3A_1015 = tpu.memref_slice %arg5[%dma_wait3A_1013, %dma_wait3A_1014] : memref<16384x256xi32, #tpu.memory_space<hbm>> -> memref<16384x256xi32, #tpu.memory_space<hbm>>
        tpu.wait_indirect_dma semaphore(%arg22 : memref<!tpu.dma_semaphore, #tpu.memory_space<semaphore_mem>>) src(%dma_wait3A_1015 : memref<16384x256xi32, #tpu.memory_space<hbm>>) dst(%dma_wait3A_1009 : memref<16x256xi32, #tpu.memory_space<vmem>>)
      } else {
      }
      %eq3A_903 = arith.constant 3 : i32
      %eq3A_904 = arith.cmpi eq, %select_n3A_892, %eq3A_903 : i32
      %convert_element_type3A_905 = arith.extui %eq3A_904 : i1 to i32
      %cond3A_906 = arith.constant 0 : i32
      %cond3A_907 = arith.cmpi ne, %convert_element_type3A_905, %cond3A_906 : i32
      scf.if %cond3A_907 {
        %dma_wait3A_1007 = arith.constant 0 : i32
        %dma_wait3A_1008 = arith.constant 0 : i32
        %dma_wait3A_1009 = tpu.memref_slice %arg13[%dma_wait3A_1007, %dma_wait3A_1008] : memref<32x256xi32, #tpu.memory_space<vmem>> -> memref<24x256xi32, #tpu.memory_space<vmem>>
        %dma_wait3A_1010 = arith.constant 0 : i32
        %dma_wait3A_1011 = tpu.memref_slice %arg8[%add3A_810, %dma_wait3A_1010] : memref<128x32xi32, #tpu.memory_space<vmem>> -> memref<1x24xi32, #tpu.memory_space<vmem>>
        %dma_wait3A_1012 = tpu.memref_squeeze %dma_wait3A_1011 : memref<1x24xi32, #tpu.memory_space<vmem>> -> memref<24xi32, #tpu.memory_space<vmem>>
        %dma_wait3A_1013 = arith.constant 0 : i32
        %dma_wait3A_1014 = arith.constant 0 : i32
        %dma_wait3A_1015 = tpu.memref_slice %arg5[%dma_wait3A_1013, %dma_wait3A_1014] : memref<16384x256xi32, #tpu.memory_space<hbm>> -> memref<16384x256xi32, #tpu.memory_space<hbm>>
        tpu.wait_indirect_dma semaphore(%arg22 : memref<!tpu.dma_semaphore, #tpu.memory_space<semaphore_mem>>) src(%dma_wait3A_1015 : memref<16384x256xi32, #tpu.memory_space<hbm>>) dst(%dma_wait3A_1009 : memref<24x256xi32, #tpu.memory_space<vmem>>)
      } else {
      }
      %eq3A_908 = arith.constant 4 : i32
      %eq3A_909 = arith.cmpi eq, %select_n3A_892, %eq3A_908 : i32
      %convert_element_type3A_910 = arith.extui %eq3A_909 : i1 to i32
      %cond3A_911 = arith.constant 0 : i32
      %cond3A_912 = arith.cmpi ne, %convert_element_type3A_910, %cond3A_911 : i32
      scf.if %cond3A_912 {
        %dma_wait3A_1007 = arith.constant 0 : i32
        %dma_wait3A_1008 = arith.constant 0 : i32
        %dma_wait3A_1009 = tpu.memref_slice %arg13[%dma_wait3A_1007, %dma_wait3A_1008] : memref<32x256xi32, #tpu.memory_space<vmem>> -> memref<32x256xi32, #tpu.memory_space<vmem>>
        %dma_wait3A_1010 = arith.constant 0 : i32
        %dma_wait3A_1011 = tpu.memref_slice %arg8[%add3A_810, %dma_wait3A_1010] : memref<128x32xi32, #tpu.memory_space<vmem>> -> memref<1x32xi32, #tpu.memory_space<vmem>>
        %dma_wait3A_1012 = tpu.memref_squeeze %dma_wait3A_1011 : memref<1x32xi32, #tpu.memory_space<vmem>> -> memref<32xi32, #tpu.memory_space<vmem>>
        %dma_wait3A_1013 = arith.constant 0 : i32
        %dma_wait3A_1014 = arith.constant 0 : i32
        %dma_wait3A_1015 = tpu.memref_slice %arg5[%dma_wait3A_1013, %dma_wait3A_1014] : memref<16384x256xi32, #tpu.memory_space<hbm>> -> memref<16384x256xi32, #tpu.memory_space<hbm>>
        tpu.wait_indirect_dma semaphore(%arg22 : memref<!tpu.dma_semaphore, #tpu.memory_space<semaphore_mem>>) src(%dma_wait3A_1015 : memref<16384x256xi32, #tpu.memory_space<hbm>>) dst(%dma_wait3A_1009 : memref<32x256xi32, #tpu.memory_space<vmem>>)
      } else {
      }
      %broadcast_in_dim3A_913 = arith.constant 0.000000e+00 : f32
      %broadcast_in_dim3A_914 = vector.broadcast %broadcast_in_dim3A_913 : f32 to vector<16xf32>
      %while3A_915 = arith.constant 0 : i32
      %while3A_916 = arith.subi %squeeze3A_824, %while3A_915 : i32
      %while3A_917 = arith.addi %while3A_915, %while3A_916 : i32
      %while3A_918 = arith.constant 1 : i32
      %while3A_919 = arith.divsi %while3A_916, %while3A_918 : i32
      %while3A_920 = arith.muli %while3A_919, %while3A_918 : i32
      %while3A_921 = arith.addi %while3A_915, %while3A_920 : i32
      %while3A_922 = arith.constant 1 : i32
      %while3A_923:32 = scf.for %while3A_1007 = %while3A_915 to %while3A_921 step %while3A_922 iter_args(%while3A_1008 = %broadcast_in_dim3A_914, %while3A_1009 = %broadcast_in_dim3A_914, %while3A_1010 = %broadcast_in_dim3A_914, %while3A_1011 = %broadcast_in_dim3A_914, %while3A_1012 = %broadcast_in_dim3A_914, %while3A_1013 = %broadcast_in_dim3A_914, %while3A_1014 = %broadcast_in_dim3A_914, %while3A_1015 = %broadcast_in_dim3A_914, %while3A_1016 = %broadcast_in_dim3A_914, %while3A_1017 = %broadcast_in_dim3A_914, %while3A_1018 = %broadcast_in_dim3A_914, %while3A_1019 = %broadcast_in_dim3A_914, %while3A_1020 = %broadcast_in_dim3A_914, %while3A_1021 = %broadcast_in_dim3A_914, %while3A_1022 = %broadcast_in_dim3A_914, %while3A_1023 = %broadcast_in_dim3A_914, %while3A_1024 = %broadcast_in_dim3A_914, %while3A_1025 = %broadcast_in_dim3A_914, %while3A_1026 = %broadcast_in_dim3A_914, %while3A_1027 = %broadcast_in_dim3A_914, %while3A_1028 = %broadcast_in_dim3A_914, %while3A_1029 = %broadcast_in_dim3A_914, %while3A_1030 = %broadcast_in_dim3A_914, %while3A_1031 = %broadcast_in_dim3A_914, %while3A_1032 = %broadcast_in_dim3A_914, %while3A_1033 = %broadcast_in_dim3A_914, %while3A_1034 = %broadcast_in_dim3A_914, %while3A_1035 = %broadcast_in_dim3A_914, %while3A_1036 = %broadcast_in_dim3A_914, %while3A_1037 = %broadcast_in_dim3A_914, %while3A_1038 = %broadcast_in_dim3A_914, %while3A_1039 = %broadcast_in_dim3A_914) -> (vector<16xf32>, vector<16xf32>, vector<16xf32>, vector<16xf32>, vector<16xf32>, vector<16xf32>, vector<16xf32>, vector<16xf32>, vector<16xf32>, vector<16xf32>, vector<16xf32>, vector<16xf32>, vector<16xf32>, vector<16xf32>, vector<16xf32>, vector<16xf32>, vector<16xf32>, vector<16xf32>, vector<16xf32>, vector<16xf32>, vector<16xf32>, vector<16xf32>, vector<16xf32>, vector<16xf32>, vector<16xf32>, vector<16xf32>, vector<16xf32>, vector<16xf32>, vector<16xf32>, vector<16xf32>, vector<16xf32>, vector<16xf32>)  : i32 {
        %get3A_1040 = arith.index_cast %while3A_1007 : i32 to index
        %get3A_1041 = tpu.vector_load %arg14[%get3A_1040] {strides = array<i32>} : memref<48xf32, #tpu.memory_space<vmem>>, vector<16xf32>,
        %slice3A_1042 = vector.extract_strided_slice %get3A_1041 {offsets = [0], sizes = [1], strides = [1]} : vector<16xf32> to vector<1xf32>
        %squeeze3A_1043 = vector.extract %slice3A_1042[0] : f32 from vector<1xf32>
        %broadcast_in_dim3A_1044 = vector.broadcast %squeeze3A_1043 : f32 to vector<16xf32>
        %get3A_1045 = arith.index_cast %while3A_1007 : i32 to index
        %get3A_1046 = arith.constant 0 : index
        %get3A_1047 = tpu.vector_load %arg13[%get3A_1045, %get3A_1046] {strides = array<i32>} : memref<32x256xi32, #tpu.memory_space<vmem>>, vector<16xi32>,
        %bitcast3A = vector.bitcast %get3A_1047 : vector<16xi32> to vector<32xbf16>
        %unpack3A = tpu.unpack_subelements %bitcast3A, 0 {pack_format = #tpu.pack_format<interleaved>} : vector<32xbf16> -> vector<16xf32>
        %unpack3A_1048 = tpu.unpack_subelements %bitcast3A, 1 {pack_format = #tpu.pack_format<interleaved>} : vector<32xbf16> -> vector<16xf32>
        %mul3A_1049 = arith.mulf %broadcast_in_dim3A_1044, %unpack3A : vector<16xf32>
        %add3A_1050 = arith.addf %while3A_1008, %mul3A_1049 : vector<16xf32>
        %mul3A_1051 = arith.mulf %broadcast_in_dim3A_1044, %unpack3A_1048 : vector<16xf32>
        %add3A_1052 = arith.addf %while3A_1009, %mul3A_1051 : vector<16xf32>
        %get3A_1053 = arith.index_cast %while3A_1007 : i32 to index
        %get3A_1054 = arith.constant 16 : index
        %get3A_1055 = tpu.vector_load %arg13[%get3A_1053, %get3A_1054] {strides = array<i32>} : memref<32x256xi32, #tpu.memory_space<vmem>>, vector<16xi32>,
        %bitcast3A_1056 = vector.bitcast %get3A_1055 : vector<16xi32> to vector<32xbf16>
        %unpack3A_1057 = tpu.unpack_subelements %bitcast3A_1056, 0 {pack_format = #tpu.pack_format<interleaved>} : vector<32xbf16> -> vector<16xf32>
        %unpack3A_1058 = tpu.unpack_subelements %bitcast3A_1056, 1 {pack_format = #tpu.pack_format<interleaved>} : vector<32xbf16> -> vector<16xf32>
        %mul3A_1059 = arith.mulf %broadcast_in_dim3A_1044, %unpack3A_1057 : vector<16xf32>
        %add3A_1060 = arith.addf %while3A_1010, %mul3A_1059 : vector<16xf32>
        %mul3A_1061 = arith.mulf %broadcast_in_dim3A_1044, %unpack3A_1058 : vector<16xf32>
        %add3A_1062 = arith.addf %while3A_1011, %mul3A_1061 : vector<16xf32>
        %get3A_1063 = arith.index_cast %while3A_1007 : i32 to index
        %get3A_1064 = arith.constant 32 : index
        %get3A_1065 = tpu.vector_load %arg13[%get3A_1063, %get3A_1064] {strides = array<i32>} : memref<32x256xi32, #tpu.memory_space<vmem>>, vector<16xi32>,
        %bitcast3A_1066 = vector.bitcast %get3A_1065 : vector<16xi32> to vector<32xbf16>
        %unpack3A_1067 = tpu.unpack_subelements %bitcast3A_1066, 0 {pack_format = #tpu.pack_format<interleaved>} : vector<32xbf16> -> vector<16xf32>
        %unpack3A_1068 = tpu.unpack_subelements %bitcast3A_1066, 1 {pack_format = #tpu.pack_format<interleaved>} : vector<32xbf16> -> vector<16xf32>
        %mul3A_1069 = arith.mulf %broadcast_in_dim3A_1044, %unpack3A_1067 : vector<16xf32>
        %add3A_1070 = arith.addf %while3A_1012, %mul3A_1069 : vector<16xf32>
        %mul3A_1071 = arith.mulf %broadcast_in_dim3A_1044, %unpack3A_1068 : vector<16xf32>
        %add3A_1072 = arith.addf %while3A_1013, %mul3A_1071 : vector<16xf32>
        %get3A_1073 = arith.index_cast %while3A_1007 : i32 to index
        %get3A_1074 = arith.constant 48 : index
        %get3A_1075 = tpu.vector_load %arg13[%get3A_1073, %get3A_1074] {strides = array<i32>} : memref<32x256xi32, #tpu.memory_space<vmem>>, vector<16xi32>,
        %bitcast3A_1076 = vector.bitcast %get3A_1075 : vector<16xi32> to vector<32xbf16>
        %unpack3A_1077 = tpu.unpack_subelements %bitcast3A_1076, 0 {pack_format = #tpu.pack_format<interleaved>} : vector<32xbf16> -> vector<16xf32>
        %unpack3A_1078 = tpu.unpack_subelements %bitcast3A_1076, 1 {pack_format = #tpu.pack_format<interleaved>} : vector<32xbf16> -> vector<16xf32>
        %mul3A_1079 = arith.mulf %broadcast_in_dim3A_1044, %unpack3A_1077 : vector<16xf32>
        %add3A_1080 = arith.addf %while3A_1014, %mul3A_1079 : vector<16xf32>
        %mul3A_1081 = arith.mulf %broadcast_in_dim3A_1044, %unpack3A_1078 : vector<16xf32>
        %add3A_1082 = arith.addf %while3A_1015, %mul3A_1081 : vector<16xf32>
        %get3A_1083 = arith.index_cast %while3A_1007 : i32 to index
        %get3A_1084 = arith.constant 64 : index
        %get3A_1085 = tpu.vector_load %arg13[%get3A_1083, %get3A_1084] {strides = array<i32>} : memref<32x256xi32, #tpu.memory_space<vmem>>, vector<16xi32>,
        %bitcast3A_1086 = vector.bitcast %get3A_1085 : vector<16xi32> to vector<32xbf16>
        %unpack3A_1087 = tpu.unpack_subelements %bitcast3A_1086, 0 {pack_format = #tpu.pack_format<interleaved>} : vector<32xbf16> -> vector<16xf32>
        %unpack3A_1088 = tpu.unpack_subelements %bitcast3A_1086, 1 {pack_format = #tpu.pack_format<interleaved>} : vector<32xbf16> -> vector<16xf32>
        %mul3A_1089 = arith.mulf %broadcast_in_dim3A_1044, %unpack3A_1087 : vector<16xf32>
        %add3A_1090 = arith.addf %while3A_1016, %mul3A_1089 : vector<16xf32>
        %mul3A_1091 = arith.mulf %broadcast_in_dim3A_1044, %unpack3A_1088 : vector<16xf32>
        %add3A_1092 = arith.addf %while3A_1017, %mul3A_1091 : vector<16xf32>
        %get3A_1093 = arith.index_cast %while3A_1007 : i32 to index
        %get3A_1094 = arith.constant 80 : index
        %get3A_1095 = tpu.vector_load %arg13[%get3A_1093, %get3A_1094] {strides = array<i32>} : memref<32x256xi32, #tpu.memory_space<vmem>>, vector<16xi32>,
        %bitcast3A_1096 = vector.bitcast %get3A_1095 : vector<16xi32> to vector<32xbf16>
        %unpack3A_1097 = tpu.unpack_subelements %bitcast3A_1096, 0 {pack_format = #tpu.pack_format<interleaved>} : vector<32xbf16> -> vector<16xf32>
        %unpack3A_1098 = tpu.unpack_subelements %bitcast3A_1096, 1 {pack_format = #tpu.pack_format<interleaved>} : vector<32xbf16> -> vector<16xf32>
        %mul3A_1099 = arith.mulf %broadcast_in_dim3A_1044, %unpack3A_1097 : vector<16xf32>
        %add3A_1100 = arith.addf %while3A_1018, %mul3A_1099 : vector<16xf32>
        %mul3A_1101 = arith.mulf %broadcast_in_dim3A_1044, %unpack3A_1098 : vector<16xf32>
        %add3A_1102 = arith.addf %while3A_1019, %mul3A_1101 : vector<16xf32>
        %get3A_1103 = arith.index_cast %while3A_1007 : i32 to index
        %get3A_1104 = arith.constant 96 : index
        %get3A_1105 = tpu.vector_load %arg13[%get3A_1103, %get3A_1104] {strides = array<i32>} : memref<32x256xi32, #tpu.memory_space<vmem>>, vector<16xi32>,
        %bitcast3A_1106 = vector.bitcast %get3A_1105 : vector<16xi32> to vector<32xbf16>
        %unpack3A_1107 = tpu.unpack_subelements %bitcast3A_1106, 0 {pack_format = #tpu.pack_format<interleaved>} : vector<32xbf16> -> vector<16xf32>
        %unpack3A_1108 = tpu.unpack_subelements %bitcast3A_1106, 1 {pack_format = #tpu.pack_format<interleaved>} : vector<32xbf16> -> vector<16xf32>
        %mul3A_1109 = arith.mulf %broadcast_in_dim3A_1044, %unpack3A_1107 : vector<16xf32>
        %add3A_1110 = arith.addf %while3A_1020, %mul3A_1109 : vector<16xf32>
        %mul3A_1111 = arith.mulf %broadcast_in_dim3A_1044, %unpack3A_1108 : vector<16xf32>
        %add3A_1112 = arith.addf %while3A_1021, %mul3A_1111 : vector<16xf32>
        %get3A_1113 = arith.index_cast %while3A_1007 : i32 to index
        %get3A_1114 = arith.constant 112 : index
        %get3A_1115 = tpu.vector_load %arg13[%get3A_1113, %get3A_1114] {strides = array<i32>} : memref<32x256xi32, #tpu.memory_space<vmem>>, vector<16xi32>,
        %bitcast3A_1116 = vector.bitcast %get3A_1115 : vector<16xi32> to vector<32xbf16>
        %unpack3A_1117 = tpu.unpack_subelements %bitcast3A_1116, 0 {pack_format = #tpu.pack_format<interleaved>} : vector<32xbf16> -> vector<16xf32>
        %unpack3A_1118 = tpu.unpack_subelements %bitcast3A_1116, 1 {pack_format = #tpu.pack_format<interleaved>} : vector<32xbf16> -> vector<16xf32>
        %mul3A_1119 = arith.mulf %broadcast_in_dim3A_1044, %unpack3A_1117 : vector<16xf32>
        %add3A_1120 = arith.addf %while3A_1022, %mul3A_1119 : vector<16xf32>
        %mul3A_1121 = arith.mulf %broadcast_in_dim3A_1044, %unpack3A_1118 : vector<16xf32>
        %add3A_1122 = arith.addf %while3A_1023, %mul3A_1121 : vector<16xf32>
        %get3A_1123 = arith.index_cast %while3A_1007 : i32 to index
        %get3A_1124 = arith.constant 128 : index
        %get3A_1125 = tpu.vector_load %arg13[%get3A_1123, %get3A_1124] {strides = array<i32>} : memref<32x256xi32, #tpu.memory_space<vmem>>, vector<16xi32>,
        %bitcast3A_1126 = vector.bitcast %get3A_1125 : vector<16xi32> to vector<32xbf16>
        %unpack3A_1127 = tpu.unpack_subelements %bitcast3A_1126, 0 {pack_format = #tpu.pack_format<interleaved>} : vector<32xbf16> -> vector<16xf32>
        %unpack3A_1128 = tpu.unpack_subelements %bitcast3A_1126, 1 {pack_format = #tpu.pack_format<interleaved>} : vector<32xbf16> -> vector<16xf32>
        %mul3A_1129 = arith.mulf %broadcast_in_dim3A_1044, %unpack3A_1127 : vector<16xf32>
        %add3A_1130 = arith.addf %while3A_1024, %mul3A_1129 : vector<16xf32>
        %mul3A_1131 = arith.mulf %broadcast_in_dim3A_1044, %unpack3A_1128 : vector<16xf32>
        %add3A_1132 = arith.addf %while3A_1025, %mul3A_1131 : vector<16xf32>
        %get3A_1133 = arith.index_cast %while3A_1007 : i32 to index
        %get3A_1134 = arith.constant 144 : index
        %get3A_1135 = tpu.vector_load %arg13[%get3A_1133, %get3A_1134] {strides = array<i32>} : memref<32x256xi32, #tpu.memory_space<vmem>>, vector<16xi32>,
        %bitcast3A_1136 = vector.bitcast %get3A_1135 : vector<16xi32> to vector<32xbf16>
        %unpack3A_1137 = tpu.unpack_subelements %bitcast3A_1136, 0 {pack_format = #tpu.pack_format<interleaved>} : vector<32xbf16> -> vector<16xf32>
        %unpack3A_1138 = tpu.unpack_subelements %bitcast3A_1136, 1 {pack_format = #tpu.pack_format<interleaved>} : vector<32xbf16> -> vector<16xf32>
        %mul3A_1139 = arith.mulf %broadcast_in_dim3A_1044, %unpack3A_1137 : vector<16xf32>
        %add3A_1140 = arith.addf %while3A_1026, %mul3A_1139 : vector<16xf32>
        %mul3A_1141 = arith.mulf %broadcast_in_dim3A_1044, %unpack3A_1138 : vector<16xf32>
        %add3A_1142 = arith.addf %while3A_1027, %mul3A_1141 : vector<16xf32>
        %get3A_1143 = arith.index_cast %while3A_1007 : i32 to index
        %get3A_1144 = arith.constant 160 : index
        %get3A_1145 = tpu.vector_load %arg13[%get3A_1143, %get3A_1144] {strides = array<i32>} : memref<32x256xi32, #tpu.memory_space<vmem>>, vector<16xi32>,
        %bitcast3A_1146 = vector.bitcast %get3A_1145 : vector<16xi32> to vector<32xbf16>
        %unpack3A_1147 = tpu.unpack_subelements %bitcast3A_1146, 0 {pack_format = #tpu.pack_format<interleaved>} : vector<32xbf16> -> vector<16xf32>
        %unpack3A_1148 = tpu.unpack_subelements %bitcast3A_1146, 1 {pack_format = #tpu.pack_format<interleaved>} : vector<32xbf16> -> vector<16xf32>
        %mul3A_1149 = arith.mulf %broadcast_in_dim3A_1044, %unpack3A_1147 : vector<16xf32>
        %add3A_1150 = arith.addf %while3A_1028, %mul3A_1149 : vector<16xf32>
        %mul3A_1151 = arith.mulf %broadcast_in_dim3A_1044, %unpack3A_1148 : vector<16xf32>
        %add3A_1152 = arith.addf %while3A_1029, %mul3A_1151 : vector<16xf32>
        %get3A_1153 = arith.index_cast %while3A_1007 : i32 to index
        %get3A_1154 = arith.constant 176 : index
        %get3A_1155 = tpu.vector_load %arg13[%get3A_1153, %get3A_1154] {strides = array<i32>} : memref<32x256xi32, #tpu.memory_space<vmem>>, vector<16xi32>,
        %bitcast3A_1156 = vector.bitcast %get3A_1155 : vector<16xi32> to vector<32xbf16>
        %unpack3A_1157 = tpu.unpack_subelements %bitcast3A_1156, 0 {pack_format = #tpu.pack_format<interleaved>} : vector<32xbf16> -> vector<16xf32>
        %unpack3A_1158 = tpu.unpack_subelements %bitcast3A_1156, 1 {pack_format = #tpu.pack_format<interleaved>} : vector<32xbf16> -> vector<16xf32>
        %mul3A_1159 = arith.mulf %broadcast_in_dim3A_1044, %unpack3A_1157 : vector<16xf32>
        %add3A_1160 = arith.addf %while3A_1030, %mul3A_1159 : vector<16xf32>
        %mul3A_1161 = arith.mulf %broadcast_in_dim3A_1044, %unpack3A_1158 : vector<16xf32>
        %add3A_1162 = arith.addf %while3A_1031, %mul3A_1161 : vector<16xf32>
        %get3A_1163 = arith.index_cast %while3A_1007 : i32 to index
        %get3A_1164 = arith.constant 192 : index
        %get3A_1165 = tpu.vector_load %arg13[%get3A_1163, %get3A_1164] {strides = array<i32>} : memref<32x256xi32, #tpu.memory_space<vmem>>, vector<16xi32>,
        %bitcast3A_1166 = vector.bitcast %get3A_1165 : vector<16xi32> to vector<32xbf16>
        %unpack3A_1167 = tpu.unpack_subelements %bitcast3A_1166, 0 {pack_format = #tpu.pack_format<interleaved>} : vector<32xbf16> -> vector<16xf32>
        %unpack3A_1168 = tpu.unpack_subelements %bitcast3A_1166, 1 {pack_format = #tpu.pack_format<interleaved>} : vector<32xbf16> -> vector<16xf32>
        %mul3A_1169 = arith.mulf %broadcast_in_dim3A_1044, %unpack3A_1167 : vector<16xf32>
        %add3A_1170 = arith.addf %while3A_1032, %mul3A_1169 : vector<16xf32>
        %mul3A_1171 = arith.mulf %broadcast_in_dim3A_1044, %unpack3A_1168 : vector<16xf32>
        %add3A_1172 = arith.addf %while3A_1033, %mul3A_1171 : vector<16xf32>
        %get3A_1173 = arith.index_cast %while3A_1007 : i32 to index
        %get3A_1174 = arith.constant 208 : index
        %get3A_1175 = tpu.vector_load %arg13[%get3A_1173, %get3A_1174] {strides = array<i32>} : memref<32x256xi32, #tpu.memory_space<vmem>>, vector<16xi32>,
        %bitcast3A_1176 = vector.bitcast %get3A_1175 : vector<16xi32> to vector<32xbf16>
        %unpack3A_1177 = tpu.unpack_subelements %bitcast3A_1176, 0 {pack_format = #tpu.pack_format<interleaved>} : vector<32xbf16> -> vector<16xf32>
        %unpack3A_1178 = tpu.unpack_subelements %bitcast3A_1176, 1 {pack_format = #tpu.pack_format<interleaved>} : vector<32xbf16> -> vector<16xf32>
        %mul3A_1179 = arith.mulf %broadcast_in_dim3A_1044, %unpack3A_1177 : vector<16xf32>
        %add3A_1180 = arith.addf %while3A_1034, %mul3A_1179 : vector<16xf32>
        %mul3A_1181 = arith.mulf %broadcast_in_dim3A_1044, %unpack3A_1178 : vector<16xf32>
        %add3A_1182 = arith.addf %while3A_1035, %mul3A_1181 : vector<16xf32>
        %get3A_1183 = arith.index_cast %while3A_1007 : i32 to index
        %get3A_1184 = arith.constant 224 : index
        %get3A_1185 = tpu.vector_load %arg13[%get3A_1183, %get3A_1184] {strides = array<i32>} : memref<32x256xi32, #tpu.memory_space<vmem>>, vector<16xi32>,
        %bitcast3A_1186 = vector.bitcast %get3A_1185 : vector<16xi32> to vector<32xbf16>
        %unpack3A_1187 = tpu.unpack_subelements %bitcast3A_1186, 0 {pack_format = #tpu.pack_format<interleaved>} : vector<32xbf16> -> vector<16xf32>
        %unpack3A_1188 = tpu.unpack_subelements %bitcast3A_1186, 1 {pack_format = #tpu.pack_format<interleaved>} : vector<32xbf16> -> vector<16xf32>
        %mul3A_1189 = arith.mulf %broadcast_in_dim3A_1044, %unpack3A_1187 : vector<16xf32>
        %add3A_1190 = arith.addf %while3A_1036, %mul3A_1189 : vector<16xf32>
        %mul3A_1191 = arith.mulf %broadcast_in_dim3A_1044, %unpack3A_1188 : vector<16xf32>
        %add3A_1192 = arith.addf %while3A_1037, %mul3A_1191 : vector<16xf32>
        %get3A_1193 = arith.index_cast %while3A_1007 : i32 to index
        %get3A_1194 = arith.constant 240 : index
        %get3A_1195 = tpu.vector_load %arg13[%get3A_1193, %get3A_1194] {strides = array<i32>} : memref<32x256xi32, #tpu.memory_space<vmem>>, vector<16xi32>,
        %bitcast3A_1196 = vector.bitcast %get3A_1195 : vector<16xi32> to vector<32xbf16>
        %unpack3A_1197 = tpu.unpack_subelements %bitcast3A_1196, 0 {pack_format = #tpu.pack_format<interleaved>} : vector<32xbf16> -> vector<16xf32>
        %unpack3A_1198 = tpu.unpack_subelements %bitcast3A_1196, 1 {pack_format = #tpu.pack_format<interleaved>} : vector<32xbf16> -> vector<16xf32>
        %mul3A_1199 = arith.mulf %broadcast_in_dim3A_1044, %unpack3A_1197 : vector<16xf32>
        %add3A_1200 = arith.addf %while3A_1038, %mul3A_1199 : vector<16xf32>
        %mul3A_1201 = arith.mulf %broadcast_in_dim3A_1044, %unpack3A_1198 : vector<16xf32>
        %add3A_1202 = arith.addf %while3A_1039, %mul3A_1201 : vector<16xf32>
        scf.yield %add3A_1050, %add3A_1052, %add3A_1060, %add3A_1062, %add3A_1070, %add3A_1072, %add3A_1080, %add3A_1082, %add3A_1090, %add3A_1092, %add3A_1100, %add3A_1102, %add3A_1110, %add3A_1112, %add3A_1120, %add3A_1122, %add3A_1130, %add3A_1132, %add3A_1140, %add3A_1142, %add3A_1150, %add3A_1152, %add3A_1160, %add3A_1162, %add3A_1170, %add3A_1172, %add3A_1180, %add3A_1182, %add3A_1190, %add3A_1192, %add3A_1200, %add3A_1202 : vector<16xf32>, vector<16xf32>, vector<16xf32>, vector<16xf32>, vector<16xf32>, vector<16xf32>, vector<16xf32>, vector<16xf32>, vector<16xf32>, vector<16xf32>, vector<16xf32>, vector<16xf32>, vector<16xf32>, vector<16xf32>, vector<16xf32>, vector<16xf32>, vector<16xf32>, vector<16xf32>, vector<16xf32>, vector<16xf32>, vector<16xf32>, vector<16xf32>, vector<16xf32>, vector<16xf32>, vector<16xf32>, vector<16xf32>, vector<16xf32>, vector<16xf32>, vector<16xf32>, vector<16xf32>, vector<16xf32>, vector<16xf32>
      }
      %while3A_924 = arith.constant 1 : i32
      %while3A_925:32 = scf.for %while3A_1007 = %while3A_921 to %while3A_917 step %while3A_924 iter_args(%while3A_1008 = %while3A_923#0, %while3A_1009 = %while3A_923#1, %while3A_1010 = %while3A_923#2, %while3A_1011 = %while3A_923#3, %while3A_1012 = %while3A_923#4, %while3A_1013 = %while3A_923#5, %while3A_1014 = %while3A_923#6, %while3A_1015 = %while3A_923#7, %while3A_1016 = %while3A_923#8, %while3A_1017 = %while3A_923#9, %while3A_1018 = %while3A_923#10, %while3A_1019 = %while3A_923#11, %while3A_1020 = %while3A_923#12, %while3A_1021 = %while3A_923#13, %while3A_1022 = %while3A_923#14, %while3A_1023 = %while3A_923#15, %while3A_1024 = %while3A_923#16, %while3A_1025 = %while3A_923#17, %while3A_1026 = %while3A_923#18, %while3A_1027 = %while3A_923#19, %while3A_1028 = %while3A_923#20, %while3A_1029 = %while3A_923#21, %while3A_1030 = %while3A_923#22, %while3A_1031 = %while3A_923#23, %while3A_1032 = %while3A_923#24, %while3A_1033 = %while3A_923#25, %while3A_1034 = %while3A_923#26, %while3A_1035 = %while3A_923#27, %while3A_1036 = %while3A_923#28, %while3A_1037 = %while3A_923#29, %while3A_1038 = %while3A_923#30, %while3A_1039 = %while3A_923#31) -> (vector<16xf32>, vector<16xf32>, vector<16xf32>, vector<16xf32>, vector<16xf32>, vector<16xf32>, vector<16xf32>, vector<16xf32>, vector<16xf32>, vector<16xf32>, vector<16xf32>, vector<16xf32>, vector<16xf32>, vector<16xf32>, vector<16xf32>, vector<16xf32>, vector<16xf32>, vector<16xf32>, vector<16xf32>, vector<16xf32>, vector<16xf32>, vector<16xf32>, vector<16xf32>, vector<16xf32>, vector<16xf32>, vector<16xf32>, vector<16xf32>, vector<16xf32>, vector<16xf32>, vector<16xf32>, vector<16xf32>, vector<16xf32>)  : i32 {
        %get3A_1040 = arith.index_cast %while3A_1007 : i32 to index
        %get3A_1041 = tpu.vector_load %arg14[%get3A_1040] {strides = array<i32>} : memref<48xf32, #tpu.memory_space<vmem>>, vector<16xf32>,
        %slice3A_1042 = vector.extract_strided_slice %get3A_1041 {offsets = [0], sizes = [1], strides = [1]} : vector<16xf32> to vector<1xf32>
        %squeeze3A_1043 = vector.extract %slice3A_1042[0] : f32 from vector<1xf32>
        %broadcast_in_dim3A_1044 = vector.broadcast %squeeze3A_1043 : f32 to vector<16xf32>
        %get3A_1045 = arith.index_cast %while3A_1007 : i32 to index
        %get3A_1046 = arith.constant 0 : index
        %get3A_1047 = tpu.vector_load %arg13[%get3A_1045, %get3A_1046] {strides = array<i32>} : memref<32x256xi32, #tpu.memory_space<vmem>>, vector<16xi32>,
        %bitcast3A = vector.bitcast %get3A_1047 : vector<16xi32> to vector<32xbf16>
        %unpack3A = tpu.unpack_subelements %bitcast3A, 0 {pack_format = #tpu.pack_format<interleaved>} : vector<32xbf16> -> vector<16xf32>
        %unpack3A_1048 = tpu.unpack_subelements %bitcast3A, 1 {pack_format = #tpu.pack_format<interleaved>} : vector<32xbf16> -> vector<16xf32>
        %mul3A_1049 = arith.mulf %broadcast_in_dim3A_1044, %unpack3A : vector<16xf32>
        %add3A_1050 = arith.addf %while3A_1008, %mul3A_1049 : vector<16xf32>
        %mul3A_1051 = arith.mulf %broadcast_in_dim3A_1044, %unpack3A_1048 : vector<16xf32>
        %add3A_1052 = arith.addf %while3A_1009, %mul3A_1051 : vector<16xf32>
        %get3A_1053 = arith.index_cast %while3A_1007 : i32 to index
        %get3A_1054 = arith.constant 16 : index
        %get3A_1055 = tpu.vector_load %arg13[%get3A_1053, %get3A_1054] {strides = array<i32>} : memref<32x256xi32, #tpu.memory_space<vmem>>, vector<16xi32>,
        %bitcast3A_1056 = vector.bitcast %get3A_1055 : vector<16xi32> to vector<32xbf16>
        %unpack3A_1057 = tpu.unpack_subelements %bitcast3A_1056, 0 {pack_format = #tpu.pack_format<interleaved>} : vector<32xbf16> -> vector<16xf32>
        %unpack3A_1058 = tpu.unpack_subelements %bitcast3A_1056, 1 {pack_format = #tpu.pack_format<interleaved>} : vector<32xbf16> -> vector<16xf32>
        %mul3A_1059 = arith.mulf %broadcast_in_dim3A_1044, %unpack3A_1057 : vector<16xf32>
        %add3A_1060 = arith.addf %while3A_1010, %mul3A_1059 : vector<16xf32>
        %mul3A_1061 = arith.mulf %broadcast_in_dim3A_1044, %unpack3A_1058 : vector<16xf32>
        %add3A_1062 = arith.addf %while3A_1011, %mul3A_1061 : vector<16xf32>
        %get3A_1063 = arith.index_cast %while3A_1007 : i32 to index
        %get3A_1064 = arith.constant 32 : index
        %get3A_1065 = tpu.vector_load %arg13[%get3A_1063, %get3A_1064] {strides = array<i32>} : memref<32x256xi32, #tpu.memory_space<vmem>>, vector<16xi32>,
        %bitcast3A_1066 = vector.bitcast %get3A_1065 : vector<16xi32> to vector<32xbf16>
        %unpack3A_1067 = tpu.unpack_subelements %bitcast3A_1066, 0 {pack_format = #tpu.pack_format<interleaved>} : vector<32xbf16> -> vector<16xf32>
        %unpack3A_1068 = tpu.unpack_subelements %bitcast3A_1066, 1 {pack_format = #tpu.pack_format<interleaved>} : vector<32xbf16> -> vector<16xf32>
        %mul3A_1069 = arith.mulf %broadcast_in_dim3A_1044, %unpack3A_1067 : vector<16xf32>
        %add3A_1070 = arith.addf %while3A_1012, %mul3A_1069 : vector<16xf32>
        %mul3A_1071 = arith.mulf %broadcast_in_dim3A_1044, %unpack3A_1068 : vector<16xf32>
        %add3A_1072 = arith.addf %while3A_1013, %mul3A_1071 : vector<16xf32>
        %get3A_1073 = arith.index_cast %while3A_1007 : i32 to index
        %get3A_1074 = arith.constant 48 : index
        %get3A_1075 = tpu.vector_load %arg13[%get3A_1073, %get3A_1074] {strides = array<i32>} : memref<32x256xi32, #tpu.memory_space<vmem>>, vector<16xi32>,
        %bitcast3A_1076 = vector.bitcast %get3A_1075 : vector<16xi32> to vector<32xbf16>
        %unpack3A_1077 = tpu.unpack_subelements %bitcast3A_1076, 0 {pack_format = #tpu.pack_format<interleaved>} : vector<32xbf16> -> vector<16xf32>
        %unpack3A_1078 = tpu.unpack_subelements %bitcast3A_1076, 1 {pack_format = #tpu.pack_format<interleaved>} : vector<32xbf16> -> vector<16xf32>
        %mul3A_1079 = arith.mulf %broadcast_in_dim3A_1044, %unpack3A_1077 : vector<16xf32>
        %add3A_1080 = arith.addf %while3A_1014, %mul3A_1079 : vector<16xf32>
        %mul3A_1081 = arith.mulf %broadcast_in_dim3A_1044, %unpack3A_1078 : vector<16xf32>
        %add3A_1082 = arith.addf %while3A_1015, %mul3A_1081 : vector<16xf32>
        %get3A_1083 = arith.index_cast %while3A_1007 : i32 to index
        %get3A_1084 = arith.constant 64 : index
        %get3A_1085 = tpu.vector_load %arg13[%get3A_1083, %get3A_1084] {strides = array<i32>} : memref<32x256xi32, #tpu.memory_space<vmem>>, vector<16xi32>,
        %bitcast3A_1086 = vector.bitcast %get3A_1085 : vector<16xi32> to vector<32xbf16>
        %unpack3A_1087 = tpu.unpack_subelements %bitcast3A_1086, 0 {pack_format = #tpu.pack_format<interleaved>} : vector<32xbf16> -> vector<16xf32>
        %unpack3A_1088 = tpu.unpack_subelements %bitcast3A_1086, 1 {pack_format = #tpu.pack_format<interleaved>} : vector<32xbf16> -> vector<16xf32>
        %mul3A_1089 = arith.mulf %broadcast_in_dim3A_1044, %unpack3A_1087 : vector<16xf32>
        %add3A_1090 = arith.addf %while3A_1016, %mul3A_1089 : vector<16xf32>
        %mul3A_1091 = arith.mulf %broadcast_in_dim3A_1044, %unpack3A_1088 : vector<16xf32>
        %add3A_1092 = arith.addf %while3A_1017, %mul3A_1091 : vector<16xf32>
        %get3A_1093 = arith.index_cast %while3A_1007 : i32 to index
        %get3A_1094 = arith.constant 80 : index
        %get3A_1095 = tpu.vector_load %arg13[%get3A_1093, %get3A_1094] {strides = array<i32>} : memref<32x256xi32, #tpu.memory_space<vmem>>, vector<16xi32>,
        %bitcast3A_1096 = vector.bitcast %get3A_1095 : vector<16xi32> to vector<32xbf16>
        %unpack3A_1097 = tpu.unpack_subelements %bitcast3A_1096, 0 {pack_format = #tpu.pack_format<interleaved>} : vector<32xbf16> -> vector<16xf32>
        %unpack3A_1098 = tpu.unpack_subelements %bitcast3A_1096, 1 {pack_format = #tpu.pack_format<interleaved>} : vector<32xbf16> -> vector<16xf32>
        %mul3A_1099 = arith.mulf %broadcast_in_dim3A_1044, %unpack3A_1097 : vector<16xf32>
        %add3A_1100 = arith.addf %while3A_1018, %mul3A_1099 : vector<16xf32>
        %mul3A_1101 = arith.mulf %broadcast_in_dim3A_1044, %unpack3A_1098 : vector<16xf32>
        %add3A_1102 = arith.addf %while3A_1019, %mul3A_1101 : vector<16xf32>
        %get3A_1103 = arith.index_cast %while3A_1007 : i32 to index
        %get3A_1104 = arith.constant 96 : index
        %get3A_1105 = tpu.vector_load %arg13[%get3A_1103, %get3A_1104] {strides = array<i32>} : memref<32x256xi32, #tpu.memory_space<vmem>>, vector<16xi32>,
        %bitcast3A_1106 = vector.bitcast %get3A_1105 : vector<16xi32> to vector<32xbf16>
        %unpack3A_1107 = tpu.unpack_subelements %bitcast3A_1106, 0 {pack_format = #tpu.pack_format<interleaved>} : vector<32xbf16> -> vector<16xf32>
        %unpack3A_1108 = tpu.unpack_subelements %bitcast3A_1106, 1 {pack_format = #tpu.pack_format<interleaved>} : vector<32xbf16> -> vector<16xf32>
        %mul3A_1109 = arith.mulf %broadcast_in_dim3A_1044, %unpack3A_1107 : vector<16xf32>
        %add3A_1110 = arith.addf %while3A_1020, %mul3A_1109 : vector<16xf32>
        %mul3A_1111 = arith.mulf %broadcast_in_dim3A_1044, %unpack3A_1108 : vector<16xf32>
        %add3A_1112 = arith.addf %while3A_1021, %mul3A_1111 : vector<16xf32>
        %get3A_1113 = arith.index_cast %while3A_1007 : i32 to index
        %get3A_1114 = arith.constant 112 : index
        %get3A_1115 = tpu.vector_load %arg13[%get3A_1113, %get3A_1114] {strides = array<i32>} : memref<32x256xi32, #tpu.memory_space<vmem>>, vector<16xi32>,
        %bitcast3A_1116 = vector.bitcast %get3A_1115 : vector<16xi32> to vector<32xbf16>
        %unpack3A_1117 = tpu.unpack_subelements %bitcast3A_1116, 0 {pack_format = #tpu.pack_format<interleaved>} : vector<32xbf16> -> vector<16xf32>
        %unpack3A_1118 = tpu.unpack_subelements %bitcast3A_1116, 1 {pack_format = #tpu.pack_format<interleaved>} : vector<32xbf16> -> vector<16xf32>
        %mul3A_1119 = arith.mulf %broadcast_in_dim3A_1044, %unpack3A_1117 : vector<16xf32>
        %add3A_1120 = arith.addf %while3A_1022, %mul3A_1119 : vector<16xf32>
        %mul3A_1121 = arith.mulf %broadcast_in_dim3A_1044, %unpack3A_1118 : vector<16xf32>
        %add3A_1122 = arith.addf %while3A_1023, %mul3A_1121 : vector<16xf32>
        %get3A_1123 = arith.index_cast %while3A_1007 : i32 to index
        %get3A_1124 = arith.constant 128 : index
        %get3A_1125 = tpu.vector_load %arg13[%get3A_1123, %get3A_1124] {strides = array<i32>} : memref<32x256xi32, #tpu.memory_space<vmem>>, vector<16xi32>,
        %bitcast3A_1126 = vector.bitcast %get3A_1125 : vector<16xi32> to vector<32xbf16>
        %unpack3A_1127 = tpu.unpack_subelements %bitcast3A_1126, 0 {pack_format = #tpu.pack_format<interleaved>} : vector<32xbf16> -> vector<16xf32>
        %unpack3A_1128 = tpu.unpack_subelements %bitcast3A_1126, 1 {pack_format = #tpu.pack_format<interleaved>} : vector<32xbf16> -> vector<16xf32>
        %mul3A_1129 = arith.mulf %broadcast_in_dim3A_1044, %unpack3A_1127 : vector<16xf32>
        %add3A_1130 = arith.addf %while3A_1024, %mul3A_1129 : vector<16xf32>
        %mul3A_1131 = arith.mulf %broadcast_in_dim3A_1044, %unpack3A_1128 : vector<16xf32>
        %add3A_1132 = arith.addf %while3A_1025, %mul3A_1131 : vector<16xf32>
        %get3A_1133 = arith.index_cast %while3A_1007 : i32 to index
        %get3A_1134 = arith.constant 144 : index
        %get3A_1135 = tpu.vector_load %arg13[%get3A_1133, %get3A_1134] {strides = array<i32>} : memref<32x256xi32, #tpu.memory_space<vmem>>, vector<16xi32>,
        %bitcast3A_1136 = vector.bitcast %get3A_1135 : vector<16xi32> to vector<32xbf16>
        %unpack3A_1137 = tpu.unpack_subelements %bitcast3A_1136, 0 {pack_format = #tpu.pack_format<interleaved>} : vector<32xbf16> -> vector<16xf32>
        %unpack3A_1138 = tpu.unpack_subelements %bitcast3A_1136, 1 {pack_format = #tpu.pack_format<interleaved>} : vector<32xbf16> -> vector<16xf32>
        %mul3A_1139 = arith.mulf %broadcast_in_dim3A_1044, %unpack3A_1137 : vector<16xf32>
        %add3A_1140 = arith.addf %while3A_1026, %mul3A_1139 : vector<16xf32>
        %mul3A_1141 = arith.mulf %broadcast_in_dim3A_1044, %unpack3A_1138 : vector<16xf32>
        %add3A_1142 = arith.addf %while3A_1027, %mul3A_1141 : vector<16xf32>
        %get3A_1143 = arith.index_cast %while3A_1007 : i32 to index
        %get3A_1144 = arith.constant 160 : index
        %get3A_1145 = tpu.vector_load %arg13[%get3A_1143, %get3A_1144] {strides = array<i32>} : memref<32x256xi32, #tpu.memory_space<vmem>>, vector<16xi32>,
        %bitcast3A_1146 = vector.bitcast %get3A_1145 : vector<16xi32> to vector<32xbf16>
        %unpack3A_1147 = tpu.unpack_subelements %bitcast3A_1146, 0 {pack_format = #tpu.pack_format<interleaved>} : vector<32xbf16> -> vector<16xf32>
        %unpack3A_1148 = tpu.unpack_subelements %bitcast3A_1146, 1 {pack_format = #tpu.pack_format<interleaved>} : vector<32xbf16> -> vector<16xf32>
        %mul3A_1149 = arith.mulf %broadcast_in_dim3A_1044, %unpack3A_1147 : vector<16xf32>
        %add3A_1150 = arith.addf %while3A_1028, %mul3A_1149 : vector<16xf32>
        %mul3A_1151 = arith.mulf %broadcast_in_dim3A_1044, %unpack3A_1148 : vector<16xf32>
        %add3A_1152 = arith.addf %while3A_1029, %mul3A_1151 : vector<16xf32>
        %get3A_1153 = arith.index_cast %while3A_1007 : i32 to index
        %get3A_1154 = arith.constant 176 : index
        %get3A_1155 = tpu.vector_load %arg13[%get3A_1153, %get3A_1154] {strides = array<i32>} : memref<32x256xi32, #tpu.memory_space<vmem>>, vector<16xi32>,
        %bitcast3A_1156 = vector.bitcast %get3A_1155 : vector<16xi32> to vector<32xbf16>
        %unpack3A_1157 = tpu.unpack_subelements %bitcast3A_1156, 0 {pack_format = #tpu.pack_format<interleaved>} : vector<32xbf16> -> vector<16xf32>
        %unpack3A_1158 = tpu.unpack_subelements %bitcast3A_1156, 1 {pack_format = #tpu.pack_format<interleaved>} : vector<32xbf16> -> vector<16xf32>
        %mul3A_1159 = arith.mulf %broadcast_in_dim3A_1044, %unpack3A_1157 : vector<16xf32>
        %add3A_1160 = arith.addf %while3A_1030, %mul3A_1159 : vector<16xf32>
        %mul3A_1161 = arith.mulf %broadcast_in_dim3A_1044, %unpack3A_1158 : vector<16xf32>
        %add3A_1162 = arith.addf %while3A_1031, %mul3A_1161 : vector<16xf32>
        %get3A_1163 = arith.index_cast %while3A_1007 : i32 to index
        %get3A_1164 = arith.constant 192 : index
        %get3A_1165 = tpu.vector_load %arg13[%get3A_1163, %get3A_1164] {strides = array<i32>} : memref<32x256xi32, #tpu.memory_space<vmem>>, vector<16xi32>,
        %bitcast3A_1166 = vector.bitcast %get3A_1165 : vector<16xi32> to vector<32xbf16>
        %unpack3A_1167 = tpu.unpack_subelements %bitcast3A_1166, 0 {pack_format = #tpu.pack_format<interleaved>} : vector<32xbf16> -> vector<16xf32>
        %unpack3A_1168 = tpu.unpack_subelements %bitcast3A_1166, 1 {pack_format = #tpu.pack_format<interleaved>} : vector<32xbf16> -> vector<16xf32>
        %mul3A_1169 = arith.mulf %broadcast_in_dim3A_1044, %unpack3A_1167 : vector<16xf32>
        %add3A_1170 = arith.addf %while3A_1032, %mul3A_1169 : vector<16xf32>
        %mul3A_1171 = arith.mulf %broadcast_in_dim3A_1044, %unpack3A_1168 : vector<16xf32>
        %add3A_1172 = arith.addf %while3A_1033, %mul3A_1171 : vector<16xf32>
        %get3A_1173 = arith.index_cast %while3A_1007 : i32 to index
        %get3A_1174 = arith.constant 208 : index
        %get3A_1175 = tpu.vector_load %arg13[%get3A_1173, %get3A_1174] {strides = array<i32>} : memref<32x256xi32, #tpu.memory_space<vmem>>, vector<16xi32>,
        %bitcast3A_1176 = vector.bitcast %get3A_1175 : vector<16xi32> to vector<32xbf16>
        %unpack3A_1177 = tpu.unpack_subelements %bitcast3A_1176, 0 {pack_format = #tpu.pack_format<interleaved>} : vector<32xbf16> -> vector<16xf32>
        %unpack3A_1178 = tpu.unpack_subelements %bitcast3A_1176, 1 {pack_format = #tpu.pack_format<interleaved>} : vector<32xbf16> -> vector<16xf32>
        %mul3A_1179 = arith.mulf %broadcast_in_dim3A_1044, %unpack3A_1177 : vector<16xf32>
        %add3A_1180 = arith.addf %while3A_1034, %mul3A_1179 : vector<16xf32>
        %mul3A_1181 = arith.mulf %broadcast_in_dim3A_1044, %unpack3A_1178 : vector<16xf32>
        %add3A_1182 = arith.addf %while3A_1035, %mul3A_1181 : vector<16xf32>
        %get3A_1183 = arith.index_cast %while3A_1007 : i32 to index
        %get3A_1184 = arith.constant 224 : index
        %get3A_1185 = tpu.vector_load %arg13[%get3A_1183, %get3A_1184] {strides = array<i32>} : memref<32x256xi32, #tpu.memory_space<vmem>>, vector<16xi32>,
        %bitcast3A_1186 = vector.bitcast %get3A_1185 : vector<16xi32> to vector<32xbf16>
        %unpack3A_1187 = tpu.unpack_subelements %bitcast3A_1186, 0 {pack_format = #tpu.pack_format<interleaved>} : vector<32xbf16> -> vector<16xf32>
        %unpack3A_1188 = tpu.unpack_subelements %bitcast3A_1186, 1 {pack_format = #tpu.pack_format<interleaved>} : vector<32xbf16> -> vector<16xf32>
        %mul3A_1189 = arith.mulf %broadcast_in_dim3A_1044, %unpack3A_1187 : vector<16xf32>
        %add3A_1190 = arith.addf %while3A_1036, %mul3A_1189 : vector<16xf32>
        %mul3A_1191 = arith.mulf %broadcast_in_dim3A_1044, %unpack3A_1188 : vector<16xf32>
        %add3A_1192 = arith.addf %while3A_1037, %mul3A_1191 : vector<16xf32>
        %get3A_1193 = arith.index_cast %while3A_1007 : i32 to index
        %get3A_1194 = arith.constant 240 : index
        %get3A_1195 = tpu.vector_load %arg13[%get3A_1193, %get3A_1194] {strides = array<i32>} : memref<32x256xi32, #tpu.memory_space<vmem>>, vector<16xi32>,
        %bitcast3A_1196 = vector.bitcast %get3A_1195 : vector<16xi32> to vector<32xbf16>
        %unpack3A_1197 = tpu.unpack_subelements %bitcast3A_1196, 0 {pack_format = #tpu.pack_format<interleaved>} : vector<32xbf16> -> vector<16xf32>
        %unpack3A_1198 = tpu.unpack_subelements %bitcast3A_1196, 1 {pack_format = #tpu.pack_format<interleaved>} : vector<32xbf16> -> vector<16xf32>
        %mul3A_1199 = arith.mulf %broadcast_in_dim3A_1044, %unpack3A_1197 : vector<16xf32>
        %add3A_1200 = arith.addf %while3A_1038, %mul3A_1199 : vector<16xf32>
        %mul3A_1201 = arith.mulf %broadcast_in_dim3A_1044, %unpack3A_1198 : vector<16xf32>
        %add3A_1202 = arith.addf %while3A_1039, %mul3A_1201 : vector<16xf32>
        scf.yield %add3A_1050, %add3A_1052, %add3A_1060, %add3A_1062, %add3A_1070, %add3A_1072, %add3A_1080, %add3A_1082, %add3A_1090, %add3A_1092, %add3A_1100, %add3A_1102, %add3A_1110, %add3A_1112, %add3A_1120, %add3A_1122, %add3A_1130, %add3A_1132, %add3A_1140, %add3A_1142, %add3A_1150, %add3A_1152, %add3A_1160, %add3A_1162, %add3A_1170, %add3A_1172, %add3A_1180, %add3A_1182, %add3A_1190, %add3A_1192, %add3A_1200, %add3A_1202 : vector<16xf32>, vector<16xf32>, vector<16xf32>, vector<16xf32>, vector<16xf32>, vector<16xf32>, vector<16xf32>, vector<16xf32>, vector<16xf32>, vector<16xf32>, vector<16xf32>, vector<16xf32>, vector<16xf32>, vector<16xf32>, vector<16xf32>, vector<16xf32>, vector<16xf32>, vector<16xf32>, vector<16xf32>, vector<16xf32>, vector<16xf32>, vector<16xf32>, vector<16xf32>, vector<16xf32>, vector<16xf32>, vector<16xf32>, vector<16xf32>, vector<16xf32>, vector<16xf32>, vector<16xf32>, vector<16xf32>, vector<16xf32>
      }
      %convert_element_type3A_926 = arith.extui %gt3A_812 : i1 to i32
      %cond3A_927 = arith.constant 0 : i32
      %cond3A_928 = arith.cmpi ne, %convert_element_type3A_926, %cond3A_927 : i32
      scf.if %cond3A_928 {
        %dma_wait3A_1007 = arith.constant 0 : i32
        %dma_wait3A_1008 = tpu.memref_slice %arg6[%mul3A_2, %dma_wait3A_1007] : memref<4096x512xf32, #tpu.memory_space<hbm>> -> memref<1x512xf32, #tpu.memory_space<hbm>>
        %dma_wait3A_1009 = tpu.memref_squeeze %dma_wait3A_1008 : memref<1x512xf32, #tpu.memory_space<hbm>> -> memref<512xf32, #tpu.memory_space<hbm>>
        %dma_wait3A_1010 = arith.constant 0 : i32
        %dma_wait3A_1011 = tpu.memref_slice %arg6[%mul3A_2, %dma_wait3A_1010] : memref<4096x512xf32, #tpu.memory_space<hbm>> -> memref<1x512xf32, #tpu.memory_space<hbm>>
        %dma_wait3A_1012 = tpu.memref_squeeze %dma_wait3A_1011 : memref<1x512xf32, #tpu.memory_space<hbm>> -> memref<512xf32, #tpu.memory_space<hbm>>
        tpu.wait_dma2 semaphore(%arg26 : memref<!tpu.dma_semaphore, #tpu.memory_space<semaphore_mem>>) src(%arg18 : memref<512xf32, #tpu.memory_space<vmem>>) dst(%dma_wait3A_1012 : memref<512xf32, #tpu.memory_space<hbm>>)
      } else {
      }
      %swap3A_929 = arith.constant 0 : index
      %swap3A_930 = tpu.vector_load %arg18[%swap3A_929] {strides = array<i32>} : memref<512xf32, #tpu.memory_space<vmem>>, vector<16xf32>,
      tpu.vector_store %arg18[%swap3A_929], %while3A_925#0 {strides = array<i32>} : memref<512xf32, #tpu.memory_space<vmem>>, vector<16xf32>,
      %swap3A_931 = arith.constant 256 : index
      %swap3A_932 = tpu.vector_load %arg18[%swap3A_931] {strides = array<i32>} : memref<512xf32, #tpu.memory_space<vmem>>, vector<16xf32>,
      tpu.vector_store %arg18[%swap3A_931], %while3A_925#1 {strides = array<i32>} : memref<512xf32, #tpu.memory_space<vmem>>, vector<16xf32>,
      %swap3A_933 = arith.constant 16 : index
      %swap3A_934 = tpu.vector_load %arg18[%swap3A_933] {strides = array<i32>} : memref<512xf32, #tpu.memory_space<vmem>>, vector<16xf32>,
      tpu.vector_store %arg18[%swap3A_933], %while3A_925#2 {strides = array<i32>} : memref<512xf32, #tpu.memory_space<vmem>>, vector<16xf32>,
      %swap3A_935 = arith.constant 272 : index
      %swap3A_936 = tpu.vector_load %arg18[%swap3A_935] {strides = array<i32>} : memref<512xf32, #tpu.memory_space<vmem>>, vector<16xf32>,
      tpu.vector_store %arg18[%swap3A_935], %while3A_925#3 {strides = array<i32>} : memref<512xf32, #tpu.memory_space<vmem>>, vector<16xf32>,
      %swap3A_937 = arith.constant 32 : index
      %swap3A_938 = tpu.vector_load %arg18[%swap3A_937] {strides = array<i32>} : memref<512xf32, #tpu.memory_space<vmem>>, vector<16xf32>,
      tpu.vector_store %arg18[%swap3A_937], %while3A_925#4 {strides = array<i32>} : memref<512xf32, #tpu.memory_space<vmem>>, vector<16xf32>,
      %swap3A_939 = arith.constant 288 : index
      %swap3A_940 = tpu.vector_load %arg18[%swap3A_939] {strides = array<i32>} : memref<512xf32, #tpu.memory_space<vmem>>, vector<16xf32>,
      tpu.vector_store %arg18[%swap3A_939], %while3A_925#5 {strides = array<i32>} : memref<512xf32, #tpu.memory_space<vmem>>, vector<16xf32>,
      %swap3A_941 = arith.constant 48 : index
      %swap3A_942 = tpu.vector_load %arg18[%swap3A_941] {strides = array<i32>} : memref<512xf32, #tpu.memory_space<vmem>>, vector<16xf32>,
      tpu.vector_store %arg18[%swap3A_941], %while3A_925#6 {strides = array<i32>} : memref<512xf32, #tpu.memory_space<vmem>>, vector<16xf32>,
      %swap3A_943 = arith.constant 304 : index
      %swap3A_944 = tpu.vector_load %arg18[%swap3A_943] {strides = array<i32>} : memref<512xf32, #tpu.memory_space<vmem>>, vector<16xf32>,
      tpu.vector_store %arg18[%swap3A_943], %while3A_925#7 {strides = array<i32>} : memref<512xf32, #tpu.memory_space<vmem>>, vector<16xf32>,
      %swap3A_945 = arith.constant 64 : index
      %swap3A_946 = tpu.vector_load %arg18[%swap3A_945] {strides = array<i32>} : memref<512xf32, #tpu.memory_space<vmem>>, vector<16xf32>,
      tpu.vector_store %arg18[%swap3A_945], %while3A_925#8 {strides = array<i32>} : memref<512xf32, #tpu.memory_space<vmem>>, vector<16xf32>,
      %swap3A_947 = arith.constant 320 : index
      %swap3A_948 = tpu.vector_load %arg18[%swap3A_947] {strides = array<i32>} : memref<512xf32, #tpu.memory_space<vmem>>, vector<16xf32>,
      tpu.vector_store %arg18[%swap3A_947], %while3A_925#9 {strides = array<i32>} : memref<512xf32, #tpu.memory_space<vmem>>, vector<16xf32>,
      %swap3A_949 = arith.constant 80 : index
      %swap3A_950 = tpu.vector_load %arg18[%swap3A_949] {strides = array<i32>} : memref<512xf32, #tpu.memory_space<vmem>>, vector<16xf32>,
      tpu.vector_store %arg18[%swap3A_949], %while3A_925#10 {strides = array<i32>} : memref<512xf32, #tpu.memory_space<vmem>>, vector<16xf32>,
      %swap3A_951 = arith.constant 336 : index
      %swap3A_952 = tpu.vector_load %arg18[%swap3A_951] {strides = array<i32>} : memref<512xf32, #tpu.memory_space<vmem>>, vector<16xf32>,
      tpu.vector_store %arg18[%swap3A_951], %while3A_925#11 {strides = array<i32>} : memref<512xf32, #tpu.memory_space<vmem>>, vector<16xf32>,
      %swap3A_953 = arith.constant 96 : index
      %swap3A_954 = tpu.vector_load %arg18[%swap3A_953] {strides = array<i32>} : memref<512xf32, #tpu.memory_space<vmem>>, vector<16xf32>,
      tpu.vector_store %arg18[%swap3A_953], %while3A_925#12 {strides = array<i32>} : memref<512xf32, #tpu.memory_space<vmem>>, vector<16xf32>,
      %swap3A_955 = arith.constant 352 : index
      %swap3A_956 = tpu.vector_load %arg18[%swap3A_955] {strides = array<i32>} : memref<512xf32, #tpu.memory_space<vmem>>, vector<16xf32>,
      tpu.vector_store %arg18[%swap3A_955], %while3A_925#13 {strides = array<i32>} : memref<512xf32, #tpu.memory_space<vmem>>, vector<16xf32>,
      %swap3A_957 = arith.constant 112 : index
      %swap3A_958 = tpu.vector_load %arg18[%swap3A_957] {strides = array<i32>} : memref<512xf32, #tpu.memory_space<vmem>>, vector<16xf32>,
      tpu.vector_store %arg18[%swap3A_957], %while3A_925#14 {strides = array<i32>} : memref<512xf32, #tpu.memory_space<vmem>>, vector<16xf32>,
      %swap3A_959 = arith.constant 368 : index
      %swap3A_960 = tpu.vector_load %arg18[%swap3A_959] {strides = array<i32>} : memref<512xf32, #tpu.memory_space<vmem>>, vector<16xf32>,
      tpu.vector_store %arg18[%swap3A_959], %while3A_925#15 {strides = array<i32>} : memref<512xf32, #tpu.memory_space<vmem>>, vector<16xf32>,
      %swap3A_961 = arith.constant 128 : index
      %swap3A_962 = tpu.vector_load %arg18[%swap3A_961] {strides = array<i32>} : memref<512xf32, #tpu.memory_space<vmem>>, vector<16xf32>,
      tpu.vector_store %arg18[%swap3A_961], %while3A_925#16 {strides = array<i32>} : memref<512xf32, #tpu.memory_space<vmem>>, vector<16xf32>,
      %swap3A_963 = arith.constant 384 : index
      %swap3A_964 = tpu.vector_load %arg18[%swap3A_963] {strides = array<i32>} : memref<512xf32, #tpu.memory_space<vmem>>, vector<16xf32>,
      tpu.vector_store %arg18[%swap3A_963], %while3A_925#17 {strides = array<i32>} : memref<512xf32, #tpu.memory_space<vmem>>, vector<16xf32>,
      %swap3A_965 = arith.constant 144 : index
      %swap3A_966 = tpu.vector_load %arg18[%swap3A_965] {strides = array<i32>} : memref<512xf32, #tpu.memory_space<vmem>>, vector<16xf32>,
      tpu.vector_store %arg18[%swap3A_965], %while3A_925#18 {strides = array<i32>} : memref<512xf32, #tpu.memory_space<vmem>>, vector<16xf32>,
      %swap3A_967 = arith.constant 400 : index
      %swap3A_968 = tpu.vector_load %arg18[%swap3A_967] {strides = array<i32>} : memref<512xf32, #tpu.memory_space<vmem>>, vector<16xf32>,
      tpu.vector_store %arg18[%swap3A_967], %while3A_925#19 {strides = array<i32>} : memref<512xf32, #tpu.memory_space<vmem>>, vector<16xf32>,
      %swap3A_969 = arith.constant 160 : index
      %swap3A_970 = tpu.vector_load %arg18[%swap3A_969] {strides = array<i32>} : memref<512xf32, #tpu.memory_space<vmem>>, vector<16xf32>,
      tpu.vector_store %arg18[%swap3A_969], %while3A_925#20 {strides = array<i32>} : memref<512xf32, #tpu.memory_space<vmem>>, vector<16xf32>,
      %swap3A_971 = arith.constant 416 : index
      %swap3A_972 = tpu.vector_load %arg18[%swap3A_971] {strides = array<i32>} : memref<512xf32, #tpu.memory_space<vmem>>, vector<16xf32>,
      tpu.vector_store %arg18[%swap3A_971], %while3A_925#21 {strides = array<i32>} : memref<512xf32, #tpu.memory_space<vmem>>, vector<16xf32>,
      %swap3A_973 = arith.constant 176 : index
      %swap3A_974 = tpu.vector_load %arg18[%swap3A_973] {strides = array<i32>} : memref<512xf32, #tpu.memory_space<vmem>>, vector<16xf32>,
      tpu.vector_store %arg18[%swap3A_973], %while3A_925#22 {strides = array<i32>} : memref<512xf32, #tpu.memory_space<vmem>>, vector<16xf32>,
      %swap3A_975 = arith.constant 432 : index
      %swap3A_976 = tpu.vector_load %arg18[%swap3A_975] {strides = array<i32>} : memref<512xf32, #tpu.memory_space<vmem>>, vector<16xf32>,
      tpu.vector_store %arg18[%swap3A_975], %while3A_925#23 {strides = array<i32>} : memref<512xf32, #tpu.memory_space<vmem>>, vector<16xf32>,
      %swap3A_977 = arith.constant 192 : index
      %swap3A_978 = tpu.vector_load %arg18[%swap3A_977] {strides = array<i32>} : memref<512xf32, #tpu.memory_space<vmem>>, vector<16xf32>,
      tpu.vector_store %arg18[%swap3A_977], %while3A_925#24 {strides = array<i32>} : memref<512xf32, #tpu.memory_space<vmem>>, vector<16xf32>,
      %swap3A_979 = arith.constant 448 : index
      %swap3A_980 = tpu.vector_load %arg18[%swap3A_979] {strides = array<i32>} : memref<512xf32, #tpu.memory_space<vmem>>, vector<16xf32>,
      tpu.vector_store %arg18[%swap3A_979], %while3A_925#25 {strides = array<i32>} : memref<512xf32, #tpu.memory_space<vmem>>, vector<16xf32>,
      %swap3A_981 = arith.constant 208 : index
      %swap3A_982 = tpu.vector_load %arg18[%swap3A_981] {strides = array<i32>} : memref<512xf32, #tpu.memory_space<vmem>>, vector<16xf32>,
      tpu.vector_store %arg18[%swap3A_981], %while3A_925#26 {strides = array<i32>} : memref<512xf32, #tpu.memory_space<vmem>>, vector<16xf32>,
      %swap3A_983 = arith.constant 464 : index
      %swap3A_984 = tpu.vector_load %arg18[%swap3A_983] {strides = array<i32>} : memref<512xf32, #tpu.memory_space<vmem>>, vector<16xf32>,
      tpu.vector_store %arg18[%swap3A_983], %while3A_925#27 {strides = array<i32>} : memref<512xf32, #tpu.memory_space<vmem>>, vector<16xf32>,
      %swap3A_985 = arith.constant 224 : index
      %swap3A_986 = tpu.vector_load %arg18[%swap3A_985] {strides = array<i32>} : memref<512xf32, #tpu.memory_space<vmem>>, vector<16xf32>,
      tpu.vector_store %arg18[%swap3A_985], %while3A_925#28 {strides = array<i32>} : memref<512xf32, #tpu.memory_space<vmem>>, vector<16xf32>,
      %swap3A_987 = arith.constant 480 : index
      %swap3A_988 = tpu.vector_load %arg18[%swap3A_987] {strides = array<i32>} : memref<512xf32, #tpu.memory_space<vmem>>, vector<16xf32>,
      tpu.vector_store %arg18[%swap3A_987], %while3A_925#29 {strides = array<i32>} : memref<512xf32, #tpu.memory_space<vmem>>, vector<16xf32>,
      %swap3A_989 = arith.constant 240 : index
      %swap3A_990 = tpu.vector_load %arg18[%swap3A_989] {strides = array<i32>} : memref<512xf32, #tpu.memory_space<vmem>>, vector<16xf32>,
      tpu.vector_store %arg18[%swap3A_989], %while3A_925#30 {strides = array<i32>} : memref<512xf32, #tpu.memory_space<vmem>>, vector<16xf32>,
      %swap3A_991 = arith.constant 496 : index
      %swap3A_992 = tpu.vector_load %arg18[%swap3A_991] {strides = array<i32>} : memref<512xf32, #tpu.memory_space<vmem>>, vector<16xf32>,
      tpu.vector_store %arg18[%swap3A_991], %while3A_925#31 {strides = array<i32>} : memref<512xf32, #tpu.memory_space<vmem>>, vector<16xf32>,
      %add3A_993 = arith.addi %mul3A_2, %add3A_810 : i32
      %dma_start3A_994 = arith.constant 0 : i32
      %dma_start3A_995 = tpu.memref_slice %arg6[%add3A_993, %dma_start3A_994] : memref<4096x512xf32, #tpu.memory_space<hbm>> -> memref<1x512xf32, #tpu.memory_space<hbm>>
      %dma_start3A_996 = tpu.memref_squeeze %dma_start3A_995 : memref<1x512xf32, #tpu.memory_space<hbm>> -> memref<512xf32, #tpu.memory_space<hbm>>
      %dma_start3A_997 = arith.constant 0 : i32
      %dma_start3A_998 = tpu.memref_slice %arg6[%add3A_993, %dma_start3A_997] : memref<4096x512xf32, #tpu.memory_space<hbm>> -> memref<1x512xf32, #tpu.memory_space<hbm>>
      %dma_start3A_999 = tpu.memref_squeeze %dma_start3A_998 : memref<1x512xf32, #tpu.memory_space<hbm>> -> memref<512xf32, #tpu.memory_space<hbm>>
      tpu.enqueue_dma source(%arg18 : memref<512xf32, #tpu.memory_space<vmem>>) target(%dma_start3A_999 : memref<512xf32, #tpu.memory_space<hbm>>) target_semaphore(%arg26 : memref<!tpu.dma_semaphore, #tpu.memory_space<semaphore_mem>>)
      %add3A_1000 = arith.constant 1 : i32
      %add3A_1001 = arith.addi %scan3A_217, %add3A_1000 : i32
      %lt3A_1002 = arith.constant 32 : i32
      %lt3A_1003 = arith.cmpi slt, %add3A_1001, %lt3A_1002 : i32
      %convert_element_type3A_1004 = arith.extui %lt3A_1003 : i1 to i32
      %cond3A_1005 = arith.constant 0 : i32
      %cond3A_1006 = arith.cmpi ne, %convert_element_type3A_1004, %cond3A_1005 : i32
      scf.if %cond3A_1006 {
        %add3A_1007 = arith.constant 4 : i32
        %add3A_1008 = arith.addi %add3A_810, %add3A_1007 : i32
        %get3A_1009 = arith.index_cast %add3A_1008 : i32 to index
        %get3A_1010 = tpu.vector_load %arg9[%get3A_1009] {strides = array<i32>} : memref<144xi32, #tpu.memory_space<vmem>>, vector<16xi32>,
        %slice3A_1011 = vector.extract_strided_slice %get3A_1010 {offsets = [0], sizes = [1], strides = [1]} : vector<16xi32> to vector<1xi32>
        %squeeze3A_1012 = vector.extract %slice3A_1011[0] : i32 from vector<1xi32>
        %add3A_1013 = arith.constant 7 : i32
        %add3A_1014 = arith.addi %squeeze3A_1012, %add3A_1013 : i32
        %jit3A_1015 = arith.constant 8 : i32
        %div3A_1016 = arith.divsi %add3A_1014, %jit3A_1015 : i32
        %sign3A_1017 = arith.constant 0 : i32
        %sign3A_1018 = arith.cmpi sgt, %add3A_1014, %sign3A_1017 : i32
        %sign3A_1019 = arith.extui %sign3A_1018 : i1 to i32
        %sign3A_1020 = arith.constant 0 : i32
        %sign3A_1021 = arith.cmpi slt, %add3A_1014, %sign3A_1020 : i32
        %sign3A_1022 = arith.extui %sign3A_1021 : i1 to i32
        %sign3A_1023 = arith.subi %sign3A_1019, %sign3A_1022 : i32
        %sign3A_1024 = arith.constant 0 : i32
        %sign3A_1025 = arith.cmpi sgt, %jit3A_1015, %sign3A_1024 : i32
        %sign3A_1026 = arith.extui %sign3A_1025 : i1 to i32
        %sign3A_1027 = arith.constant 0 : i32
        %sign3A_1028 = arith.cmpi slt, %jit3A_1015, %sign3A_1027 : i32
        %sign3A_1029 = arith.extui %sign3A_1028 : i1 to i32
        %sign3A_1030 = arith.subi %sign3A_1026, %sign3A_1029 : i32
        %ne3A_1031 = arith.cmpi ne, %sign3A_1023, %sign3A_1030 : i32
        %rem3A_1032 = arith.remsi %add3A_1014, %jit3A_1015 : i32
        %ne3A_1033 = arith.constant 0 : i32
        %ne3A_1034 = arith.cmpi ne, %rem3A_1032, %ne3A_1033 : i32
        %and3A_1035 = arith.andi %ne3A_1031, %ne3A_1034 : i1
        %sub3A_1036 = arith.constant 1 : i32
        %sub3A_1037 = arith.subi %div3A_1016, %sub3A_1036 : i32
        %select_n3A_1038 = arith.select %and3A_1035, %sub3A_1037, %div3A_1016 : i32
        %eq3A_1039 = arith.constant 1 : i32
        %eq3A_1040 = arith.cmpi eq, %select_n3A_1038, %eq3A_1039 : i32
        %convert_element_type3A_1041 = arith.extui %eq3A_1040 : i1 to i32
        %cond3A_1042 = arith.constant 0 : i32
        %cond3A_1043 = arith.cmpi ne, %convert_element_type3A_1041, %cond3A_1042 : i32
        scf.if %cond3A_1043 {
          %dma_start3A_1059 = arith.constant 0 : i32
          %dma_start3A_1060 = arith.constant 0 : i32
          %dma_start3A_1061 = tpu.memref_slice %arg13[%dma_start3A_1059, %dma_start3A_1060] : memref<32x256xi32, #tpu.memory_space<vmem>> -> memref<8x256xi32, #tpu.memory_space<vmem>>
          %dma_start3A_1062 = arith.constant 0 : i32
          %dma_start3A_1063 = tpu.memref_slice %arg8[%add3A_1008, %dma_start3A_1062] : memref<128x32xi32, #tpu.memory_space<vmem>> -> memref<1x8xi32, #tpu.memory_space<vmem>>
          %dma_start3A_1064 = tpu.memref_squeeze %dma_start3A_1063 : memref<1x8xi32, #tpu.memory_space<vmem>> -> memref<8xi32, #tpu.memory_space<vmem>>
          %dma_start3A_1065 = arith.constant 0 : i32
          %dma_start3A_1066 = arith.constant 0 : i32
          %dma_start3A_1067 = tpu.memref_slice %arg5[%dma_start3A_1065, %dma_start3A_1066] : memref<16384x256xi32, #tpu.memory_space<hbm>> -> memref<16384x256xi32, #tpu.memory_space<hbm>>
          tpu.enqueue_indirect_dma source(%dma_start3A_1067 : memref<16384x256xi32, #tpu.memory_space<hbm>>) target(%dma_start3A_1061 : memref<8x256xi32, #tpu.memory_space<vmem>>) offsets(%dma_start3A_1064 : memref<8xi32, #tpu.memory_space<vmem>>) semaphore(%arg22 : memref<!tpu.dma_semaphore, #tpu.memory_space<semaphore_mem>>)
        } else {
        }
        %eq3A_1044 = arith.constant 2 : i32
        %eq3A_1045 = arith.cmpi eq, %select_n3A_1038, %eq3A_1044 : i32
        %convert_element_type3A_1046 = arith.extui %eq3A_1045 : i1 to i32
        %cond3A_1047 = arith.constant 0 : i32
        %cond3A_1048 = arith.cmpi ne, %convert_element_type3A_1046, %cond3A_1047 : i32
        scf.if %cond3A_1048 {
          %dma_start3A_1059 = arith.constant 0 : i32
          %dma_start3A_1060 = arith.constant 0 : i32
          %dma_start3A_1061 = tpu.memref_slice %arg13[%dma_start3A_1059, %dma_start3A_1060] : memref<32x256xi32, #tpu.memory_space<vmem>> -> memref<16x256xi32, #tpu.memory_space<vmem>>
          %dma_start3A_1062 = arith.constant 0 : i32
          %dma_start3A_1063 = tpu.memref_slice %arg8[%add3A_1008, %dma_start3A_1062] : memref<128x32xi32, #tpu.memory_space<vmem>> -> memref<1x16xi32, #tpu.memory_space<vmem>>
          %dma_start3A_1064 = tpu.memref_squeeze %dma_start3A_1063 : memref<1x16xi32, #tpu.memory_space<vmem>> -> memref<16xi32, #tpu.memory_space<vmem>>
          %dma_start3A_1065 = arith.constant 0 : i32
          %dma_start3A_1066 = arith.constant 0 : i32
          %dma_start3A_1067 = tpu.memref_slice %arg5[%dma_start3A_1065, %dma_start3A_1066] : memref<16384x256xi32, #tpu.memory_space<hbm>> -> memref<16384x256xi32, #tpu.memory_space<hbm>>
          tpu.enqueue_indirect_dma source(%dma_start3A_1067 : memref<16384x256xi32, #tpu.memory_space<hbm>>) target(%dma_start3A_1061 : memref<16x256xi32, #tpu.memory_space<vmem>>) offsets(%dma_start3A_1064 : memref<16xi32, #tpu.memory_space<vmem>>) semaphore(%arg22 : memref<!tpu.dma_semaphore, #tpu.memory_space<semaphore_mem>>)
        } else {
        }
        %eq3A_1049 = arith.constant 3 : i32
        %eq3A_1050 = arith.cmpi eq, %select_n3A_1038, %eq3A_1049 : i32
        %convert_element_type3A_1051 = arith.extui %eq3A_1050 : i1 to i32
        %cond3A_1052 = arith.constant 0 : i32
        %cond3A_1053 = arith.cmpi ne, %convert_element_type3A_1051, %cond3A_1052 : i32
        scf.if %cond3A_1053 {
          %dma_start3A_1059 = arith.constant 0 : i32
          %dma_start3A_1060 = arith.constant 0 : i32
          %dma_start3A_1061 = tpu.memref_slice %arg13[%dma_start3A_1059, %dma_start3A_1060] : memref<32x256xi32, #tpu.memory_space<vmem>> -> memref<24x256xi32, #tpu.memory_space<vmem>>
          %dma_start3A_1062 = arith.constant 0 : i32
          %dma_start3A_1063 = tpu.memref_slice %arg8[%add3A_1008, %dma_start3A_1062] : memref<128x32xi32, #tpu.memory_space<vmem>> -> memref<1x24xi32, #tpu.memory_space<vmem>>
          %dma_start3A_1064 = tpu.memref_squeeze %dma_start3A_1063 : memref<1x24xi32, #tpu.memory_space<vmem>> -> memref<24xi32, #tpu.memory_space<vmem>>
          %dma_start3A_1065 = arith.constant 0 : i32
          %dma_start3A_1066 = arith.constant 0 : i32
          %dma_start3A_1067 = tpu.memref_slice %arg5[%dma_start3A_1065, %dma_start3A_1066] : memref<16384x256xi32, #tpu.memory_space<hbm>> -> memref<16384x256xi32, #tpu.memory_space<hbm>>
          tpu.enqueue_indirect_dma source(%dma_start3A_1067 : memref<16384x256xi32, #tpu.memory_space<hbm>>) target(%dma_start3A_1061 : memref<24x256xi32, #tpu.memory_space<vmem>>) offsets(%dma_start3A_1064 : memref<24xi32, #tpu.memory_space<vmem>>) semaphore(%arg22 : memref<!tpu.dma_semaphore, #tpu.memory_space<semaphore_mem>>)
        } else {
        }
        %eq3A_1054 = arith.constant 4 : i32
        %eq3A_1055 = arith.cmpi eq, %select_n3A_1038, %eq3A_1054 : i32
        %convert_element_type3A_1056 = arith.extui %eq3A_1055 : i1 to i32
        %cond3A_1057 = arith.constant 0 : i32
        %cond3A_1058 = arith.cmpi ne, %convert_element_type3A_1056, %cond3A_1057 : i32
        scf.if %cond3A_1058 {
          %dma_start3A_1059 = arith.constant 0 : i32
          %dma_start3A_1060 = arith.constant 0 : i32
          %dma_start3A_1061 = tpu.memref_slice %arg13[%dma_start3A_1059, %dma_start3A_1060] : memref<32x256xi32, #tpu.memory_space<vmem>> -> memref<32x256xi32, #tpu.memory_space<vmem>>
          %dma_start3A_1062 = arith.constant 0 : i32
          %dma_start3A_1063 = tpu.memref_slice %arg8[%add3A_1008, %dma_start3A_1062] : memref<128x32xi32, #tpu.memory_space<vmem>> -> memref<1x32xi32, #tpu.memory_space<vmem>>
          %dma_start3A_1064 = tpu.memref_squeeze %dma_start3A_1063 : memref<1x32xi32, #tpu.memory_space<vmem>> -> memref<32xi32, #tpu.memory_space<vmem>>
          %dma_start3A_1065 = arith.constant 0 : i32
          %dma_start3A_1066 = arith.constant 0 : i32
          %dma_start3A_1067 = tpu.memref_slice %arg5[%dma_start3A_1065, %dma_start3A_1066] : memref<16384x256xi32, #tpu.memory_space<hbm>> -> memref<16384x256xi32, #tpu.memory_space<hbm>>
          tpu.enqueue_indirect_dma source(%dma_start3A_1067 : memref<16384x256xi32, #tpu.memory_space<hbm>>) target(%dma_start3A_1061 : memref<32x256xi32, #tpu.memory_space<vmem>>) offsets(%dma_start3A_1064 : memref<32xi32, #tpu.memory_space<vmem>>) semaphore(%arg22 : memref<!tpu.dma_semaphore, #tpu.memory_space<semaphore_mem>>)
        } else {
        }
      } else {
      }
    }
    %scan3A_193 = arith.constant 32 : i32
    %dma_wait3A = arith.constant 0 : i32
    %dma_wait3A_194 = tpu.memref_slice %arg6[%mul3A_2, %dma_wait3A] : memref<4096x512xf32, #tpu.memory_space<hbm>> -> memref<1x512xf32, #tpu.memory_space<hbm>>
    %dma_wait3A_195 = tpu.memref_squeeze %dma_wait3A_194 : memref<1x512xf32, #tpu.memory_space<hbm>> -> memref<512xf32, #tpu.memory_space<hbm>>
    %dma_wait3A_196 = arith.constant 0 : i32
    %dma_wait3A_197 = tpu.memref_slice %arg6[%mul3A_2, %dma_wait3A_196] : memref<4096x512xf32, #tpu.memory_space<hbm>> -> memref<1x512xf32, #tpu.memory_space<hbm>>
    %dma_wait3A_198 = tpu.memref_squeeze %dma_wait3A_197 : memref<1x512xf32, #tpu.memory_space<hbm>> -> memref<512xf32, #tpu.memory_space<hbm>>
    tpu.wait_dma2 semaphore(%arg23 : memref<!tpu.dma_semaphore, #tpu.memory_space<semaphore_mem>>) src(%arg15 : memref<512xf32, #tpu.memory_space<vmem>>) dst(%dma_wait3A_198 : memref<512xf32, #tpu.memory_space<hbm>>)
    %dma_wait3A_199 = arith.constant 0 : i32
    %dma_wait3A_200 = tpu.memref_slice %arg6[%mul3A_2, %dma_wait3A_199] : memref<4096x512xf32, #tpu.memory_space<hbm>> -> memref<1x512xf32, #tpu.memory_space<hbm>>
    %dma_wait3A_201 = tpu.memref_squeeze %dma_wait3A_200 : memref<1x512xf32, #tpu.memory_space<hbm>> -> memref<512xf32, #tpu.memory_space<hbm>>
    %dma_wait3A_202 = arith.constant 0 : i32
    %dma_wait3A_203 = tpu.memref_slice %arg6[%mul3A_2, %dma_wait3A_202] : memref<4096x512xf32, #tpu.memory_space<hbm>> -> memref<1x512xf32, #tpu.memory_space<hbm>>
    %dma_wait3A_204 = tpu.memref_squeeze %dma_wait3A_203 : memref<1x512xf32, #tpu.memory_space<hbm>> -> memref<512xf32, #tpu.memory_space<hbm>>
    tpu.wait_dma2 semaphore(%arg24 : memref<!tpu.dma_semaphore, #tpu.memory_space<semaphore_mem>>) src(%arg16 : memref<512xf32, #tpu.memory_space<vmem>>) dst(%dma_wait3A_204 : memref<512xf32, #tpu.memory_space<hbm>>)
    %dma_wait3A_205 = arith.constant 0 : i32
    %dma_wait3A_206 = tpu.memref_slice %arg6[%mul3A_2, %dma_wait3A_205] : memref<4096x512xf32, #tpu.memory_space<hbm>> -> memref<1x512xf32, #tpu.memory_space<hbm>>
    %dma_wait3A_207 = tpu.memref_squeeze %dma_wait3A_206 : memref<1x512xf32, #tpu.memory_space<hbm>> -> memref<512xf32, #tpu.memory_space<hbm>>
    %dma_wait3A_208 = arith.constant 0 : i32
    %dma_wait3A_209 = tpu.memref_slice %arg6[%mul3A_2, %dma_wait3A_208] : memref<4096x512xf32, #tpu.memory_space<hbm>> -> memref<1x512xf32, #tpu.memory_space<hbm>>
    %dma_wait3A_210 = tpu.memref_squeeze %dma_wait3A_209 : memref<1x512xf32, #tpu.memory_space<hbm>> -> memref<512xf32, #tpu.memory_space<hbm>>
    tpu.wait_dma2 semaphore(%arg25 : memref<!tpu.dma_semaphore, #tpu.memory_space<semaphore_mem>>) src(%arg17 : memref<512xf32, #tpu.memory_space<vmem>>) dst(%dma_wait3A_210 : memref<512xf32, #tpu.memory_space<hbm>>)
    %dma_wait3A_211 = arith.constant 0 : i32
    %dma_wait3A_212 = tpu.memref_slice %arg6[%mul3A_2, %dma_wait3A_211] : memref<4096x512xf32, #tpu.memory_space<hbm>> -> memref<1x512xf32, #tpu.memory_space<hbm>>
    %dma_wait3A_213 = tpu.memref_squeeze %dma_wait3A_212 : memref<1x512xf32, #tpu.memory_space<hbm>> -> memref<512xf32, #tpu.memory_space<hbm>>
    %dma_wait3A_214 = arith.constant 0 : i32
    %dma_wait3A_215 = tpu.memref_slice %arg6[%mul3A_2, %dma_wait3A_214] : memref<4096x512xf32, #tpu.memory_space<hbm>> -> memref<1x512xf32, #tpu.memory_space<hbm>>
    %dma_wait3A_216 = tpu.memref_squeeze %dma_wait3A_215 : memref<1x512xf32, #tpu.memory_space<hbm>> -> memref<512xf32, #tpu.memory_space<hbm>>
    tpu.wait_dma2 semaphore(%arg26 : memref<!tpu.dma_semaphore, #tpu.memory_space<semaphore_mem>>) src(%arg18 : memref<512xf32, #tpu.memory_space<vmem>>) dst(%dma_wait3A_216 : memref<512xf32, #tpu.memory_space<hbm>>)
    return
  }
}

module attributes {stable_mosaic.version = 14 : i64} {
  func.func @_ff_body(%arg0: i32, %arg1: memref<2048x512xf32, #tpu.memory_space<vmem>>, %arg2: memref<512x256xf32, #tpu.memory_space<vmem>>, %arg3: memref<256xf32, #tpu.memory_space<vmem>>, %arg4: memref<256x1xf32, #tpu.memory_space<vmem>>, %arg5: memref<2048xf32, #tpu.memory_space<vmem>>, %arg6: memref<2048x256xi32, #tpu.memory_space<vmem>>) attributes {dimension_semantics = [#tpu.dimension_semantics<arbitrary>], iteration_bounds = array<i64: 8>, scalar_prefetch = 0 : i64, scratch_operands = 0 : i64, tpu.core_type = #tpu.core_type<tc>, window_params = [{transform_indices = @transform_0, window_bounds = array<i64: 2048, 512>}, {pipeline_mode = #tpu.pipeline_mode<synchronous>, transform_indices = @transform_1, window_bounds = array<i64: 512, 256>}, {pipeline_mode = #tpu.pipeline_mode<synchronous>, transform_indices = @transform_2, window_bounds = array<i64: 256>}, {pipeline_mode = #tpu.pipeline_mode<synchronous>, transform_indices = @transform_3, window_bounds = array<i64: 256, 1>}, {transform_indices = @transform_4, window_bounds = array<i64: 2048>}, {transform_indices = @transform_5, window_bounds = array<i64: 2048, 256>}]} {
    %get3A = arith.constant 0 : index
    %get3A_0 = arith.constant 0 : index
    %get3A_1 = vector.load %arg1[%get3A, %get3A_0] : memref<2048x512xf32, #tpu.memory_space<vmem>>, vector<2048x512xf32>
    %convert_element_type3A = arith.truncf %get3A_1 : vector<2048x512xf32> to vector<2048x512xbf16>
    %bitcast_convert_type3A = tpu.bitcast %get3A_1 : vector<2048x512xf32> -> vector<2048x512xi32>
    %add3A = arith.constant 32767 : i32
    %add3A_2 = vector.broadcast %add3A : i32 to vector<2048x512xi32>
    %add3A_3 = arith.addi %bitcast_convert_type3A, %add3A_2 : vector<2048x512xi32>
    %shift_right_logical3A = arith.constant 16 : i32
    %shift_right_logical3A_4 = vector.broadcast %shift_right_logical3A : i32 to vector<2048x512xi32>
    %shift_right_logical3A_5 = arith.shrui %bitcast_convert_type3A, %shift_right_logical3A_4 : vector<2048x512xi32>
    %and3A = arith.constant 1 : i32
    %and3A_6 = vector.broadcast %and3A : i32 to vector<2048x512xi32>
    %and3A_7 = arith.andi %shift_right_logical3A_5, %and3A_6 : vector<2048x512xi32>
    %add3A_8 = arith.addi %add3A_3, %and3A_7 : vector<2048x512xi32>
    %shift_right_logical3A_9 = arith.constant 16 : i32
    %shift_right_logical3A_10 = vector.broadcast %shift_right_logical3A_9 : i32 to vector<2048x512xi32>
    %shift_right_logical3A_11 = arith.shrui %add3A_8, %shift_right_logical3A_10 : vector<2048x512xi32>
    %slice3A = vector.extract_strided_slice %shift_right_logical3A_11 {offsets = [0, 0], sizes = [2048, 256], strides = [1, 1]} : vector<2048x512xi32> to vector<2048x256xi32>
    %slice3A_12 = vector.extract_strided_slice %shift_right_logical3A_11 {offsets = [0, 256], sizes = [2048, 256], strides = [1, 1]} : vector<2048x512xi32> to vector<2048x256xi32>
    %shift_left3A = arith.constant 16 : i32
    %shift_left3A_13 = vector.broadcast %shift_left3A : i32 to vector<2048x256xi32>
    %shift_left3A_14 = arith.shli %slice3A_12, %shift_left3A_13 : vector<2048x256xi32>
    %or3A = arith.ori %slice3A, %shift_left3A_14 : vector<2048x256xi32>
    %bitcast_convert_type3A_15 = tpu.bitcast %or3A : vector<2048x256xi32> -> vector<2048x256xi32>
    %swap3A = arith.constant 0 : index
    %swap3A_16 = arith.constant 0 : index
    %swap3A_17 = vector.load %arg6[%swap3A, %swap3A_16] : memref<2048x256xi32, #tpu.memory_space<vmem>>, vector<2048x256xi32>
    tpu.vector_store %arg6[%swap3A, %swap3A_16], %bitcast_convert_type3A_15 {strides = array<i32>} : memref<2048x256xi32, #tpu.memory_space<vmem>>, vector<2048x256xi32>,
    %get3A_18 = arith.constant 0 : index
    %get3A_19 = arith.constant 0 : index
    %get3A_20 = vector.load %arg2[%get3A_18, %get3A_19] : memref<512x256xf32, #tpu.memory_space<vmem>>, vector<512x256xf32>
    %convert_element_type3A_21 = arith.truncf %get3A_20 : vector<512x256xf32> to vector<512x256xbf16>
    %dot_general3A = arith.constant dense<0.000000e+00> : vector<2048x256xf32>
    %dot_general3A_22 = tpu.matmul %convert_element_type3A, %convert_element_type3A_21, %dot_general3A {dimension_numbers = #tpu.dot_dimension_numbers<[1], [0], [0], [1], [0, 0, 1, 1], [], []>, transpose_lhs_hint = false} : vector<2048x512xbf16>, vector<512x256xbf16>, vector<2048x256xf32> -> vector<2048x256xf32>
    %get3A_23 = arith.constant 0 : index
    %get3A_24 = vector.load %arg3[%get3A_23] : memref<256xf32, #tpu.memory_space<vmem>>, vector<256xf32>
    %broadcast_in_dim3A = vector.shape_cast %get3A_24 : vector<256xf32> to vector<1x256xf32>
    %add3A_25 = vector.broadcast %broadcast_in_dim3A : vector<1x256xf32> to vector<2048x256xf32>
    %add3A_26 = arith.addf %dot_general3A_22, %add3A_25 : vector<2048x256xf32>
    %max3A = arith.constant 0.000000e+00 : f32
    %max3A_27 = vector.broadcast %max3A : f32 to vector<2048x256xf32>
    %max3A_28 = arith.maximumf %add3A_26, %max3A_27 : vector<2048x256xf32>
    %convert_element_type3A_29 = arith.truncf %max3A_28 : vector<2048x256xf32> to vector<2048x256xbf16>
    %get3A_30 = arith.constant 0 : index
    %get3A_31 = arith.constant 0 : index
    %get3A_32 = vector.load %arg4[%get3A_30, %get3A_31] : memref<256x1xf32, #tpu.memory_space<vmem>>, vector<256x1xf32>
    %convert_element_type3A_33 = arith.truncf %get3A_32 : vector<256x1xf32> to vector<256x1xbf16>
    %dot_general3A_34 = arith.constant dense<0.000000e+00> : vector<2048x1xf32>
    %dot_general3A_35 = tpu.matmul %convert_element_type3A_29, %convert_element_type3A_33, %dot_general3A_34 {dimension_numbers = #tpu.dot_dimension_numbers<[1], [0], [0], [1], [0, 0, 1, 1], [], []>, transpose_lhs_hint = false} : vector<2048x256xbf16>, vector<256x1xbf16>, vector<2048x1xf32> -> vector<2048x1xf32>
    %squeeze3A = vector.shape_cast %dot_general3A_35 : vector<2048x1xf32> to vector<2048xf32>
    %swap3A_36 = arith.constant 0 : index
    %swap3A_37 = vector.load %arg5[%swap3A_36] : memref<2048xf32, #tpu.memory_space<vmem>>, vector<2048xf32>
    tpu.vector_store %arg5[%swap3A_36], %squeeze3A {strides = array<i32>} : memref<2048xf32, #tpu.memory_space<vmem>>, vector<2048xf32>,
    return
  }
  func.func @transform_0(%arg0: i32) -> (i32, i32) {
    %c0_i32 = arith.constant 0 : i32
    %c0_i32_0 = arith.constant 0 : i32
    return %arg0, %c0_i32 : i32, i32
  }
  func.func @transform_1(%arg0: i32) -> (i32, i32) {
    %c0_i32 = arith.constant 0 : i32
    %c0_i32_0 = arith.constant 0 : i32
    %c0_i32_1 = arith.constant 0 : i32
    return %c0_i32, %c0_i32_0 : i32, i32
  }
  func.func @transform_2(%arg0: i32) -> i32 {
    %c0_i32 = arith.constant 0 : i32
    %c0_i32_0 = arith.constant 0 : i32
    return %c0_i32 : i32
  }
  func.func @transform_3(%arg0: i32) -> (i32, i32) {
    %c0_i32 = arith.constant 0 : i32
    %c0_i32_0 = arith.constant 0 : i32
    %c0_i32_1 = arith.constant 0 : i32
    return %c0_i32, %c0_i32_0 : i32, i32
  }
  func.func @transform_4(%arg0: i32) -> i32 {
    %c0_i32 = arith.constant 0 : i32
    return %arg0 : i32
  }
  func.func @transform_5(%arg0: i32) -> (i32, i32) {
    %c0_i32 = arith.constant 0 : i32
    %c0_i32_0 = arith.constant 0 : i32
    return %arg0, %c0_i32 : i32, i32
  }
}

</mosaic_0001>

<sc_bundles>
// kernel: kernel.4.cloned.1.call-start
scs
__scs_entry_jumppad:
0x0: {  	(pc) =	sbr.rel $0x88, $3  }
0x1: {  	(tag) =	ssettag $0x0;
	lr =	simm.s32 $0x1  }
0x2: {  	[smem:$0x3F9B] =	sst lr;
	_ =	strace $0xD0000000  }
0x3: {  	_ = 	snop  }
0x4: {  	_ = 	snop  }
0x5: {  	_ = 	snop  }
0x6: {  	_ = 	snop  }
0x7: {  	_ = 	snop  }
__scs_overlays_trampoline_lowered:
0x8: {  	[smem:$0x3FAA] =	sst s0  }
0x9: {  	[smem:$0x3FAB] =	sst s1  }
0xa: {  	[smem:$0x3FAC] =	sst s2  }
0xb: {  	[smem:$0x3FAD] =	sst s3  }
0xc: {  	[smem:$0x3FAE] =	sst s4  }
0xd: {  	[smem:$0x3FAF] =	sst s5  }
0xe: {  	[smem:$0x3FB0] =	sst s6  }
0xf: {  	[smem:$0x3FB1] =	sst s7  }
0x10: {  	[smem:$0x3FB2] =	sst s8  }
0x11: {  	[smem:$0x3FB3] =	sst s9;
	s0 =	simm.s32 @!p0 $0x0  }
0x12: {  	s1 =	sld [smem:$0x3F99];
	s0 =	simm.s32 @p0 $0x1  }
0x13: {  	[smem:$0x3FB4] =	sst s0;
	s0 =	simm.s32 @!p1 $0x0  }
0x14: {  	s2 =	sld [smem:$0x3F98];
	s0 =	simm.s32 @p1 $0x1  }
0x15: {  	[smem:$0x3FB5] =	sst s0;
	s0 =	simm.s32 @!p2 $0x0  }
0x16: {  	s3 =	sld [smem:$0x3FDB];
	s0 =	simm.s32 @p2 $0x1  }
0x17: {  	s4 =	simm.s32 $0x1BF5;
	[smem:$0x3FB7] =	sst s0  }
0x18: {  	s0 =	sld [smem:$0x3F9A];
	_ =	swait.ge [sflag:s4], $0x0  }
0x19: {  	s7 =	sld [smem:$0x3F9B]  }
0x1a: {  	s8 =	sadd.s32 $0xFFFFE003, lr  }
0x1b: {  	s9 =	sadd.s32 $0xFFFFFEF7, lr;
	s5 =	simm.s32 $0xFFFFFFFF;
	p2 =	slt.u32 s8, $0xFFFFF086  }
0x1c: {  	p1 =	slt.u32 s9, $0xF7A;
	s5 =	simm.s32 @!p2 $0x0  }
0x1d: {  	s5 =	simm.s32 @p1 $0x1;
	p0 =	seq.s32 s7, s2  }
0x1e: {  	s7 =	smul.u32 @!p0 $0xF7A, s2;
	p2 =	seq.s32 @!p0 s5, $0x0  }
0x1f: {  	s9 =	smul.u32 $0xF7A, s1;
	s8 =	simm.s32 @!p0 $0x1BF5;
	p2 =	por !p2, p0  }
0x20: {  	[sflag:s8] =	ssyncset.s32 @!p0 $0xFFFFF086;
	s6 =	sadd.s32 @!p0 s3, s7;
	s7 =	simm.s32 @!p0 $0x108  }
0x21: {  	s3 =	sadd.s32 s3, s9;
	s6 =	sadd.s32 @!p0 $0x88, s6;
	s7 =	simm.s32 @p2 $0x1082  }
0x22: {  	[simem:s7], [sflag:s8] =	dma.local @!p0 [hbm:s6], $0xF7A  }
0x23: {  	s9 =	sor.u32 $0xD0000000, s2;
	s6 =	simm.s32 $0x108;
	_ =	swait.ge @!p0 [sflag:s8], $0x0  }
0x24: {  	s3 =	sadd.s32 $0x88, s3;
	s6 =	simm.s32 @!p1 $0x1082;
	[sflag:s4] =	ssyncset.s32 $0xFFFFF086  }
0x25: {  	[simem:s6], [sflag:s4] =	dma.local [hbm:s3], $0xF7A  }
0x26: {  	[smem:$0x3F9B] =	sst s1;
	(tag) =	ssettag s2;
	_ =	strace s9  }
0x27: {  	s1 =	sld [smem:$0x3FAB]  }
0x28: {  	s2 =	sld [smem:$0x3FAC]  }
0x29: {  	s4 =	sld [smem:$0x3FAE]  }
0x2a: {  	p0 =	seq.s32 s5, $0x0;
	s5 =	sld [smem:$0x3FAF]  }
0x2b: {  	s6 =	sld [smem:$0x3FB0]  }
0x2c: {  	s7 =	sld [smem:$0x3FB1]  }
0x2d: {  	s3 =	simm.s32 $0x108;
	s8 =	sld [smem:$0x3FB2]  }
0x2e: {  	s3 =	simm.s32 @!p0 $0x1082;
	s9 =	sld [smem:$0x3FB3]  }
0x2f: {  	lr =	sadd.s32 s0, s3;
	s0 =	sld [smem:$0x3FAA]  }
0x30: {  	s3 =	sld [smem:$0x3FAD]  }
0x31: {  	[smem:$0x3FB6] =	sst s10  }
0x32: {  	s10 =	sld [smem:$0x3FB4];
	_ =	sdelay $0x3  }
0x33: {  	p0 =	seq.s32 s10, $0x1;
	s10 =	sld [smem:$0x3FB6];
	_ =	sdelay $0x3  }
0x34: {  	[smem:$0x3FB6] =	sst s10  }
0x35: {  	s10 =	sld [smem:$0x3FB5];
	_ =	sdelay $0x3  }
0x36: {  	p1 =	seq.s32 s10, $0x1;
	s10 =	sld [smem:$0x3FB6];
	_ =	sdelay $0x3  }
0x37: {  	[smem:$0x3FB6] =	sst s10  }
0x38: {  	s10 =	sld [smem:$0x3FB7]  }
0x39: {  	_ = 	snop;
	(pc) =	sbr.ind lr, $3  }
0x3a: {  	_ = 	snop  }
0x3b: {  	_ = 	snop  }
0x3c: {  	p2 =	seq.s32 s10, $0x1;
	s10 =	sld [smem:$0x3FB6]  }
0x3d: {  	_ =	shalt  }
0x3e: {  	_ =	shalt  }
0x3f: {  	_ =	shalt  }
0x40: {  	_ =	shalt  }
0x41: {  	_ =	shalt  }
0x42: {  	_ =	shalt  }
0x43: {  	_ =	shalt  }
0x44: {  	_ =	shalt  }
0x45: {  	_ =	shalt  }
0x46: {  	_ =	shalt  }
0x47: {  	_ =	shalt  }
0x48: {  	_ =	shalt  }
0x49: {  	_ =	shalt  }
0x4a: {  	_ =	shalt  }
0x4b: {  	_ =	shalt  }
0x4c: {  	_ =	shalt  }
0x4d: {  	_ =	shalt  }
0x4e: {  	_ =	shalt  }
0x4f: {  	_ =	shalt  }
0x50: {  	_ =	shalt  }
0x51: {  	_ =	shalt  }
0x52: {  	_ =	shalt  }
0x53: {  	_ =	shalt  }
0x54: {  	_ =	shalt  }
0x55: {  	_ =	shalt  }
0x56: {  	_ =	shalt  }
0x57: {  	_ =	shalt  }
0x58: {  	_ =	shalt  }
0x59: {  	_ =	shalt  }
0x5a: {  	_ =	shalt  }
0x5b: {  	_ =	shalt  }
0x5c: {  	_ =	shalt  }
0x5d: {  	_ =	shalt  }
0x5e: {  	_ =	shalt  }
0x5f: {  	_ =	shalt  }
0x60: {  	_ =	shalt  }
0x61: {  	_ =	shalt  }
0x62: {  	_ =	shalt  }
0x63: {  	_ =	shalt  }
0x64: {  	_ =	shalt  }
0x65: {  	_ =	shalt  }
0x66: {  	_ =	shalt  }
0x67: {  	_ =	shalt  }
0x68: {  	_ =	shalt  }
0x69: {  	_ =	shalt  }
0x6a: {  	_ =	shalt  }
0x6b: {  	_ =	shalt  }
0x6c: {  	_ =	shalt  }
0x6d: {  	_ =	shalt  }
0x6e: {  	_ =	shalt  }
0x6f: {  	_ =	shalt  }
0x70: {  	_ =	shalt  }
0x71: {  	_ =	shalt  }
0x72: {  	_ =	shalt  }
0x73: {  	_ =	shalt  }
0x74: {  	_ =	shalt  }
0x75: {  	_ =	shalt  }
0x76: {  	_ =	shalt  }
0x77: {  	_ =	shalt  }
0x78: {  	_ =	shalt  }
0x79: {  	_ =	shalt  }
0x7a: {  	_ =	shalt  }
0x7b: {  	_ =	shalt  }
0x7c: {  	_ =	shalt  }
0x7d: {  	_ =	shalt  }
0x7e: {  	_ =	shalt  }
0x7f: {  	_ =	shalt  }
0x80: {  	_ =	shalt  }
0x81: {  	_ =	shalt  }
0x82: {  	_ =	shalt  }
0x83: {  	_ =	shalt  }
0x84: {  	_ =	shalt  }
0x85: {  	_ =	shalt  }
0x86: {  	_ =	shalt  }
0x87: {  	_ =	shalt  }
.Lfunc_end0:
.L_simem_size_0:
called_computation_lowered:
.L_overlay_start_0:
0x88: {  	s2 =	sld [smem:$0x3FD9]  }
0x89: {  	s3 =	sld [smem:$0x3FFE];
	_ =	sdelay $0x1  }
0x8a: {  	s1 =	srdreg.scid  }
0x8b: {  	s0 =	sand.u32 $0x1, s1  }
0x8c: {  	s17 =	sshll.u32 s0, $0xA;
	s2 =	sadd.s32 s3, s2  }
0x8d: {  	s2 =	sadd.s32 s2, s17  }
0x8e: {  	[smem:$0x3FC2] =	sst s2  }
0x8f: {  	_ = 	snop  }
0x90: {  	s2 =	sld [smem:$0x3FC7]  }
0x91: {  	s18 =	sld [smem:$0x3FD0];
	(tm) =	ssettm $0x1  }
0x92: {  	s4 =	sld [smem:$0x3FFB];
	_ =	sdelay $0x3  }
0x93: {  	_ =	strace s4  }
0x94: {  	s4 =	sld [smem:$0x3FFC];
	_ =	sdelay $0x3  }
0x95: {  	_ =	strace s4  }
0x96: {  	s4 =	sld [smem:$0x3FFD];
	_ =	sdelay $0x3  }
0x97: {  	_ =	strace s4  }
0x98: {  	_ =	strace $0x8FFFFFFF  }
0x99: {  	s19 =	sld [smem:$0x3FDB];
	_ =	sdelay $0x1  }
0x9a: {  	s5 =	simm.s32 $_scs_section_size  }
0x9b: {  	s6 =	simm.s32 $_size__tile_overlayer_lowered;
	s7 =	simm.s32 $_tile_overlayer_lowered  }
0x9c: {  	s22 =	simm.s32 $0x1BFF;
	s21 =	sshll.u32 s7, $0x1;
	s4 =	sadd.s32 s5, s19  }
0x9d: {  	s8 =	simm.s32 $0x0;
	s20 =	sshll.u32 s6, $0x1;
	s6 =	sadd.s32 s21, s4  }
0x9e: {  	[timem:s8], [sflag:s22] =	dma.local [hbm:s6], s20  }
0x9f: {  	_ =	swait.ge [sflag:s22], s20  }
0xa0: {  	s5 =	ssub.s32 $0x0, s20;
	[sflag:s22] =	ssyncset.done $0x0  }
0xa1: {  	[sflag:s22] =	ssyncadd.s32 s5;
	_ =	sdelay $0x1  }
0xa2: {  	s23 =	simm.s32 $0x1B8B  }
0xa3: {  	_ =	swait.ge [sflag:s23], $0x1  }
0xa4: {  	[sflag:s23] =	ssyncset.done $0x0  }
0xa5: {  	s25 =	simm.s32 $0x1B8E;
	s24 =	sld [smem:$0x3FFE];
	[sflag:s23] =	ssyncadd.s32 $0xFFFFFFFF  }
0xa6: {  	s26 =	simm.s32 $execute0_lowered;
	[smem:$0x3FD2] =	sst s25  }
0xa7: {  	s6 =	sshll.u32 s26, $0x1;
	_ =	strace $0x80000046;
	[dreg:$0x1] =	wrdreg $0xFFFFFFFF  }
0xa8: {  	s28 =	simm.s32 $_size_execute0_lowered;
	s4 =	sadd.s32 s4, s6;
	[dreg:$0x0] =	wrdreg $0x0  }
0xa9: {  	s6 =	sshll.u32 s28, $0x1;
	[dreg:$0x2] =	wrdreg s4  }
0xaa: {  	[dreg:$0x3] =	wrdreg s6  }
0xab: {  	[dreg:$0x4] =	wrdreg $0xC0  }
0xac: {  	_ =	task [dreg:s8], $0x5FFFF  }
0xad: {  	[dreg:$0x1] =	wrdreg $0xFFFFFFFF  }
0xae: {  	[dreg:$0x0] =	wrdreg $0x60  }
0xaf: {  	[dreg:$0x2] =	wrdreg s24  }
0xb0: {  	[dreg:$0x3] =	wrdreg s2  }
0xb1: {  	[dreg:$0x4] =	wrdreg s18  }
0xb2: {  	[dreg:$0x5] =	wrdreg $0x9  }
0xb3: {  	_ =	task.clear_ibuf [dreg:s8], $0x6FFFF;
	_ =	strace $0x90000046  }
0xb4: {  	s29 =	simm.s32 $0x9;
	_ =	strace $0x80000048  }
0xb5: {  	_ =	swait.ge [sflag:s29], $0x1  }
0xb6: {  	[sflag:s29] =	ssyncadd.s32 $0xFFFFFFFF  }
0xb7: {  	_ =	strace $0x90000048  }
0xb8: {  	_ =	sfence  }
0xb9: {  	s30 =	sld [smem:$0x0];
	_ =	sdelay $0x2  }
0xba: {  	s31 =	sshll.u32 s1, $0xD;
	s1 =	sshrl.u32 s1, $0x2  }
0xbb: {  	s3 =	sand.u32 $0x4000, s31;
	s1 =	sadd.s32 s1, s30  }
0xbc: {  	s0 =	sor.u32 s3, s0;
	s1 =	sshll.u32 s1, $0x11  }
0xbd: {  	s0 =	sor.u32 s1, s0  }
0xbe: {  	s0 =	sadd.s32 $0x8F2B, s0  }
0xbf: {  	[sflag:s0] =	ssyncadd.remote.s32 $0x1  }
0xc0: {  	_ =	sfence.sel $0xFFFF  }
0xc1: {  	[dreg:$0x0] =	wrdreg $0xFFFFFFFF;
	(pc) =	sbr.abs _section_cstart, $3  }
0xc2: {  	[dreg:$0x1] =	wrdreg $0xFFFFFFFF  }
0xc3: {  	_ =	task.clear_ibuf [dreg:s8], $0x2FFFF;
	_ =	strace $0x9FFFFFFF  }
0xc4: {  	(tm) =	ssettm $0x7FFFFFFF  }
0xc5: {  	_ =	shalt  }
tec
execute0_lowered:
.L_overlay_start_1:
0x0: {  	(tag) =	ssettag $0x1  }
0x1: {  	s0 =	rddreg [dreg:$0x0]  }
0x2: {  	s1 =	rddreg [dreg:$0x1]  }
0x3: {  	s2 =	rddreg [dreg:$0x2]  }
0x4: {  	s3 =	srdreg.scid;
	s4 =	stileid.u32  }
0x5: {  	s10 =	simm.s32 $0x9;
	s13 =	simm.s32 $0x8100;
	s14 =	simm.s32 $0xA100  }
0x6: {  	s15 =	simm.s32 $0xC100;
	s16 =	simm.s32 $0xE100;
	s17 =	simm.s32 $0x80  }
0x7: {  	s18 =	simm.s32 $0x400;
	s19 =	simm.s32 $0x10180;
	s20 =	simm.s32 $0x10380  }
0x8: {  	s21 =	simm.s32 $0x10580;
	s22 =	simm.s32 $0x10780;
	s28 =	simm.s32 $0xE900  }
0x9: {  	s30 =	simm.s32 $0xC900;
	s5 =	sand.u32 $0x1, s3;
	s3 =	simm.s32 $0x0  }
0xa: {  	s4 =	sshll.u32 s4, $0x8;
	s7 =	sadd.s32 $0x90E00, s0;
	s6 =	sshll.u32 s5, $0x7  }
0xb: {  	[smem:$0x7FF] =	sst s3;
	s5 =	ssub.s32 $0x2, s5;
	s4 =	sor.u32 s6, s4  }
0xc: {  	_ =	strace $0x80000047;
	[dreg:$0x4] =	wrdreg s7;
	s26 =	sshrl.u32 s5, $0x1  }
.Ltmp0:
0xd: {  	s6 =	sshll.u32 s4, $0x4;
	s8 =	sshrl.u32 s4, $0x3;
	(pc) =	sbr.rel .LBB2_1-.Ltmp0, $4  }
0xe: {  	s25 =	sadd.s32 s6, s0;
	s6 =	sadd.s32 $0x10E00, s0;
	s1 =	sadd.s32 s1, s8  }
0xf: {  	v0 =	vlaneseq.u32;
	s0 =	ssub.s32 s5, s26;
	s29 =	sadd.s32 $0xE00, s25;
	[dreg:$0x6] =	wrdreg s1  }
0x10: {  	vm0 =	vmmov $0xffff;
	s11 =	simm.s32 $0x8900;
	v2 =	vshrl.u32 v0, $0x3;
	v1 =	vand.u32 $0x7, v0;
	s0 =	smax.u32 s0, $0x1;
	[dreg:$0x5] =	wrdreg s29  }
0x11: {  	s31 =	simm.s32 $0x0;
	v3 =	vor.u32 $0x8, v0;
	v4 =	vor.u32 $0x10, v0;
	v2 =	vmul.u32 $0x8, v2;
	[dreg:$0x7] =	wrdreg s0;
	s0 =	simm.s32 $0xA900  }
.LBB2_107:
0x12: {  	s1 =	simm.s32 $0x5  }
0x13: {  	_ =	swait.ge [sflag:s1], $0x200  }
0x14: {  	[sflag:s1] =	ssyncset.done $0x0  }
0x15: {  	s25 =	simm.s32 $0x6;
	[sflag:s1] =	ssyncadd.s32 $0xFFFFFE00  }
0x16: {  	_ =	swait.ge [sflag:s25], $0x200  }
0x17: {  	[sflag:s25] =	ssyncset.done $0x0  }
0x18: {  	s26 =	simm.s32 $0x7;
	[sflag:s25] =	ssyncadd.s32 $0xFFFFFE00  }
0x19: {  	_ =	swait.ge [sflag:s26], $0x200  }
0x1a: {  	[sflag:s26] =	ssyncset.done $0x0  }
0x1b: {  	s5 =	simm.s32 $0x8;
	[sflag:s26] =	ssyncadd.s32 $0xFFFFFE00  }
0x1c: {  	_ =	swait.ge [sflag:s5], $0x200  }
0x1d: {  	s31 =	sadd.s32 $0x1, s31;
	s29 =	rddreg [dreg:$0x7]  }
0x1e: {  	p0 =	sne.s32 s31, s29  }
.Ltmp1:
0x1f: {  	_ = 	snop;
	(pc) =	sbr.rel @!p0 .LBB2_108-.Ltmp1, $3  }
0x20: {  	_ =	sdelay $0x1  }
0x21: {  	[sflag:s5] =	ssyncset.done $0x0  }
0x22: {  	[sflag:s5] =	ssyncadd.s32 $0xFFFFFE00  }
.LBB2_1:
0x23: {  	s1 =	rddreg [dreg:$0x4]  }
0x24: {  	[tilespmem:s3], [sflag:$0x9] =	stream.linear.gather [hbm4b:s1+s3], $0x4000, $0x38;
	[tilespmem:$0x10980] =	vst v63  }
0x25: {  	_ =	swait.ge [sflag:s10], $0x4000  }
0x26: {  	[sflag:s10] =	ssyncset.done $0x0  }
0x27: {  	s5 =	simm.s32 $0x4000;
	s12 =	rddreg [dreg:$0x5];
	[sflag:s10] =	ssyncadd.s32 $0xFFFFC000  }
0x28: {  	[tilespmem:s5], [sflag:$0x9] =	stream.linear.gather [hbm4b:s12+s3], $0x4000, $0x38;
	[tilespmem:$0x10980] =	vst v63  }
0x29: {  	_ =	swait.ge [sflag:s10], $0x4000  }
0x2a: {  	[sflag:s10] =	ssyncset.done $0x0  }
0x2b: {  	s24 =	simm.s32 $0x8000;
	s23 =	rddreg [dreg:$0x6];
	[sflag:s10] =	ssyncadd.s32 $0xFFFFC000  }
0x2c: {  	[tilespmem:s24], [sflag:$0x9] =	stream.linear.gather [hbm4b:s23+s3], $0x80, $0x38;
	[tilespmem:$0x10980] =	vst v63  }
0x2d: {  	_ =	swait.ge [sflag:s10], $0x80  }
0x2e: {  	[sflag:s10] =	ssyncset.done $0x0  }
0x2f: {  	[sflag:s10] =	ssyncadd.s32 $0xFFFFFF80  }
0x30: {  	v5 =	vld [tilespmem:$0x8000];
	_ =	sdelay $0x4  }
0x31: {  	(v2sf) =	vpush v5, $0x0;
	_ =	sdelay $0xe  }
0x32: {  	s25 =	spop (v2sf)  }
0x33: {  	s1 =	sadd.s32 $0x7, s25  }
0x34: {  	s26 =	sand.u32 $0x7, s1  }
0x35: {  	s29 =	sshra.s32 s1, $0x1F;
	p1 =	slt.s32 s1, $0x1;
	p0 =	sne.s32 s26, $0x0  }
0x36: {  	s5 =	sshrl.u32 s29, $0x1D;
	p0 =	por !p1, !p0  }
0x37: {  	s1 =	sadd.s32 s5, s1;
	s5 =	simm.s32 $0x1;
	p0 =	por !p0, !p0  }
0x38: {  	s1 =	sshra.s32 s1, $0x3;
	s5 =	simm.s32 @!p0 $0x0  }
0x39: {  	s1 =	ssub.s32 s1, s5  }
0x3a: {  	p0 =	sgt.s32 s1, $0x2  }
.Ltmp2:
0x3b: {  	_ = 	snop;
	(pc) =	sbr.rel @p0 .LBB2_5-.Ltmp2, $1  }
0x3c: {  	_ =	sdelay $0x3  }
0x3d: {  	p0 =	seq.s32 s1, $0x1  }
.Ltmp3:
0x3e: {  	_ = 	snop;
	(pc) =	sbr.rel @p0 .LBB2_8-.Ltmp3, $1  }
0x3f: {  	_ =	sdelay $0x3  }
0x40: {  	p0 =	seq.s32 s1, $0x2  }
.Ltmp4:
0x41: {  	_ = 	snop;
	(pc) =	sbr.rel @!p0 .LBB2_11-.Ltmp4, $1  }
0x42: {  	_ =	sdelay $0x3  }
0x43: {  	v5 =	vld [tilespmem:$0x4000];
	_ =	sdelay $0x4  }
0x44: {  	v6 =	vshll.u32 v5, $0x1  }
0x45: {  	v5 =	vand.u32 $0x7, v5;
	v6 =	vand.u32 $0xFFFFFFF0, v6  }
0x46: {  	v5 =	vor.u32 v5, v6  }
0x47: {  	v6 =	vperm.xlane v5, v1;
	_ =	sdelay $0x1  }
0x48: {  	v6 =	vadd.s32 v2, v6  }
.Ltmp5:
0x49: {  	_ = 	snop;
	(pc) =	sbr.rel .LBB2_10-.Ltmp5, $3  }
0x4a: {  	_ =	sdelay $0x1  }
0x4b: {  	s1 =	simm.s32 $0x8900  }
0x4c: {  	v5 =	vperm.xlane v5, v3;
	[tilespmem:s13], [sflag:$0x1] =	stream.indirect_vreg.gather [hbm4b:s6+s3], $0x80, v6, vm0, $0xb8;
	[tilespmem:$0x10980] =	vst v63  }
.LBB2_5:
0x4d: {  	p0 =	seq.s32 s1, $0x3  }
.Ltmp6:
0x4e: {  	_ = 	snop;
	(pc) =	sbr.rel @p0 .LBB2_9-.Ltmp6, $1  }
0x4f: {  	_ =	sdelay $0x3  }
0x50: {  	p0 =	seq.s32 s1, $0x4  }
.Ltmp7:
0x51: {  	_ = 	snop;
	(pc) =	sbr.rel @!p0 .LBB2_11-.Ltmp7, $1  }
0x52: {  	_ =	sdelay $0x3  }
0x53: {  	v5 =	vld [tilespmem:$0x4000];
	_ =	sdelay $0x4  }
0x54: {  	v6 =	vshll.u32 v5, $0x1  }
0x55: {  	v5 =	vand.u32 $0x7, v5;
	v6 =	vand.u32 $0xFFFFFFF0, v6  }
0x56: {  	v5 =	vor.u32 v5, v6  }
0x57: {  	v6 =	vperm.xlane v5, v1;
	_ =	sdelay $0x1  }
0x58: {  	v5 =	vperm.xlane v5, v3;
	v6 =	vadd.s32 v2, v6;
	_ =	sdelay $0x1  }
0x59: {  	v5 =	vadd.s32 v2, v5;
	_ =	sdelay $0x2  }
0x5a: {  	[tilespmem:s13], [sflag:$0x1] =	stream.indirect_vreg.gather [hbm4b:s6+s3], $0x80, v6, vm0, $0xb8;
	[tilespmem:$0x10980] =	vst v63  }
0x5b: {  	_ = 	snop  }
0x5c: {  	[tilespmem:s11], [sflag:$0x1] =	stream.indirect_vreg.gather [hbm4b:s6+s3], $0x80, v5, vm0, $0xb8;
	[tilespmem:$0x10980] =	vst v63  }
0x5d: {  	v5 =	vld [tilespmem:$0x4010];
	_ =	sdelay $0x4  }
0x5e: {  	v6 =	vshll.u32 v5, $0x1  }
0x5f: {  	v5 =	vand.u32 $0x7, v5;
	v6 =	vand.u32 $0xFFFFFFF0, v6  }
0x60: {  	v5 =	vor.u32 v5, v6  }
0x61: {  	v6 =	vperm.xlane v5, v1;
	_ =	sdelay $0x1  }
0x62: {  	v6 =	vadd.s32 v2, v6;
	_ =	sdelay $0x1  }
.Ltmp8:
0x63: {  	_ = 	snop;
	(pc) =	sbr.rel .LBB2_10-.Ltmp8, $4  }
0x64: {  	_ = 	snop  }
0x65: {  	s1 =	simm.s32 $0x9100  }
0x66: {  	[tilespmem:s1], [sflag:$0x1] =	stream.indirect_vreg.gather [hbm4b:s6+s3], $0x80, v6, vm0, $0xb8;
	[tilespmem:$0x10980] =	vst v63  }
0x67: {  	v5 =	vperm.xlane v5, v3;
	s1 =	simm.s32 $0x9900  }
.LBB2_8:
0x68: {  	v5 =	vld.msk [tilespmem:$0x4000], $0xff;
	_ =	sdelay $0x3  }
.Ltmp9:
0x69: {  	_ = 	snop;
	(pc) =	sbr.rel .LBB2_10-.Ltmp9, $4  }
0x6a: {  	v6 =	vshll.u32 v5, $0x1  }
0x6b: {  	v5 =	vand.u32 $0x7, v5;
	v6 =	vand.u32 $0xFFFFFFF0, v6  }
0x6c: {  	v5 =	vor.u32 v5, v6  }
0x6d: {  	s1 =	simm.s32 $0x8100;
	v5 =	vperm.xlane v5, v1  }
.LBB2_9:
0x6e: {  	v5 =	vld [tilespmem:$0x4000];
	_ =	sdelay $0x4  }
0x6f: {  	v6 =	vshll.u32 v5, $0x1  }
0x70: {  	v5 =	vand.u32 $0x7, v5;
	v6 =	vand.u32 $0xFFFFFFF0, v6  }
0x71: {  	v5 =	vor.u32 v5, v6  }
0x72: {  	v6 =	vperm.xlane v5, v1;
	_ =	sdelay $0x1  }
0x73: {  	v5 =	vperm.xlane v5, v3;
	v6 =	vadd.s32 v2, v6;
	_ =	sdelay $0x1  }
0x74: {  	v5 =	vadd.s32 v2, v5;
	_ =	sdelay $0x2  }
0x75: {  	[tilespmem:s13], [sflag:$0x1] =	stream.indirect_vreg.gather [hbm4b:s6+s3], $0x80, v6, vm0, $0xb8;
	[tilespmem:$0x10980] =	vst v63  }
0x76: {  	_ = 	snop  }
0x77: {  	[tilespmem:s11], [sflag:$0x1] =	stream.indirect_vreg.gather [hbm4b:s6+s3], $0x80, v5, vm0, $0xb8;
	[tilespmem:$0x10980] =	vst v63  }
0x78: {  	v5 =	vld.msk [tilespmem:$0x4010], $0xff;
	_ =	sdelay $0x4  }
0x79: {  	v6 =	vshll.u32 v5, $0x1  }
0x7a: {  	v5 =	vand.u32 $0x7, v5;
	v6 =	vand.u32 $0xFFFFFFF0, v6  }
0x7b: {  	v5 =	vor.u32 v5, v6  }
0x7c: {  	s1 =	simm.s32 $0x9100;
	v5 =	vperm.xlane v5, v1  }
.LBB2_10:
0x7d: {  	_ = 	snop  }
0x7e: {  	v5 =	vadd.s32 v2, v5;
	_ =	sdelay $0x4  }
0x7f: {  	[tilespmem:s1], [sflag:$0x1] =	stream.indirect_vreg.gather [hbm4b:s6+s3], $0x80, v5, vm0, $0xb8;
	[tilespmem:$0x10980] =	vst v63  }
.LBB2_11:
0x80: {  	v5 =	vld [tilespmem:$0x8001];
	_ =	sdelay $0x4  }
0x81: {  	(v2sf) =	vpush v5, $0x0;
	_ =	sdelay $0xe  }
0x82: {  	s1 =	spop (v2sf)  }
0x83: {  	s1 =	sadd.s32 $0x7, s1  }
0x84: {  	s5 =	sand.u32 $0x7, s1  }
0x85: {  	s29 =	sshra.s32 s1, $0x1F;
	p1 =	slt.s32 s1, $0x1;
	p0 =	sne.s32 s5, $0x0  }
0x86: {  	s5 =	sshrl.u32 s29, $0x1D;
	p0 =	por !p1, !p0  }
0x87: {  	s1 =	sadd.s32 s5, s1;
	s5 =	simm.s32 $0x1;
	p0 =	por !p0, !p0  }
0x88: {  	s1 =	sshra.s32 s1, $0x3;
	s5 =	simm.s32 @!p0 $0x0  }
0x89: {  	s1 =	ssub.s32 s1, s5  }
0x8a: {  	p0 =	sgt.s32 s1, $0x2  }
.Ltmp10:
0x8b: {  	_ = 	snop;
	(pc) =	sbr.rel @p0 .LBB2_15-.Ltmp10, $1  }
0x8c: {  	_ =	sdelay $0x3  }
0x8d: {  	p0 =	seq.s32 s1, $0x1  }
.Ltmp11:
0x8e: {  	_ = 	snop;
	(pc) =	sbr.rel @p0 .LBB2_18-.Ltmp11, $1  }
0x8f: {  	_ =	sdelay $0x3  }
0x90: {  	p0 =	seq.s32 s1, $0x2  }
.Ltmp12:
0x91: {  	_ = 	snop;
	(pc) =	sbr.rel @!p0 .LBB2_21-.Ltmp12, $1  }
0x92: {  	_ =	sdelay $0x3  }
0x93: {  	v5 =	vld [tilespmem:$0x4080];
	_ =	sdelay $0x4  }
0x94: {  	v6 =	vshll.u32 v5, $0x1  }
0x95: {  	v5 =	vand.u32 $0x7, v5;
	v6 =	vand.u32 $0xFFFFFFF0, v6  }
0x96: {  	v5 =	vor.u32 v5, v6  }
0x97: {  	v6 =	vperm.xlane v5, v1;
	_ =	sdelay $0x1  }
0x98: {  	v6 =	vadd.s32 v2, v6  }
.Ltmp13:
0x99: {  	_ = 	snop;
	(pc) =	sbr.rel .LBB2_20-.Ltmp13, $3  }
0x9a: {  	_ =	sdelay $0x1  }
0x9b: {  	s1 =	simm.s32 $0xA900  }
0x9c: {  	v5 =	vperm.xlane v5, v3;
	[tilespmem:s14], [sflag:$0x2] =	stream.indirect_vreg.gather [hbm4b:s6+s3], $0x80, v6, vm0, $0xb8;
	[tilespmem:$0x10980] =	vst v63  }
.LBB2_15:
0x9d: {  	p0 =	seq.s32 s1, $0x3  }
.Ltmp14:
0x9e: {  	_ = 	snop;
	(pc) =	sbr.rel @p0 .LBB2_19-.Ltmp14, $1  }
0x9f: {  	_ =	sdelay $0x3  }
0xa0: {  	p0 =	seq.s32 s1, $0x4  }
.Ltmp15:
0xa1: {  	_ = 	snop;
	(pc) =	sbr.rel @!p0 .LBB2_21-.Ltmp15, $1  }
0xa2: {  	_ =	sdelay $0x3  }
0xa3: {  	v5 =	vld [tilespmem:$0x4080];
	_ =	sdelay $0x4  }
0xa4: {  	v6 =	vshll.u32 v5, $0x1  }
0xa5: {  	v5 =	vand.u32 $0x7, v5;
	v6 =	vand.u32 $0xFFFFFFF0, v6  }
0xa6: {  	v5 =	vor.u32 v5, v6  }
0xa7: {  	v6 =	vperm.xlane v5, v1;
	_ =	sdelay $0x1  }
0xa8: {  	v5 =	vperm.xlane v5, v3;
	v6 =	vadd.s32 v2, v6;
	_ =	sdelay $0x1  }
0xa9: {  	v5 =	vadd.s32 v2, v5;
	_ =	sdelay $0x2  }
0xaa: {  	[tilespmem:s14], [sflag:$0x2] =	stream.indirect_vreg.gather [hbm4b:s6+s3], $0x80, v6, vm0, $0xb8;
	[tilespmem:$0x10980] =	vst v63  }
0xab: {  	_ = 	snop  }
0xac: {  	[tilespmem:s0], [sflag:$0x2] =	stream.indirect_vreg.gather [hbm4b:s6+s3], $0x80, v5, vm0, $0xb8;
	[tilespmem:$0x10980] =	vst v63  }
0xad: {  	v5 =	vld [tilespmem:$0x4090];
	_ =	sdelay $0x4  }
0xae: {  	v6 =	vshll.u32 v5, $0x1  }
0xaf: {  	v5 =	vand.u32 $0x7, v5;
	v6 =	vand.u32 $0xFFFFFFF0, v6  }
0xb0: {  	v5 =	vor.u32 v5, v6  }
0xb1: {  	v6 =	vperm.xlane v5, v1;
	_ =	sdelay $0x1  }
0xb2: {  	v6 =	vadd.s32 v2, v6;
	_ =	sdelay $0x1  }
.Ltmp16:
0xb3: {  	_ = 	snop;
	(pc) =	sbr.rel .LBB2_20-.Ltmp16, $4  }
0xb4: {  	_ = 	snop  }
0xb5: {  	s1 =	simm.s32 $0xB100  }
0xb6: {  	[tilespmem:s1], [sflag:$0x2] =	stream.indirect_vreg.gather [hbm4b:s6+s3], $0x80, v6, vm0, $0xb8;
	[tilespmem:$0x10980] =	vst v63  }
0xb7: {  	v5 =	vperm.xlane v5, v3;
	s1 =	simm.s32 $0xB900  }
.LBB2_18:
0xb8: {  	v5 =	vld.msk [tilespmem:$0x4080], $0xff;
	_ =	sdelay $0x3  }
.Ltmp17:
0xb9: {  	_ = 	snop;
	(pc) =	sbr.rel .LBB2_20-.Ltmp17, $4  }
0xba: {  	v6 =	vshll.u32 v5, $0x1  }
0xbb: {  	v5 =	vand.u32 $0x7, v5;
	v6 =	vand.u32 $0xFFFFFFF0, v6  }
0xbc: {  	v5 =	vor.u32 v5, v6  }
0xbd: {  	s1 =	simm.s32 $0xA100;
	v5 =	vperm.xlane v5, v1  }
.LBB2_19:
0xbe: {  	v5 =	vld [tilespmem:$0x4080];
	_ =	sdelay $0x4  }
0xbf: {  	v6 =	vshll.u32 v5, $0x1  }
0xc0: {  	v5 =	vand.u32 $0x7, v5;
	v6 =	vand.u32 $0xFFFFFFF0, v6  }
0xc1: {  	v5 =	vor.u32 v5, v6  }
0xc2: {  	v6 =	vperm.xlane v5, v1;
	_ =	sdelay $0x1  }
0xc3: {  	v5 =	vperm.xlane v5, v3;
	v6 =	vadd.s32 v2, v6;
	_ =	sdelay $0x1  }
0xc4: {  	v5 =	vadd.s32 v2, v5;
	_ =	sdelay $0x2  }
0xc5: {  	[tilespmem:s14], [sflag:$0x2] =	stream.indirect_vreg.gather [hbm4b:s6+s3], $0x80, v6, vm0, $0xb8;
	[tilespmem:$0x10980] =	vst v63  }
0xc6: {  	_ = 	snop  }
0xc7: {  	[tilespmem:s0], [sflag:$0x2] =	stream.indirect_vreg.gather [hbm4b:s6+s3], $0x80, v5, vm0, $0xb8;
	[tilespmem:$0x10980] =	vst v63  }
0xc8: {  	v5 =	vld.msk [tilespmem:$0x4090], $0xff;
	_ =	sdelay $0x4  }
0xc9: {  	v6 =	vshll.u32 v5, $0x1  }
0xca: {  	v5 =	vand.u32 $0x7, v5;
	v6 =	vand.u32 $0xFFFFFFF0, v6  }
0xcb: {  	v5 =	vor.u32 v5, v6  }
0xcc: {  	s1 =	simm.s32 $0xB100;
	v5 =	vperm.xlane v5, v1  }
.LBB2_20:
0xcd: {  	_ = 	snop  }
0xce: {  	v5 =	vadd.s32 v2, v5;
	_ =	sdelay $0x4  }
0xcf: {  	[tilespmem:s1], [sflag:$0x2] =	stream.indirect_vreg.gather [hbm4b:s6+s3], $0x80, v5, vm0, $0xb8;
	[tilespmem:$0x10980] =	vst v63  }
.LBB2_21:
0xd0: {  	v5 =	vld [tilespmem:$0x8002];
	_ =	sdelay $0x4  }
0xd1: {  	(v2sf) =	vpush v5, $0x0;
	_ =	sdelay $0xe  }
0xd2: {  	s1 =	spop (v2sf)  }
0xd3: {  	s1 =	sadd.s32 $0x7, s1  }
0xd4: {  	s5 =	sand.u32 $0x7, s1  }
0xd5: {  	s29 =	sshra.s32 s1, $0x1F;
	p1 =	slt.s32 s1, $0x1;
	p0 =	sne.s32 s5, $0x0  }
0xd6: {  	s5 =	sshrl.u32 s29, $0x1D;
	p0 =	por !p1, !p0  }
0xd7: {  	s1 =	sadd.s32 s5, s1;
	s5 =	simm.s32 $0x1;
	p0 =	por !p0, !p0  }
0xd8: {  	s1 =	sshra.s32 s1, $0x3;
	s5 =	simm.s32 @!p0 $0x0  }
0xd9: {  	s1 =	ssub.s32 s1, s5  }
0xda: {  	p0 =	sgt.s32 s1, $0x2  }
.Ltmp18:
0xdb: {  	_ = 	snop;
	(pc) =	sbr.rel @p0 .LBB2_25-.Ltmp18, $1  }
0xdc: {  	_ =	sdelay $0x3  }
0xdd: {  	p0 =	seq.s32 s1, $0x1  }
.Ltmp19:
0xde: {  	_ = 	snop;
	(pc) =	sbr.rel @p0 .LBB2_28-.Ltmp19, $1  }
0xdf: {  	_ =	sdelay $0x3  }
0xe0: {  	p0 =	seq.s32 s1, $0x2  }
.Ltmp20:
0xe1: {  	_ = 	snop;
	(pc) =	sbr.rel @!p0 .LBB2_31-.Ltmp20, $1  }
0xe2: {  	_ =	sdelay $0x3  }
0xe3: {  	v5 =	vld [tilespmem:$0x4100];
	_ =	sdelay $0x4  }
0xe4: {  	v6 =	vshll.u32 v5, $0x1  }
0xe5: {  	v5 =	vand.u32 $0x7, v5;
	v6 =	vand.u32 $0xFFFFFFF0, v6  }
0xe6: {  	v5 =	vor.u32 v5, v6  }
0xe7: {  	v6 =	vperm.xlane v5, v1;
	_ =	sdelay $0x1  }
0xe8: {  	v6 =	vadd.s32 v2, v6  }
.Ltmp21:
0xe9: {  	_ = 	snop;
	(pc) =	sbr.rel .LBB2_30-.Ltmp21, $3  }
0xea: {  	_ =	sdelay $0x1  }
0xeb: {  	s1 =	simm.s32 $0xC900  }
0xec: {  	v5 =	vperm.xlane v5, v3;
	[tilespmem:s15], [sflag:$0x3] =	stream.indirect_vreg.gather [hbm4b:s6+s3], $0x80, v6, vm0, $0xb8;
	[tilespmem:$0x10980] =	vst v63  }
.LBB2_25:
0xed: {  	p0 =	seq.s32 s1, $0x3  }
.Ltmp22:
0xee: {  	_ = 	snop;
	(pc) =	sbr.rel @p0 .LBB2_29-.Ltmp22, $1  }
0xef: {  	_ =	sdelay $0x3  }
0xf0: {  	p0 =	seq.s32 s1, $0x4  }
.Ltmp23:
0xf1: {  	_ = 	snop;
	(pc) =	sbr.rel @!p0 .LBB2_31-.Ltmp23, $1  }
0xf2: {  	_ =	sdelay $0x3  }
0xf3: {  	v5 =	vld [tilespmem:$0x4100];
	_ =	sdelay $0x4  }
0xf4: {  	v6 =	vshll.u32 v5, $0x1  }
0xf5: {  	v5 =	vand.u32 $0x7, v5;
	v6 =	vand.u32 $0xFFFFFFF0, v6  }
0xf6: {  	v5 =	vor.u32 v5, v6  }
0xf7: {  	v6 =	vperm.xlane v5, v1;
	_ =	sdelay $0x1  }
0xf8: {  	v5 =	vperm.xlane v5, v3;
	v6 =	vadd.s32 v2, v6;
	_ =	sdelay $0x1  }
0xf9: {  	v5 =	vadd.s32 v2, v5;
	_ =	sdelay $0x2  }
0xfa: {  	[tilespmem:s15], [sflag:$0x3] =	stream.indirect_vreg.gather [hbm4b:s6+s3], $0x80, v6, vm0, $0xb8;
	[tilespmem:$0x10980] =	vst v63  }
0xfb: {  	_ = 	snop  }
0xfc: {  	[tilespmem:s30], [sflag:$0x3] =	stream.indirect_vreg.gather [hbm4b:s6+s3], $0x80, v5, vm0, $0xb8;
	[tilespmem:$0x10980] =	vst v63  }
0xfd: {  	v5 =	vld [tilespmem:$0x4110];
	_ =	sdelay $0x4  }
0xfe: {  	v6 =	vshll.u32 v5, $0x1  }
0xff: {  	v5 =	vand.u32 $0x7, v5;
	v6 =	vand.u32 $0xFFFFFFF0, v6  }
0x100: {  	v5 =	vor.u32 v5, v6  }
0x101: {  	v6 =	vperm.xlane v5, v1;
	_ =	sdelay $0x1  }
0x102: {  	v6 =	vadd.s32 v2, v6;
	_ =	sdelay $0x1  }
.Ltmp24:
0x103: {  	_ = 	snop;
	(pc) =	sbr.rel .LBB2_30-.Ltmp24, $4  }
0x104: {  	_ = 	snop  }
0x105: {  	s1 =	simm.s32 $0xD100  }
0x106: {  	[tilespmem:s1], [sflag:$0x3] =	stream.indirect_vreg.gather [hbm4b:s6+s3], $0x80, v6, vm0, $0xb8;
	[tilespmem:$0x10980] =	vst v63  }
0x107: {  	v5 =	vperm.xlane v5, v3;
	s1 =	simm.s32 $0xD900  }
.LBB2_28:
0x108: {  	v5 =	vld.msk [tilespmem:$0x4100], $0xff;
	_ =	sdelay $0x3  }
.Ltmp25:
0x109: {  	_ = 	snop;
	(pc) =	sbr.rel .LBB2_30-.Ltmp25, $4  }
0x10a: {  	v6 =	vshll.u32 v5, $0x1  }
0x10b: {  	v5 =	vand.u32 $0x7, v5;
	v6 =	vand.u32 $0xFFFFFFF0, v6  }
0x10c: {  	v5 =	vor.u32 v5, v6  }
0x10d: {  	s1 =	simm.s32 $0xC100;
	v5 =	vperm.xlane v5, v1  }
.LBB2_29:
0x10e: {  	v5 =	vld [tilespmem:$0x4100];
	_ =	sdelay $0x4  }
0x10f: {  	v6 =	vshll.u32 v5, $0x1  }
0x110: {  	v5 =	vand.u32 $0x7, v5;
	v6 =	vand.u32 $0xFFFFFFF0, v6  }
0x111: {  	v5 =	vor.u32 v5, v6  }
0x112: {  	v6 =	vperm.xlane v5, v1;
	_ =	sdelay $0x1  }
0x113: {  	v5 =	vperm.xlane v5, v3;
	v6 =	vadd.s32 v2, v6;
	_ =	sdelay $0x1  }
0x114: {  	v5 =	vadd.s32 v2, v5;
	_ =	sdelay $0x2  }
0x115: {  	[tilespmem:s15], [sflag:$0x3] =	stream.indirect_vreg.gather [hbm4b:s6+s3], $0x80, v6, vm0, $0xb8;
	[tilespmem:$0x10980] =	vst v63  }
0x116: {  	_ = 	snop  }
0x117: {  	[tilespmem:s30], [sflag:$0x3] =	stream.indirect_vreg.gather [hbm4b:s6+s3], $0x80, v5, vm0, $0xb8;
	[tilespmem:$0x10980] =	vst v63  }
0x118: {  	v5 =	vld.msk [tilespmem:$0x4110], $0xff;
	_ =	sdelay $0x4  }
0x119: {  	v6 =	vshll.u32 v5, $0x1  }
0x11a: {  	v5 =	vand.u32 $0x7, v5;
	v6 =	vand.u32 $0xFFFFFFF0, v6  }
0x11b: {  	v5 =	vor.u32 v5, v6  }
0x11c: {  	s1 =	simm.s32 $0xD100;
	v5 =	vperm.xlane v5, v1  }
.LBB2_30:
0x11d: {  	_ = 	snop  }
0x11e: {  	v5 =	vadd.s32 v2, v5;
	_ =	sdelay $0x4  }
0x11f: {  	[tilespmem:s1], [sflag:$0x3] =	stream.indirect_vreg.gather [hbm4b:s6+s3], $0x80, v5, vm0, $0xb8;
	[tilespmem:$0x10980] =	vst v63  }
.LBB2_31:
0x120: {  	v5 =	vld [tilespmem:$0x8003];
	_ =	sdelay $0x4  }
0x121: {  	(v2sf) =	vpush v5, $0x0;
	_ =	sdelay $0xe  }
0x122: {  	s1 =	spop (v2sf)  }
0x123: {  	s1 =	sadd.s32 $0x7, s1  }
0x124: {  	s5 =	sand.u32 $0x7, s1  }
0x125: {  	s29 =	sshra.s32 s1, $0x1F;
	p1 =	slt.s32 s1, $0x1;
	p0 =	sne.s32 s5, $0x0  }
0x126: {  	s5 =	sshrl.u32 s29, $0x1D;
	p0 =	por !p1, !p0  }
0x127: {  	s1 =	sadd.s32 s5, s1;
	s5 =	simm.s32 $0x1;
	p0 =	por !p0, !p0  }
0x128: {  	s1 =	sshra.s32 s1, $0x3;
	s5 =	simm.s32 @!p0 $0x0  }
0x129: {  	s1 =	ssub.s32 s1, s5  }
0x12a: {  	p0 =	sgt.s32 s1, $0x2  }
.Ltmp26:
0x12b: {  	_ = 	snop;
	(pc) =	sbr.rel @p0 .LBB2_35-.Ltmp26, $1  }
0x12c: {  	_ =	sdelay $0x3  }
0x12d: {  	p0 =	seq.s32 s1, $0x1  }
.Ltmp27:
0x12e: {  	_ = 	snop;
	(pc) =	sbr.rel @p0 .LBB2_38-.Ltmp27, $1  }
0x12f: {  	_ =	sdelay $0x3  }
0x130: {  	p0 =	seq.s32 s1, $0x2  }
.Ltmp28:
0x131: {  	_ = 	snop;
	(pc) =	sbr.rel @!p0 .LBB2_41-.Ltmp28, $1  }
0x132: {  	_ =	sdelay $0x3  }
0x133: {  	v5 =	vld [tilespmem:$0x4180];
	_ =	sdelay $0x4  }
0x134: {  	v6 =	vshll.u32 v5, $0x1  }
0x135: {  	v5 =	vand.u32 $0x7, v5;
	v6 =	vand.u32 $0xFFFFFFF0, v6  }
0x136: {  	v5 =	vor.u32 v5, v6  }
0x137: {  	v6 =	vperm.xlane v5, v1;
	_ =	sdelay $0x1  }
0x138: {  	v6 =	vadd.s32 v2, v6  }
.Ltmp29:
0x139: {  	_ = 	snop;
	(pc) =	sbr.rel .LBB2_40-.Ltmp29, $3  }
0x13a: {  	_ =	sdelay $0x1  }
0x13b: {  	s1 =	simm.s32 $0xE900  }
0x13c: {  	v5 =	vperm.xlane v5, v3;
	[tilespmem:s16], [sflag:$0x4] =	stream.indirect_vreg.gather [hbm4b:s6+s3], $0x80, v6, vm0, $0xb8;
	[tilespmem:$0x10980] =	vst v63  }
.LBB2_35:
0x13d: {  	p0 =	seq.s32 s1, $0x3  }
.Ltmp30:
0x13e: {  	_ = 	snop;
	(pc) =	sbr.rel @p0 .LBB2_39-.Ltmp30, $1  }
0x13f: {  	_ =	sdelay $0x3  }
0x140: {  	p0 =	seq.s32 s1, $0x4  }
.Ltmp31:
0x141: {  	_ = 	snop;
	(pc) =	sbr.rel @!p0 .LBB2_41-.Ltmp31, $1  }
0x142: {  	_ =	sdelay $0x3  }
0x143: {  	v5 =	vld [tilespmem:$0x4180];
	_ =	sdelay $0x4  }
0x144: {  	v6 =	vshll.u32 v5, $0x1  }
0x145: {  	v5 =	vand.u32 $0x7, v5;
	v6 =	vand.u32 $0xFFFFFFF0, v6  }
0x146: {  	v5 =	vor.u32 v5, v6  }
0x147: {  	v6 =	vperm.xlane v5, v1;
	_ =	sdelay $0x1  }
0x148: {  	v5 =	vperm.xlane v5, v3;
	v6 =	vadd.s32 v2, v6;
	_ =	sdelay $0x1  }
0x149: {  	v5 =	vadd.s32 v2, v5;
	_ =	sdelay $0x2  }
0x14a: {  	[tilespmem:s16], [sflag:$0x4] =	stream.indirect_vreg.gather [hbm4b:s6+s3], $0x80, v6, vm0, $0xb8;
	[tilespmem:$0x10980] =	vst v63  }
0x14b: {  	_ = 	snop  }
0x14c: {  	[tilespmem:s28], [sflag:$0x4] =	stream.indirect_vreg.gather [hbm4b:s6+s3], $0x80, v5, vm0, $0xb8;
	[tilespmem:$0x10980] =	vst v63  }
0x14d: {  	v5 =	vld [tilespmem:$0x4190];
	_ =	sdelay $0x4  }
0x14e: {  	v6 =	vshll.u32 v5, $0x1  }
0x14f: {  	v5 =	vand.u32 $0x7, v5;
	v6 =	vand.u32 $0xFFFFFFF0, v6  }
0x150: {  	v5 =	vor.u32 v5, v6  }
0x151: {  	v6 =	vperm.xlane v5, v1;
	_ =	sdelay $0x1  }
0x152: {  	v6 =	vadd.s32 v2, v6;
	_ =	sdelay $0x1  }
.Ltmp32:
0x153: {  	_ = 	snop;
	(pc) =	sbr.rel .LBB2_40-.Ltmp32, $4  }
0x154: {  	_ = 	snop  }
0x155: {  	s1 =	simm.s32 $0xF100  }
0x156: {  	[tilespmem:s1], [sflag:$0x4] =	stream.indirect_vreg.gather [hbm4b:s6+s3], $0x80, v6, vm0, $0xb8;
	[tilespmem:$0x10980] =	vst v63  }
0x157: {  	v5 =	vperm.xlane v5, v3;
	s1 =	simm.s32 $0xF900  }
.LBB2_38:
0x158: {  	v5 =	vld.msk [tilespmem:$0x4180], $0xff;
	_ =	sdelay $0x3  }
.Ltmp33:
0x159: {  	_ = 	snop;
	(pc) =	sbr.rel .LBB2_40-.Ltmp33, $4  }
0x15a: {  	v6 =	vshll.u32 v5, $0x1  }
0x15b: {  	v5 =	vand.u32 $0x7, v5;
	v6 =	vand.u32 $0xFFFFFFF0, v6  }
0x15c: {  	v5 =	vor.u32 v5, v6  }
0x15d: {  	s1 =	simm.s32 $0xE100;
	v5 =	vperm.xlane v5, v1  }
.LBB2_39:
0x15e: {  	v5 =	vld [tilespmem:$0x4180];
	_ =	sdelay $0x4  }
0x15f: {  	v6 =	vshll.u32 v5, $0x1  }
0x160: {  	v5 =	vand.u32 $0x7, v5;
	v6 =	vand.u32 $0xFFFFFFF0, v6  }
0x161: {  	v5 =	vor.u32 v5, v6  }
0x162: {  	v6 =	vperm.xlane v5, v1;
	_ =	sdelay $0x1  }
0x163: {  	v5 =	vperm.xlane v5, v3;
	v6 =	vadd.s32 v2, v6;
	_ =	sdelay $0x1  }
0x164: {  	v5 =	vadd.s32 v2, v5;
	_ =	sdelay $0x2  }
0x165: {  	[tilespmem:s16], [sflag:$0x4] =	stream.indirect_vreg.gather [hbm4b:s6+s3], $0x80, v6, vm0, $0xb8;
	[tilespmem:$0x10980] =	vst v63  }
0x166: {  	_ = 	snop  }
0x167: {  	[tilespmem:s28], [sflag:$0x4] =	stream.indirect_vreg.gather [hbm4b:s6+s3], $0x80, v5, vm0, $0xb8;
	[tilespmem:$0x10980] =	vst v63  }
0x168: {  	v5 =	vld.msk [tilespmem:$0x4190], $0xff;
	_ =	sdelay $0x4  }
0x169: {  	v6 =	vshll.u32 v5, $0x1  }
0x16a: {  	v5 =	vand.u32 $0x7, v5;
	v6 =	vand.u32 $0xFFFFFFF0, v6  }
0x16b: {  	v5 =	vor.u32 v5, v6  }
0x16c: {  	s1 =	simm.s32 $0xF100;
	v5 =	vperm.xlane v5, v1  }
.LBB2_40:
0x16d: {  	_ = 	snop  }
0x16e: {  	v5 =	vadd.s32 v2, v5;
	_ =	sdelay $0x4  }
0x16f: {  	[tilespmem:s1], [sflag:$0x4] =	stream.indirect_vreg.gather [hbm4b:s6+s3], $0x80, v5, vm0, $0xb8;
	[tilespmem:$0x10980] =	vst v63  }
.LBB2_41:
.Ltmp34:
0x170: {  	(pc) =	sbr.rel .LBB2_42-.Ltmp34, $2  }
0x171: {  	_ =	sdelay $0x2  }
0x172: {  	s1 =	simm.s32 $0x0;
	s12 =	simm.s32 $0x0  }
.LBB2_104:
0x173: {  	s5 =	sshll.u32 s5, $0x7  }
0x174: {  	s5 =	sand.u32 $0x3FFFFF80, s5  }
0x175: {  	v5 =	vld [tilespmem:s5+$0x4000];
	_ =	sdelay $0x4  }
0x176: {  	v6 =	vshll.u32 v5, $0x1  }
0x177: {  	v5 =	vand.u32 $0x7, v5;
	v6 =	vand.u32 $0xFFFFFFF0, v6  }
0x178: {  	v5 =	vor.u32 v5, v6  }
0x179: {  	v6 =	vperm.xlane v5, v1;
	_ =	sdelay $0x1  }
0x17a: {  	v5 =	vperm.xlane v5, v3;
	v6 =	vadd.s32 v2, v6;
	_ =	sdelay $0x1  }
0x17b: {  	v5 =	vadd.s32 v2, v5;
	_ =	sdelay $0x2  }
0x17c: {  	[tilespmem:s16], [sflag:$0x4] =	stream.indirect_vreg.gather [hbm4b:s6+s3], $0x80, v6, vm0, $0xb8;
	[tilespmem:$0x10980] =	vst v63  }
0x17d: {  	_ = 	snop  }
0x17e: {  	[tilespmem:s28], [sflag:$0x4] =	stream.indirect_vreg.gather [hbm4b:s6+s3], $0x80, v5, vm0, $0xb8;
	[tilespmem:$0x10980] =	vst v63  }
0x17f: {  	v5 =	vld.msk [tilespmem:s5+$0x4010], $0xff;
	_ =	sdelay $0x4  }
0x180: {  	v6 =	vshll.u32 v5, $0x1  }
0x181: {  	v5 =	vand.u32 $0x7, v5;
	v6 =	vand.u32 $0xFFFFFFF0, v6  }
0x182: {  	v5 =	vor.u32 v5, v6  }
0x183: {  	s5 =	simm.s32 $0xF100;
	v5 =	vperm.xlane v5, v1  }
.LBB2_105:
0x184: {  	_ = 	snop  }
0x185: {  	v5 =	vadd.s32 v2, v5;
	_ =	sdelay $0x4  }
0x186: {  	[tilespmem:s5], [sflag:$0x4] =	stream.indirect_vreg.gather [hbm4b:s6+s3], $0x80, v5, vm0, $0xb8;
	[tilespmem:$0x10980] =	vst v63  }
.LBB2_106:
0x187: {  	s12 =	sadd.s32 $0x1, s12  }
0x188: {  	p0 =	sne.s32 s12, $0x20  }
.Ltmp35:
0x189: {  	_ = 	snop;
	(pc) =	sbr.rel @!p0 .LBB2_107-.Ltmp35, $1  }
0x18a: {  	_ =	sdelay $0x3  }
.LBB2_42:
0x18b: {  	s5 =	sshll.u32 s12, $0x9  }
0x18c: {  	s5 =	sand.u32 $0x3FFFFE00, s5  }
0x18d: {  	v5 =	vld [tilespmem:s5+$0x4000]  }
0x18e: {  	v6 =	vld [tilespmem:s5+$0x4010];
	_ =	sdelay $0x4  }
0x18f: {  	s5 =	sshll.u32 s12, $0x2  }
0x190: {  	v7 =	vld [tilespmem:s5+$0x8000]  }
0x191: {  	v5 =	vld.idx.msk [tilespmem:v5+s3+$0x0], $0xffff  }
0x192: {  	v6 =	vld.idx.msk [tilespmem:v6+s3+$0x0], $0xffff;
	_ =	sdelay $0x3  }
0x193: {  	v8 =	vbroadcast v7, $0x0  }
0x194: {  	v9 =	vadd.f32 $-9.999999680e+37, v5;
	v10 =	vadd.f32 $-9.999999680e+37, v6  }
0x195: {  	vm1 =	vgt.s32 v8, v0;
	vm2 =	vgt.s32 v8, v4  }
0x196: {  	v5 =	vsel vm1, v5, v9;
	v6 =	vsel vm2, v6, v10  }
0x197: {  	v8 =	vmax.f32 v5, v6  }
0x198: {  	(xrf0) =	vmax.scan.msk.f32 $0xffff, v8;
	_ =	sdelay $0x5  }
0x199: {  	v8, _, _ =	vpop (xrf0)  }
0x19a: {  	v8 =	vbroadcast v8, $0xF;
	_ =	sdelay $0x1  }
0x19b: {  	v5 =	vsub.f32 v5, v8  }
0x19c: {  	v6 =	vsub.f32 v6, v8  }
0x19d: {  	v5 =	vmul.f32 $1.442695020e+00, v5  }
0x19e: {  	v6 =	vmul.f32 $1.442695020e+00, v6  }
0x19f: {  	(erf) = vpow2.f32 v5  }
0x1a0: {  	(erf) = vpow2.f32 v6;
	_ =	sdelay $0x7  }
0x1a1: {  	v5 =	vpop (erf)  }
0x1a2: {  	v6 =	vpop (erf)  }
0x1a3: {  	v8 =	vadd.f32 v6, v5;
	_ =	sdelay $0x1  }
0x1a4: {  	(xrf2) =	vadd.scan.msk.f32 $0xffff, v8;
	_ =	sdelay $0x9  }
0x1a5: {  	v8, _, _ =	vpop (xrf2)  }
0x1a6: {  	v8 =	vbroadcast v8, $0xF;
	_ =	sdelay $0x1  }
0x1a7: {  	(erf) = vrcp.f32 v8;
	_ =	sdelay $0x8  }
0x1a8: {  	v8 =	vpop (erf)  }
0x1a9: {  	v5 =	vmul.f32 v8, v5  }
0x1aa: {  	v6 =	vmul.f32 v8, v6  }
0x1ab: {  	[tilespmem:$0x10100] =	vst v5  }
0x1ac: {  	[tilespmem:$0x10110] =	vst v6  }
0x1ad: {  	v5 =	vld [tilespmem:s5+$0x8000];
	_ =	sdelay $0x3  }
0x1ae: {  	(v2sf) =	vpush v7, $0x0  }
0x1af: {  	(v2sf) =	vpush v5, $0x0;
	_ =	sdelay $0xd  }
0x1b0: {  	s8 =	spop (v2sf)  }
0x1b1: {  	s7 =	spop (v2sf)  }
0x1b2: {  	s7 =	sadd.s32 $0x7, s7  }
0x1b3: {  	s9 =	sand.u32 $0x7, s7  }
0x1b4: {  	s29 =	sshra.s32 s7, $0x1F;
	p1 =	slt.s32 s7, $0x1;
	p0 =	sne.s32 s9, $0x0  }
0x1b5: {  	s9 =	sshrl.u32 s29, $0x1D;
	p0 =	por !p1, !p0  }
0x1b6: {  	s7 =	sadd.s32 s9, s7;
	s9 =	simm.s32 $0x1;
	p0 =	por !p0, !p0  }
0x1b7: {  	s7 =	sshra.s32 s7, $0x3;
	s9 =	simm.s32 @!p0 $0x0  }
0x1b8: {  	s7 =	ssub.s32 s7, s9  }
0x1b9: {  	p0 =	sgt.s32 s7, $0x2  }
0x1ba: {  	p1 =	seq.s32 @p0 s7, $0x3  }
0x1bb: {  	p2 =	por !p1, !p0;
	p3 =	por p1, !p0  }
0x1bc: {  	s9 =	simm.s32 @!p2 $0x1;
	p3 =	seq.s32 @!p3 s7, $0x4  }
0x1bd: {  	_ =	swait.ge @!p2 [sflag:s9], $0x1800;
	p1 =	por @p0 !p3, p1  }
0x1be: {  	[sflag:s9] =	ssyncset.done @!p2 $0x0;
	p1 =	por p1, !p0  }
0x1bf: {  	[sflag:s9] =	ssyncadd.s32 @!p2 $0xFFFFE800;
	s9 =	simm.s32 @!p1 $0x1  }
0x1c0: {  	p2 =	seq.s32 @!p0 s7, $0x1;
	_ =	swait.ge @!p1 [sflag:s9], $0x2000  }
0x1c1: {  	p4 =	por p2, p0;
	[sflag:s9] =	ssyncset.done @!p1 $0x0  }
0x1c2: {  	p3 =	por !p2, p0;
	[sflag:s9] =	ssyncadd.s32 @!p1 $0xFFFFE000;
	p1 =	seq.s32 @!p4 s7, $0x2  }
0x1c3: {  	s9 =	simm.s32 @!p3 $0x1;
	p1 =	por @!p0 !p1, p2  }
0x1c4: {  	_ =	swait.ge @!p3 [sflag:s9], $0x800;
	p0 =	por p1, p0;
	p1 =	slt.s32 s8, $0x1  }
.Ltmp36:
0x1c5: {  	[sflag:s9] =	ssyncset.done @!p3 $0x0;
	(pc) =	sbr.rel @p1 .LBB2_43-.Ltmp36, $4  }
0x1c6: {  	[sflag:s9] =	ssyncadd.s32 @!p3 $0xFFFFF800;
	s7 =	simm.s32 @!p0 $0x1  }
0x1c7: {  	_ =	swait.ge @!p0 [sflag:s7], $0x1000  }
0x1c8: {  	[sflag:s7] =	ssyncset.done @!p0 $0x0  }
0x1c9: {  	v6 =	vimm.f32 $0.0e+00;
	[sflag:s7] =	ssyncadd.s32 @!p0 $0xFFFFF000;
	s7 =	simm.s32 $0x10100  }
0x1ca: {  	s9 =	sand.u32 $0xFFFFF800, s1;
	s23 =	sand.u32 $0x380, s1  }
0x1cb: {  	v13 =	vld.msk [tilespmem:s7+$0x0 ss:$0x0], $0xffff;
	s9 =	sor.u32 s23, s9  }
0x1cc: {  	v5 =	vld [tilespmem:s9+$0x8570]  }
0x1cd: {  	v16 =	vld [tilespmem:s9+$0x8530]  }
0x1ce: {  	v7 =	vld [tilespmem:s9+$0x8560]  }
0x1cf: {  	v22 =	vld [tilespmem:s9+$0x8550]  }
0x1d0: {  	v8 =	vld [tilespmem:s9+$0x8540]  }
0x1d1: {  	v14 =	vld [tilespmem:s9+$0x8120]  }
0x1d2: {  	v15 =	vld [tilespmem:s9+$0x8140]  }
0x1d3: {  	v25 =	vld [tilespmem:s9+$0x8520]  }
0x1d4: {  	v24 =	vld [tilespmem:s9+$0x8170]  }
0x1d5: {  	v34 =	vimm.f32 $0.0e+00;
	v35 =	vimm.f32 $0.0e+00;
	v29 =	vld [tilespmem:s9+$0x8160]  }
0x1d6: {  	v36 =	vimm.f32 $0.0e+00;
	v37 =	vimm.f32 $0.0e+00;
	v41 =	vld [tilespmem:s9+$0x8130];
	v10 =	vunpack.i.u.bf16.f32 v5  }
0x1d7: {  	v5 =	vunpack.i.l.bf16.f32 v5;
	v11 =	vunpack.i.l.bf16.f32 v7;
	v12 =	vunpack.i.u.bf16.f32 v7  }
0x1d8: {  	v23 =	vunpack.i.l.bf16.f32 v22;
	v18 =	vunpack.i.u.bf16.f32 v16;
	v19 =	vunpack.i.u.bf16.f32 v8  }
0x1d9: {  	v17 =	vld [tilespmem:s9+$0x8150];
	v39 =	vunpack.i.u.bf16.f32 v15;
	v38 =	vunpack.i.u.bf16.f32 v25;
	v15 =	vunpack.i.l.bf16.f32 v15  }
0x1da: {  	v40 =	vunpack.i.u.bf16.f32 v24;
	v28 =	vunpack.i.u.bf16.f32 v14;
	v14 =	vunpack.i.l.bf16.f32 v14  }
0x1db: {  	v9 =	vld [tilespmem:s9+$0x8500];
	v44 =	vunpack.i.u.bf16.f32 v41;
	v46 =	vunpack.i.u.bf16.f32 v29;
	v5 =	vmul.f32 v5, v13  }
0x1dc: {  	v24 =	vunpack.i.l.bf16.f32 v24;
	v10 =	vmul.f32 v10, v13;
	v11 =	vmul.f32 v11, v13  }
0x1dd: {  	v42 =	vunpack.i.l.bf16.f32 v25;
	v18 =	vmul.f32 v18, v13;
	v12 =	vmul.f32 v12, v13  }
0x1de: {  	v15 =	vmul.f32 v15, v13;
	v32 =	vmul.f32 v19, v13;
	v19 =	vunpack.i.l.bf16.f32 v17  }
0x1df: {  	v20 =	vld [tilespmem:s9+$0x8100];
	v47 =	vmul.f32 v28, v13;
	v45 =	vmul.f32 v24, v13;
	v28 =	vimm.f32 $0.0e+00  }
0x1e0: {  	v7 =	vadd.f32 v10, v6;
	v10 =	vunpack.i.u.bf16.f32 v9;
	v9 =	vunpack.i.l.bf16.f32 v9  }
0x1e1: {  	v27 =	vld [tilespmem:s9+$0x8510];
	v21 =	vmul.f32 v10, v13;
	v10 =	vunpack.i.l.bf16.f32 v8;
	v26 =	vmul.f32 v9, v13  }
0x1e2: {  	v8 =	vadd.f32 v18, v6;
	v9 =	vadd.f32 v12, v6;
	v18 =	vmul.f32 v10, v13  }
0x1e3: {  	v10 =	vadd.f32 v11, v6;
	v11 =	vadd.f32 v26, v6;
	v26 =	vunpack.i.u.bf16.f32 v17  }
0x1e4: {  	v12 =	vadd.f32 v18, v6;
	v18 =	vunpack.i.u.bf16.f32 v20;
	v20 =	vunpack.i.l.bf16.f32 v20  }
0x1e5: {  	v5 =	vadd.f32 v5, v6;
	v63 =	vmul.f32 v26, v13;
	v30 =	vmul.f32 v20, v13  }
0x1e6: {  	v20 =	vmul.f32 v14, v13;
	v14 =	vunpack.i.u.bf16.f32 v27;
	v27 =	vunpack.i.l.bf16.f32 v27  }
0x1e7: {  	v33 =	vmul.f32 v18, v13;
	v18 =	vunpack.i.l.bf16.f32 v16;
	v16 =	vadd.f32 v21, v6  }
0x1e8: {  	v31 =	vmul.f32 v14, v13;
	v17 =	vmul.f32 v27, v13;
	v14 =	vadd.f32 v15, v6  }
0x1e9: {  	v27 =	vunpack.i.l.bf16.f32 v29;
	v29 =	vunpack.i.u.bf16.f32 v22;
	v22 =	vadd.f32 v63, v6  }
0x1ea: {  	v21 =	vmul.f32 v18, v13;
	v18 =	vadd.f32 v20, v6;
	v26 =	vadd.f32 v30, v6  }
0x1eb: {  	p0 =	sne.s32 s8, $0x1;
	v29 =	vmul.f32 v29, v13;
	v30 =	vmul.f32 v23, v13;
	v23 =	vadd.f32 v32, v6  }
.Ltmp37:
0x1ec: {  	v48 =	vld [tilespmem:s9+$0x8110];
	v43 =	vmul.f32 v27, v13;
	v32 =	vimm.f32 $0.0e+00;
	v27 =	vimm.f32 $0.0e+00;
	(pc) =	sbr.rel @!p0 .LBB2_46-.Ltmp37, $4  }
0x1ed: {  	v15 =	vadd.f32 v31, v6;
	v17 =	vadd.f32 v17, v6;
	v31 =	vmul.f32 v19, v13  }
0x1ee: {  	v19 =	vadd.f32 v33, v6;
	v20 =	vadd.f32 v21, v6;
	v33 =	vimm.f32 $0.0e+00  }
0x1ef: {  	v24 =	vadd.f32 v29, v6;
	v25 =	vadd.f32 v30, v6;
	v29 =	vimm.f32 $0.0e+00  }
0x1f0: {  	s8 =	sadd.s32 $0xFFFFFFFF, s8;
	s23 =	simm.s32 $0x100;
	s9 =	simm.s32 $0x80;
	v30 =	vimm.f32 $0.0e+00;
	v21 =	vadd.f32 v31, v6;
	v31 =	vimm.f32 $0.0e+00  }
.LBB2_45:
0x1f1: {  	s24 =	sand.u32 $0xFFFFF800, s23;
	s25 =	sand.u32 $0x380, s9;
	v49 =	vunpack.i.u.bf16.f32 v48;
	v6 =	vadd.f32 v47, v6;
	v44 =	vmul.f32 v44, v13;
	s7 =	sadd.s32 $0x1, s7  }
0x1f2: {  	p0 =	sne.s32 s8, $0x1;
	s8 =	sadd.s32 $0xFFFFFFFF, s8;
	v41 =	vunpack.i.l.bf16.f32 v41;
	v39 =	vmul.f32 v39, v13;
	v46 =	vmul.f32 v46, v13;
	v47 =	vld.msk [tilespmem:s7+$0x0 ss:$0x0], $0xffff;
	s24 =	sor.u32 s25, s24  }
0x1f3: {  	v48 =	vunpack.i.l.bf16.f32 v48;
	v49 =	vmul.f32 v49, v13;
	v50 =	vld [tilespmem:s24+$0x8570];
	v34 =	vadd.f32 v44, v34  }
0x1f4: {  	v41 =	vmul.f32 v41, v13;
	v33 =	vadd.f32 v39, v33;
	v39 =	vmul.f32 v40, v13;
	v44 =	vld [tilespmem:s24+$0x8530]  }
0x1f5: {  	v32 =	vadd.f32 v45, v32;
	v38 =	vmul.f32 v38, v13;
	v31 =	vadd.f32 v46, v31;
	v40 =	vld [tilespmem:s24+$0x8560]  }
0x1f6: {  	v27 =	vadd.f32 v43, v27;
	v46 =	vmul.f32 v48, v13;
	v29 =	vadd.f32 v39, v29;
	v45 =	vld [tilespmem:s24+$0x8550]  }
0x1f7: {  	v42 =	vmul.f32 v42, v13;
	v28 =	vadd.f32 v38, v28;
	v30 =	vadd.f32 v49, v30;
	v39 =	vld [tilespmem:s24+$0x8540]  }
0x1f8: {  	v35 =	vadd.f32 v46, v35;
	v13 =	vmovc v47;
	v38 =	vld [tilespmem:s24+$0x8500];
	v43 =	vunpack.i.u.bf16.f32 v50;
	v48 =	vunpack.i.l.bf16.f32 v50  }
0x1f9: {  	v36 =	vadd.f32 v42, v36;
	v46 =	vld [tilespmem:s24+$0x8120];
	v47 =	vmul.f32 v48, v13;
	v43 =	vmul.f32 v43, v13  }
0x1fa: {  	v37 =	vadd.f32 v41, v37;
	v42 =	vld [tilespmem:s24+$0x8140];
	v48 =	vunpack.i.u.bf16.f32 v40;
	v40 =	vunpack.i.l.bf16.f32 v40  }
0x1fb: {  	v41 =	vld [tilespmem:s24+$0x8150];
	v49 =	vunpack.i.l.bf16.f32 v45;
	v40 =	vmul.f32 v40, v13;
	v5 =	vadd.f32 v47, v5  }
0x1fc: {  	v47 =	vunpack.i.u.bf16.f32 v44;
	v7 =	vadd.f32 v43, v7;
	v50 =	vld [tilespmem:s24+$0x8520];
	v51 =	vunpack.i.u.bf16.f32 v39  }
0x1fd: {  	v48 =	vmul.f32 v48, v13;
	v47 =	vmul.f32 v47, v13;
	v43 =	vld [tilespmem:s24+$0x8170];
	v52 =	vunpack.i.u.bf16.f32 v38  }
0x1fe: {  	v39 =	vunpack.i.l.bf16.f32 v39;
	v38 =	vunpack.i.l.bf16.f32 v38;
	v53 =	vld [tilespmem:s24+$0x8100];
	v52 =	vmul.f32 v52, v13  }
0x1ff: {  	v38 =	vmul.f32 v38, v13;
	v8 =	vadd.f32 v47, v8;
	v47 =	vmul.f32 v39, v13  }
0x200: {  	v10 =	vadd.f32 v40, v10;
	v9 =	vadd.f32 v48, v9;
	v39 =	vunpack.i.u.bf16.f32 v42;
	v54 =	vld [tilespmem:s24+$0x8510]  }
0x201: {  	v11 =	vadd.f32 v38, v11;
	v12 =	vadd.f32 v47, v12;
	v38 =	vunpack.i.u.bf16.f32 v50  }
0x202: {  	v42 =	vunpack.i.l.bf16.f32 v42;
	v47 =	vunpack.i.u.bf16.f32 v41;
	v40 =	vunpack.i.u.bf16.f32 v43  }
0x203: {  	v55 =	vunpack.i.u.bf16.f32 v46;
	v46 =	vunpack.i.l.bf16.f32 v46;
	v48 =	vunpack.i.u.bf16.f32 v53;
	v56 =	vld [tilespmem:s24+$0x8160]  }
0x204: {  	v42 =	vmul.f32 v42, v13;
	v57 =	vunpack.i.l.bf16.f32 v41;
	v53 =	vunpack.i.l.bf16.f32 v53  }
0x205: {  	v46 =	vmul.f32 v46, v13;
	v53 =	vmul.f32 v53, v13;
	v41 =	vld [tilespmem:s24+$0x8130];
	v58 =	vunpack.i.u.bf16.f32 v54  }
0x206: {  	v51 =	vmul.f32 v51, v13;
	v54 =	vunpack.i.l.bf16.f32 v54;
	v58 =	vmul.f32 v58, v13  }
0x207: {  	v14 =	vadd.f32 v42, v14;
	v48 =	vmul.f32 v48, v13;
	v42 =	vmul.f32 v54, v13  }
0x208: {  	v44 =	vunpack.i.l.bf16.f32 v44;
	v54 =	vunpack.i.l.bf16.f32 v56;
	v15 =	vadd.f32 v58, v15  }
0x209: {  	v16 =	vadd.f32 v52, v16;
	v17 =	vadd.f32 v42, v17;
	v42 =	vmul.f32 v44, v13  }
0x20a: {  	v18 =	vadd.f32 v46, v18;
	v46 =	vmul.f32 v57, v13;
	v44 =	vunpack.i.u.bf16.f32 v41  }
0x20b: {  	v47 =	vmul.f32 v47, v13;
	v19 =	vadd.f32 v48, v19;
	v20 =	vadd.f32 v42, v20  }
.Ltmp38:
0x20c: {  	v21 =	vadd.f32 v46, v21;
	v46 =	vunpack.i.u.bf16.f32 v56;
	v42 =	vunpack.i.u.bf16.f32 v45;
	v48 =	vld [tilespmem:s24+$0x8110];
	(pc) =	sbr.rel @p0 .LBB2_45-.Ltmp38, $4  }
0x20d: {  	v22 =	vadd.f32 v47, v22;
	v26 =	vadd.f32 v53, v26;
	v42 =	vmul.f32 v42, v13  }
0x20e: {  	v49 =	vmul.f32 v49, v13;
	v23 =	vadd.f32 v51, v23;
	v43 =	vunpack.i.l.bf16.f32 v43  }
0x20f: {  	v47 =	vmul.f32 v55, v13;
	v45 =	vmul.f32 v43, v13;
	v24 =	vadd.f32 v42, v24  }
0x210: {  	s9 =	sadd.s32 $0x80, s9;
	s23 =	sadd.s32 $0x100, s23;
	v25 =	vadd.f32 v49, v25;
	v43 =	vmul.f32 v54, v13;
	v42 =	vunpack.i.l.bf16.f32 v50  }
.LBB2_46:
0x211: {  	v49 =	vunpack.i.u.bf16.f32 v48;
	v47 =	vadd.f32 v47, v6  }
0x212: {  	v6 =	vmul.f32 v44, v13;
	v41 =	vunpack.i.l.bf16.f32 v41;
	v39 =	vmul.f32 v39, v13  }
0x213: {  	v58 =	vmul.f32 v46, v13;
	v59 =	vunpack.i.l.bf16.f32 v48;
	v61 =	vmul.f32 v40, v13  }
0x214: {  	v32 =	vadd.f32 v45, v32;
	v38 =	vmul.f32 v38, v13;
	v60 =	vmul.f32 v49, v13  }
.Ltmp39:
0x215: {  	v27 =	vadd.f32 v43, v27;
	v34 =	vadd.f32 v6, v34;
	v6 =	vmul.f32 v41, v13;
	(pc) =	sbr.rel .LBB2_47-.Ltmp39, $4  }
0x216: {  	v62 =	vmul.f32 v59, v13;
	v33 =	vadd.f32 v39, v33;
	v31 =	vadd.f32 v58, v31  }
0x217: {  	v63 =	vmul.f32 v42, v13;
	v29 =	vadd.f32 v61, v29;
	v13 =	vadd.f32 v38, v28  }
0x218: {  	v30 =	vadd.f32 v60, v30;
	v28 =	vadd.f32 v62, v35  }
0x219: {  	v35 =	vadd.f32 v63, v36;
	v36 =	vadd.f32 v6, v37;
	v6 =	vmov v26  }
.LBB2_43:
0x21a: {  	v19 =	vimm.f32 $0.0e+00  }
0x21b: {  	v28 =	vimm.f32 $0.0e+00;
	v30 =	vimm.f32 $0.0e+00;
	v18 =	vimm.f32 $0.0e+00  }
0x21c: {  	v47 =	vimm.f32 $0.0e+00;
	v36 =	vimm.f32 $0.0e+00;
	v34 =	vimm.f32 $0.0e+00  }
0x21d: {  	v14 =	vimm.f32 $0.0e+00;
	v33 =	vimm.f32 $0.0e+00;
	v21 =	vimm.f32 $0.0e+00  }
0x21e: {  	v22 =	vimm.f32 $0.0e+00;
	v27 =	vimm.f32 $0.0e+00;
	v31 =	vimm.f32 $0.0e+00  }
0x21f: {  	v32 =	vimm.f32 $0.0e+00;
	v29 =	vimm.f32 $0.0e+00;
	v11 =	vimm.f32 $0.0e+00  }
0x220: {  	v16 =	vimm.f32 $0.0e+00;
	v17 =	vimm.f32 $0.0e+00;
	v15 =	vimm.f32 $0.0e+00  }
0x221: {  	v35 =	vimm.f32 $0.0e+00;
	v13 =	vimm.f32 $0.0e+00;
	v20 =	vimm.f32 $0.0e+00  }
0x222: {  	v8 =	vimm.f32 $0.0e+00;
	v12 =	vimm.f32 $0.0e+00;
	v23 =	vimm.f32 $0.0e+00  }
0x223: {  	v25 =	vimm.f32 $0.0e+00;
	v24 =	vimm.f32 $0.0e+00;
	v10 =	vimm.f32 $0.0e+00  }
0x224: {  	v9 =	vimm.f32 $0.0e+00;
	v5 =	vimm.f32 $0.0e+00;
	v7 =	vimm.f32 $0.0e+00  }
.LBB2_47:
0x225: {  	p0 =	seq.s32 s12, $0x0  }
0x226: {  	s7 =	simm.s32 @!p0 $0x5  }
0x227: {  	_ =	swait.ge @!p0 [sflag:s7], $0x200  }
0x228: {  	[sflag:s7] =	ssyncset.done @!p0 $0x0  }
0x229: {  	[sflag:s7] =	ssyncadd.s32 @!p0 $0xFFFFFE00  }
0x22a: {  	[tilespmem:$0x10180] =	vst v6  }
0x22b: {  	[tilespmem:$0x10280] =	vst v19  }
0x22c: {  	[tilespmem:$0x10190] =	vst v28  }
0x22d: {  	[tilespmem:$0x10290] =	vst v30  }
0x22e: {  	[tilespmem:$0x101A0] =	vst v18  }
0x22f: {  	[tilespmem:$0x102A0] =	vst v47  }
0x230: {  	[tilespmem:$0x101B0] =	vst v36  }
0x231: {  	[tilespmem:$0x102B0] =	vst v34  }
0x232: {  	[tilespmem:$0x101C0] =	vst v14  }
0x233: {  	[tilespmem:$0x102C0] =	vst v33  }
0x234: {  	[tilespmem:$0x101D0] =	vst v21  }
0x235: {  	[tilespmem:$0x102D0] =	vst v22  }
0x236: {  	[tilespmem:$0x101E0] =	vst v27  }
0x237: {  	[tilespmem:$0x102E0] =	vst v31  }
0x238: {  	[tilespmem:$0x101F0] =	vst v32  }
0x239: {  	[tilespmem:$0x102F0] =	vst v29  }
0x23a: {  	[tilespmem:$0x10200] =	vst v11  }
0x23b: {  	[tilespmem:$0x10300] =	vst v16  }
0x23c: {  	[tilespmem:$0x10210] =	vst v17  }
0x23d: {  	[tilespmem:$0x10310] =	vst v15  }
0x23e: {  	[tilespmem:$0x10220] =	vst v35  }
0x23f: {  	[tilespmem:$0x10320] =	vst v13  }
0x240: {  	[tilespmem:$0x10230] =	vst v20  }
0x241: {  	[tilespmem:$0x10330] =	vst v8  }
0x242: {  	[tilespmem:$0x10240] =	vst v12  }
0x243: {  	[tilespmem:$0x10340] =	vst v23  }
0x244: {  	[tilespmem:$0x10250] =	vst v25  }
0x245: {  	p1 =	seq.s32 s12, $0x1F;
	[tilespmem:$0x10350] =	vst v24  }
.Ltmp40:
0x246: {  	s29 =	sadd.s32 s4, s5;
	s8 =	sshll.u32 s12, $0x6;
	[tilespmem:$0x10260] =	vst v10;
	(pc) =	sbr.rel @p1 .LBB2_58-.Ltmp40, $4  }
0x247: {  	s8 =	sand.u32 $0x40, s8;
	s7 =	sshll.u32 s29, $0x6;
	[tilespmem:$0x10360] =	vst v9  }
0x248: {  	s8 =	sadd.s32 s2, s8;
	[tilespmem:$0x10270] =	vst v5;
	s7 =	sand.u32 $0x3FE00, s7  }
0x249: {  	[tilespmem:$0x10370] =	vst v7;
	s8 =	sadd.s32 s7, s8  }
0x24a: {  	[hbm4b:s8+s17] =	stream.strided.scatter [tilespmem:s19], [sflag:$0x5], $0x200, s18, s17, $0x38;
	[tilespmem:$0x10980] =	vst v63  }
0x24b: {  	v5 =	vld [tilespmem:s5+$0x8004];
	_ =	sdelay $0x4  }
0x24c: {  	(v2sf) =	vpush v5, $0x0;
	_ =	sdelay $0xe  }
0x24d: {  	s8 =	spop (v2sf)  }
0x24e: {  	s8 =	sadd.s32 $0x7, s8  }
0x24f: {  	s9 =	sand.u32 $0x7, s8  }
0x250: {  	s23 =	sshra.s32 s8, $0x1F;
	p2 =	slt.s32 s8, $0x1;
	p3 =	sne.s32 s9, $0x0  }
0x251: {  	s29 =	sshrl.u32 s23, $0x1D;
	p2 =	por !p2, !p3  }
0x252: {  	s9 =	simm.s32 $0x1;
	s8 =	sadd.s32 s29, s8;
	p2 =	por !p2, !p2  }
0x253: {  	s8 =	sshra.s32 s8, $0x3;
	s9 =	simm.s32 @!p2 $0x0  }
0x254: {  	s9 =	ssub.s32 s8, s9  }
0x255: {  	p2 =	sgt.s32 s9, $0x2  }
.Ltmp41:
0x256: {  	_ = 	snop;
	(pc) =	sbr.rel @p2 .LBB2_52-.Ltmp41, $2  }
0x257: {  	_ =	sdelay $0x2  }
0x258: {  	s8 =	sadd.s32 $0x4, s5  }
0x259: {  	p2 =	seq.s32 s9, $0x1  }
.Ltmp42:
0x25a: {  	_ = 	snop;
	(pc) =	sbr.rel @p2 .LBB2_55-.Ltmp42, $1  }
0x25b: {  	_ =	sdelay $0x3  }
0x25c: {  	p2 =	seq.s32 s9, $0x2  }
.Ltmp43:
0x25d: {  	_ = 	snop;
	(pc) =	sbr.rel @!p2 .LBB2_58-.Ltmp43, $1  }
0x25e: {  	_ =	sdelay $0x3  }
0x25f: {  	s8 =	sshll.u32 s8, $0x7  }
0x260: {  	s8 =	sand.u32 $0x3FFFFF80, s8  }
0x261: {  	v5 =	vld [tilespmem:s8+$0x4000];
	_ =	sdelay $0x4  }
0x262: {  	v6 =	vshll.u32 v5, $0x1  }
0x263: {  	v5 =	vand.u32 $0x7, v5;
	v6 =	vand.u32 $0xFFFFFFF0, v6  }
0x264: {  	v5 =	vor.u32 v5, v6  }
0x265: {  	v6 =	vperm.xlane v5, v1;
	_ =	sdelay $0x1  }
0x266: {  	v6 =	vadd.s32 v2, v6  }
.Ltmp44:
0x267: {  	_ = 	snop;
	(pc) =	sbr.rel .LBB2_57-.Ltmp44, $3  }
0x268: {  	_ =	sdelay $0x1  }
0x269: {  	s8 =	simm.s32 $0x8900  }
0x26a: {  	v5 =	vperm.xlane v5, v3;
	[tilespmem:s13], [sflag:$0x1] =	stream.indirect_vreg.gather [hbm4b:s6+s3], $0x80, v6, vm0, $0xb8;
	[tilespmem:$0x10980] =	vst v63  }
.LBB2_52:
0x26b: {  	p2 =	seq.s32 s9, $0x3  }
.Ltmp45:
0x26c: {  	_ = 	snop;
	(pc) =	sbr.rel @p2 .LBB2_56-.Ltmp45, $1  }
0x26d: {  	_ =	sdelay $0x3  }
0x26e: {  	p2 =	seq.s32 s9, $0x4  }
.Ltmp46:
0x26f: {  	_ = 	snop;
	(pc) =	sbr.rel @!p2 .LBB2_58-.Ltmp46, $1  }
0x270: {  	_ =	sdelay $0x3  }
0x271: {  	s8 =	sshll.u32 s8, $0x7  }
0x272: {  	s8 =	sand.u32 $0x3FFFFF80, s8  }
0x273: {  	v5 =	vld [tilespmem:s8+$0x4000];
	_ =	sdelay $0x4  }
0x274: {  	v6 =	vshll.u32 v5, $0x1  }
0x275: {  	v5 =	vand.u32 $0x7, v5;
	v6 =	vand.u32 $0xFFFFFFF0, v6  }
0x276: {  	v5 =	vor.u32 v5, v6  }
0x277: {  	v6 =	vperm.xlane v5, v1;
	_ =	sdelay $0x1  }
0x278: {  	v5 =	vperm.xlane v5, v3;
	v6 =	vadd.s32 v2, v6;
	_ =	sdelay $0x1  }
0x279: {  	v5 =	vadd.s32 v2, v5;
	_ =	sdelay $0x2  }
0x27a: {  	[tilespmem:s13], [sflag:$0x1] =	stream.indirect_vreg.gather [hbm4b:s6+s3], $0x80, v6, vm0, $0xb8;
	[tilespmem:$0x10980] =	vst v63  }
0x27b: {  	_ = 	snop  }
0x27c: {  	[tilespmem:s11], [sflag:$0x1] =	stream.indirect_vreg.gather [hbm4b:s6+s3], $0x80, v5, vm0, $0xb8;
	[tilespmem:$0x10980] =	vst v63  }
0x27d: {  	v5 =	vld [tilespmem:s8+$0x4010];
	_ =	sdelay $0x4  }
0x27e: {  	v6 =	vshll.u32 v5, $0x1  }
0x27f: {  	v5 =	vand.u32 $0x7, v5;
	v6 =	vand.u32 $0xFFFFFFF0, v6  }
0x280: {  	v5 =	vor.u32 v5, v6  }
0x281: {  	v6 =	vperm.xlane v5, v1;
	_ =	sdelay $0x1  }
0x282: {  	v6 =	vadd.s32 v2, v6  }
.Ltmp47:
0x283: {  	_ = 	snop;
	(pc) =	sbr.rel .LBB2_57-.Ltmp47, $3  }
0x284: {  	_ =	sdelay $0x1  }
0x285: {  	s29 =	simm.s32 $0x9100;
	s8 =	simm.s32 $0x9900  }
0x286: {  	v5 =	vperm.xlane v5, v3;
	[tilespmem:s29], [sflag:$0x1] =	stream.indirect_vreg.gather [hbm4b:s6+s3], $0x80, v6, vm0, $0xb8;
	[tilespmem:$0x10980] =	vst v63  }
.LBB2_55:
0x287: {  	s8 =	sshll.u32 s8, $0x7  }
0x288: {  	s8 =	sand.u32 $0x3FFFFF80, s8  }
0x289: {  	v5 =	vld.msk [tilespmem:s8+$0x4000], $0xff;
	_ =	sdelay $0x3  }
.Ltmp48:
0x28a: {  	_ = 	snop;
	(pc) =	sbr.rel .LBB2_57-.Ltmp48, $4  }
0x28b: {  	v6 =	vshll.u32 v5, $0x1  }
0x28c: {  	v5 =	vand.u32 $0x7, v5;
	v6 =	vand.u32 $0xFFFFFFF0, v6  }
0x28d: {  	v5 =	vor.u32 v5, v6  }
0x28e: {  	s8 =	simm.s32 $0x8100;
	v5 =	vperm.xlane v5, v1  }
.LBB2_56:
0x28f: {  	s8 =	sshll.u32 s8, $0x7  }
0x290: {  	s8 =	sand.u32 $0x3FFFFF80, s8  }
0x291: {  	v5 =	vld [tilespmem:s8+$0x4000];
	_ =	sdelay $0x4  }
0x292: {  	v6 =	vshll.u32 v5, $0x1  }
0x293: {  	v5 =	vand.u32 $0x7, v5;
	v6 =	vand.u32 $0xFFFFFFF0, v6  }
0x294: {  	v5 =	vor.u32 v5, v6  }
0x295: {  	v6 =	vperm.xlane v5, v1;
	_ =	sdelay $0x1  }
0x296: {  	v5 =	vperm.xlane v5, v3;
	v6 =	vadd.s32 v2, v6;
	_ =	sdelay $0x1  }
0x297: {  	v5 =	vadd.s32 v2, v5;
	_ =	sdelay $0x2  }
0x298: {  	[tilespmem:s13], [sflag:$0x1] =	stream.indirect_vreg.gather [hbm4b:s6+s3], $0x80, v6, vm0, $0xb8;
	[tilespmem:$0x10980] =	vst v63  }
0x299: {  	_ = 	snop  }
0x29a: {  	[tilespmem:s11], [sflag:$0x1] =	stream.indirect_vreg.gather [hbm4b:s6+s3], $0x80, v5, vm0, $0xb8;
	[tilespmem:$0x10980] =	vst v63  }
0x29b: {  	v5 =	vld.msk [tilespmem:s8+$0x4010], $0xff;
	_ =	sdelay $0x4  }
0x29c: {  	v6 =	vshll.u32 v5, $0x1  }
0x29d: {  	v5 =	vand.u32 $0x7, v5;
	v6 =	vand.u32 $0xFFFFFFF0, v6  }
0x29e: {  	v5 =	vor.u32 v5, v6  }
0x29f: {  	s8 =	simm.s32 $0x9100;
	v5 =	vperm.xlane v5, v1  }
.LBB2_57:
0x2a0: {  	_ = 	snop  }
0x2a1: {  	v5 =	vadd.s32 v2, v5;
	_ =	sdelay $0x4  }
0x2a2: {  	[tilespmem:s8], [sflag:$0x1] =	stream.indirect_vreg.gather [hbm4b:s6+s3], $0x80, v5, vm0, $0xb8;
	[tilespmem:$0x10980] =	vst v63  }
.LBB2_58:
0x2a3: {  	s8 =	sor.u32 $0x1, s5  }
0x2a4: {  	s9 =	sshll.u32 s8, $0x7  }
0x2a5: {  	s9 =	sand.u32 $0x3FFFFF80, s9  }
0x2a6: {  	v5 =	vld [tilespmem:s9+$0x4000]  }
0x2a7: {  	v6 =	vld [tilespmem:s9+$0x4010];
	_ =	sdelay $0x5  }
0x2a8: {  	v7 =	vld [tilespmem:s5+$0x8001]  }
0x2a9: {  	v5 =	vld.idx.msk [tilespmem:v5+s3+$0x0], $0xffff  }
0x2aa: {  	v6 =	vld.idx.msk [tilespmem:v6+s3+$0x0], $0xffff;
	_ =	sdelay $0x3  }
0x2ab: {  	v8 =	vbroadcast v7, $0x0  }
0x2ac: {  	v9 =	vadd.f32 $-9.999999680e+37, v5;
	v10 =	vadd.f32 $-9.999999680e+37, v6  }
0x2ad: {  	vm1 =	vgt.s32 v8, v0;
	vm2 =	vgt.s32 v8, v4  }
0x2ae: {  	v5 =	vsel vm1, v5, v9;
	v6 =	vsel vm2, v6, v10  }
0x2af: {  	v62 =	vmax.f32 v5, v6  }
0x2b0: {  	(xrf0) =	vmax.scan.msk.f32 $0xffff, v62;
	_ =	sdelay $0x5  }
0x2b1: {  	v8, _, _ =	vpop (xrf0)  }
0x2b2: {  	v8 =	vbroadcast v8, $0xF;
	_ =	sdelay $0x1  }
0x2b3: {  	v5 =	vsub.f32 v5, v8  }
0x2b4: {  	v6 =	vsub.f32 v6, v8  }
0x2b5: {  	v5 =	vmul.f32 $1.442695020e+00, v5  }
0x2b6: {  	v6 =	vmul.f32 $1.442695020e+00, v6  }
0x2b7: {  	(erf) = vpow2.f32 v5  }
0x2b8: {  	(erf) = vpow2.f32 v6;
	_ =	sdelay $0x7  }
0x2b9: {  	v5 =	vpop (erf)  }
0x2ba: {  	v6 =	vpop (erf)  }
0x2bb: {  	v63 =	vadd.f32 v6, v5;
	_ =	sdelay $0x1  }
0x2bc: {  	(xrf2) =	vadd.scan.msk.f32 $0xffff, v63;
	_ =	sdelay $0x9  }
0x2bd: {  	v8, _, _ =	vpop (xrf2)  }
0x2be: {  	v8 =	vbroadcast v8, $0xF;
	_ =	sdelay $0x1  }
0x2bf: {  	(erf) = vrcp.f32 v8;
	_ =	sdelay $0x8  }
0x2c0: {  	v8 =	vpop (erf)  }
0x2c1: {  	v5 =	vmul.f32 v8, v5  }
0x2c2: {  	v6 =	vmul.f32 v8, v6  }
0x2c3: {  	[tilespmem:$0x10100] =	vst v5  }
0x2c4: {  	[tilespmem:$0x10110] =	vst v6  }
0x2c5: {  	v5 =	vld [tilespmem:s5+$0x8001];
	_ =	sdelay $0x3  }
0x2c6: {  	(v2sf) =	vpush v7, $0x0  }
0x2c7: {  	(v2sf) =	vpush v5, $0x0;
	_ =	sdelay $0xd  }
0x2c8: {  	s23 =	spop (v2sf)  }
0x2c9: {  	s26 =	spop (v2sf)  }
0x2ca: {  	s9 =	sadd.s32 $0x7, s26  }
0x2cb: {  	s24 =	sand.u32 $0x7, s9  }
0x2cc: {  	s29 =	sshra.s32 s9, $0x1F;
	p3 =	slt.s32 s9, $0x1;
	p2 =	sne.s32 s24, $0x0  }
0x2cd: {  	s24 =	sshrl.u32 s29, $0x1D;
	p2 =	por !p3, !p2  }
0x2ce: {  	s9 =	sadd.s32 s24, s9;
	s24 =	simm.s32 $0x1;
	p2 =	por !p2, !p2  }
0x2cf: {  	s9 =	sshra.s32 s9, $0x3;
	s24 =	simm.s32 @!p2 $0x0  }
0x2d0: {  	s9 =	ssub.s32 s9, s24  }
0x2d1: {  	p2 =	sgt.s32 s9, $0x2  }
0x2d2: {  	p3 =	seq.s32 @p2 s9, $0x3  }
0x2d3: {  	p4 =	por !p3, !p2;
	p5 =	por p3, !p2  }
0x2d4: {  	s24 =	simm.s32 @!p4 $0x2;
	p5 =	seq.s32 @!p5 s9, $0x4  }
0x2d5: {  	_ =	swait.ge @!p4 [sflag:s24], $0x1800;
	p3 =	por @p2 !p5, p3  }
0x2d6: {  	[sflag:s24] =	ssyncset.done @!p4 $0x0;
	p3 =	por p3, !p2  }
0x2d7: {  	[sflag:s24] =	ssyncadd.s32 @!p4 $0xFFFFE800;
	s24 =	simm.s32 @!p3 $0x2  }
0x2d8: {  	p4 =	seq.s32 @!p2 s9, $0x1;
	_ =	swait.ge @!p3 [sflag:s24], $0x2000  }
0x2d9: {  	p6 =	por p4, p2;
	[sflag:s24] =	ssyncset.done @!p3 $0x0  }
0x2da: {  	p5 =	por !p4, p2;
	[sflag:s24] =	ssyncadd.s32 @!p3 $0xFFFFE000;
	p3 =	seq.s32 @!p6 s9, $0x2  }
0x2db: {  	s24 =	simm.s32 @!p5 $0x2;
	p3 =	por @!p2 !p3, p4  }
0x2dc: {  	_ =	swait.ge @!p5 [sflag:s24], $0x800;
	p2 =	por p3, p2;
	p3 =	slt.s32 s23, $0x1  }
.Ltmp49:
0x2dd: {  	[sflag:s24] =	ssyncset.done @!p5 $0x0;
	(pc) =	sbr.rel @p3 .LBB2_59-.Ltmp49, $4  }
0x2de: {  	[sflag:s24] =	ssyncadd.s32 @!p5 $0xFFFFF800;
	s9 =	simm.s32 @!p2 $0x2  }
0x2df: {  	_ =	swait.ge @!p2 [sflag:s9], $0x1000  }
0x2e0: {  	[sflag:s9] =	ssyncset.done @!p2 $0x0  }
0x2e1: {  	v5 =	vimm.f32 $0.0e+00;
	[sflag:s9] =	ssyncadd.s32 @!p2 $0xFFFFF000  }
0x2e2: {  	s24 =	simm.s32 $0x0  }
0x2e3: {  	s9 =	simm.s32 $0x10100;
	s25 =	sand.u32 $0xFFFFF800, s24;
	s24 =	sand.u32 $0x380, s24  }
0x2e4: {  	v13 =	vld.msk [tilespmem:s9+$0x0 ss:$0x0], $0xffff;
	s24 =	sor.u32 s24, s25  }
0x2e5: {  	v6 =	vld [tilespmem:s24+$0xA570]  }
0x2e6: {  	v16 =	vld [tilespmem:s24+$0xA530]  }
0x2e7: {  	v7 =	vld [tilespmem:s24+$0xA560]  }
0x2e8: {  	v22 =	vld [tilespmem:s24+$0xA550]  }
0x2e9: {  	v8 =	vld [tilespmem:s24+$0xA540]  }
0x2ea: {  	v14 =	vld [tilespmem:s24+$0xA120]  }
0x2eb: {  	v15 =	vld [tilespmem:s24+$0xA140]  }
0x2ec: {  	v25 =	vld [tilespmem:s24+$0xA520]  }
0x2ed: {  	v24 =	vld [tilespmem:s24+$0xA170]  }
0x2ee: {  	v34 =	vimm.f32 $0.0e+00;
	v35 =	vimm.f32 $0.0e+00;
	v29 =	vld [tilespmem:s24+$0xA160]  }
0x2ef: {  	v36 =	vimm.f32 $0.0e+00;
	v37 =	vimm.f32 $0.0e+00;
	v41 =	vld [tilespmem:s24+$0xA130];
	v10 =	vunpack.i.u.bf16.f32 v6  }
0x2f0: {  	v6 =	vunpack.i.l.bf16.f32 v6;
	v11 =	vunpack.i.l.bf16.f32 v7;
	v12 =	vunpack.i.u.bf16.f32 v7  }
0x2f1: {  	v23 =	vunpack.i.l.bf16.f32 v22;
	v18 =	vunpack.i.u.bf16.f32 v16;
	v19 =	vunpack.i.u.bf16.f32 v8  }
0x2f2: {  	v17 =	vld [tilespmem:s24+$0xA150];
	v39 =	vunpack.i.u.bf16.f32 v15;
	v38 =	vunpack.i.u.bf16.f32 v25;
	v15 =	vunpack.i.l.bf16.f32 v15  }
0x2f3: {  	v40 =	vunpack.i.u.bf16.f32 v24;
	v28 =	vunpack.i.u.bf16.f32 v14;
	v14 =	vunpack.i.l.bf16.f32 v14  }
0x2f4: {  	v9 =	vld [tilespmem:s24+$0xA500];
	v44 =	vunpack.i.u.bf16.f32 v41;
	v46 =	vunpack.i.u.bf16.f32 v29;
	v6 =	vmul.f32 v6, v13  }
0x2f5: {  	v24 =	vunpack.i.l.bf16.f32 v24;
	v10 =	vmul.f32 v10, v13;
	v11 =	vmul.f32 v11, v13  }
0x2f6: {  	v42 =	vunpack.i.l.bf16.f32 v25;
	v18 =	vmul.f32 v18, v13;
	v12 =	vmul.f32 v12, v13  }
0x2f7: {  	v15 =	vmul.f32 v15, v13;
	v32 =	vmul.f32 v19, v13;
	v19 =	vunpack.i.l.bf16.f32 v17  }
0x2f8: {  	v20 =	vld [tilespmem:s24+$0xA100];
	v47 =	vmul.f32 v28, v13;
	v45 =	vmul.f32 v24, v13;
	v28 =	vimm.f32 $0.0e+00  }
0x2f9: {  	v7 =	vadd.f32 v10, v5;
	v10 =	vunpack.i.u.bf16.f32 v9;
	v9 =	vunpack.i.l.bf16.f32 v9  }
0x2fa: {  	v27 =	vld [tilespmem:s24+$0xA510];
	v21 =	vmul.f32 v10, v13;
	v10 =	vunpack.i.l.bf16.f32 v8;
	v26 =	vmul.f32 v9, v13  }
0x2fb: {  	v8 =	vadd.f32 v18, v5;
	v9 =	vadd.f32 v11, v5;
	v18 =	vmul.f32 v10, v13  }
0x2fc: {  	v10 =	vadd.f32 v12, v5;
	v11 =	vadd.f32 v26, v5;
	v26 =	vunpack.i.u.bf16.f32 v17  }
0x2fd: {  	v12 =	vadd.f32 v18, v5;
	v18 =	vunpack.i.u.bf16.f32 v20;
	v20 =	vunpack.i.l.bf16.f32 v20  }
0x2fe: {  	v6 =	vadd.f32 v6, v5;
	v63 =	vmul.f32 v26, v13;
	v30 =	vmul.f32 v20, v13  }
0x2ff: {  	v20 =	vmul.f32 v14, v13;
	v14 =	vunpack.i.u.bf16.f32 v27;
	v27 =	vunpack.i.l.bf16.f32 v27  }
0x300: {  	v33 =	vmul.f32 v18, v13;
	v18 =	vunpack.i.l.bf16.f32 v16;
	v16 =	vadd.f32 v21, v5  }
0x301: {  	v31 =	vmul.f32 v14, v13;
	v17 =	vmul.f32 v27, v13;
	v14 =	vadd.f32 v15, v5  }
0x302: {  	v27 =	vunpack.i.l.bf16.f32 v29;
	v29 =	vunpack.i.u.bf16.f32 v22;
	v22 =	vadd.f32 v63, v5  }
0x303: {  	v21 =	vmul.f32 v18, v13;
	v18 =	vadd.f32 v20, v5;
	v26 =	vadd.f32 v30, v5  }
0x304: {  	p2 =	sne.s32 s23, $0x1;
	v29 =	vmul.f32 v29, v13;
	v30 =	vmul.f32 v23, v13;
	v23 =	vadd.f32 v32, v5  }
.Ltmp50:
0x305: {  	v48 =	vld [tilespmem:s24+$0xA110];
	v43 =	vmul.f32 v27, v13;
	v32 =	vimm.f32 $0.0e+00;
	v27 =	vimm.f32 $0.0e+00;
	(pc) =	sbr.rel @!p2 .LBB2_62-.Ltmp50, $4  }
0x306: {  	v15 =	vadd.f32 v31, v5;
	v17 =	vadd.f32 v17, v5;
	v31 =	vmul.f32 v19, v13  }
0x307: {  	v19 =	vadd.f32 v33, v5;
	v20 =	vadd.f32 v21, v5;
	v33 =	vimm.f32 $0.0e+00  }
0x308: {  	v24 =	vadd.f32 v29, v5;
	v25 =	vadd.f32 v30, v5;
	v29 =	vimm.f32 $0.0e+00  }
0x309: {  	s23 =	sadd.s32 $0xFFFFFFFF, s23;
	s25 =	simm.s32 $0x100;
	s24 =	simm.s32 $0x80;
	v30 =	vimm.f32 $0.0e+00;
	v21 =	vadd.f32 v31, v5;
	v31 =	vimm.f32 $0.0e+00  }
.LBB2_61:
0x30a: {  	s26 =	sand.u32 $0xFFFFF800, s25;
	s29 =	sand.u32 $0x380, s24;
	v49 =	vunpack.i.u.bf16.f32 v48;
	v5 =	vadd.f32 v47, v5;
	v44 =	vmul.f32 v44, v13;
	s9 =	sadd.s32 $0x1, s9  }
0x30b: {  	p2 =	sne.s32 s23, $0x1;
	s23 =	sadd.s32 $0xFFFFFFFF, s23;
	v41 =	vunpack.i.l.bf16.f32 v41;
	v39 =	vmul.f32 v39, v13;
	v46 =	vmul.f32 v46, v13;
	v47 =	vld.msk [tilespmem:s9+$0x0 ss:$0x0], $0xffff;
	s26 =	sor.u32 s29, s26  }
0x30c: {  	v48 =	vunpack.i.l.bf16.f32 v48;
	v49 =	vmul.f32 v49, v13;
	v50 =	vld [tilespmem:s26+$0xA570];
	v34 =	vadd.f32 v44, v34  }
0x30d: {  	v41 =	vmul.f32 v41, v13;
	v33 =	vadd.f32 v39, v33;
	v39 =	vmul.f32 v40, v13;
	v44 =	vld [tilespmem:s26+$0xA530]  }
0x30e: {  	v32 =	vadd.f32 v45, v32;
	v38 =	vmul.f32 v38, v13;
	v31 =	vadd.f32 v46, v31;
	v40 =	vld [tilespmem:s26+$0xA560]  }
0x30f: {  	v27 =	vadd.f32 v43, v27;
	v46 =	vmul.f32 v48, v13;
	v29 =	vadd.f32 v39, v29;
	v45 =	vld [tilespmem:s26+$0xA550]  }
0x310: {  	v42 =	vmul.f32 v42, v13;
	v28 =	vadd.f32 v38, v28;
	v30 =	vadd.f32 v49, v30;
	v39 =	vld [tilespmem:s26+$0xA540]  }
0x311: {  	v35 =	vadd.f32 v46, v35;
	v13 =	vmovc v47;
	v38 =	vld [tilespmem:s26+$0xA500];
	v43 =	vunpack.i.u.bf16.f32 v50;
	v48 =	vunpack.i.l.bf16.f32 v50  }
0x312: {  	v36 =	vadd.f32 v42, v36;
	v46 =	vld [tilespmem:s26+$0xA120];
	v47 =	vmul.f32 v48, v13;
	v43 =	vmul.f32 v43, v13  }
0x313: {  	v37 =	vadd.f32 v41, v37;
	v42 =	vld [tilespmem:s26+$0xA140];
	v48 =	vunpack.i.u.bf16.f32 v40;
	v40 =	vunpack.i.l.bf16.f32 v40  }
0x314: {  	v41 =	vld [tilespmem:s26+$0xA150];
	v49 =	vunpack.i.l.bf16.f32 v45;
	v40 =	vmul.f32 v40, v13;
	v6 =	vadd.f32 v47, v6  }
0x315: {  	v47 =	vunpack.i.u.bf16.f32 v44;
	v7 =	vadd.f32 v43, v7;
	v50 =	vld [tilespmem:s26+$0xA520];
	v51 =	vunpack.i.u.bf16.f32 v39  }
0x316: {  	v48 =	vmul.f32 v48, v13;
	v47 =	vmul.f32 v47, v13;
	v43 =	vld [tilespmem:s26+$0xA170];
	v52 =	vunpack.i.u.bf16.f32 v38  }
0x317: {  	v39 =	vunpack.i.l.bf16.f32 v39;
	v38 =	vunpack.i.l.bf16.f32 v38;
	v53 =	vld [tilespmem:s26+$0xA100];
	v52 =	vmul.f32 v52, v13  }
0x318: {  	v38 =	vmul.f32 v38, v13;
	v8 =	vadd.f32 v47, v8;
	v47 =	vmul.f32 v39, v13  }
0x319: {  	v9 =	vadd.f32 v40, v9;
	v10 =	vadd.f32 v48, v10;
	v39 =	vunpack.i.u.bf16.f32 v42;
	v54 =	vld [tilespmem:s26+$0xA510]  }
0x31a: {  	v11 =	vadd.f32 v38, v11;
	v12 =	vadd.f32 v47, v12;
	v38 =	vunpack.i.u.bf16.f32 v50  }
0x31b: {  	v42 =	vunpack.i.l.bf16.f32 v42;
	v47 =	vunpack.i.u.bf16.f32 v41;
	v40 =	vunpack.i.u.bf16.f32 v43  }
0x31c: {  	v55 =	vunpack.i.u.bf16.f32 v46;
	v46 =	vunpack.i.l.bf16.f32 v46;
	v48 =	vunpack.i.u.bf16.f32 v53;
	v56 =	vld [tilespmem:s26+$0xA160]  }
0x31d: {  	v42 =	vmul.f32 v42, v13;
	v57 =	vunpack.i.l.bf16.f32 v41;
	v53 =	vunpack.i.l.bf16.f32 v53  }
0x31e: {  	v46 =	vmul.f32 v46, v13;
	v53 =	vmul.f32 v53, v13;
	v41 =	vld [tilespmem:s26+$0xA130];
	v58 =	vunpack.i.u.bf16.f32 v54  }
0x31f: {  	v51 =	vmul.f32 v51, v13;
	v54 =	vunpack.i.l.bf16.f32 v54;
	v58 =	vmul.f32 v58, v13  }
0x320: {  	v14 =	vadd.f32 v42, v14;
	v48 =	vmul.f32 v48, v13;
	v42 =	vmul.f32 v54, v13  }
0x321: {  	v44 =	vunpack.i.l.bf16.f32 v44;
	v54 =	vunpack.i.l.bf16.f32 v56;
	v15 =	vadd.f32 v58, v15  }
0x322: {  	v16 =	vadd.f32 v52, v16;
	v17 =	vadd.f32 v42, v17;
	v42 =	vmul.f32 v44, v13  }
0x323: {  	v18 =	vadd.f32 v46, v18;
	v46 =	vmul.f32 v57, v13;
	v44 =	vunpack.i.u.bf16.f32 v41  }
0x324: {  	v47 =	vmul.f32 v47, v13;
	v19 =	vadd.f32 v48, v19;
	v20 =	vadd.f32 v42, v20  }
.Ltmp51:
0x325: {  	v21 =	vadd.f32 v46, v21;
	v46 =	vunpack.i.u.bf16.f32 v56;
	v42 =	vunpack.i.u.bf16.f32 v45;
	v48 =	vld [tilespmem:s26+$0xA110];
	(pc) =	sbr.rel @p2 .LBB2_61-.Ltmp51, $4  }
0x326: {  	v22 =	vadd.f32 v47, v22;
	v26 =	vadd.f32 v53, v26;
	v42 =	vmul.f32 v42, v13  }
0x327: {  	v49 =	vmul.f32 v49, v13;
	v23 =	vadd.f32 v51, v23;
	v43 =	vunpack.i.l.bf16.f32 v43  }
0x328: {  	v47 =	vmul.f32 v55, v13;
	v45 =	vmul.f32 v43, v13;
	v24 =	vadd.f32 v42, v24  }
0x329: {  	s24 =	sadd.s32 $0x80, s24;
	s25 =	sadd.s32 $0x100, s25;
	v25 =	vadd.f32 v49, v25;
	v43 =	vmul.f32 v54, v13;
	v42 =	vunpack.i.l.bf16.f32 v50  }
.LBB2_62:
0x32a: {  	v49 =	vunpack.i.u.bf16.f32 v48;
	v47 =	vadd.f32 v47, v5  }
0x32b: {  	v5 =	vmul.f32 v44, v13;
	v41 =	vunpack.i.l.bf16.f32 v41;
	v39 =	vmul.f32 v39, v13  }
0x32c: {  	v58 =	vmul.f32 v46, v13;
	v59 =	vunpack.i.l.bf16.f32 v48;
	v61 =	vmul.f32 v40, v13  }
0x32d: {  	v32 =	vadd.f32 v45, v32;
	v38 =	vmul.f32 v38, v13;
	v60 =	vmul.f32 v49, v13  }
.Ltmp52:
0x32e: {  	v27 =	vadd.f32 v43, v27;
	v34 =	vadd.f32 v5, v34;
	v5 =	vmul.f32 v41, v13;
	(pc) =	sbr.rel .LBB2_63-.Ltmp52, $4  }
0x32f: {  	v62 =	vmul.f32 v59, v13;
	v33 =	vadd.f32 v39, v33;
	v31 =	vadd.f32 v58, v31  }
0x330: {  	v63 =	vmul.f32 v42, v13;
	v29 =	vadd.f32 v61, v29;
	v13 =	vadd.f32 v38, v28  }
0x331: {  	v30 =	vadd.f32 v60, v30;
	v28 =	vadd.f32 v62, v35  }
0x332: {  	v35 =	vadd.f32 v63, v36;
	v36 =	vadd.f32 v5, v37;
	v5 =	vmov v26  }
.LBB2_59:
0x333: {  	v19 =	vimm.f32 $0.0e+00  }
0x334: {  	v28 =	vimm.f32 $0.0e+00;
	v30 =	vimm.f32 $0.0e+00;
	v18 =	vimm.f32 $0.0e+00  }
0x335: {  	v47 =	vimm.f32 $0.0e+00;
	v36 =	vimm.f32 $0.0e+00;
	v34 =	vimm.f32 $0.0e+00  }
0x336: {  	v14 =	vimm.f32 $0.0e+00;
	v33 =	vimm.f32 $0.0e+00;
	v21 =	vimm.f32 $0.0e+00  }
0x337: {  	v22 =	vimm.f32 $0.0e+00;
	v27 =	vimm.f32 $0.0e+00;
	v31 =	vimm.f32 $0.0e+00  }
0x338: {  	v32 =	vimm.f32 $0.0e+00;
	v29 =	vimm.f32 $0.0e+00;
	v11 =	vimm.f32 $0.0e+00  }
0x339: {  	v16 =	vimm.f32 $0.0e+00;
	v17 =	vimm.f32 $0.0e+00;
	v15 =	vimm.f32 $0.0e+00  }
0x33a: {  	v35 =	vimm.f32 $0.0e+00;
	v13 =	vimm.f32 $0.0e+00;
	v20 =	vimm.f32 $0.0e+00  }
0x33b: {  	v8 =	vimm.f32 $0.0e+00;
	v12 =	vimm.f32 $0.0e+00;
	v23 =	vimm.f32 $0.0e+00  }
0x33c: {  	v25 =	vimm.f32 $0.0e+00;
	v24 =	vimm.f32 $0.0e+00;
	v9 =	vimm.f32 $0.0e+00  }
0x33d: {  	v10 =	vimm.f32 $0.0e+00;
	v6 =	vimm.f32 $0.0e+00;
	v7 =	vimm.f32 $0.0e+00  }
.LBB2_63:
0x33e: {  	s9 =	simm.s32 @!p0 $0x6  }
0x33f: {  	_ =	swait.ge @!p0 [sflag:s9], $0x200  }
0x340: {  	[sflag:s9] =	ssyncset.done @!p0 $0x0  }
0x341: {  	[sflag:s9] =	ssyncadd.s32 @!p0 $0xFFFFFE00  }
0x342: {  	[tilespmem:$0x10380] =	vst v5  }
0x343: {  	[tilespmem:$0x10480] =	vst v19  }
0x344: {  	[tilespmem:$0x10390] =	vst v28  }
0x345: {  	[tilespmem:$0x10490] =	vst v30  }
0x346: {  	[tilespmem:$0x103A0] =	vst v18  }
0x347: {  	[tilespmem:$0x104A0] =	vst v47  }
0x348: {  	[tilespmem:$0x103B0] =	vst v36  }
0x349: {  	[tilespmem:$0x104B0] =	vst v34  }
0x34a: {  	[tilespmem:$0x103C0] =	vst v14  }
0x34b: {  	[tilespmem:$0x104C0] =	vst v33  }
0x34c: {  	[tilespmem:$0x103D0] =	vst v21  }
0x34d: {  	[tilespmem:$0x104D0] =	vst v22  }
0x34e: {  	[tilespmem:$0x103E0] =	vst v27  }
0x34f: {  	[tilespmem:$0x104E0] =	vst v31  }
0x350: {  	[tilespmem:$0x103F0] =	vst v32  }
0x351: {  	[tilespmem:$0x104F0] =	vst v29  }
0x352: {  	[tilespmem:$0x10400] =	vst v11  }
0x353: {  	[tilespmem:$0x10500] =	vst v16  }
0x354: {  	[tilespmem:$0x10410] =	vst v17  }
0x355: {  	[tilespmem:$0x10510] =	vst v15  }
0x356: {  	[tilespmem:$0x10420] =	vst v35  }
0x357: {  	[tilespmem:$0x10520] =	vst v13  }
0x358: {  	[tilespmem:$0x10430] =	vst v20  }
0x359: {  	[tilespmem:$0x10530] =	vst v8  }
0x35a: {  	[tilespmem:$0x10440] =	vst v12  }
0x35b: {  	[tilespmem:$0x10540] =	vst v23  }
0x35c: {  	[tilespmem:$0x10450] =	vst v25  }
0x35d: {  	[tilespmem:$0x10550] =	vst v24  }
.Ltmp53:
0x35e: {  	s8 =	sshll.u32 s8, $0x4;
	[tilespmem:$0x10460] =	vst v9;
	(pc) =	sbr.rel @p1 .LBB2_74-.Ltmp53, $4  }
0x35f: {  	s8 =	sand.u32 $0x50, s8;
	[tilespmem:$0x10560] =	vst v10  }
0x360: {  	s8 =	sadd.s32 s2, s8;
	[tilespmem:$0x10470] =	vst v6  }
0x361: {  	s8 =	sadd.s32 s7, s8;
	[tilespmem:$0x10570] =	vst v7  }
0x362: {  	[hbm4b:s8+s17] =	stream.strided.scatter [tilespmem:s20], [sflag:$0x6], $0x200, s18, s17, $0x38;
	[tilespmem:$0x10980] =	vst v63  }
0x363: {  	v5 =	vld [tilespmem:s5+$0x8005];
	_ =	sdelay $0x4  }
0x364: {  	(v2sf) =	vpush v5, $0x0;
	_ =	sdelay $0xe  }
0x365: {  	s8 =	spop (v2sf)  }
0x366: {  	s8 =	sadd.s32 $0x7, s8  }
0x367: {  	s9 =	sand.u32 $0x7, s8  }
0x368: {  	s23 =	sshra.s32 s8, $0x1F;
	p2 =	slt.s32 s8, $0x1;
	p3 =	sne.s32 s9, $0x0  }
0x369: {  	s29 =	sshrl.u32 s23, $0x1D;
	p2 =	por !p2, !p3  }
0x36a: {  	s9 =	simm.s32 $0x1;
	s8 =	sadd.s32 s29, s8;
	p2 =	por !p2, !p2  }
0x36b: {  	s8 =	sshra.s32 s8, $0x3;
	s9 =	simm.s32 @!p2 $0x0  }
0x36c: {  	s9 =	ssub.s32 s8, s9  }
0x36d: {  	p2 =	sgt.s32 s9, $0x2  }
.Ltmp54:
0x36e: {  	_ = 	snop;
	(pc) =	sbr.rel @p2 .LBB2_68-.Ltmp54, $2  }
0x36f: {  	_ =	sdelay $0x2  }
0x370: {  	s8 =	sadd.s32 $0x5, s5  }
0x371: {  	p2 =	seq.s32 s9, $0x1  }
.Ltmp55:
0x372: {  	_ = 	snop;
	(pc) =	sbr.rel @p2 .LBB2_71-.Ltmp55, $1  }
0x373: {  	_ =	sdelay $0x3  }
0x374: {  	p2 =	seq.s32 s9, $0x2  }
.Ltmp56:
0x375: {  	_ = 	snop;
	(pc) =	sbr.rel @!p2 .LBB2_74-.Ltmp56, $1  }
0x376: {  	_ =	sdelay $0x3  }
0x377: {  	s8 =	sshll.u32 s8, $0x7  }
0x378: {  	s8 =	sand.u32 $0x3FFFFF80, s8  }
0x379: {  	v5 =	vld [tilespmem:s8+$0x4000];
	_ =	sdelay $0x4  }
0x37a: {  	v6 =	vshll.u32 v5, $0x1  }
0x37b: {  	v5 =	vand.u32 $0x7, v5;
	v6 =	vand.u32 $0xFFFFFFF0, v6  }
0x37c: {  	v5 =	vor.u32 v5, v6  }
0x37d: {  	v6 =	vperm.xlane v5, v1;
	_ =	sdelay $0x1  }
0x37e: {  	v6 =	vadd.s32 v2, v6  }
.Ltmp57:
0x37f: {  	_ = 	snop;
	(pc) =	sbr.rel .LBB2_73-.Ltmp57, $3  }
0x380: {  	_ =	sdelay $0x1  }
0x381: {  	s8 =	simm.s32 $0xA900  }
0x382: {  	v5 =	vperm.xlane v5, v3;
	[tilespmem:s14], [sflag:$0x2] =	stream.indirect_vreg.gather [hbm4b:s6+s3], $0x80, v6, vm0, $0xb8;
	[tilespmem:$0x10980] =	vst v63  }
.LBB2_68:
0x383: {  	p2 =	seq.s32 s9, $0x3  }
.Ltmp58:
0x384: {  	_ = 	snop;
	(pc) =	sbr.rel @p2 .LBB2_72-.Ltmp58, $1  }
0x385: {  	_ =	sdelay $0x3  }
0x386: {  	p2 =	seq.s32 s9, $0x4  }
.Ltmp59:
0x387: {  	_ = 	snop;
	(pc) =	sbr.rel @!p2 .LBB2_74-.Ltmp59, $1  }
0x388: {  	_ =	sdelay $0x3  }
0x389: {  	s8 =	sshll.u32 s8, $0x7  }
0x38a: {  	s8 =	sand.u32 $0x3FFFFF80, s8  }
0x38b: {  	v5 =	vld [tilespmem:s8+$0x4000];
	_ =	sdelay $0x4  }
0x38c: {  	v6 =	vshll.u32 v5, $0x1  }
0x38d: {  	v5 =	vand.u32 $0x7, v5;
	v6 =	vand.u32 $0xFFFFFFF0, v6  }
0x38e: {  	v5 =	vor.u32 v5, v6  }
0x38f: {  	v6 =	vperm.xlane v5, v1;
	_ =	sdelay $0x1  }
0x390: {  	v5 =	vperm.xlane v5, v3;
	v6 =	vadd.s32 v2, v6;
	_ =	sdelay $0x1  }
0x391: {  	v5 =	vadd.s32 v2, v5;
	_ =	sdelay $0x2  }
0x392: {  	[tilespmem:s14], [sflag:$0x2] =	stream.indirect_vreg.gather [hbm4b:s6+s3], $0x80, v6, vm0, $0xb8;
	[tilespmem:$0x10980] =	vst v63  }
0x393: {  	_ = 	snop  }
0x394: {  	[tilespmem:s0], [sflag:$0x2] =	stream.indirect_vreg.gather [hbm4b:s6+s3], $0x80, v5, vm0, $0xb8;
	[tilespmem:$0x10980] =	vst v63  }
0x395: {  	v5 =	vld [tilespmem:s8+$0x4010];
	_ =	sdelay $0x4  }
0x396: {  	v6 =	vshll.u32 v5, $0x1  }
0x397: {  	v5 =	vand.u32 $0x7, v5;
	v6 =	vand.u32 $0xFFFFFFF0, v6  }
0x398: {  	v5 =	vor.u32 v5, v6  }
0x399: {  	v6 =	vperm.xlane v5, v1;
	_ =	sdelay $0x1  }
0x39a: {  	v6 =	vadd.s32 v2, v6  }
.Ltmp60:
0x39b: {  	_ = 	snop;
	(pc) =	sbr.rel .LBB2_73-.Ltmp60, $3  }
0x39c: {  	_ =	sdelay $0x1  }
0x39d: {  	s29 =	simm.s32 $0xB100;
	s8 =	simm.s32 $0xB900  }
0x39e: {  	v5 =	vperm.xlane v5, v3;
	[tilespmem:s29], [sflag:$0x2] =	stream.indirect_vreg.gather [hbm4b:s6+s3], $0x80, v6, vm0, $0xb8;
	[tilespmem:$0x10980] =	vst v63  }
.LBB2_71:
0x39f: {  	s8 =	sshll.u32 s8, $0x7  }
0x3a0: {  	s8 =	sand.u32 $0x3FFFFF80, s8  }
0x3a1: {  	v5 =	vld.msk [tilespmem:s8+$0x4000], $0xff;
	_ =	sdelay $0x3  }
.Ltmp61:
0x3a2: {  	_ = 	snop;
	(pc) =	sbr.rel .LBB2_73-.Ltmp61, $4  }
0x3a3: {  	v6 =	vshll.u32 v5, $0x1  }
0x3a4: {  	v5 =	vand.u32 $0x7, v5;
	v6 =	vand.u32 $0xFFFFFFF0, v6  }
0x3a5: {  	v5 =	vor.u32 v5, v6  }
0x3a6: {  	s8 =	simm.s32 $0xA100;
	v5 =	vperm.xlane v5, v1  }
.LBB2_72:
0x3a7: {  	s8 =	sshll.u32 s8, $0x7  }
0x3a8: {  	s8 =	sand.u32 $0x3FFFFF80, s8  }
0x3a9: {  	v5 =	vld [tilespmem:s8+$0x4000];
	_ =	sdelay $0x4  }
0x3aa: {  	v6 =	vshll.u32 v5, $0x1  }
0x3ab: {  	v5 =	vand.u32 $0x7, v5;
	v6 =	vand.u32 $0xFFFFFFF0, v6  }
0x3ac: {  	v5 =	vor.u32 v5, v6  }
0x3ad: {  	v6 =	vperm.xlane v5, v1;
	_ =	sdelay $0x1  }
0x3ae: {  	v5 =	vperm.xlane v5, v3;
	v6 =	vadd.s32 v2, v6;
	_ =	sdelay $0x1  }
0x3af: {  	v5 =	vadd.s32 v2, v5;
	_ =	sdelay $0x2  }
0x3b0: {  	[tilespmem:s14], [sflag:$0x2] =	stream.indirect_vreg.gather [hbm4b:s6+s3], $0x80, v6, vm0, $0xb8;
	[tilespmem:$0x10980] =	vst v63  }
0x3b1: {  	_ = 	snop  }
0x3b2: {  	[tilespmem:s0], [sflag:$0x2] =	stream.indirect_vreg.gather [hbm4b:s6+s3], $0x80, v5, vm0, $0xb8;
	[tilespmem:$0x10980] =	vst v63  }
0x3b3: {  	v5 =	vld.msk [tilespmem:s8+$0x4010], $0xff;
	_ =	sdelay $0x4  }
0x3b4: {  	v6 =	vshll.u32 v5, $0x1  }
0x3b5: {  	v5 =	vand.u32 $0x7, v5;
	v6 =	vand.u32 $0xFFFFFFF0, v6  }
0x3b6: {  	v5 =	vor.u32 v5, v6  }
0x3b7: {  	s8 =	simm.s32 $0xB100;
	v5 =	vperm.xlane v5, v1  }
.LBB2_73:
0x3b8: {  	_ = 	snop  }
0x3b9: {  	v5 =	vadd.s32 v2, v5;
	_ =	sdelay $0x4  }
0x3ba: {  	[tilespmem:s8], [sflag:$0x2] =	stream.indirect_vreg.gather [hbm4b:s6+s3], $0x80, v5, vm0, $0xb8;
	[tilespmem:$0x10980] =	vst v63  }
.LBB2_74:
0x3bb: {  	s8 =	sor.u32 $0x2, s5  }
0x3bc: {  	s9 =	sshll.u32 s8, $0x7  }
0x3bd: {  	s9 =	sand.u32 $0x3FFFFF80, s9  }
0x3be: {  	v5 =	vld [tilespmem:s9+$0x4000]  }
0x3bf: {  	v6 =	vld [tilespmem:s9+$0x4010];
	_ =	sdelay $0x5  }
0x3c0: {  	v7 =	vld [tilespmem:s5+$0x8002]  }
0x3c1: {  	v5 =	vld.idx.msk [tilespmem:v5+s3+$0x0], $0xffff  }
0x3c2: {  	v6 =	vld.idx.msk [tilespmem:v6+s3+$0x0], $0xffff;
	_ =	sdelay $0x3  }
0x3c3: {  	v8 =	vbroadcast v7, $0x0  }
0x3c4: {  	v9 =	vadd.f32 $-9.999999680e+37, v5;
	v10 =	vadd.f32 $-9.999999680e+37, v6  }
0x3c5: {  	vm1 =	vgt.s32 v8, v0;
	vm2 =	vgt.s32 v8, v4  }
0x3c6: {  	v5 =	vsel vm1, v5, v9;
	v6 =	vsel vm2, v6, v10  }
0x3c7: {  	v62 =	vmax.f32 v5, v6  }
0x3c8: {  	(xrf0) =	vmax.scan.msk.f32 $0xffff, v62;
	_ =	sdelay $0x5  }
0x3c9: {  	v8, _, _ =	vpop (xrf0)  }
0x3ca: {  	v8 =	vbroadcast v8, $0xF;
	_ =	sdelay $0x1  }
0x3cb: {  	v5 =	vsub.f32 v5, v8  }
0x3cc: {  	v6 =	vsub.f32 v6, v8  }
0x3cd: {  	v5 =	vmul.f32 $1.442695020e+00, v5  }
0x3ce: {  	v6 =	vmul.f32 $1.442695020e+00, v6  }
0x3cf: {  	(erf) = vpow2.f32 v5  }
0x3d0: {  	(erf) = vpow2.f32 v6;
	_ =	sdelay $0x7  }
0x3d1: {  	v5 =	vpop (erf)  }
0x3d2: {  	v6 =	vpop (erf)  }
0x3d3: {  	v63 =	vadd.f32 v6, v5;
	_ =	sdelay $0x1  }
0x3d4: {  	(xrf2) =	vadd.scan.msk.f32 $0xffff, v63;
	_ =	sdelay $0x9  }
0x3d5: {  	v8, _, _ =	vpop (xrf2)  }
0x3d6: {  	v8 =	vbroadcast v8, $0xF;
	_ =	sdelay $0x1  }
0x3d7: {  	(erf) = vrcp.f32 v8;
	_ =	sdelay $0x8  }
0x3d8: {  	v8 =	vpop (erf)  }
0x3d9: {  	v5 =	vmul.f32 v8, v5  }
0x3da: {  	v6 =	vmul.f32 v8, v6  }
0x3db: {  	[tilespmem:$0x10100] =	vst v5  }
0x3dc: {  	[tilespmem:$0x10110] =	vst v6  }
0x3dd: {  	v5 =	vld [tilespmem:s5+$0x8002];
	_ =	sdelay $0x3  }
0x3de: {  	(v2sf) =	vpush v7, $0x0  }
0x3df: {  	(v2sf) =	vpush v5, $0x0;
	_ =	sdelay $0xd  }
0x3e0: {  	s23 =	spop (v2sf)  }
0x3e1: {  	s26 =	spop (v2sf)  }
0x3e2: {  	s9 =	sadd.s32 $0x7, s26  }
0x3e3: {  	s24 =	sand.u32 $0x7, s9  }
0x3e4: {  	s29 =	sshra.s32 s9, $0x1F;
	p3 =	slt.s32 s9, $0x1;
	p2 =	sne.s32 s24, $0x0  }
0x3e5: {  	s24 =	sshrl.u32 s29, $0x1D;
	p2 =	por !p3, !p2  }
0x3e6: {  	s9 =	sadd.s32 s24, s9;
	s24 =	simm.s32 $0x1;
	p2 =	por !p2, !p2  }
0x3e7: {  	s9 =	sshra.s32 s9, $0x3;
	s24 =	simm.s32 @!p2 $0x0  }
0x3e8: {  	s9 =	ssub.s32 s9, s24  }
0x3e9: {  	p2 =	sgt.s32 s9, $0x2  }
0x3ea: {  	p3 =	seq.s32 @p2 s9, $0x3  }
0x3eb: {  	p4 =	por !p3, !p2;
	p5 =	por p3, !p2  }
0x3ec: {  	s24 =	simm.s32 @!p4 $0x3;
	p5 =	seq.s32 @!p5 s9, $0x4  }
0x3ed: {  	_ =	swait.ge @!p4 [sflag:s24], $0x1800;
	p3 =	por @p2 !p5, p3  }
0x3ee: {  	[sflag:s24] =	ssyncset.done @!p4 $0x0;
	p3 =	por p3, !p2  }
0x3ef: {  	[sflag:s24] =	ssyncadd.s32 @!p4 $0xFFFFE800;
	s24 =	simm.s32 @!p3 $0x3  }
0x3f0: {  	p4 =	seq.s32 @!p2 s9, $0x1;
	_ =	swait.ge @!p3 [sflag:s24], $0x2000  }
0x3f1: {  	p6 =	por p4, p2;
	[sflag:s24] =	ssyncset.done @!p3 $0x0  }
0x3f2: {  	p5 =	por !p4, p2;
	[sflag:s24] =	ssyncadd.s32 @!p3 $0xFFFFE000;
	p3 =	seq.s32 @!p6 s9, $0x2  }
0x3f3: {  	s24 =	simm.s32 @!p5 $0x3;
	p3 =	por @!p2 !p3, p4  }
0x3f4: {  	_ =	swait.ge @!p5 [sflag:s24], $0x800;
	p2 =	por p3, p2;
	p3 =	slt.s32 s23, $0x1  }
.Ltmp62:
0x3f5: {  	[sflag:s24] =	ssyncset.done @!p5 $0x0;
	(pc) =	sbr.rel @p3 .LBB2_75-.Ltmp62, $4  }
0x3f6: {  	[sflag:s24] =	ssyncadd.s32 @!p5 $0xFFFFF800;
	s9 =	simm.s32 @!p2 $0x3  }
0x3f7: {  	_ =	swait.ge @!p2 [sflag:s9], $0x1000  }
0x3f8: {  	[sflag:s9] =	ssyncset.done @!p2 $0x0  }
0x3f9: {  	v5 =	vimm.f32 $0.0e+00;
	[sflag:s9] =	ssyncadd.s32 @!p2 $0xFFFFF000  }
0x3fa: {  	s24 =	simm.s32 $0x0  }
0x3fb: {  	s9 =	simm.s32 $0x10100;
	s25 =	sand.u32 $0xFFFFF800, s24;
	s24 =	sand.u32 $0x380, s24  }
0x3fc: {  	v13 =	vld.msk [tilespmem:s9+$0x0 ss:$0x0], $0xffff;
	s24 =	sor.u32 s24, s25  }
0x3fd: {  	v6 =	vld [tilespmem:s24+$0xC570]  }
0x3fe: {  	v16 =	vld [tilespmem:s24+$0xC530]  }
0x3ff: {  	v7 =	vld [tilespmem:s24+$0xC560]  }
0x400: {  	v22 =	vld [tilespmem:s24+$0xC550]  }
0x401: {  	v8 =	vld [tilespmem:s24+$0xC540]  }
0x402: {  	v14 =	vld [tilespmem:s24+$0xC120]  }
0x403: {  	v15 =	vld [tilespmem:s24+$0xC140]  }
0x404: {  	v25 =	vld [tilespmem:s24+$0xC520]  }
0x405: {  	v24 =	vld [tilespmem:s24+$0xC170]  }
0x406: {  	v34 =	vimm.f32 $0.0e+00;
	v35 =	vimm.f32 $0.0e+00;
	v29 =	vld [tilespmem:s24+$0xC160]  }
0x407: {  	v36 =	vimm.f32 $0.0e+00;
	v37 =	vimm.f32 $0.0e+00;
	v41 =	vld [tilespmem:s24+$0xC130];
	v10 =	vunpack.i.u.bf16.f32 v6  }
0x408: {  	v6 =	vunpack.i.l.bf16.f32 v6;
	v11 =	vunpack.i.l.bf16.f32 v7;
	v12 =	vunpack.i.u.bf16.f32 v7  }
0x409: {  	v23 =	vunpack.i.l.bf16.f32 v22;
	v18 =	vunpack.i.u.bf16.f32 v16;
	v19 =	vunpack.i.u.bf16.f32 v8  }
0x40a: {  	v17 =	vld [tilespmem:s24+$0xC150];
	v39 =	vunpack.i.u.bf16.f32 v15;
	v38 =	vunpack.i.u.bf16.f32 v25;
	v15 =	vunpack.i.l.bf16.f32 v15  }
0x40b: {  	v40 =	vunpack.i.u.bf16.f32 v24;
	v28 =	vunpack.i.u.bf16.f32 v14;
	v14 =	vunpack.i.l.bf16.f32 v14  }
0x40c: {  	v9 =	vld [tilespmem:s24+$0xC500];
	v44 =	vunpack.i.u.bf16.f32 v41;
	v46 =	vunpack.i.u.bf16.f32 v29;
	v6 =	vmul.f32 v6, v13  }
0x40d: {  	v24 =	vunpack.i.l.bf16.f32 v24;
	v10 =	vmul.f32 v10, v13;
	v11 =	vmul.f32 v11, v13  }
0x40e: {  	v42 =	vunpack.i.l.bf16.f32 v25;
	v18 =	vmul.f32 v18, v13;
	v12 =	vmul.f32 v12, v13  }
0x40f: {  	v15 =	vmul.f32 v15, v13;
	v32 =	vmul.f32 v19, v13;
	v19 =	vunpack.i.l.bf16.f32 v17  }
0x410: {  	v20 =	vld [tilespmem:s24+$0xC100];
	v47 =	vmul.f32 v28, v13;
	v45 =	vmul.f32 v24, v13;
	v28 =	vimm.f32 $0.0e+00  }
0x411: {  	v7 =	vadd.f32 v10, v5;
	v10 =	vunpack.i.u.bf16.f32 v9;
	v9 =	vunpack.i.l.bf16.f32 v9  }
0x412: {  	v27 =	vld [tilespmem:s24+$0xC510];
	v21 =	vmul.f32 v10, v13;
	v10 =	vunpack.i.l.bf16.f32 v8;
	v26 =	vmul.f32 v9, v13  }
0x413: {  	v8 =	vadd.f32 v18, v5;
	v9 =	vadd.f32 v11, v5;
	v18 =	vmul.f32 v10, v13  }
0x414: {  	v10 =	vadd.f32 v12, v5;
	v11 =	vadd.f32 v26, v5;
	v26 =	vunpack.i.u.bf16.f32 v17  }
0x415: {  	v12 =	vadd.f32 v18, v5;
	v18 =	vunpack.i.u.bf16.f32 v20;
	v20 =	vunpack.i.l.bf16.f32 v20  }
0x416: {  	v6 =	vadd.f32 v6, v5;
	v63 =	vmul.f32 v26, v13;
	v30 =	vmul.f32 v20, v13  }
0x417: {  	v20 =	vmul.f32 v14, v13;
	v14 =	vunpack.i.u.bf16.f32 v27;
	v27 =	vunpack.i.l.bf16.f32 v27  }
0x418: {  	v33 =	vmul.f32 v18, v13;
	v18 =	vunpack.i.l.bf16.f32 v16;
	v16 =	vadd.f32 v21, v5  }
0x419: {  	v31 =	vmul.f32 v14, v13;
	v17 =	vmul.f32 v27, v13;
	v14 =	vadd.f32 v15, v5  }
0x41a: {  	v27 =	vunpack.i.l.bf16.f32 v29;
	v29 =	vunpack.i.u.bf16.f32 v22;
	v22 =	vadd.f32 v63, v5  }
0x41b: {  	v21 =	vmul.f32 v18, v13;
	v18 =	vadd.f32 v20, v5;
	v26 =	vadd.f32 v30, v5  }
0x41c: {  	p2 =	sne.s32 s23, $0x1;
	v29 =	vmul.f32 v29, v13;
	v30 =	vmul.f32 v23, v13;
	v23 =	vadd.f32 v32, v5  }
.Ltmp63:
0x41d: {  	v48 =	vld [tilespmem:s24+$0xC110];
	v43 =	vmul.f32 v27, v13;
	v32 =	vimm.f32 $0.0e+00;
	v27 =	vimm.f32 $0.0e+00;
	(pc) =	sbr.rel @!p2 .LBB2_78-.Ltmp63, $4  }
0x41e: {  	v15 =	vadd.f32 v31, v5;
	v17 =	vadd.f32 v17, v5;
	v31 =	vmul.f32 v19, v13  }
0x41f: {  	v19 =	vadd.f32 v33, v5;
	v20 =	vadd.f32 v21, v5;
	v33 =	vimm.f32 $0.0e+00  }
0x420: {  	v24 =	vadd.f32 v29, v5;
	v25 =	vadd.f32 v30, v5;
	v29 =	vimm.f32 $0.0e+00  }
0x421: {  	s23 =	sadd.s32 $0xFFFFFFFF, s23;
	s25 =	simm.s32 $0x100;
	s24 =	simm.s32 $0x80;
	v30 =	vimm.f32 $0.0e+00;
	v21 =	vadd.f32 v31, v5;
	v31 =	vimm.f32 $0.0e+00  }
.LBB2_77:
0x422: {  	s26 =	sand.u32 $0xFFFFF800, s25;
	s29 =	sand.u32 $0x380, s24;
	v49 =	vunpack.i.u.bf16.f32 v48;
	v5 =	vadd.f32 v47, v5;
	v44 =	vmul.f32 v44, v13;
	s9 =	sadd.s32 $0x1, s9  }
0x423: {  	p2 =	sne.s32 s23, $0x1;
	s23 =	sadd.s32 $0xFFFFFFFF, s23;
	v41 =	vunpack.i.l.bf16.f32 v41;
	v39 =	vmul.f32 v39, v13;
	v46 =	vmul.f32 v46, v13;
	v47 =	vld.msk [tilespmem:s9+$0x0 ss:$0x0], $0xffff;
	s26 =	sor.u32 s29, s26  }
0x424: {  	v48 =	vunpack.i.l.bf16.f32 v48;
	v49 =	vmul.f32 v49, v13;
	v50 =	vld [tilespmem:s26+$0xC570];
	v34 =	vadd.f32 v44, v34  }
0x425: {  	v41 =	vmul.f32 v41, v13;
	v33 =	vadd.f32 v39, v33;
	v39 =	vmul.f32 v40, v13;
	v44 =	vld [tilespmem:s26+$0xC530]  }
0x426: {  	v32 =	vadd.f32 v45, v32;
	v38 =	vmul.f32 v38, v13;
	v31 =	vadd.f32 v46, v31;
	v40 =	vld [tilespmem:s26+$0xC560]  }
0x427: {  	v27 =	vadd.f32 v43, v27;
	v46 =	vmul.f32 v48, v13;
	v29 =	vadd.f32 v39, v29;
	v45 =	vld [tilespmem:s26+$0xC550]  }
0x428: {  	v42 =	vmul.f32 v42, v13;
	v28 =	vadd.f32 v38, v28;
	v30 =	vadd.f32 v49, v30;
	v39 =	vld [tilespmem:s26+$0xC540]  }
0x429: {  	v35 =	vadd.f32 v46, v35;
	v13 =	vmovc v47;
	v38 =	vld [tilespmem:s26+$0xC500];
	v43 =	vunpack.i.u.bf16.f32 v50;
	v48 =	vunpack.i.l.bf16.f32 v50  }
0x42a: {  	v36 =	vadd.f32 v42, v36;
	v46 =	vld [tilespmem:s26+$0xC120];
	v47 =	vmul.f32 v48, v13;
	v43 =	vmul.f32 v43, v13  }
0x42b: {  	v37 =	vadd.f32 v41, v37;
	v42 =	vld [tilespmem:s26+$0xC140];
	v48 =	vunpack.i.u.bf16.f32 v40;
	v40 =	vunpack.i.l.bf16.f32 v40  }
0x42c: {  	v41 =	vld [tilespmem:s26+$0xC150];
	v49 =	vunpack.i.l.bf16.f32 v45;
	v40 =	vmul.f32 v40, v13;
	v6 =	vadd.f32 v47, v6  }
0x42d: {  	v47 =	vunpack.i.u.bf16.f32 v44;
	v7 =	vadd.f32 v43, v7;
	v50 =	vld [tilespmem:s26+$0xC520];
	v51 =	vunpack.i.u.bf16.f32 v39  }
0x42e: {  	v48 =	vmul.f32 v48, v13;
	v47 =	vmul.f32 v47, v13;
	v43 =	vld [tilespmem:s26+$0xC170];
	v52 =	vunpack.i.u.bf16.f32 v38  }
0x42f: {  	v39 =	vunpack.i.l.bf16.f32 v39;
	v38 =	vunpack.i.l.bf16.f32 v38;
	v53 =	vld [tilespmem:s26+$0xC100];
	v52 =	vmul.f32 v52, v13  }
0x430: {  	v38 =	vmul.f32 v38, v13;
	v8 =	vadd.f32 v47, v8;
	v47 =	vmul.f32 v39, v13  }
0x431: {  	v9 =	vadd.f32 v40, v9;
	v10 =	vadd.f32 v48, v10;
	v39 =	vunpack.i.u.bf16.f32 v42;
	v54 =	vld [tilespmem:s26+$0xC510]  }
0x432: {  	v11 =	vadd.f32 v38, v11;
	v12 =	vadd.f32 v47, v12;
	v38 =	vunpack.i.u.bf16.f32 v50  }
0x433: {  	v42 =	vunpack.i.l.bf16.f32 v42;
	v47 =	vunpack.i.u.bf16.f32 v41;
	v40 =	vunpack.i.u.bf16.f32 v43  }
0x434: {  	v55 =	vunpack.i.u.bf16.f32 v46;
	v46 =	vunpack.i.l.bf16.f32 v46;
	v48 =	vunpack.i.u.bf16.f32 v53;
	v56 =	vld [tilespmem:s26+$0xC160]  }
0x435: {  	v42 =	vmul.f32 v42, v13;
	v57 =	vunpack.i.l.bf16.f32 v41;
	v53 =	vunpack.i.l.bf16.f32 v53  }
0x436: {  	v46 =	vmul.f32 v46, v13;
	v53 =	vmul.f32 v53, v13;
	v41 =	vld [tilespmem:s26+$0xC130];
	v58 =	vunpack.i.u.bf16.f32 v54  }
0x437: {  	v51 =	vmul.f32 v51, v13;
	v54 =	vunpack.i.l.bf16.f32 v54;
	v58 =	vmul.f32 v58, v13  }
0x438: {  	v14 =	vadd.f32 v42, v14;
	v48 =	vmul.f32 v48, v13;
	v42 =	vmul.f32 v54, v13  }
0x439: {  	v44 =	vunpack.i.l.bf16.f32 v44;
	v54 =	vunpack.i.l.bf16.f32 v56;
	v15 =	vadd.f32 v58, v15  }
0x43a: {  	v16 =	vadd.f32 v52, v16;
	v17 =	vadd.f32 v42, v17;
	v42 =	vmul.f32 v44, v13  }
0x43b: {  	v18 =	vadd.f32 v46, v18;
	v46 =	vmul.f32 v57, v13;
	v44 =	vunpack.i.u.bf16.f32 v41  }
0x43c: {  	v47 =	vmul.f32 v47, v13;
	v19 =	vadd.f32 v48, v19;
	v20 =	vadd.f32 v42, v20  }
.Ltmp64:
0x43d: {  	v21 =	vadd.f32 v46, v21;
	v46 =	vunpack.i.u.bf16.f32 v56;
	v42 =	vunpack.i.u.bf16.f32 v45;
	v48 =	vld [tilespmem:s26+$0xC110];
	(pc) =	sbr.rel @p2 .LBB2_77-.Ltmp64, $4  }
0x43e: {  	v22 =	vadd.f32 v47, v22;
	v26 =	vadd.f32 v53, v26;
	v42 =	vmul.f32 v42, v13  }
0x43f: {  	v49 =	vmul.f32 v49, v13;
	v23 =	vadd.f32 v51, v23;
	v43 =	vunpack.i.l.bf16.f32 v43  }
0x440: {  	v47 =	vmul.f32 v55, v13;
	v45 =	vmul.f32 v43, v13;
	v24 =	vadd.f32 v42, v24  }
0x441: {  	s24 =	sadd.s32 $0x80, s24;
	s25 =	sadd.s32 $0x100, s25;
	v25 =	vadd.f32 v49, v25;
	v43 =	vmul.f32 v54, v13;
	v42 =	vunpack.i.l.bf16.f32 v50  }
.LBB2_78:
0x442: {  	v49 =	vunpack.i.u.bf16.f32 v48;
	v47 =	vadd.f32 v47, v5  }
0x443: {  	v5 =	vmul.f32 v44, v13;
	v41 =	vunpack.i.l.bf16.f32 v41;
	v39 =	vmul.f32 v39, v13  }
0x444: {  	v58 =	vmul.f32 v46, v13;
	v59 =	vunpack.i.l.bf16.f32 v48;
	v61 =	vmul.f32 v40, v13  }
0x445: {  	v32 =	vadd.f32 v45, v32;
	v38 =	vmul.f32 v38, v13;
	v60 =	vmul.f32 v49, v13  }
.Ltmp65:
0x446: {  	v27 =	vadd.f32 v43, v27;
	v34 =	vadd.f32 v5, v34;
	v5 =	vmul.f32 v41, v13;
	(pc) =	sbr.rel .LBB2_79-.Ltmp65, $4  }
0x447: {  	v62 =	vmul.f32 v59, v13;
	v33 =	vadd.f32 v39, v33;
	v31 =	vadd.f32 v58, v31  }
0x448: {  	v63 =	vmul.f32 v42, v13;
	v29 =	vadd.f32 v61, v29;
	v13 =	vadd.f32 v38, v28  }
0x449: {  	v30 =	vadd.f32 v60, v30;
	v28 =	vadd.f32 v62, v35  }
0x44a: {  	v35 =	vadd.f32 v63, v36;
	v36 =	vadd.f32 v5, v37;
	v5 =	vmov v26  }
.LBB2_75:
0x44b: {  	v19 =	vimm.f32 $0.0e+00  }
0x44c: {  	v28 =	vimm.f32 $0.0e+00;
	v30 =	vimm.f32 $0.0e+00;
	v18 =	vimm.f32 $0.0e+00  }
0x44d: {  	v47 =	vimm.f32 $0.0e+00;
	v36 =	vimm.f32 $0.0e+00;
	v34 =	vimm.f32 $0.0e+00  }
0x44e: {  	v14 =	vimm.f32 $0.0e+00;
	v33 =	vimm.f32 $0.0e+00;
	v21 =	vimm.f32 $0.0e+00  }
0x44f: {  	v22 =	vimm.f32 $0.0e+00;
	v27 =	vimm.f32 $0.0e+00;
	v31 =	vimm.f32 $0.0e+00  }
0x450: {  	v32 =	vimm.f32 $0.0e+00;
	v29 =	vimm.f32 $0.0e+00;
	v11 =	vimm.f32 $0.0e+00  }
0x451: {  	v16 =	vimm.f32 $0.0e+00;
	v17 =	vimm.f32 $0.0e+00;
	v15 =	vimm.f32 $0.0e+00  }
0x452: {  	v35 =	vimm.f32 $0.0e+00;
	v13 =	vimm.f32 $0.0e+00;
	v20 =	vimm.f32 $0.0e+00  }
0x453: {  	v8 =	vimm.f32 $0.0e+00;
	v12 =	vimm.f32 $0.0e+00;
	v23 =	vimm.f32 $0.0e+00  }
0x454: {  	v25 =	vimm.f32 $0.0e+00;
	v24 =	vimm.f32 $0.0e+00;
	v9 =	vimm.f32 $0.0e+00  }
0x455: {  	v10 =	vimm.f32 $0.0e+00;
	v6 =	vimm.f32 $0.0e+00;
	v7 =	vimm.f32 $0.0e+00  }
.LBB2_79:
0x456: {  	s9 =	simm.s32 @!p0 $0x7  }
0x457: {  	_ =	swait.ge @!p0 [sflag:s9], $0x200  }
0x458: {  	[sflag:s9] =	ssyncset.done @!p0 $0x0  }
0x459: {  	[sflag:s9] =	ssyncadd.s32 @!p0 $0xFFFFFE00  }
0x45a: {  	[tilespmem:$0x10580] =	vst v5  }
0x45b: {  	[tilespmem:$0x10680] =	vst v19  }
0x45c: {  	[tilespmem:$0x10590] =	vst v28  }
0x45d: {  	[tilespmem:$0x10690] =	vst v30  }
0x45e: {  	[tilespmem:$0x105A0] =	vst v18  }
0x45f: {  	[tilespmem:$0x106A0] =	vst v47  }
0x460: {  	[tilespmem:$0x105B0] =	vst v36  }
0x461: {  	[tilespmem:$0x106B0] =	vst v34  }
0x462: {  	[tilespmem:$0x105C0] =	vst v14  }
0x463: {  	[tilespmem:$0x106C0] =	vst v33  }
0x464: {  	[tilespmem:$0x105D0] =	vst v21  }
0x465: {  	[tilespmem:$0x106D0] =	vst v22  }
0x466: {  	[tilespmem:$0x105E0] =	vst v27  }
0x467: {  	[tilespmem:$0x106E0] =	vst v31  }
0x468: {  	[tilespmem:$0x105F0] =	vst v32  }
0x469: {  	[tilespmem:$0x106F0] =	vst v29  }
0x46a: {  	[tilespmem:$0x10600] =	vst v11  }
0x46b: {  	[tilespmem:$0x10700] =	vst v16  }
0x46c: {  	[tilespmem:$0x10610] =	vst v17  }
0x46d: {  	[tilespmem:$0x10710] =	vst v15  }
0x46e: {  	[tilespmem:$0x10620] =	vst v35  }
0x46f: {  	[tilespmem:$0x10720] =	vst v13  }
0x470: {  	[tilespmem:$0x10630] =	vst v20  }
0x471: {  	[tilespmem:$0x10730] =	vst v8  }
0x472: {  	[tilespmem:$0x10640] =	vst v12  }
0x473: {  	[tilespmem:$0x10740] =	vst v23  }
0x474: {  	[tilespmem:$0x10650] =	vst v25  }
0x475: {  	[tilespmem:$0x10750] =	vst v24  }
.Ltmp66:
0x476: {  	s8 =	sshll.u32 s8, $0x4;
	[tilespmem:$0x10660] =	vst v9;
	(pc) =	sbr.rel @p1 .LBB2_90-.Ltmp66, $4  }
0x477: {  	s8 =	sand.u32 $0x60, s8;
	[tilespmem:$0x10760] =	vst v10  }
0x478: {  	s8 =	sadd.s32 s2, s8;
	[tilespmem:$0x10670] =	vst v6  }
0x479: {  	s8 =	sadd.s32 s7, s8;
	[tilespmem:$0x10770] =	vst v7  }
0x47a: {  	[hbm4b:s8+s17] =	stream.strided.scatter [tilespmem:s21], [sflag:$0x7], $0x200, s18, s17, $0x38;
	[tilespmem:$0x10980] =	vst v63  }
0x47b: {  	v5 =	vld [tilespmem:s5+$0x8006];
	_ =	sdelay $0x4  }
0x47c: {  	(v2sf) =	vpush v5, $0x0;
	_ =	sdelay $0xe  }
0x47d: {  	s8 =	spop (v2sf)  }
0x47e: {  	s8 =	sadd.s32 $0x7, s8  }
0x47f: {  	s9 =	sand.u32 $0x7, s8  }
0x480: {  	s23 =	sshra.s32 s8, $0x1F;
	p2 =	slt.s32 s8, $0x1;
	p3 =	sne.s32 s9, $0x0  }
0x481: {  	s29 =	sshrl.u32 s23, $0x1D;
	p2 =	por !p2, !p3  }
0x482: {  	s9 =	simm.s32 $0x1;
	s8 =	sadd.s32 s29, s8;
	p2 =	por !p2, !p2  }
0x483: {  	s8 =	sshra.s32 s8, $0x3;
	s9 =	simm.s32 @!p2 $0x0  }
0x484: {  	s9 =	ssub.s32 s8, s9  }
0x485: {  	p2 =	sgt.s32 s9, $0x2  }
.Ltmp67:
0x486: {  	_ = 	snop;
	(pc) =	sbr.rel @p2 .LBB2_84-.Ltmp67, $2  }
0x487: {  	_ =	sdelay $0x2  }
0x488: {  	s8 =	sadd.s32 $0x6, s5  }
0x489: {  	p2 =	seq.s32 s9, $0x1  }
.Ltmp68:
0x48a: {  	_ = 	snop;
	(pc) =	sbr.rel @p2 .LBB2_87-.Ltmp68, $1  }
0x48b: {  	_ =	sdelay $0x3  }
0x48c: {  	p2 =	seq.s32 s9, $0x2  }
.Ltmp69:
0x48d: {  	_ = 	snop;
	(pc) =	sbr.rel @!p2 .LBB2_90-.Ltmp69, $1  }
0x48e: {  	_ =	sdelay $0x3  }
0x48f: {  	s8 =	sshll.u32 s8, $0x7  }
0x490: {  	s8 =	sand.u32 $0x3FFFFF80, s8  }
0x491: {  	v5 =	vld [tilespmem:s8+$0x4000];
	_ =	sdelay $0x4  }
0x492: {  	v6 =	vshll.u32 v5, $0x1  }
0x493: {  	v5 =	vand.u32 $0x7, v5;
	v6 =	vand.u32 $0xFFFFFFF0, v6  }
0x494: {  	v5 =	vor.u32 v5, v6  }
0x495: {  	v6 =	vperm.xlane v5, v1;
	_ =	sdelay $0x1  }
0x496: {  	v6 =	vadd.s32 v2, v6  }
.Ltmp70:
0x497: {  	_ = 	snop;
	(pc) =	sbr.rel .LBB2_89-.Ltmp70, $3  }
0x498: {  	_ =	sdelay $0x1  }
0x499: {  	s8 =	simm.s32 $0xC900  }
0x49a: {  	v5 =	vperm.xlane v5, v3;
	[tilespmem:s15], [sflag:$0x3] =	stream.indirect_vreg.gather [hbm4b:s6+s3], $0x80, v6, vm0, $0xb8;
	[tilespmem:$0x10980] =	vst v63  }
.LBB2_84:
0x49b: {  	p2 =	seq.s32 s9, $0x3  }
.Ltmp71:
0x49c: {  	_ = 	snop;
	(pc) =	sbr.rel @p2 .LBB2_88-.Ltmp71, $1  }
0x49d: {  	_ =	sdelay $0x3  }
0x49e: {  	p2 =	seq.s32 s9, $0x4  }
.Ltmp72:
0x49f: {  	_ = 	snop;
	(pc) =	sbr.rel @!p2 .LBB2_90-.Ltmp72, $1  }
0x4a0: {  	_ =	sdelay $0x3  }
0x4a1: {  	s8 =	sshll.u32 s8, $0x7  }
0x4a2: {  	s8 =	sand.u32 $0x3FFFFF80, s8  }
0x4a3: {  	v5 =	vld [tilespmem:s8+$0x4000];
	_ =	sdelay $0x4  }
0x4a4: {  	v6 =	vshll.u32 v5, $0x1  }
0x4a5: {  	v5 =	vand.u32 $0x7, v5;
	v6 =	vand.u32 $0xFFFFFFF0, v6  }
0x4a6: {  	v5 =	vor.u32 v5, v6  }
0x4a7: {  	v6 =	vperm.xlane v5, v1;
	_ =	sdelay $0x1  }
0x4a8: {  	v5 =	vperm.xlane v5, v3;
	v6 =	vadd.s32 v2, v6;
	_ =	sdelay $0x1  }
0x4a9: {  	v5 =	vadd.s32 v2, v5;
	_ =	sdelay $0x2  }
0x4aa: {  	[tilespmem:s15], [sflag:$0x3] =	stream.indirect_vreg.gather [hbm4b:s6+s3], $0x80, v6, vm0, $0xb8;
	[tilespmem:$0x10980] =	vst v63  }
0x4ab: {  	_ = 	snop  }
0x4ac: {  	[tilespmem:s30], [sflag:$0x3] =	stream.indirect_vreg.gather [hbm4b:s6+s3], $0x80, v5, vm0, $0xb8;
	[tilespmem:$0x10980] =	vst v63  }
0x4ad: {  	v5 =	vld [tilespmem:s8+$0x4010];
	_ =	sdelay $0x4  }
0x4ae: {  	v6 =	vshll.u32 v5, $0x1  }
0x4af: {  	v5 =	vand.u32 $0x7, v5;
	v6 =	vand.u32 $0xFFFFFFF0, v6  }
0x4b0: {  	v5 =	vor.u32 v5, v6  }
0x4b1: {  	v6 =	vperm.xlane v5, v1;
	_ =	sdelay $0x1  }
0x4b2: {  	v6 =	vadd.s32 v2, v6  }
.Ltmp73:
0x4b3: {  	_ = 	snop;
	(pc) =	sbr.rel .LBB2_89-.Ltmp73, $3  }
0x4b4: {  	_ =	sdelay $0x1  }
0x4b5: {  	s29 =	simm.s32 $0xD100;
	s8 =	simm.s32 $0xD900  }
0x4b6: {  	v5 =	vperm.xlane v5, v3;
	[tilespmem:s29], [sflag:$0x3] =	stream.indirect_vreg.gather [hbm4b:s6+s3], $0x80, v6, vm0, $0xb8;
	[tilespmem:$0x10980] =	vst v63  }
.LBB2_87:
0x4b7: {  	s8 =	sshll.u32 s8, $0x7  }
0x4b8: {  	s8 =	sand.u32 $0x3FFFFF80, s8  }
0x4b9: {  	v5 =	vld.msk [tilespmem:s8+$0x4000], $0xff;
	_ =	sdelay $0x3  }
.Ltmp74:
0x4ba: {  	_ = 	snop;
	(pc) =	sbr.rel .LBB2_89-.Ltmp74, $4  }
0x4bb: {  	v6 =	vshll.u32 v5, $0x1  }
0x4bc: {  	v5 =	vand.u32 $0x7, v5;
	v6 =	vand.u32 $0xFFFFFFF0, v6  }
0x4bd: {  	v5 =	vor.u32 v5, v6  }
0x4be: {  	s8 =	simm.s32 $0xC100;
	v5 =	vperm.xlane v5, v1  }
.LBB2_88:
0x4bf: {  	s8 =	sshll.u32 s8, $0x7  }
0x4c0: {  	s8 =	sand.u32 $0x3FFFFF80, s8  }
0x4c1: {  	v5 =	vld [tilespmem:s8+$0x4000];
	_ =	sdelay $0x4  }
0x4c2: {  	v6 =	vshll.u32 v5, $0x1  }
0x4c3: {  	v5 =	vand.u32 $0x7, v5;
	v6 =	vand.u32 $0xFFFFFFF0, v6  }
0x4c4: {  	v5 =	vor.u32 v5, v6  }
0x4c5: {  	v6 =	vperm.xlane v5, v1;
	_ =	sdelay $0x1  }
0x4c6: {  	v5 =	vperm.xlane v5, v3;
	v6 =	vadd.s32 v2, v6;
	_ =	sdelay $0x1  }
0x4c7: {  	v5 =	vadd.s32 v2, v5;
	_ =	sdelay $0x2  }
0x4c8: {  	[tilespmem:s15], [sflag:$0x3] =	stream.indirect_vreg.gather [hbm4b:s6+s3], $0x80, v6, vm0, $0xb8;
	[tilespmem:$0x10980] =	vst v63  }
0x4c9: {  	_ = 	snop  }
0x4ca: {  	[tilespmem:s30], [sflag:$0x3] =	stream.indirect_vreg.gather [hbm4b:s6+s3], $0x80, v5, vm0, $0xb8;
	[tilespmem:$0x10980] =	vst v63  }
0x4cb: {  	v5 =	vld.msk [tilespmem:s8+$0x4010], $0xff;
	_ =	sdelay $0x4  }
0x4cc: {  	v6 =	vshll.u32 v5, $0x1  }
0x4cd: {  	v5 =	vand.u32 $0x7, v5;
	v6 =	vand.u32 $0xFFFFFFF0, v6  }
0x4ce: {  	v5 =	vor.u32 v5, v6  }
0x4cf: {  	s8 =	simm.s32 $0xD100;
	v5 =	vperm.xlane v5, v1  }
.LBB2_89:
0x4d0: {  	_ = 	snop  }
0x4d1: {  	v5 =	vadd.s32 v2, v5;
	_ =	sdelay $0x4  }
0x4d2: {  	[tilespmem:s8], [sflag:$0x3] =	stream.indirect_vreg.gather [hbm4b:s6+s3], $0x80, v5, vm0, $0xb8;
	[tilespmem:$0x10980] =	vst v63  }
.LBB2_90:
0x4d3: {  	s8 =	sor.u32 $0x3, s5  }
0x4d4: {  	s9 =	sshll.u32 s8, $0x7  }
0x4d5: {  	s9 =	sand.u32 $0x3FFFFF80, s9  }
0x4d6: {  	v5 =	vld [tilespmem:s9+$0x4000]  }
0x4d7: {  	v6 =	vld [tilespmem:s9+$0x4010];
	_ =	sdelay $0x5  }
0x4d8: {  	v7 =	vld [tilespmem:s5+$0x8003]  }
0x4d9: {  	v5 =	vld.idx.msk [tilespmem:v5+s3+$0x0], $0xffff  }
0x4da: {  	v6 =	vld.idx.msk [tilespmem:v6+s3+$0x0], $0xffff;
	_ =	sdelay $0x3  }
0x4db: {  	v8 =	vbroadcast v7, $0x0  }
0x4dc: {  	v9 =	vadd.f32 $-9.999999680e+37, v5;
	v10 =	vadd.f32 $-9.999999680e+37, v6  }
0x4dd: {  	vm1 =	vgt.s32 v8, v0;
	vm2 =	vgt.s32 v8, v4  }
0x4de: {  	v5 =	vsel vm1, v5, v9;
	v6 =	vsel vm2, v6, v10  }
0x4df: {  	v62 =	vmax.f32 v5, v6  }
0x4e0: {  	(xrf0) =	vmax.scan.msk.f32 $0xffff, v62;
	_ =	sdelay $0x5  }
0x4e1: {  	v8, _, _ =	vpop (xrf0)  }
0x4e2: {  	v8 =	vbroadcast v8, $0xF;
	_ =	sdelay $0x1  }
0x4e3: {  	v5 =	vsub.f32 v5, v8  }
0x4e4: {  	v6 =	vsub.f32 v6, v8  }
0x4e5: {  	v5 =	vmul.f32 $1.442695020e+00, v5  }
0x4e6: {  	v6 =	vmul.f32 $1.442695020e+00, v6  }
0x4e7: {  	(erf) = vpow2.f32 v5  }
0x4e8: {  	(erf) = vpow2.f32 v6;
	_ =	sdelay $0x7  }
0x4e9: {  	v5 =	vpop (erf)  }
0x4ea: {  	v6 =	vpop (erf)  }
0x4eb: {  	v63 =	vadd.f32 v6, v5;
	_ =	sdelay $0x1  }
0x4ec: {  	(xrf2) =	vadd.scan.msk.f32 $0xffff, v63;
	_ =	sdelay $0x9  }
0x4ed: {  	v8, _, _ =	vpop (xrf2)  }
0x4ee: {  	v8 =	vbroadcast v8, $0xF;
	_ =	sdelay $0x1  }
0x4ef: {  	(erf) = vrcp.f32 v8;
	_ =	sdelay $0x8  }
0x4f0: {  	v8 =	vpop (erf)  }
0x4f1: {  	v5 =	vmul.f32 v8, v5  }
0x4f2: {  	v6 =	vmul.f32 v8, v6  }
0x4f3: {  	[tilespmem:$0x10100] =	vst v5  }
0x4f4: {  	[tilespmem:$0x10110] =	vst v6  }
0x4f5: {  	v5 =	vld [tilespmem:s5+$0x8003];
	_ =	sdelay $0x3  }
0x4f6: {  	(v2sf) =	vpush v7, $0x0  }
0x4f7: {  	(v2sf) =	vpush v5, $0x0;
	_ =	sdelay $0xd  }
0x4f8: {  	s23 =	spop (v2sf)  }
0x4f9: {  	s26 =	spop (v2sf)  }
0x4fa: {  	s9 =	sadd.s32 $0x7, s26  }
0x4fb: {  	s24 =	sand.u32 $0x7, s9  }
0x4fc: {  	s29 =	sshra.s32 s9, $0x1F;
	p3 =	slt.s32 s9, $0x1;
	p2 =	sne.s32 s24, $0x0  }
0x4fd: {  	s24 =	sshrl.u32 s29, $0x1D;
	p2 =	por !p3, !p2  }
0x4fe: {  	s9 =	sadd.s32 s24, s9;
	s24 =	simm.s32 $0x1;
	p2 =	por !p2, !p2  }
0x4ff: {  	s9 =	sshra.s32 s9, $0x3;
	s24 =	simm.s32 @!p2 $0x0  }
0x500: {  	s9 =	ssub.s32 s9, s24  }
0x501: {  	p2 =	sgt.s32 s9, $0x2  }
0x502: {  	p3 =	seq.s32 @p2 s9, $0x3  }
0x503: {  	p4 =	por !p3, !p2;
	p5 =	por p3, !p2  }
0x504: {  	s24 =	simm.s32 @!p4 $0x4;
	p5 =	seq.s32 @!p5 s9, $0x4  }
0x505: {  	_ =	swait.ge @!p4 [sflag:s24], $0x1800;
	p3 =	por @p2 !p5, p3  }
0x506: {  	[sflag:s24] =	ssyncset.done @!p4 $0x0;
	p3 =	por p3, !p2  }
0x507: {  	[sflag:s24] =	ssyncadd.s32 @!p4 $0xFFFFE800;
	s24 =	simm.s32 @!p3 $0x4  }
0x508: {  	p4 =	seq.s32 @!p2 s9, $0x1;
	_ =	swait.ge @!p3 [sflag:s24], $0x2000  }
0x509: {  	p6 =	por p4, p2;
	[sflag:s24] =	ssyncset.done @!p3 $0x0  }
0x50a: {  	p5 =	por !p4, p2;
	[sflag:s24] =	ssyncadd.s32 @!p3 $0xFFFFE000;
	p3 =	seq.s32 @!p6 s9, $0x2  }
0x50b: {  	s24 =	simm.s32 @!p5 $0x4;
	p3 =	por @!p2 !p3, p4  }
0x50c: {  	_ =	swait.ge @!p5 [sflag:s24], $0x800;
	p2 =	por p3, p2;
	p3 =	slt.s32 s23, $0x1  }
.Ltmp75:
0x50d: {  	[sflag:s24] =	ssyncset.done @!p5 $0x0;
	(pc) =	sbr.rel @p3 .LBB2_91-.Ltmp75, $4  }
0x50e: {  	[sflag:s24] =	ssyncadd.s32 @!p5 $0xFFFFF800;
	s9 =	simm.s32 @!p2 $0x4  }
0x50f: {  	_ =	swait.ge @!p2 [sflag:s9], $0x1000  }
0x510: {  	[sflag:s9] =	ssyncset.done @!p2 $0x0  }
0x511: {  	v5 =	vimm.f32 $0.0e+00;
	[sflag:s9] =	ssyncadd.s32 @!p2 $0xFFFFF000  }
0x512: {  	s24 =	simm.s32 $0x0  }
0x513: {  	s9 =	simm.s32 $0x10100;
	s25 =	sand.u32 $0xFFFFF800, s24;
	s24 =	sand.u32 $0x380, s24  }
0x514: {  	v13 =	vld.msk [tilespmem:s9+$0x0 ss:$0x0], $0xffff;
	s24 =	sor.u32 s24, s25  }
0x515: {  	v6 =	vld [tilespmem:s24+$0xE570]  }
0x516: {  	v16 =	vld [tilespmem:s24+$0xE530]  }
0x517: {  	v7 =	vld [tilespmem:s24+$0xE560]  }
0x518: {  	v22 =	vld [tilespmem:s24+$0xE550]  }
0x519: {  	v8 =	vld [tilespmem:s24+$0xE540]  }
0x51a: {  	v14 =	vld [tilespmem:s24+$0xE120]  }
0x51b: {  	v15 =	vld [tilespmem:s24+$0xE140]  }
0x51c: {  	v25 =	vld [tilespmem:s24+$0xE520]  }
0x51d: {  	v24 =	vld [tilespmem:s24+$0xE170]  }
0x51e: {  	v34 =	vimm.f32 $0.0e+00;
	v35 =	vimm.f32 $0.0e+00;
	v29 =	vld [tilespmem:s24+$0xE160]  }
0x51f: {  	v36 =	vimm.f32 $0.0e+00;
	v37 =	vimm.f32 $0.0e+00;
	v41 =	vld [tilespmem:s24+$0xE130];
	v10 =	vunpack.i.u.bf16.f32 v6  }
0x520: {  	v6 =	vunpack.i.l.bf16.f32 v6;
	v11 =	vunpack.i.l.bf16.f32 v7;
	v12 =	vunpack.i.u.bf16.f32 v7  }
0x521: {  	v23 =	vunpack.i.l.bf16.f32 v22;
	v18 =	vunpack.i.u.bf16.f32 v16;
	v19 =	vunpack.i.u.bf16.f32 v8  }
0x522: {  	v17 =	vld [tilespmem:s24+$0xE150];
	v39 =	vunpack.i.u.bf16.f32 v15;
	v38 =	vunpack.i.u.bf16.f32 v25;
	v15 =	vunpack.i.l.bf16.f32 v15  }
0x523: {  	v40 =	vunpack.i.u.bf16.f32 v24;
	v28 =	vunpack.i.u.bf16.f32 v14;
	v14 =	vunpack.i.l.bf16.f32 v14  }
0x524: {  	v9 =	vld [tilespmem:s24+$0xE500];
	v44 =	vunpack.i.u.bf16.f32 v41;
	v46 =	vunpack.i.u.bf16.f32 v29;
	v6 =	vmul.f32 v6, v13  }
0x525: {  	v24 =	vunpack.i.l.bf16.f32 v24;
	v10 =	vmul.f32 v10, v13;
	v11 =	vmul.f32 v11, v13  }
0x526: {  	v42 =	vunpack.i.l.bf16.f32 v25;
	v18 =	vmul.f32 v18, v13;
	v12 =	vmul.f32 v12, v13  }
0x527: {  	v15 =	vmul.f32 v15, v13;
	v32 =	vmul.f32 v19, v13;
	v19 =	vunpack.i.l.bf16.f32 v17  }
0x528: {  	v20 =	vld [tilespmem:s24+$0xE100];
	v47 =	vmul.f32 v28, v13;
	v45 =	vmul.f32 v24, v13;
	v28 =	vimm.f32 $0.0e+00  }
0x529: {  	v7 =	vadd.f32 v10, v5;
	v10 =	vunpack.i.u.bf16.f32 v9;
	v9 =	vunpack.i.l.bf16.f32 v9  }
0x52a: {  	v27 =	vld [tilespmem:s24+$0xE510];
	v21 =	vmul.f32 v10, v13;
	v10 =	vunpack.i.l.bf16.f32 v8;
	v26 =	vmul.f32 v9, v13  }
0x52b: {  	v8 =	vadd.f32 v18, v5;
	v9 =	vadd.f32 v11, v5;
	v18 =	vmul.f32 v10, v13  }
0x52c: {  	v10 =	vadd.f32 v12, v5;
	v11 =	vadd.f32 v26, v5;
	v26 =	vunpack.i.u.bf16.f32 v17  }
0x52d: {  	v12 =	vadd.f32 v18, v5;
	v18 =	vunpack.i.u.bf16.f32 v20;
	v20 =	vunpack.i.l.bf16.f32 v20  }
0x52e: {  	v6 =	vadd.f32 v6, v5;
	v63 =	vmul.f32 v26, v13;
	v30 =	vmul.f32 v20, v13  }
0x52f: {  	v20 =	vmul.f32 v14, v13;
	v14 =	vunpack.i.u.bf16.f32 v27;
	v27 =	vunpack.i.l.bf16.f32 v27  }
0x530: {  	v33 =	vmul.f32 v18, v13;
	v18 =	vunpack.i.l.bf16.f32 v16;
	v16 =	vadd.f32 v21, v5  }
0x531: {  	v31 =	vmul.f32 v14, v13;
	v17 =	vmul.f32 v27, v13;
	v14 =	vadd.f32 v15, v5  }
0x532: {  	v27 =	vunpack.i.l.bf16.f32 v29;
	v29 =	vunpack.i.u.bf16.f32 v22;
	v22 =	vadd.f32 v63, v5  }
0x533: {  	v21 =	vmul.f32 v18, v13;
	v18 =	vadd.f32 v20, v5;
	v26 =	vadd.f32 v30, v5  }
0x534: {  	p2 =	sne.s32 s23, $0x1;
	v29 =	vmul.f32 v29, v13;
	v30 =	vmul.f32 v23, v13;
	v23 =	vadd.f32 v32, v5  }
.Ltmp76:
0x535: {  	v48 =	vld [tilespmem:s24+$0xE110];
	v43 =	vmul.f32 v27, v13;
	v32 =	vimm.f32 $0.0e+00;
	v27 =	vimm.f32 $0.0e+00;
	(pc) =	sbr.rel @!p2 .LBB2_94-.Ltmp76, $4  }
0x536: {  	v15 =	vadd.f32 v31, v5;
	v17 =	vadd.f32 v17, v5;
	v31 =	vmul.f32 v19, v13  }
0x537: {  	v19 =	vadd.f32 v33, v5;
	v20 =	vadd.f32 v21, v5;
	v33 =	vimm.f32 $0.0e+00  }
0x538: {  	v24 =	vadd.f32 v29, v5;
	v25 =	vadd.f32 v30, v5;
	v29 =	vimm.f32 $0.0e+00  }
0x539: {  	s23 =	sadd.s32 $0xFFFFFFFF, s23;
	s25 =	simm.s32 $0x100;
	s24 =	simm.s32 $0x80;
	v30 =	vimm.f32 $0.0e+00;
	v21 =	vadd.f32 v31, v5;
	v31 =	vimm.f32 $0.0e+00  }
.LBB2_93:
0x53a: {  	s26 =	sand.u32 $0xFFFFF800, s25;
	s29 =	sand.u32 $0x380, s24;
	v49 =	vunpack.i.u.bf16.f32 v48;
	v5 =	vadd.f32 v47, v5;
	v44 =	vmul.f32 v44, v13;
	s9 =	sadd.s32 $0x1, s9  }
0x53b: {  	p2 =	sne.s32 s23, $0x1;
	s23 =	sadd.s32 $0xFFFFFFFF, s23;
	v41 =	vunpack.i.l.bf16.f32 v41;
	v39 =	vmul.f32 v39, v13;
	v46 =	vmul.f32 v46, v13;
	v47 =	vld.msk [tilespmem:s9+$0x0 ss:$0x0], $0xffff;
	s26 =	sor.u32 s29, s26  }
0x53c: {  	v48 =	vunpack.i.l.bf16.f32 v48;
	v49 =	vmul.f32 v49, v13;
	v50 =	vld [tilespmem:s26+$0xE570];
	v34 =	vadd.f32 v44, v34  }
0x53d: {  	v41 =	vmul.f32 v41, v13;
	v33 =	vadd.f32 v39, v33;
	v39 =	vmul.f32 v40, v13;
	v44 =	vld [tilespmem:s26+$0xE530]  }
0x53e: {  	v32 =	vadd.f32 v45, v32;
	v38 =	vmul.f32 v38, v13;
	v31 =	vadd.f32 v46, v31;
	v40 =	vld [tilespmem:s26+$0xE560]  }
0x53f: {  	v27 =	vadd.f32 v43, v27;
	v46 =	vmul.f32 v48, v13;
	v29 =	vadd.f32 v39, v29;
	v45 =	vld [tilespmem:s26+$0xE550]  }
0x540: {  	v42 =	vmul.f32 v42, v13;
	v28 =	vadd.f32 v38, v28;
	v30 =	vadd.f32 v49, v30;
	v39 =	vld [tilespmem:s26+$0xE540]  }
0x541: {  	v35 =	vadd.f32 v46, v35;
	v13 =	vmovc v47;
	v38 =	vld [tilespmem:s26+$0xE500];
	v43 =	vunpack.i.u.bf16.f32 v50;
	v48 =	vunpack.i.l.bf16.f32 v50  }
0x542: {  	v36 =	vadd.f32 v42, v36;
	v46 =	vld [tilespmem:s26+$0xE120];
	v47 =	vmul.f32 v48, v13;
	v43 =	vmul.f32 v43, v13  }
0x543: {  	v37 =	vadd.f32 v41, v37;
	v42 =	vld [tilespmem:s26+$0xE140];
	v48 =	vunpack.i.u.bf16.f32 v40;
	v40 =	vunpack.i.l.bf16.f32 v40  }
0x544: {  	v41 =	vld [tilespmem:s26+$0xE150];
	v49 =	vunpack.i.l.bf16.f32 v45;
	v40 =	vmul.f32 v40, v13;
	v6 =	vadd.f32 v47, v6  }
0x545: {  	v47 =	vunpack.i.u.bf16.f32 v44;
	v7 =	vadd.f32 v43, v7;
	v50 =	vld [tilespmem:s26+$0xE520];
	v51 =	vunpack.i.u.bf16.f32 v39  }
0x546: {  	v48 =	vmul.f32 v48, v13;
	v47 =	vmul.f32 v47, v13;
	v43 =	vld [tilespmem:s26+$0xE170];
	v52 =	vunpack.i.u.bf16.f32 v38  }
0x547: {  	v39 =	vunpack.i.l.bf16.f32 v39;
	v38 =	vunpack.i.l.bf16.f32 v38;
	v53 =	vld [tilespmem:s26+$0xE100];
	v52 =	vmul.f32 v52, v13  }
0x548: {  	v38 =	vmul.f32 v38, v13;
	v8 =	vadd.f32 v47, v8;
	v47 =	vmul.f32 v39, v13  }
0x549: {  	v9 =	vadd.f32 v40, v9;
	v10 =	vadd.f32 v48, v10;
	v39 =	vunpack.i.u.bf16.f32 v42;
	v54 =	vld [tilespmem:s26+$0xE510]  }
0x54a: {  	v11 =	vadd.f32 v38, v11;
	v12 =	vadd.f32 v47, v12;
	v38 =	vunpack.i.u.bf16.f32 v50  }
0x54b: {  	v42 =	vunpack.i.l.bf16.f32 v42;
	v47 =	vunpack.i.u.bf16.f32 v41;
	v40 =	vunpack.i.u.bf16.f32 v43  }
0x54c: {  	v55 =	vunpack.i.u.bf16.f32 v46;
	v46 =	vunpack.i.l.bf16.f32 v46;
	v48 =	vunpack.i.u.bf16.f32 v53;
	v56 =	vld [tilespmem:s26+$0xE160]  }
0x54d: {  	v42 =	vmul.f32 v42, v13;
	v57 =	vunpack.i.l.bf16.f32 v41;
	v53 =	vunpack.i.l.bf16.f32 v53  }
0x54e: {  	v46 =	vmul.f32 v46, v13;
	v53 =	vmul.f32 v53, v13;
	v41 =	vld [tilespmem:s26+$0xE130];
	v58 =	vunpack.i.u.bf16.f32 v54  }
0x54f: {  	v51 =	vmul.f32 v51, v13;
	v54 =	vunpack.i.l.bf16.f32 v54;
	v58 =	vmul.f32 v58, v13  }
0x550: {  	v14 =	vadd.f32 v42, v14;
	v48 =	vmul.f32 v48, v13;
	v42 =	vmul.f32 v54, v13  }
0x551: {  	v44 =	vunpack.i.l.bf16.f32 v44;
	v54 =	vunpack.i.l.bf16.f32 v56;
	v15 =	vadd.f32 v58, v15  }
0x552: {  	v16 =	vadd.f32 v52, v16;
	v17 =	vadd.f32 v42, v17;
	v42 =	vmul.f32 v44, v13  }
0x553: {  	v18 =	vadd.f32 v46, v18;
	v46 =	vmul.f32 v57, v13;
	v44 =	vunpack.i.u.bf16.f32 v41  }
0x554: {  	v47 =	vmul.f32 v47, v13;
	v19 =	vadd.f32 v48, v19;
	v20 =	vadd.f32 v42, v20  }
.Ltmp77:
0x555: {  	v21 =	vadd.f32 v46, v21;
	v46 =	vunpack.i.u.bf16.f32 v56;
	v42 =	vunpack.i.u.bf16.f32 v45;
	v48 =	vld [tilespmem:s26+$0xE110];
	(pc) =	sbr.rel @p2 .LBB2_93-.Ltmp77, $4  }
0x556: {  	v22 =	vadd.f32 v47, v22;
	v26 =	vadd.f32 v53, v26;
	v42 =	vmul.f32 v42, v13  }
0x557: {  	v49 =	vmul.f32 v49, v13;
	v23 =	vadd.f32 v51, v23;
	v43 =	vunpack.i.l.bf16.f32 v43  }
0x558: {  	v47 =	vmul.f32 v55, v13;
	v45 =	vmul.f32 v43, v13;
	v24 =	vadd.f32 v42, v24  }
0x559: {  	s24 =	sadd.s32 $0x80, s24;
	s25 =	sadd.s32 $0x100, s25;
	v25 =	vadd.f32 v49, v25;
	v43 =	vmul.f32 v54, v13;
	v42 =	vunpack.i.l.bf16.f32 v50  }
.LBB2_94:
0x55a: {  	v49 =	vunpack.i.u.bf16.f32 v48;
	v47 =	vadd.f32 v47, v5  }
0x55b: {  	v5 =	vmul.f32 v44, v13;
	v41 =	vunpack.i.l.bf16.f32 v41;
	v39 =	vmul.f32 v39, v13  }
0x55c: {  	v58 =	vmul.f32 v46, v13;
	v59 =	vunpack.i.l.bf16.f32 v48;
	v61 =	vmul.f32 v40, v13  }
0x55d: {  	v32 =	vadd.f32 v45, v32;
	v38 =	vmul.f32 v38, v13;
	v60 =	vmul.f32 v49, v13  }
.Ltmp78:
0x55e: {  	v27 =	vadd.f32 v43, v27;
	v34 =	vadd.f32 v5, v34;
	v5 =	vmul.f32 v41, v13;
	(pc) =	sbr.rel .LBB2_95-.Ltmp78, $4  }
0x55f: {  	v62 =	vmul.f32 v59, v13;
	v33 =	vadd.f32 v39, v33;
	v31 =	vadd.f32 v58, v31  }
0x560: {  	v63 =	vmul.f32 v42, v13;
	v29 =	vadd.f32 v61, v29;
	v13 =	vadd.f32 v38, v28  }
0x561: {  	v30 =	vadd.f32 v60, v30;
	v28 =	vadd.f32 v62, v35  }
0x562: {  	v35 =	vadd.f32 v63, v36;
	v36 =	vadd.f32 v5, v37;
	v5 =	vmov v26  }
.LBB2_91:
0x563: {  	v19 =	vimm.f32 $0.0e+00  }
0x564: {  	v28 =	vimm.f32 $0.0e+00;
	v30 =	vimm.f32 $0.0e+00;
	v18 =	vimm.f32 $0.0e+00  }
0x565: {  	v47 =	vimm.f32 $0.0e+00;
	v36 =	vimm.f32 $0.0e+00;
	v34 =	vimm.f32 $0.0e+00  }
0x566: {  	v14 =	vimm.f32 $0.0e+00;
	v33 =	vimm.f32 $0.0e+00;
	v21 =	vimm.f32 $0.0e+00  }
0x567: {  	v22 =	vimm.f32 $0.0e+00;
	v27 =	vimm.f32 $0.0e+00;
	v31 =	vimm.f32 $0.0e+00  }
0x568: {  	v32 =	vimm.f32 $0.0e+00;
	v29 =	vimm.f32 $0.0e+00;
	v11 =	vimm.f32 $0.0e+00  }
0x569: {  	v16 =	vimm.f32 $0.0e+00;
	v17 =	vimm.f32 $0.0e+00;
	v15 =	vimm.f32 $0.0e+00  }
0x56a: {  	v35 =	vimm.f32 $0.0e+00;
	v13 =	vimm.f32 $0.0e+00;
	v20 =	vimm.f32 $0.0e+00  }
0x56b: {  	v8 =	vimm.f32 $0.0e+00;
	v12 =	vimm.f32 $0.0e+00;
	v23 =	vimm.f32 $0.0e+00  }
0x56c: {  	v25 =	vimm.f32 $0.0e+00;
	v24 =	vimm.f32 $0.0e+00;
	v9 =	vimm.f32 $0.0e+00  }
0x56d: {  	v10 =	vimm.f32 $0.0e+00;
	v6 =	vimm.f32 $0.0e+00;
	v7 =	vimm.f32 $0.0e+00  }
.LBB2_95:
0x56e: {  	s9 =	simm.s32 @!p0 $0x8  }
0x56f: {  	_ =	swait.ge @!p0 [sflag:s9], $0x200  }
0x570: {  	[sflag:s9] =	ssyncset.done @!p0 $0x0  }
0x571: {  	[sflag:s9] =	ssyncadd.s32 @!p0 $0xFFFFFE00  }
0x572: {  	[tilespmem:$0x10780] =	vst v5  }
0x573: {  	[tilespmem:$0x10880] =	vst v19  }
0x574: {  	[tilespmem:$0x10790] =	vst v28  }
0x575: {  	[tilespmem:$0x10890] =	vst v30  }
0x576: {  	[tilespmem:$0x107A0] =	vst v18  }
0x577: {  	[tilespmem:$0x108A0] =	vst v47  }
0x578: {  	[tilespmem:$0x107B0] =	vst v36  }
0x579: {  	[tilespmem:$0x108B0] =	vst v34  }
0x57a: {  	[tilespmem:$0x107C0] =	vst v14  }
0x57b: {  	[tilespmem:$0x108C0] =	vst v33  }
0x57c: {  	[tilespmem:$0x107D0] =	vst v21  }
0x57d: {  	[tilespmem:$0x108D0] =	vst v22  }
0x57e: {  	[tilespmem:$0x107E0] =	vst v27  }
0x57f: {  	[tilespmem:$0x108E0] =	vst v31  }
0x580: {  	[tilespmem:$0x107F0] =	vst v32  }
0x581: {  	[tilespmem:$0x108F0] =	vst v29  }
0x582: {  	[tilespmem:$0x10800] =	vst v11  }
0x583: {  	[tilespmem:$0x10900] =	vst v16  }
0x584: {  	[tilespmem:$0x10810] =	vst v17  }
0x585: {  	[tilespmem:$0x10910] =	vst v15  }
0x586: {  	[tilespmem:$0x10820] =	vst v35  }
0x587: {  	[tilespmem:$0x10920] =	vst v13  }
0x588: {  	[tilespmem:$0x10830] =	vst v20  }
0x589: {  	[tilespmem:$0x10930] =	vst v8  }
0x58a: {  	[tilespmem:$0x10840] =	vst v12  }
0x58b: {  	[tilespmem:$0x10940] =	vst v23  }
0x58c: {  	[tilespmem:$0x10850] =	vst v25  }
0x58d: {  	[tilespmem:$0x10950] =	vst v24  }
.Ltmp79:
0x58e: {  	s8 =	sshll.u32 s8, $0x4;
	[tilespmem:$0x10860] =	vst v9;
	(pc) =	sbr.rel @p1 .LBB2_107-.Ltmp79, $4  }
0x58f: {  	s8 =	sand.u32 $0x70, s8;
	[tilespmem:$0x10960] =	vst v10  }
0x590: {  	s8 =	sadd.s32 s2, s8;
	[tilespmem:$0x10870] =	vst v6  }
0x591: {  	s7 =	sadd.s32 s7, s8;
	[tilespmem:$0x10970] =	vst v7  }
0x592: {  	[hbm4b:s7+s17] =	stream.strided.scatter [tilespmem:s22], [sflag:$0x8], $0x200, s18, s17, $0x38;
	[tilespmem:$0x10980] =	vst v63  }
0x593: {  	v5 =	vld [tilespmem:s5+$0x8007];
	_ =	sdelay $0x4  }
0x594: {  	(v2sf) =	vpush v5, $0x0;
	_ =	sdelay $0xe  }
0x595: {  	s7 =	spop (v2sf)  }
0x596: {  	s7 =	sadd.s32 $0x7, s7  }
0x597: {  	s8 =	sand.u32 $0x7, s7  }
0x598: {  	s29 =	sshra.s32 s7, $0x1F;
	p1 =	slt.s32 s7, $0x1;
	p0 =	sne.s32 s8, $0x0  }
0x599: {  	s8 =	sshrl.u32 s29, $0x1D;
	p0 =	por !p1, !p0  }
0x59a: {  	s7 =	sadd.s32 s8, s7;
	s8 =	simm.s32 $0x1;
	p0 =	por !p0, !p0  }
0x59b: {  	s7 =	sshra.s32 s7, $0x3;
	s8 =	simm.s32 @!p0 $0x0  }
0x59c: {  	s7 =	ssub.s32 s7, s8  }
0x59d: {  	p0 =	sgt.s32 s7, $0x2  }
.Ltmp80:
0x59e: {  	_ = 	snop;
	(pc) =	sbr.rel @p0 .LBB2_100-.Ltmp80, $2  }
0x59f: {  	_ =	sdelay $0x2  }
0x5a0: {  	s5 =	sadd.s32 $0x7, s5  }
0x5a1: {  	p0 =	seq.s32 s7, $0x1  }
.Ltmp81:
0x5a2: {  	_ = 	snop;
	(pc) =	sbr.rel @p0 .LBB2_103-.Ltmp81, $1  }
0x5a3: {  	_ =	sdelay $0x3  }
0x5a4: {  	p0 =	seq.s32 s7, $0x2  }
.Ltmp82:
0x5a5: {  	_ = 	snop;
	(pc) =	sbr.rel @!p0 .LBB2_106-.Ltmp82, $1  }
0x5a6: {  	_ =	sdelay $0x3  }
0x5a7: {  	s5 =	sshll.u32 s5, $0x7  }
0x5a8: {  	s5 =	sand.u32 $0x3FFFFF80, s5  }
0x5a9: {  	v5 =	vld [tilespmem:s5+$0x4000];
	_ =	sdelay $0x4  }
0x5aa: {  	v6 =	vshll.u32 v5, $0x1  }
0x5ab: {  	v5 =	vand.u32 $0x7, v5;
	v6 =	vand.u32 $0xFFFFFFF0, v6  }
0x5ac: {  	v5 =	vor.u32 v5, v6  }
0x5ad: {  	v6 =	vperm.xlane v5, v1;
	_ =	sdelay $0x1  }
0x5ae: {  	v6 =	vadd.s32 v2, v6  }
.Ltmp83:
0x5af: {  	_ = 	snop;
	(pc) =	sbr.rel .LBB2_105-.Ltmp83, $3  }
0x5b0: {  	_ =	sdelay $0x1  }
0x5b1: {  	s5 =	simm.s32 $0xE900  }
0x5b2: {  	v5 =	vperm.xlane v5, v3;
	[tilespmem:s16], [sflag:$0x4] =	stream.indirect_vreg.gather [hbm4b:s6+s3], $0x80, v6, vm0, $0xb8;
	[tilespmem:$0x10980] =	vst v63  }
.LBB2_100:
0x5b3: {  	p0 =	seq.s32 s7, $0x3  }
.Ltmp84:
0x5b4: {  	_ = 	snop;
	(pc) =	sbr.rel @p0 .LBB2_104-.Ltmp84, $1  }
0x5b5: {  	_ =	sdelay $0x3  }
0x5b6: {  	p0 =	seq.s32 s7, $0x4  }
.Ltmp85:
0x5b7: {  	_ = 	snop;
	(pc) =	sbr.rel @!p0 .LBB2_106-.Ltmp85, $1  }
0x5b8: {  	_ =	sdelay $0x3  }
0x5b9: {  	s5 =	sshll.u32 s5, $0x7  }
0x5ba: {  	s5 =	sand.u32 $0x3FFFFF80, s5  }
0x5bb: {  	v5 =	vld [tilespmem:s5+$0x4000];
	_ =	sdelay $0x4  }
0x5bc: {  	v6 =	vshll.u32 v5, $0x1  }
0x5bd: {  	v5 =	vand.u32 $0x7, v5;
	v6 =	vand.u32 $0xFFFFFFF0, v6  }
0x5be: {  	v5 =	vor.u32 v5, v6  }
0x5bf: {  	v6 =	vperm.xlane v5, v1;
	_ =	sdelay $0x1  }
0x5c0: {  	v5 =	vperm.xlane v5, v3;
	v6 =	vadd.s32 v2, v6;
	_ =	sdelay $0x1  }
0x5c1: {  	v5 =	vadd.s32 v2, v5;
	_ =	sdelay $0x2  }
0x5c2: {  	[tilespmem:s16], [sflag:$0x4] =	stream.indirect_vreg.gather [hbm4b:s6+s3], $0x80, v6, vm0, $0xb8;
	[tilespmem:$0x10980] =	vst v63  }
0x5c3: {  	_ = 	snop  }
0x5c4: {  	[tilespmem:s28], [sflag:$0x4] =	stream.indirect_vreg.gather [hbm4b:s6+s3], $0x80, v5, vm0, $0xb8;
	[tilespmem:$0x10980] =	vst v63  }
0x5c5: {  	v5 =	vld [tilespmem:s5+$0x4010];
	_ =	sdelay $0x4  }
0x5c6: {  	v6 =	vshll.u32 v5, $0x1  }
0x5c7: {  	v5 =	vand.u32 $0x7, v5;
	v6 =	vand.u32 $0xFFFFFFF0, v6  }
0x5c8: {  	v5 =	vor.u32 v5, v6  }
0x5c9: {  	v6 =	vperm.xlane v5, v1;
	_ =	sdelay $0x1  }
0x5ca: {  	v6 =	vadd.s32 v2, v6  }
.Ltmp86:
0x5cb: {  	_ = 	snop;
	(pc) =	sbr.rel .LBB2_105-.Ltmp86, $3  }
0x5cc: {  	_ =	sdelay $0x1  }
0x5cd: {  	s29 =	simm.s32 $0xF100;
	s5 =	simm.s32 $0xF900  }
0x5ce: {  	v5 =	vperm.xlane v5, v3;
	[tilespmem:s29], [sflag:$0x4] =	stream.indirect_vreg.gather [hbm4b:s6+s3], $0x80, v6, vm0, $0xb8;
	[tilespmem:$0x10980] =	vst v63  }
.LBB2_103:
0x5cf: {  	s5 =	sshll.u32 s5, $0x7  }
0x5d0: {  	s5 =	sand.u32 $0x3FFFFF80, s5  }
0x5d1: {  	v5 =	vld.msk [tilespmem:s5+$0x4000], $0xff;
	_ =	sdelay $0x3  }
.Ltmp87:
0x5d2: {  	_ = 	snop;
	(pc) =	sbr.rel .LBB2_105-.Ltmp87, $4  }
0x5d3: {  	v6 =	vshll.u32 v5, $0x1  }
0x5d4: {  	v5 =	vand.u32 $0x7, v5;
	v6 =	vand.u32 $0xFFFFFFF0, v6  }
0x5d5: {  	v5 =	vor.u32 v5, v6  }
0x5d6: {  	s5 =	simm.s32 $0xE100;
	v5 =	vperm.xlane v5, v1  }
.LBB2_108:
0x5d7: {  	_ =	sfence.sel $0x180000  }
0x5d8: {  	[bflag:$0x0] =	sbarrier.arrive $0xFFFF  }
0x5d9: {  	_ =	strace $0x90000047  }
0x5da: {  	s0 =	stileid.u32;
	[bflag:$0x2] =	sbarrier.arrive $0xFFFF  }
0x5db: {  	p0 =	sne.s32 s0, $0x0;
	s0 =	rddreg [dreg:$0x3]  }
0x5dc: {  	s0 =	sadd.s32 @!p0 $0x100000, s0  }
0x5dd: {  	[sflag:s0] =	ssyncadd.tile.s32 @!p0 $0x1;
	_ =	shalt  }
.Lfunc_end2:
_tile_overlayer_lowered:
.L_overlay_start_2:
0x5de: {  	(tag) =	ssettag $0x2  }
0x5df: {  	s0 =	rddreg [dreg:$0x0];
	s2 =	stileid.u32  }
0x5e0: {  	s1 =	rddreg [dreg:$0x1];
	p0 =	sne.s32 s2, $0x0  }
0x5e1: {  	s3 =	rddreg [dreg:$0x2];
	[bflag:$0x3] =	sbarrier.arrive $0xFFFF;
	s2 =	simm.s32 @!p0 $0x1C09  }
0x5e2: {  	[timem:s3], [sflag:s2] =	dma.local @!p0 [hbm:s0], s1  }
0x5e3: {  	s0 =	simm.s32 @!p0 $0x9  }
0x5e4: {  	_ =	swait.ge @!p0 [sflag:s0], s1  }
0x5e5: {  	s1 =	ssub.s32 @!p0 $0x0, s1;
	[sflag:s0] =	ssyncset.done @!p0 $0x0  }
0x5e6: {  	[sflag:s0] =	ssyncadd.s32 @!p0 s1  }
0x5e7: {  	[bflag:$0x3] =	sbarrier.arrive $0xFFFF  }
0x5e8: {  	_ =	shalt  }

</sc_bundles>
